<compile_context>
chip_gen: v7x
topology: tpu7x:2x2x1
jax: 0.10.2.dev20260603
libtpu: 0.0.44.dev20260713+nightly
codegen_flags: <defaults>
</compile_context>

<pallas_src>
import jax
import jax.numpy as jnp
from jax import lax
from jax.experimental import pallas as pl
from jax.experimental.pallas import tpu as pltpu
from jax.experimental.pallas import tpu_sc as plsc

NUM_HEADS = 12
NB = 33
GRID = 48
L = GRID * GRID
NWORKERS = 32
NSLABS = NUM_HEADS * L // 8
SLABS_PER = NSLABS // NWORKERS
LIBW = 2 * GRID * GRID


def _bucket(r):
    return jnp.clip(r - 24, -16, 16) + 16


def _sc_body(rel_flat_hbm, out_hbm, tab_v, rr28_v, big_v, slab_v, sem):
    c = lax.axis_index("c")
    s = lax.axis_index("s")
    wid = s * 2 + c

    pltpu.sync_copy(rel_flat_hbm, tab_v)

    s0 = wid * SLABS_PER
    s1 = s0 + SLABS_PER
    g_start = s0 // 48

    def build_group(g):
        h = g // 6
        xig = g - h * 6
        base = h * (NB * NB)

        for r in range(8):
            xi = xig * 8 + r
            for j in range(3):
                u = lax.iota(jnp.int32, 16) + (j * 16)
                rr28_v[pl.ds(r * 48 + j * 16, 16)] = _bucket((72 - u + xi) % 48)

        @plsc.parallel_loop(0, 96, unroll=2)
        def cc_body(cc):
            rowbase = base + _bucket((120 - cc) % 48) * NB
            for r in range(8):
                for j in range(3):
                    gidx = rr28_v[pl.ds(r * 48 + j * 16, 16)] + rowbase
                    big_v[pl.ds(r * LIBW + cc * GRID + j * 16, 16)] = (
                        plsc.load_gather(tab_v, [gidx])
                    )

        return h, xig

    def group_body(k, ndone):
        g = g_start + k
        h, xig = build_group(g)
        yi_lo = jnp.maximum(g * 48, s0) - g * 48
        yi_hi = jnp.minimum(g * 48 + 48, s1) - g * 48

        def yi_body(yi, nd):
            sl = nd % 3

            @pl.when(nd >= 3)
            def _wait_one():
                pltpu.make_async_copy(
                    slab_v.at[0], out_hbm.at[0, pl.ds(0, 8), :], sem
                ).wait()

            w0 = (48 - yi) * GRID

            @plsc.parallel_loop(0, L, step=16, unroll=8)
            def q_body(off):
                for r in range(8):
                    slab_v[sl, r, pl.ds(off, 16)] = big_v[
                        pl.ds(r * LIBW + w0 + off, 16)
                    ]

            i0 = yi * GRID + xig * 8
            pltpu.async_copy(
                slab_v.at[sl], out_hbm.at[h, pl.ds(i0, 8), :], sem
            )
            return nd + 1

        return lax.fori_loop(yi_lo, yi_hi, yi_body, ndone)

    lax.fori_loop(0, 3, group_body, jnp.int32(0))

    for _ in range(3):
        pltpu.make_async_copy(
            slab_v.at[0], out_hbm.at[0, pl.ds(0, 8), :], sem
        ).wait()


def kernel(height, width, rel_embedding):
    rel_flat = rel_embedding.reshape(-1)
    mesh = plsc.VectorSubcoreMesh(core_axis_name="c", subcore_axis_name="s")
    run = pl.kernel(
        _sc_body,
        mesh=mesh,
        compiler_params=pltpu.CompilerParams(needs_layout_passes=False),
        out_type=jax.ShapeDtypeStruct((NUM_HEADS, L, L), jnp.float32),
        scratch_types=[
            pltpu.VMEM((NUM_HEADS * NB * NB,), jnp.float32),
            pltpu.VMEM((8 * GRID,), jnp.int32),
            pltpu.VMEM((8 * LIBW,), jnp.float32),
            pltpu.VMEM((3, 8, L), jnp.float32),
            pltpu.SemaphoreType.DMA,
        ],
    )
    out = run(rel_flat)
    return out.reshape(1, NUM_HEADS, L, L)

# --- scband reference (transcript-rebuilt; emitter-appended) ---
"""Pipeline reference for scband-relative-position-bias-39316130628010 (READ-ONLY COPY).

The authoritative reference and input builder live on the scoring server;
editing this copy changes nothing except your own understanding.
"""

import jax, jax.numpy as jnp
import numpy as np

NUM_HEADS = 12
MAX_DISTANCE = 16

GRID_H = 48
GRID_W = 48


def _shortest_signed_diff(delta, size):
    half = size // 2
    return (delta + half) % size - half


def setup_inputs(seed: int = 0) -> dict:
    key = jax.random.key(seed)
    num_buckets = 2 * MAX_DISTANCE + 1
    rel_embedding = jax.random.normal(key, (NUM_HEADS, num_buckets, num_buckets), dtype=jnp.float32) * 0.02
    return {"height": 48, "width": 48, "rel_embedding": rel_embedding}


def reference(height, width, rel_embedding):
    h = GRID_H
    w = GRID_W
    length = h * w
    ys = jnp.arange(h)
    xs = jnp.arange(w)
    yy, xx = jnp.meshgrid(ys, xs, indexing='ij')
    coords = jnp.stack([yy, xx], axis=-1).reshape(length, 2)
    coords_i = coords[:, None, :]
    coords_j = coords[None, :, :]
    dy = coords_i[..., 0] - coords_j[..., 0]
    dx = coords_i[..., 1] - coords_j[..., 1]
    dy = _shortest_signed_diff(dy, height)
    dx = _shortest_signed_diff(dx, width)
    dy = jnp.clip(dy, -MAX_DISTANCE, MAX_DISTANCE)
    dx = jnp.clip(dx, -MAX_DISTANCE, MAX_DISTANCE)
    offset = MAX_DISTANCE
    dy_bucket = (dy + offset).astype(jnp.int32)
    dx_bucket = (dx + offset).astype(jnp.int32)
    bias = rel_embedding[:, dy_bucket, dx_bucket]
    bias = bias[None, :, :, :]
    return bias

if __name__ == "__main__":
    import jax
    _d = setup_inputs()
    print(jax.jit(kernel)(*tuple(_d.values())))

</pallas_src>

<mosaic_0001>
#map = affine_map<(d0, d1) -> (0)>
#map1 = affine_map<(d0, d1) -> (0, 0, 0)>
module attributes {stable_mosaic.version = 14 : i64} {
  func.func @_sc_body(%arg0: i32, %arg1: i32, %arg2: memref<13068xf32, #tpu.memory_space<hbm>>, %arg3: memref<12x2304x2304xf32, #tpu.memory_space<hbm>>, %arg4: memref<13068xf32, #tpu.memory_space<vmem>>, %arg5: memref<384xi32, #tpu.memory_space<vmem>>, %arg6: memref<36864xf32, #tpu.memory_space<vmem>>, %arg7: memref<3x8x2304xf32, #tpu.memory_space<vmem>>, %arg8: memref<!tpu.dma_semaphore, #tpu.memory_space<semaphore_mem>>) attributes {dimension_semantics = [#tpu.dimension_semantics<core_parallel>, #tpu.dimension_semantics<subcore_parallel>], iteration_bounds = array<i64: 2, 16>, scalar_prefetch = 0 : i64, scratch_operands = 5 : i64, tpu.core_type = #tpu.core_type<sc_vector_subcore>, window_params = [{transform_indices = #map}, {transform_indices = #map1}]} {
    %mul3A = arith.constant 2 : i32
    %mul3A_0 = arith.muli %arg1, %mul3A : i32
    %add3A = arith.addi %mul3A_0, %arg0 : i32
    "tpu.region"() ({
      %run_scoped3A = tpu.sem_alloc : memref<!tpu.dma_semaphore, #tpu.memory_space<semaphore_mem>>
      tpu.enqueue_dma source(%arg2 : memref<13068xf32, #tpu.memory_space<hbm>>) target(%arg4 : memref<13068xf32, #tpu.memory_space<vmem>>) target_semaphore(%run_scoped3A : memref<!tpu.dma_semaphore, #tpu.memory_space<semaphore_mem>>)
      tpu.wait_dma2 semaphore(%run_scoped3A : memref<!tpu.dma_semaphore, #tpu.memory_space<semaphore_mem>>) src(%arg2 : memref<13068xf32, #tpu.memory_space<hbm>>) dst(%arg4 : memref<13068xf32, #tpu.memory_space<vmem>>)
      tpu.yield
    }) : () -> ()
    %mul3A_1 = arith.constant 108 : i32
    %mul3A_2 = arith.muli %add3A, %mul3A_1 : i32
    %add3A_3 = arith.constant 108 : i32
    %add3A_4 = arith.addi %mul3A_2, %add3A_3 : i32
    %jit3A = arith.constant 48 : i32
    %div3A = arith.divsi %mul3A_2, %jit3A : i32
    %sign3A = arith.constant 0 : i32
    %sign3A_5 = arith.cmpi sgt, %mul3A_2, %sign3A : i32
    %sign3A_6 = arith.extui %sign3A_5 : i1 to i32
    %sign3A_7 = arith.constant 0 : i32
    %sign3A_8 = arith.cmpi slt, %mul3A_2, %sign3A_7 : i32
    %sign3A_9 = arith.extui %sign3A_8 : i1 to i32
    %sign3A_10 = arith.subi %sign3A_6, %sign3A_9 : i32
    %sign3A_11 = arith.constant 0 : i32
    %sign3A_12 = arith.cmpi sgt, %jit3A, %sign3A_11 : i32
    %sign3A_13 = arith.extui %sign3A_12 : i1 to i32
    %sign3A_14 = arith.constant 0 : i32
    %sign3A_15 = arith.cmpi slt, %jit3A, %sign3A_14 : i32
    %sign3A_16 = arith.extui %sign3A_15 : i1 to i32
    %sign3A_17 = arith.subi %sign3A_13, %sign3A_16 : i32
    %ne3A = arith.cmpi ne, %sign3A_10, %sign3A_17 : i32
    %rem3A = arith.remsi %mul3A_2, %jit3A : i32
    %ne3A_18 = arith.constant 0 : i32
    %ne3A_19 = arith.cmpi ne, %rem3A, %ne3A_18 : i32
    %and3A = arith.andi %ne3A, %ne3A_19 : i1
    %sub3A = arith.constant 1 : i32
    %sub3A_20 = arith.subi %div3A, %sub3A : i32
    %select_n3A = arith.select %and3A, %sub3A_20, %div3A : i32
    %scan3A = arith.constant 0 : i32
    %scan3A_21 = arith.constant 0 : i32
    %scan3A_22 = arith.constant 3 : i32
    %scan3A_23 = arith.addi %scan3A_21, %scan3A_22 : i32
    %scan3A_24 = arith.constant 1 : i32
    %scan3A_25 = scf.for %scan3A_80 = %scan3A_21 to %scan3A_23 step %scan3A_24 iter_args(%scan3A_81 = %scan3A) -> (i32)  : i32 {
      %add3A_82 = arith.addi %select_n3A, %scan3A_80 : i32
      %jit3A_83 = arith.constant 6 : i32
      %div3A_84 = arith.divsi %add3A_82, %jit3A_83 : i32
      %sign3A_85 = arith.constant 0 : i32
      %sign3A_86 = arith.cmpi sgt, %add3A_82, %sign3A_85 : i32
      %sign3A_87 = arith.extui %sign3A_86 : i1 to i32
      %sign3A_88 = arith.constant 0 : i32
      %sign3A_89 = arith.cmpi slt, %add3A_82, %sign3A_88 : i32
      %sign3A_90 = arith.extui %sign3A_89 : i1 to i32
      %sign3A_91 = arith.subi %sign3A_87, %sign3A_90 : i32
      %sign3A_92 = arith.constant 0 : i32
      %sign3A_93 = arith.cmpi sgt, %jit3A_83, %sign3A_92 : i32
      %sign3A_94 = arith.extui %sign3A_93 : i1 to i32
      %sign3A_95 = arith.constant 0 : i32
      %sign3A_96 = arith.cmpi slt, %jit3A_83, %sign3A_95 : i32
      %sign3A_97 = arith.extui %sign3A_96 : i1 to i32
      %sign3A_98 = arith.subi %sign3A_94, %sign3A_97 : i32
      %ne3A_99 = arith.cmpi ne, %sign3A_91, %sign3A_98 : i32
      %rem3A_100 = arith.remsi %add3A_82, %jit3A_83 : i32
      %ne3A_101 = arith.constant 0 : i32
      %ne3A_102 = arith.cmpi ne, %rem3A_100, %ne3A_101 : i32
      %and3A_103 = arith.andi %ne3A_99, %ne3A_102 : i1
      %sub3A_104 = arith.constant 1 : i32
      %sub3A_105 = arith.subi %div3A_84, %sub3A_104 : i32
      %select_n3A_106 = arith.select %and3A_103, %sub3A_105, %div3A_84 : i32
      %mul3A_107 = arith.constant 6 : i32
      %mul3A_108 = arith.muli %select_n3A_106, %mul3A_107 : i32
      %sub3A_109 = arith.subi %add3A_82, %mul3A_108 : i32
      %mul3A_110 = arith.constant 1089 : i32
      %mul3A_111 = arith.muli %select_n3A_106, %mul3A_110 : i32
      %mul3A_112 = arith.constant 8 : i32
      %mul3A_113 = arith.muli %sub3A_109, %mul3A_112 : i32
      %add3A_114 = arith.constant 0 : i32
      %add3A_115 = arith.addi %mul3A_113, %add3A_114 : i32
      %iota3A = tpu.iota {dimensions = array<i32: 0>} : vector<16xi32>
      %add3A_116 = arith.constant 0 : i32
      %add3A_117 = vector.broadcast %add3A_116 : i32 to vector<16xi32>
      %add3A_118 = arith.addi %iota3A, %add3A_117 : vector<16xi32>
      %sub3A_119 = arith.constant 72 : i32
      %sub3A_120 = vector.broadcast %sub3A_119 : i32 to vector<16xi32>
      %sub3A_121 = arith.subi %sub3A_120, %add3A_118 : vector<16xi32>
      %add3A_122 = vector.broadcast %add3A_115 : i32 to vector<16xi32>
      %add3A_123 = arith.addi %sub3A_121, %add3A_122 : vector<16xi32>
      %jit3A_124 = arith.constant 48 : i32
      %eq3A = arith.constant 0 : i32
      %eq3A_125 = arith.cmpi eq, %jit3A_124, %eq3A : i32
      %jit3A_126 = arith.constant 1 : i32
      %select_n3A_127 = arith.select %eq3A_125, %jit3A_126, %jit3A_124 : i32
      %rem3A_128 = vector.broadcast %select_n3A_127 : i32 to vector<16xi32>
      %rem3A_129 = arith.remsi %add3A_123, %rem3A_128 : vector<16xi32>
      %ne3A_130 = arith.constant 0 : i32
      %ne3A_131 = vector.broadcast %ne3A_130 : i32 to vector<16xi32>
      %ne3A_132 = arith.cmpi ne, %rem3A_129, %ne3A_131 : vector<16xi32>
      %lt3A = arith.constant 0 : i32
      %lt3A_133 = vector.broadcast %lt3A : i32 to vector<16xi32>
      %lt3A_134 = arith.cmpi slt, %rem3A_129, %lt3A_133 : vector<16xi32>
      %lt3A_135 = arith.constant 0 : i32
      %lt3A_136 = arith.cmpi slt, %select_n3A_127, %lt3A_135 : i32
      %ne3A_137 = vector.broadcast %lt3A_136 : i1 to vector<16xi1>
      %ne3A_138 = vector.broadcast %ne3A_137 : vector<16xi1> to vector<16xi1>
      %ne3A_139 = arith.xori %lt3A_134, %ne3A_138 : vector<16xi1>
      %and3A_140 = arith.andi %ne3A_139, %ne3A_132 : vector<16xi1>
      %add3A_141 = vector.broadcast %select_n3A_127 : i32 to vector<16xi32>
      %add3A_142 = arith.addi %rem3A_129, %add3A_141 : vector<16xi32>
      %select_n3A_143 = arith.select %and3A_140, %add3A_142, %rem3A_129 : vector<16xi1>, vector<16xi32>
      %sub3A_144 = arith.constant 24 : i32
      %sub3A_145 = vector.broadcast %sub3A_144 : i32 to vector<16xi32>
      %sub3A_146 = arith.subi %select_n3A_143, %sub3A_145 : vector<16xi32>
      %jit3A_147 = arith.constant -16 : i32
      %jit3A_148 = arith.constant 16 : i32
      %max3A = vector.broadcast %jit3A_147 : i32 to vector<16xi32>
      %max3A_149 = arith.maxsi %max3A, %sub3A_146 : vector<16xi32>
      %min3A = vector.broadcast %jit3A_148 : i32 to vector<16xi32>
      %min3A_150 = arith.minsi %min3A, %max3A_149 : vector<16xi32>
      %add3A_151 = arith.constant 16 : i32
      %add3A_152 = vector.broadcast %add3A_151 : i32 to vector<16xi32>
      %add3A_153 = arith.addi %min3A_150, %add3A_152 : vector<16xi32>
      %swap3A = arith.constant 0 : index
      %swap3A_154 = tpu.vector_load %arg5[%swap3A] {strides = array<i32>} : memref<384xi32, #tpu.memory_space<vmem>>, vector<16xi32>,
      tpu.vector_store %arg5[%swap3A], %add3A_153 {strides = array<i32>} : memref<384xi32, #tpu.memory_space<vmem>>, vector<16xi32>,
      %iota3A_155 = tpu.iota {dimensions = array<i32: 0>} : vector<16xi32>
      %add3A_156 = arith.constant 16 : i32
      %add3A_157 = vector.broadcast %add3A_156 : i32 to vector<16xi32>
      %add3A_158 = arith.addi %iota3A_155, %add3A_157 : vector<16xi32>
      %sub3A_159 = arith.constant 72 : i32
      %sub3A_160 = vector.broadcast %sub3A_159 : i32 to vector<16xi32>
      %sub3A_161 = arith.subi %sub3A_160, %add3A_158 : vector<16xi32>
      %add3A_162 = vector.broadcast %add3A_115 : i32 to vector<16xi32>
      %add3A_163 = arith.addi %sub3A_161, %add3A_162 : vector<16xi32>
      %jit3A_164 = arith.constant 48 : i32
      %eq3A_165 = arith.constant 0 : i32
      %eq3A_166 = arith.cmpi eq, %jit3A_164, %eq3A_165 : i32
      %jit3A_167 = arith.constant 1 : i32
      %select_n3A_168 = arith.select %eq3A_166, %jit3A_167, %jit3A_164 : i32
      %rem3A_169 = vector.broadcast %select_n3A_168 : i32 to vector<16xi32>
      %rem3A_170 = arith.remsi %add3A_163, %rem3A_169 : vector<16xi32>
      %ne3A_171 = arith.constant 0 : i32
      %ne3A_172 = vector.broadcast %ne3A_171 : i32 to vector<16xi32>
      %ne3A_173 = arith.cmpi ne, %rem3A_170, %ne3A_172 : vector<16xi32>
      %lt3A_174 = arith.constant 0 : i32
      %lt3A_175 = vector.broadcast %lt3A_174 : i32 to vector<16xi32>
      %lt3A_176 = arith.cmpi slt, %rem3A_170, %lt3A_175 : vector<16xi32>
      %lt3A_177 = arith.constant 0 : i32
      %lt3A_178 = arith.cmpi slt, %select_n3A_168, %lt3A_177 : i32
      %ne3A_179 = vector.broadcast %lt3A_178 : i1 to vector<16xi1>
      %ne3A_180 = vector.broadcast %ne3A_179 : vector<16xi1> to vector<16xi1>
      %ne3A_181 = arith.xori %lt3A_176, %ne3A_180 : vector<16xi1>
      %and3A_182 = arith.andi %ne3A_181, %ne3A_173 : vector<16xi1>
      %add3A_183 = vector.broadcast %select_n3A_168 : i32 to vector<16xi32>
      %add3A_184 = arith.addi %rem3A_170, %add3A_183 : vector<16xi32>
      %select_n3A_185 = arith.select %and3A_182, %add3A_184, %rem3A_170 : vector<16xi1>, vector<16xi32>
      %sub3A_186 = arith.constant 24 : i32
      %sub3A_187 = vector.broadcast %sub3A_186 : i32 to vector<16xi32>
      %sub3A_188 = arith.subi %select_n3A_185, %sub3A_187 : vector<16xi32>
      %jit3A_189 = arith.constant -16 : i32
      %jit3A_190 = arith.constant 16 : i32
      %max3A_191 = vector.broadcast %jit3A_189 : i32 to vector<16xi32>
      %max3A_192 = arith.maxsi %max3A_191, %sub3A_188 : vector<16xi32>
      %min3A_193 = vector.broadcast %jit3A_190 : i32 to vector<16xi32>
      %min3A_194 = arith.minsi %min3A_193, %max3A_192 : vector<16xi32>
      %add3A_195 = arith.constant 16 : i32
      %add3A_196 = vector.broadcast %add3A_195 : i32 to vector<16xi32>
      %add3A_197 = arith.addi %min3A_194, %add3A_196 : vector<16xi32>
      %swap3A_198 = arith.constant 16 : index
      %swap3A_199 = tpu.vector_load %arg5[%swap3A_198] {strides = array<i32>} : memref<384xi32, #tpu.memory_space<vmem>>, vector<16xi32>,
      tpu.vector_store %arg5[%swap3A_198], %add3A_197 {strides = array<i32>} : memref<384xi32, #tpu.memory_space<vmem>>, vector<16xi32>,
      %iota3A_200 = tpu.iota {dimensions = array<i32: 0>} : vector<16xi32>
      %add3A_201 = arith.constant 32 : i32
      %add3A_202 = vector.broadcast %add3A_201 : i32 to vector<16xi32>
      %add3A_203 = arith.addi %iota3A_200, %add3A_202 : vector<16xi32>
      %sub3A_204 = arith.constant 72 : i32
      %sub3A_205 = vector.broadcast %sub3A_204 : i32 to vector<16xi32>
      %sub3A_206 = arith.subi %sub3A_205, %add3A_203 : vector<16xi32>
      %add3A_207 = vector.broadcast %add3A_115 : i32 to vector<16xi32>
      %add3A_208 = arith.addi %sub3A_206, %add3A_207 : vector<16xi32>
      %jit3A_209 = arith.constant 48 : i32
      %eq3A_210 = arith.constant 0 : i32
      %eq3A_211 = arith.cmpi eq, %jit3A_209, %eq3A_210 : i32
      %jit3A_212 = arith.constant 1 : i32
      %select_n3A_213 = arith.select %eq3A_211, %jit3A_212, %jit3A_209 : i32
      %rem3A_214 = vector.broadcast %select_n3A_213 : i32 to vector<16xi32>
      %rem3A_215 = arith.remsi %add3A_208, %rem3A_214 : vector<16xi32>
      %ne3A_216 = arith.constant 0 : i32
      %ne3A_217 = vector.broadcast %ne3A_216 : i32 to vector<16xi32>
      %ne3A_218 = arith.cmpi ne, %rem3A_215, %ne3A_217 : vector<16xi32>
      %lt3A_219 = arith.constant 0 : i32
      %lt3A_220 = vector.broadcast %lt3A_219 : i32 to vector<16xi32>
      %lt3A_221 = arith.cmpi slt, %rem3A_215, %lt3A_220 : vector<16xi32>
      %lt3A_222 = arith.constant 0 : i32
      %lt3A_223 = arith.cmpi slt, %select_n3A_213, %lt3A_222 : i32
      %ne3A_224 = vector.broadcast %lt3A_223 : i1 to vector<16xi1>
      %ne3A_225 = vector.broadcast %ne3A_224 : vector<16xi1> to vector<16xi1>
      %ne3A_226 = arith.xori %lt3A_221, %ne3A_225 : vector<16xi1>
      %and3A_227 = arith.andi %ne3A_226, %ne3A_218 : vector<16xi1>
      %add3A_228 = vector.broadcast %select_n3A_213 : i32 to vector<16xi32>
      %add3A_229 = arith.addi %rem3A_215, %add3A_228 : vector<16xi32>
      %select_n3A_230 = arith.select %and3A_227, %add3A_229, %rem3A_215 : vector<16xi1>, vector<16xi32>
      %sub3A_231 = arith.constant 24 : i32
      %sub3A_232 = vector.broadcast %sub3A_231 : i32 to vector<16xi32>
      %sub3A_233 = arith.subi %select_n3A_230, %sub3A_232 : vector<16xi32>
      %jit3A_234 = arith.constant -16 : i32
      %jit3A_235 = arith.constant 16 : i32
      %max3A_236 = vector.broadcast %jit3A_234 : i32 to vector<16xi32>
      %max3A_237 = arith.maxsi %max3A_236, %sub3A_233 : vector<16xi32>
      %min3A_238 = vector.broadcast %jit3A_235 : i32 to vector<16xi32>
      %min3A_239 = arith.minsi %min3A_238, %max3A_237 : vector<16xi32>
      %add3A_240 = arith.constant 16 : i32
      %add3A_241 = vector.broadcast %add3A_240 : i32 to vector<16xi32>
      %add3A_242 = arith.addi %min3A_239, %add3A_241 : vector<16xi32>
      %swap3A_243 = arith.constant 32 : index
      %swap3A_244 = tpu.vector_load %arg5[%swap3A_243] {strides = array<i32>} : memref<384xi32, #tpu.memory_space<vmem>>, vector<16xi32>,
      tpu.vector_store %arg5[%swap3A_243], %add3A_242 {strides = array<i32>} : memref<384xi32, #tpu.memory_space<vmem>>, vector<16xi32>,
      %mul3A_245 = arith.constant 8 : i32
      %mul3A_246 = arith.muli %sub3A_109, %mul3A_245 : i32
      %add3A_247 = arith.constant 1 : i32
      %add3A_248 = arith.addi %mul3A_246, %add3A_247 : i32
      %iota3A_249 = tpu.iota {dimensions = array<i32: 0>} : vector<16xi32>
      %add3A_250 = arith.constant 0 : i32
      %add3A_251 = vector.broadcast %add3A_250 : i32 to vector<16xi32>
      %add3A_252 = arith.addi %iota3A_249, %add3A_251 : vector<16xi32>
      %sub3A_253 = arith.constant 72 : i32
      %sub3A_254 = vector.broadcast %sub3A_253 : i32 to vector<16xi32>
      %sub3A_255 = arith.subi %sub3A_254, %add3A_252 : vector<16xi32>
      %add3A_256 = vector.broadcast %add3A_248 : i32 to vector<16xi32>
      %add3A_257 = arith.addi %sub3A_255, %add3A_256 : vector<16xi32>
      %jit3A_258 = arith.constant 48 : i32
      %eq3A_259 = arith.constant 0 : i32
      %eq3A_260 = arith.cmpi eq, %jit3A_258, %eq3A_259 : i32
      %jit3A_261 = arith.constant 1 : i32
      %select_n3A_262 = arith.select %eq3A_260, %jit3A_261, %jit3A_258 : i32
      %rem3A_263 = vector.broadcast %select_n3A_262 : i32 to vector<16xi32>
      %rem3A_264 = arith.remsi %add3A_257, %rem3A_263 : vector<16xi32>
      %ne3A_265 = arith.constant 0 : i32
      %ne3A_266 = vector.broadcast %ne3A_265 : i32 to vector<16xi32>
      %ne3A_267 = arith.cmpi ne, %rem3A_264, %ne3A_266 : vector<16xi32>
      %lt3A_268 = arith.constant 0 : i32
      %lt3A_269 = vector.broadcast %lt3A_268 : i32 to vector<16xi32>
      %lt3A_270 = arith.cmpi slt, %rem3A_264, %lt3A_269 : vector<16xi32>
      %lt3A_271 = arith.constant 0 : i32
      %lt3A_272 = arith.cmpi slt, %select_n3A_262, %lt3A_271 : i32
      %ne3A_273 = vector.broadcast %lt3A_272 : i1 to vector<16xi1>
      %ne3A_274 = vector.broadcast %ne3A_273 : vector<16xi1> to vector<16xi1>
      %ne3A_275 = arith.xori %lt3A_270, %ne3A_274 : vector<16xi1>
      %and3A_276 = arith.andi %ne3A_275, %ne3A_267 : vector<16xi1>
      %add3A_277 = vector.broadcast %select_n3A_262 : i32 to vector<16xi32>
      %add3A_278 = arith.addi %rem3A_264, %add3A_277 : vector<16xi32>
      %select_n3A_279 = arith.select %and3A_276, %add3A_278, %rem3A_264 : vector<16xi1>, vector<16xi32>
      %sub3A_280 = arith.constant 24 : i32
      %sub3A_281 = vector.broadcast %sub3A_280 : i32 to vector<16xi32>
      %sub3A_282 = arith.subi %select_n3A_279, %sub3A_281 : vector<16xi32>
      %jit3A_283 = arith.constant -16 : i32
      %jit3A_284 = arith.constant 16 : i32
      %max3A_285 = vector.broadcast %jit3A_283 : i32 to vector<16xi32>
      %max3A_286 = arith.maxsi %max3A_285, %sub3A_282 : vector<16xi32>
      %min3A_287 = vector.broadcast %jit3A_284 : i32 to vector<16xi32>
      %min3A_288 = arith.minsi %min3A_287, %max3A_286 : vector<16xi32>
      %add3A_289 = arith.constant 16 : i32
      %add3A_290 = vector.broadcast %add3A_289 : i32 to vector<16xi32>
      %add3A_291 = arith.addi %min3A_288, %add3A_290 : vector<16xi32>
      %swap3A_292 = arith.constant 48 : index
      %swap3A_293 = tpu.vector_load %arg5[%swap3A_292] {strides = array<i32>} : memref<384xi32, #tpu.memory_space<vmem>>, vector<16xi32>,
      tpu.vector_store %arg5[%swap3A_292], %add3A_291 {strides = array<i32>} : memref<384xi32, #tpu.memory_space<vmem>>, vector<16xi32>,
      %iota3A_294 = tpu.iota {dimensions = array<i32: 0>} : vector<16xi32>
      %add3A_295 = arith.constant 16 : i32
      %add3A_296 = vector.broadcast %add3A_295 : i32 to vector<16xi32>
      %add3A_297 = arith.addi %iota3A_294, %add3A_296 : vector<16xi32>
      %sub3A_298 = arith.constant 72 : i32
      %sub3A_299 = vector.broadcast %sub3A_298 : i32 to vector<16xi32>
      %sub3A_300 = arith.subi %sub3A_299, %add3A_297 : vector<16xi32>
      %add3A_301 = vector.broadcast %add3A_248 : i32 to vector<16xi32>
      %add3A_302 = arith.addi %sub3A_300, %add3A_301 : vector<16xi32>
      %jit3A_303 = arith.constant 48 : i32
      %eq3A_304 = arith.constant 0 : i32
      %eq3A_305 = arith.cmpi eq, %jit3A_303, %eq3A_304 : i32
      %jit3A_306 = arith.constant 1 : i32
      %select_n3A_307 = arith.select %eq3A_305, %jit3A_306, %jit3A_303 : i32
      %rem3A_308 = vector.broadcast %select_n3A_307 : i32 to vector<16xi32>
      %rem3A_309 = arith.remsi %add3A_302, %rem3A_308 : vector<16xi32>
      %ne3A_310 = arith.constant 0 : i32
      %ne3A_311 = vector.broadcast %ne3A_310 : i32 to vector<16xi32>
      %ne3A_312 = arith.cmpi ne, %rem3A_309, %ne3A_311 : vector<16xi32>
      %lt3A_313 = arith.constant 0 : i32
      %lt3A_314 = vector.broadcast %lt3A_313 : i32 to vector<16xi32>
      %lt3A_315 = arith.cmpi slt, %rem3A_309, %lt3A_314 : vector<16xi32>
      %lt3A_316 = arith.constant 0 : i32
      %lt3A_317 = arith.cmpi slt, %select_n3A_307, %lt3A_316 : i32
      %ne3A_318 = vector.broadcast %lt3A_317 : i1 to vector<16xi1>
      %ne3A_319 = vector.broadcast %ne3A_318 : vector<16xi1> to vector<16xi1>
      %ne3A_320 = arith.xori %lt3A_315, %ne3A_319 : vector<16xi1>
      %and3A_321 = arith.andi %ne3A_320, %ne3A_312 : vector<16xi1>
      %add3A_322 = vector.broadcast %select_n3A_307 : i32 to vector<16xi32>
      %add3A_323 = arith.addi %rem3A_309, %add3A_322 : vector<16xi32>
      %select_n3A_324 = arith.select %and3A_321, %add3A_323, %rem3A_309 : vector<16xi1>, vector<16xi32>
      %sub3A_325 = arith.constant 24 : i32
      %sub3A_326 = vector.broadcast %sub3A_325 : i32 to vector<16xi32>
      %sub3A_327 = arith.subi %select_n3A_324, %sub3A_326 : vector<16xi32>
      %jit3A_328 = arith.constant -16 : i32
      %jit3A_329 = arith.constant 16 : i32
      %max3A_330 = vector.broadcast %jit3A_328 : i32 to vector<16xi32>
      %max3A_331 = arith.maxsi %max3A_330, %sub3A_327 : vector<16xi32>
      %min3A_332 = vector.broadcast %jit3A_329 : i32 to vector<16xi32>
      %min3A_333 = arith.minsi %min3A_332, %max3A_331 : vector<16xi32>
      %add3A_334 = arith.constant 16 : i32
      %add3A_335 = vector.broadcast %add3A_334 : i32 to vector<16xi32>
      %add3A_336 = arith.addi %min3A_333, %add3A_335 : vector<16xi32>
      %swap3A_337 = arith.constant 64 : index
      %swap3A_338 = tpu.vector_load %arg5[%swap3A_337] {strides = array<i32>} : memref<384xi32, #tpu.memory_space<vmem>>, vector<16xi32>,
      tpu.vector_store %arg5[%swap3A_337], %add3A_336 {strides = array<i32>} : memref<384xi32, #tpu.memory_space<vmem>>, vector<16xi32>,
      %iota3A_339 = tpu.iota {dimensions = array<i32: 0>} : vector<16xi32>
      %add3A_340 = arith.constant 32 : i32
      %add3A_341 = vector.broadcast %add3A_340 : i32 to vector<16xi32>
      %add3A_342 = arith.addi %iota3A_339, %add3A_341 : vector<16xi32>
      %sub3A_343 = arith.constant 72 : i32
      %sub3A_344 = vector.broadcast %sub3A_343 : i32 to vector<16xi32>
      %sub3A_345 = arith.subi %sub3A_344, %add3A_342 : vector<16xi32>
      %add3A_346 = vector.broadcast %add3A_248 : i32 to vector<16xi32>
      %add3A_347 = arith.addi %sub3A_345, %add3A_346 : vector<16xi32>
      %jit3A_348 = arith.constant 48 : i32
      %eq3A_349 = arith.constant 0 : i32
      %eq3A_350 = arith.cmpi eq, %jit3A_348, %eq3A_349 : i32
      %jit3A_351 = arith.constant 1 : i32
      %select_n3A_352 = arith.select %eq3A_350, %jit3A_351, %jit3A_348 : i32
      %rem3A_353 = vector.broadcast %select_n3A_352 : i32 to vector<16xi32>
      %rem3A_354 = arith.remsi %add3A_347, %rem3A_353 : vector<16xi32>
      %ne3A_355 = arith.constant 0 : i32
      %ne3A_356 = vector.broadcast %ne3A_355 : i32 to vector<16xi32>
      %ne3A_357 = arith.cmpi ne, %rem3A_354, %ne3A_356 : vector<16xi32>
      %lt3A_358 = arith.constant 0 : i32
      %lt3A_359 = vector.broadcast %lt3A_358 : i32 to vector<16xi32>
      %lt3A_360 = arith.cmpi slt, %rem3A_354, %lt3A_359 : vector<16xi32>
      %lt3A_361 = arith.constant 0 : i32
      %lt3A_362 = arith.cmpi slt, %select_n3A_352, %lt3A_361 : i32
      %ne3A_363 = vector.broadcast %lt3A_362 : i1 to vector<16xi1>
      %ne3A_364 = vector.broadcast %ne3A_363 : vector<16xi1> to vector<16xi1>
      %ne3A_365 = arith.xori %lt3A_360, %ne3A_364 : vector<16xi1>
      %and3A_366 = arith.andi %ne3A_365, %ne3A_357 : vector<16xi1>
      %add3A_367 = vector.broadcast %select_n3A_352 : i32 to vector<16xi32>
      %add3A_368 = arith.addi %rem3A_354, %add3A_367 : vector<16xi32>
      %select_n3A_369 = arith.select %and3A_366, %add3A_368, %rem3A_354 : vector<16xi1>, vector<16xi32>
      %sub3A_370 = arith.constant 24 : i32
      %sub3A_371 = vector.broadcast %sub3A_370 : i32 to vector<16xi32>
      %sub3A_372 = arith.subi %select_n3A_369, %sub3A_371 : vector<16xi32>
      %jit3A_373 = arith.constant -16 : i32
      %jit3A_374 = arith.constant 16 : i32
      %max3A_375 = vector.broadcast %jit3A_373 : i32 to vector<16xi32>
      %max3A_376 = arith.maxsi %max3A_375, %sub3A_372 : vector<16xi32>
      %min3A_377 = vector.broadcast %jit3A_374 : i32 to vector<16xi32>
      %min3A_378 = arith.minsi %min3A_377, %max3A_376 : vector<16xi32>
      %add3A_379 = arith.constant 16 : i32
      %add3A_380 = vector.broadcast %add3A_379 : i32 to vector<16xi32>
      %add3A_381 = arith.addi %min3A_378, %add3A_380 : vector<16xi32>
      %swap3A_382 = arith.constant 80 : index
      %swap3A_383 = tpu.vector_load %arg5[%swap3A_382] {strides = array<i32>} : memref<384xi32, #tpu.memory_space<vmem>>, vector<16xi32>,
      tpu.vector_store %arg5[%swap3A_382], %add3A_381 {strides = array<i32>} : memref<384xi32, #tpu.memory_space<vmem>>, vector<16xi32>,
      %mul3A_384 = arith.constant 8 : i32
      %mul3A_385 = arith.muli %sub3A_109, %mul3A_384 : i32
      %add3A_386 = arith.constant 2 : i32
      %add3A_387 = arith.addi %mul3A_385, %add3A_386 : i32
      %iota3A_388 = tpu.iota {dimensions = array<i32: 0>} : vector<16xi32>
      %add3A_389 = arith.constant 0 : i32
      %add3A_390 = vector.broadcast %add3A_389 : i32 to vector<16xi32>
      %add3A_391 = arith.addi %iota3A_388, %add3A_390 : vector<16xi32>
      %sub3A_392 = arith.constant 72 : i32
      %sub3A_393 = vector.broadcast %sub3A_392 : i32 to vector<16xi32>
      %sub3A_394 = arith.subi %sub3A_393, %add3A_391 : vector<16xi32>
      %add3A_395 = vector.broadcast %add3A_387 : i32 to vector<16xi32>
      %add3A_396 = arith.addi %sub3A_394, %add3A_395 : vector<16xi32>
      %jit3A_397 = arith.constant 48 : i32
      %eq3A_398 = arith.constant 0 : i32
      %eq3A_399 = arith.cmpi eq, %jit3A_397, %eq3A_398 : i32
      %jit3A_400 = arith.constant 1 : i32
      %select_n3A_401 = arith.select %eq3A_399, %jit3A_400, %jit3A_397 : i32
      %rem3A_402 = vector.broadcast %select_n3A_401 : i32 to vector<16xi32>
      %rem3A_403 = arith.remsi %add3A_396, %rem3A_402 : vector<16xi32>
      %ne3A_404 = arith.constant 0 : i32
      %ne3A_405 = vector.broadcast %ne3A_404 : i32 to vector<16xi32>
      %ne3A_406 = arith.cmpi ne, %rem3A_403, %ne3A_405 : vector<16xi32>
      %lt3A_407 = arith.constant 0 : i32
      %lt3A_408 = vector.broadcast %lt3A_407 : i32 to vector<16xi32>
      %lt3A_409 = arith.cmpi slt, %rem3A_403, %lt3A_408 : vector<16xi32>
      %lt3A_410 = arith.constant 0 : i32
      %lt3A_411 = arith.cmpi slt, %select_n3A_401, %lt3A_410 : i32
      %ne3A_412 = vector.broadcast %lt3A_411 : i1 to vector<16xi1>
      %ne3A_413 = vector.broadcast %ne3A_412 : vector<16xi1> to vector<16xi1>
      %ne3A_414 = arith.xori %lt3A_409, %ne3A_413 : vector<16xi1>
      %and3A_415 = arith.andi %ne3A_414, %ne3A_406 : vector<16xi1>
      %add3A_416 = vector.broadcast %select_n3A_401 : i32 to vector<16xi32>
      %add3A_417 = arith.addi %rem3A_403, %add3A_416 : vector<16xi32>
      %select_n3A_418 = arith.select %and3A_415, %add3A_417, %rem3A_403 : vector<16xi1>, vector<16xi32>
      %sub3A_419 = arith.constant 24 : i32
      %sub3A_420 = vector.broadcast %sub3A_419 : i32 to vector<16xi32>
      %sub3A_421 = arith.subi %select_n3A_418, %sub3A_420 : vector<16xi32>
      %jit3A_422 = arith.constant -16 : i32
      %jit3A_423 = arith.constant 16 : i32
      %max3A_424 = vector.broadcast %jit3A_422 : i32 to vector<16xi32>
      %max3A_425 = arith.maxsi %max3A_424, %sub3A_421 : vector<16xi32>
      %min3A_426 = vector.broadcast %jit3A_423 : i32 to vector<16xi32>
      %min3A_427 = arith.minsi %min3A_426, %max3A_425 : vector<16xi32>
      %add3A_428 = arith.constant 16 : i32
      %add3A_429 = vector.broadcast %add3A_428 : i32 to vector<16xi32>
      %add3A_430 = arith.addi %min3A_427, %add3A_429 : vector<16xi32>
      %swap3A_431 = arith.constant 96 : index
      %swap3A_432 = tpu.vector_load %arg5[%swap3A_431] {strides = array<i32>} : memref<384xi32, #tpu.memory_space<vmem>>, vector<16xi32>,
      tpu.vector_store %arg5[%swap3A_431], %add3A_430 {strides = array<i32>} : memref<384xi32, #tpu.memory_space<vmem>>, vector<16xi32>,
      %iota3A_433 = tpu.iota {dimensions = array<i32: 0>} : vector<16xi32>
      %add3A_434 = arith.constant 16 : i32
      %add3A_435 = vector.broadcast %add3A_434 : i32 to vector<16xi32>
      %add3A_436 = arith.addi %iota3A_433, %add3A_435 : vector<16xi32>
      %sub3A_437 = arith.constant 72 : i32
      %sub3A_438 = vector.broadcast %sub3A_437 : i32 to vector<16xi32>
      %sub3A_439 = arith.subi %sub3A_438, %add3A_436 : vector<16xi32>
      %add3A_440 = vector.broadcast %add3A_387 : i32 to vector<16xi32>
      %add3A_441 = arith.addi %sub3A_439, %add3A_440 : vector<16xi32>
      %jit3A_442 = arith.constant 48 : i32
      %eq3A_443 = arith.constant 0 : i32
      %eq3A_444 = arith.cmpi eq, %jit3A_442, %eq3A_443 : i32
      %jit3A_445 = arith.constant 1 : i32
      %select_n3A_446 = arith.select %eq3A_444, %jit3A_445, %jit3A_442 : i32
      %rem3A_447 = vector.broadcast %select_n3A_446 : i32 to vector<16xi32>
      %rem3A_448 = arith.remsi %add3A_441, %rem3A_447 : vector<16xi32>
      %ne3A_449 = arith.constant 0 : i32
      %ne3A_450 = vector.broadcast %ne3A_449 : i32 to vector<16xi32>
      %ne3A_451 = arith.cmpi ne, %rem3A_448, %ne3A_450 : vector<16xi32>
      %lt3A_452 = arith.constant 0 : i32
      %lt3A_453 = vector.broadcast %lt3A_452 : i32 to vector<16xi32>
      %lt3A_454 = arith.cmpi slt, %rem3A_448, %lt3A_453 : vector<16xi32>
      %lt3A_455 = arith.constant 0 : i32
      %lt3A_456 = arith.cmpi slt, %select_n3A_446, %lt3A_455 : i32
      %ne3A_457 = vector.broadcast %lt3A_456 : i1 to vector<16xi1>
      %ne3A_458 = vector.broadcast %ne3A_457 : vector<16xi1> to vector<16xi1>
      %ne3A_459 = arith.xori %lt3A_454, %ne3A_458 : vector<16xi1>
      %and3A_460 = arith.andi %ne3A_459, %ne3A_451 : vector<16xi1>
      %add3A_461 = vector.broadcast %select_n3A_446 : i32 to vector<16xi32>
      %add3A_462 = arith.addi %rem3A_448, %add3A_461 : vector<16xi32>
      %select_n3A_463 = arith.select %and3A_460, %add3A_462, %rem3A_448 : vector<16xi1>, vector<16xi32>
      %sub3A_464 = arith.constant 24 : i32
      %sub3A_465 = vector.broadcast %sub3A_464 : i32 to vector<16xi32>
      %sub3A_466 = arith.subi %select_n3A_463, %sub3A_465 : vector<16xi32>
      %jit3A_467 = arith.constant -16 : i32
      %jit3A_468 = arith.constant 16 : i32
      %max3A_469 = vector.broadcast %jit3A_467 : i32 to vector<16xi32>
      %max3A_470 = arith.maxsi %max3A_469, %sub3A_466 : vector<16xi32>
      %min3A_471 = vector.broadcast %jit3A_468 : i32 to vector<16xi32>
      %min3A_472 = arith.minsi %min3A_471, %max3A_470 : vector<16xi32>
      %add3A_473 = arith.constant 16 : i32
      %add3A_474 = vector.broadcast %add3A_473 : i32 to vector<16xi32>
      %add3A_475 = arith.addi %min3A_472, %add3A_474 : vector<16xi32>
      %swap3A_476 = arith.constant 112 : index
      %swap3A_477 = tpu.vector_load %arg5[%swap3A_476] {strides = array<i32>} : memref<384xi32, #tpu.memory_space<vmem>>, vector<16xi32>,
      tpu.vector_store %arg5[%swap3A_476], %add3A_475 {strides = array<i32>} : memref<384xi32, #tpu.memory_space<vmem>>, vector<16xi32>,
      %iota3A_478 = tpu.iota {dimensions = array<i32: 0>} : vector<16xi32>
      %add3A_479 = arith.constant 32 : i32
      %add3A_480 = vector.broadcast %add3A_479 : i32 to vector<16xi32>
      %add3A_481 = arith.addi %iota3A_478, %add3A_480 : vector<16xi32>
      %sub3A_482 = arith.constant 72 : i32
      %sub3A_483 = vector.broadcast %sub3A_482 : i32 to vector<16xi32>
      %sub3A_484 = arith.subi %sub3A_483, %add3A_481 : vector<16xi32>
      %add3A_485 = vector.broadcast %add3A_387 : i32 to vector<16xi32>
      %add3A_486 = arith.addi %sub3A_484, %add3A_485 : vector<16xi32>
      %jit3A_487 = arith.constant 48 : i32
      %eq3A_488 = arith.constant 0 : i32
      %eq3A_489 = arith.cmpi eq, %jit3A_487, %eq3A_488 : i32
      %jit3A_490 = arith.constant 1 : i32
      %select_n3A_491 = arith.select %eq3A_489, %jit3A_490, %jit3A_487 : i32
      %rem3A_492 = vector.broadcast %select_n3A_491 : i32 to vector<16xi32>
      %rem3A_493 = arith.remsi %add3A_486, %rem3A_492 : vector<16xi32>
      %ne3A_494 = arith.constant 0 : i32
      %ne3A_495 = vector.broadcast %ne3A_494 : i32 to vector<16xi32>
      %ne3A_496 = arith.cmpi ne, %rem3A_493, %ne3A_495 : vector<16xi32>
      %lt3A_497 = arith.constant 0 : i32
      %lt3A_498 = vector.broadcast %lt3A_497 : i32 to vector<16xi32>
      %lt3A_499 = arith.cmpi slt, %rem3A_493, %lt3A_498 : vector<16xi32>
      %lt3A_500 = arith.constant 0 : i32
      %lt3A_501 = arith.cmpi slt, %select_n3A_491, %lt3A_500 : i32
      %ne3A_502 = vector.broadcast %lt3A_501 : i1 to vector<16xi1>
      %ne3A_503 = vector.broadcast %ne3A_502 : vector<16xi1> to vector<16xi1>
      %ne3A_504 = arith.xori %lt3A_499, %ne3A_503 : vector<16xi1>
      %and3A_505 = arith.andi %ne3A_504, %ne3A_496 : vector<16xi1>
      %add3A_506 = vector.broadcast %select_n3A_491 : i32 to vector<16xi32>
      %add3A_507 = arith.addi %rem3A_493, %add3A_506 : vector<16xi32>
      %select_n3A_508 = arith.select %and3A_505, %add3A_507, %rem3A_493 : vector<16xi1>, vector<16xi32>
      %sub3A_509 = arith.constant 24 : i32
      %sub3A_510 = vector.broadcast %sub3A_509 : i32 to vector<16xi32>
      %sub3A_511 = arith.subi %select_n3A_508, %sub3A_510 : vector<16xi32>
      %jit3A_512 = arith.constant -16 : i32
      %jit3A_513 = arith.constant 16 : i32
      %max3A_514 = vector.broadcast %jit3A_512 : i32 to vector<16xi32>
      %max3A_515 = arith.maxsi %max3A_514, %sub3A_511 : vector<16xi32>
      %min3A_516 = vector.broadcast %jit3A_513 : i32 to vector<16xi32>
      %min3A_517 = arith.minsi %min3A_516, %max3A_515 : vector<16xi32>
      %add3A_518 = arith.constant 16 : i32
      %add3A_519 = vector.broadcast %add3A_518 : i32 to vector<16xi32>
      %add3A_520 = arith.addi %min3A_517, %add3A_519 : vector<16xi32>
      %swap3A_521 = arith.constant 128 : index
      %swap3A_522 = tpu.vector_load %arg5[%swap3A_521] {strides = array<i32>} : memref<384xi32, #tpu.memory_space<vmem>>, vector<16xi32>,
      tpu.vector_store %arg5[%swap3A_521], %add3A_520 {strides = array<i32>} : memref<384xi32, #tpu.memory_space<vmem>>, vector<16xi32>,
      %mul3A_523 = arith.constant 8 : i32
      %mul3A_524 = arith.muli %sub3A_109, %mul3A_523 : i32
      %add3A_525 = arith.constant 3 : i32
      %add3A_526 = arith.addi %mul3A_524, %add3A_525 : i32
      %iota3A_527 = tpu.iota {dimensions = array<i32: 0>} : vector<16xi32>
      %add3A_528 = arith.constant 0 : i32
      %add3A_529 = vector.broadcast %add3A_528 : i32 to vector<16xi32>
      %add3A_530 = arith.addi %iota3A_527, %add3A_529 : vector<16xi32>
      %sub3A_531 = arith.constant 72 : i32
      %sub3A_532 = vector.broadcast %sub3A_531 : i32 to vector<16xi32>
      %sub3A_533 = arith.subi %sub3A_532, %add3A_530 : vector<16xi32>
      %add3A_534 = vector.broadcast %add3A_526 : i32 to vector<16xi32>
      %add3A_535 = arith.addi %sub3A_533, %add3A_534 : vector<16xi32>
      %jit3A_536 = arith.constant 48 : i32
      %eq3A_537 = arith.constant 0 : i32
      %eq3A_538 = arith.cmpi eq, %jit3A_536, %eq3A_537 : i32
      %jit3A_539 = arith.constant 1 : i32
      %select_n3A_540 = arith.select %eq3A_538, %jit3A_539, %jit3A_536 : i32
      %rem3A_541 = vector.broadcast %select_n3A_540 : i32 to vector<16xi32>
      %rem3A_542 = arith.remsi %add3A_535, %rem3A_541 : vector<16xi32>
      %ne3A_543 = arith.constant 0 : i32
      %ne3A_544 = vector.broadcast %ne3A_543 : i32 to vector<16xi32>
      %ne3A_545 = arith.cmpi ne, %rem3A_542, %ne3A_544 : vector<16xi32>
      %lt3A_546 = arith.constant 0 : i32
      %lt3A_547 = vector.broadcast %lt3A_546 : i32 to vector<16xi32>
      %lt3A_548 = arith.cmpi slt, %rem3A_542, %lt3A_547 : vector<16xi32>
      %lt3A_549 = arith.constant 0 : i32
      %lt3A_550 = arith.cmpi slt, %select_n3A_540, %lt3A_549 : i32
      %ne3A_551 = vector.broadcast %lt3A_550 : i1 to vector<16xi1>
      %ne3A_552 = vector.broadcast %ne3A_551 : vector<16xi1> to vector<16xi1>
      %ne3A_553 = arith.xori %lt3A_548, %ne3A_552 : vector<16xi1>
      %and3A_554 = arith.andi %ne3A_553, %ne3A_545 : vector<16xi1>
      %add3A_555 = vector.broadcast %select_n3A_540 : i32 to vector<16xi32>
      %add3A_556 = arith.addi %rem3A_542, %add3A_555 : vector<16xi32>
      %select_n3A_557 = arith.select %and3A_554, %add3A_556, %rem3A_542 : vector<16xi1>, vector<16xi32>
      %sub3A_558 = arith.constant 24 : i32
      %sub3A_559 = vector.broadcast %sub3A_558 : i32 to vector<16xi32>
      %sub3A_560 = arith.subi %select_n3A_557, %sub3A_559 : vector<16xi32>
      %jit3A_561 = arith.constant -16 : i32
      %jit3A_562 = arith.constant 16 : i32
      %max3A_563 = vector.broadcast %jit3A_561 : i32 to vector<16xi32>
      %max3A_564 = arith.maxsi %max3A_563, %sub3A_560 : vector<16xi32>
      %min3A_565 = vector.broadcast %jit3A_562 : i32 to vector<16xi32>
      %min3A_566 = arith.minsi %min3A_565, %max3A_564 : vector<16xi32>
      %add3A_567 = arith.constant 16 : i32
      %add3A_568 = vector.broadcast %add3A_567 : i32 to vector<16xi32>
      %add3A_569 = arith.addi %min3A_566, %add3A_568 : vector<16xi32>
      %swap3A_570 = arith.constant 144 : index
      %swap3A_571 = tpu.vector_load %arg5[%swap3A_570] {strides = array<i32>} : memref<384xi32, #tpu.memory_space<vmem>>, vector<16xi32>,
      tpu.vector_store %arg5[%swap3A_570], %add3A_569 {strides = array<i32>} : memref<384xi32, #tpu.memory_space<vmem>>, vector<16xi32>,
      %iota3A_572 = tpu.iota {dimensions = array<i32: 0>} : vector<16xi32>
      %add3A_573 = arith.constant 16 : i32
      %add3A_574 = vector.broadcast %add3A_573 : i32 to vector<16xi32>
      %add3A_575 = arith.addi %iota3A_572, %add3A_574 : vector<16xi32>
      %sub3A_576 = arith.constant 72 : i32
      %sub3A_577 = vector.broadcast %sub3A_576 : i32 to vector<16xi32>
      %sub3A_578 = arith.subi %sub3A_577, %add3A_575 : vector<16xi32>
      %add3A_579 = vector.broadcast %add3A_526 : i32 to vector<16xi32>
      %add3A_580 = arith.addi %sub3A_578, %add3A_579 : vector<16xi32>
      %jit3A_581 = arith.constant 48 : i32
      %eq3A_582 = arith.constant 0 : i32
      %eq3A_583 = arith.cmpi eq, %jit3A_581, %eq3A_582 : i32
      %jit3A_584 = arith.constant 1 : i32
      %select_n3A_585 = arith.select %eq3A_583, %jit3A_584, %jit3A_581 : i32
      %rem3A_586 = vector.broadcast %select_n3A_585 : i32 to vector<16xi32>
      %rem3A_587 = arith.remsi %add3A_580, %rem3A_586 : vector<16xi32>
      %ne3A_588 = arith.constant 0 : i32
      %ne3A_589 = vector.broadcast %ne3A_588 : i32 to vector<16xi32>
      %ne3A_590 = arith.cmpi ne, %rem3A_587, %ne3A_589 : vector<16xi32>
      %lt3A_591 = arith.constant 0 : i32
      %lt3A_592 = vector.broadcast %lt3A_591 : i32 to vector<16xi32>
      %lt3A_593 = arith.cmpi slt, %rem3A_587, %lt3A_592 : vector<16xi32>
      %lt3A_594 = arith.constant 0 : i32
      %lt3A_595 = arith.cmpi slt, %select_n3A_585, %lt3A_594 : i32
      %ne3A_596 = vector.broadcast %lt3A_595 : i1 to vector<16xi1>
      %ne3A_597 = vector.broadcast %ne3A_596 : vector<16xi1> to vector<16xi1>
      %ne3A_598 = arith.xori %lt3A_593, %ne3A_597 : vector<16xi1>
      %and3A_599 = arith.andi %ne3A_598, %ne3A_590 : vector<16xi1>
      %add3A_600 = vector.broadcast %select_n3A_585 : i32 to vector<16xi32>
      %add3A_601 = arith.addi %rem3A_587, %add3A_600 : vector<16xi32>
      %select_n3A_602 = arith.select %and3A_599, %add3A_601, %rem3A_587 : vector<16xi1>, vector<16xi32>
      %sub3A_603 = arith.constant 24 : i32
      %sub3A_604 = vector.broadcast %sub3A_603 : i32 to vector<16xi32>
      %sub3A_605 = arith.subi %select_n3A_602, %sub3A_604 : vector<16xi32>
      %jit3A_606 = arith.constant -16 : i32
      %jit3A_607 = arith.constant 16 : i32
      %max3A_608 = vector.broadcast %jit3A_606 : i32 to vector<16xi32>
      %max3A_609 = arith.maxsi %max3A_608, %sub3A_605 : vector<16xi32>
      %min3A_610 = vector.broadcast %jit3A_607 : i32 to vector<16xi32>
      %min3A_611 = arith.minsi %min3A_610, %max3A_609 : vector<16xi32>
      %add3A_612 = arith.constant 16 : i32
      %add3A_613 = vector.broadcast %add3A_612 : i32 to vector<16xi32>
      %add3A_614 = arith.addi %min3A_611, %add3A_613 : vector<16xi32>
      %swap3A_615 = arith.constant 160 : index
      %swap3A_616 = tpu.vector_load %arg5[%swap3A_615] {strides = array<i32>} : memref<384xi32, #tpu.memory_space<vmem>>, vector<16xi32>,
      tpu.vector_store %arg5[%swap3A_615], %add3A_614 {strides = array<i32>} : memref<384xi32, #tpu.memory_space<vmem>>, vector<16xi32>,
      %iota3A_617 = tpu.iota {dimensions = array<i32: 0>} : vector<16xi32>
      %add3A_618 = arith.constant 32 : i32
      %add3A_619 = vector.broadcast %add3A_618 : i32 to vector<16xi32>
      %add3A_620 = arith.addi %iota3A_617, %add3A_619 : vector<16xi32>
      %sub3A_621 = arith.constant 72 : i32
      %sub3A_622 = vector.broadcast %sub3A_621 : i32 to vector<16xi32>
      %sub3A_623 = arith.subi %sub3A_622, %add3A_620 : vector<16xi32>
      %add3A_624 = vector.broadcast %add3A_526 : i32 to vector<16xi32>
      %add3A_625 = arith.addi %sub3A_623, %add3A_624 : vector<16xi32>
      %jit3A_626 = arith.constant 48 : i32
      %eq3A_627 = arith.constant 0 : i32
      %eq3A_628 = arith.cmpi eq, %jit3A_626, %eq3A_627 : i32
      %jit3A_629 = arith.constant 1 : i32
      %select_n3A_630 = arith.select %eq3A_628, %jit3A_629, %jit3A_626 : i32
      %rem3A_631 = vector.broadcast %select_n3A_630 : i32 to vector<16xi32>
      %rem3A_632 = arith.remsi %add3A_625, %rem3A_631 : vector<16xi32>
      %ne3A_633 = arith.constant 0 : i32
      %ne3A_634 = vector.broadcast %ne3A_633 : i32 to vector<16xi32>
      %ne3A_635 = arith.cmpi ne, %rem3A_632, %ne3A_634 : vector<16xi32>
      %lt3A_636 = arith.constant 0 : i32
      %lt3A_637 = vector.broadcast %lt3A_636 : i32 to vector<16xi32>
      %lt3A_638 = arith.cmpi slt, %rem3A_632, %lt3A_637 : vector<16xi32>
      %lt3A_639 = arith.constant 0 : i32
      %lt3A_640 = arith.cmpi slt, %select_n3A_630, %lt3A_639 : i32
      %ne3A_641 = vector.broadcast %lt3A_640 : i1 to vector<16xi1>
      %ne3A_642 = vector.broadcast %ne3A_641 : vector<16xi1> to vector<16xi1>
      %ne3A_643 = arith.xori %lt3A_638, %ne3A_642 : vector<16xi1>
      %and3A_644 = arith.andi %ne3A_643, %ne3A_635 : vector<16xi1>
      %add3A_645 = vector.broadcast %select_n3A_630 : i32 to vector<16xi32>
      %add3A_646 = arith.addi %rem3A_632, %add3A_645 : vector<16xi32>
      %select_n3A_647 = arith.select %and3A_644, %add3A_646, %rem3A_632 : vector<16xi1>, vector<16xi32>
      %sub3A_648 = arith.constant 24 : i32
      %sub3A_649 = vector.broadcast %sub3A_648 : i32 to vector<16xi32>
      %sub3A_650 = arith.subi %select_n3A_647, %sub3A_649 : vector<16xi32>
      %jit3A_651 = arith.constant -16 : i32
      %jit3A_652 = arith.constant 16 : i32
      %max3A_653 = vector.broadcast %jit3A_651 : i32 to vector<16xi32>
      %max3A_654 = arith.maxsi %max3A_653, %sub3A_650 : vector<16xi32>
      %min3A_655 = vector.broadcast %jit3A_652 : i32 to vector<16xi32>
      %min3A_656 = arith.minsi %min3A_655, %max3A_654 : vector<16xi32>
      %add3A_657 = arith.constant 16 : i32
      %add3A_658 = vector.broadcast %add3A_657 : i32 to vector<16xi32>
      %add3A_659 = arith.addi %min3A_656, %add3A_658 : vector<16xi32>
      %swap3A_660 = arith.constant 176 : index
      %swap3A_661 = tpu.vector_load %arg5[%swap3A_660] {strides = array<i32>} : memref<384xi32, #tpu.memory_space<vmem>>, vector<16xi32>,
      tpu.vector_store %arg5[%swap3A_660], %add3A_659 {strides = array<i32>} : memref<384xi32, #tpu.memory_space<vmem>>, vector<16xi32>,
      %mul3A_662 = arith.constant 8 : i32
      %mul3A_663 = arith.muli %sub3A_109, %mul3A_662 : i32
      %add3A_664 = arith.constant 4 : i32
      %add3A_665 = arith.addi %mul3A_663, %add3A_664 : i32
      %iota3A_666 = tpu.iota {dimensions = array<i32: 0>} : vector<16xi32>
      %add3A_667 = arith.constant 0 : i32
      %add3A_668 = vector.broadcast %add3A_667 : i32 to vector<16xi32>
      %add3A_669 = arith.addi %iota3A_666, %add3A_668 : vector<16xi32>
      %sub3A_670 = arith.constant 72 : i32
      %sub3A_671 = vector.broadcast %sub3A_670 : i32 to vector<16xi32>
      %sub3A_672 = arith.subi %sub3A_671, %add3A_669 : vector<16xi32>
      %add3A_673 = vector.broadcast %add3A_665 : i32 to vector<16xi32>
      %add3A_674 = arith.addi %sub3A_672, %add3A_673 : vector<16xi32>
      %jit3A_675 = arith.constant 48 : i32
      %eq3A_676 = arith.constant 0 : i32
      %eq3A_677 = arith.cmpi eq, %jit3A_675, %eq3A_676 : i32
      %jit3A_678 = arith.constant 1 : i32
      %select_n3A_679 = arith.select %eq3A_677, %jit3A_678, %jit3A_675 : i32
      %rem3A_680 = vector.broadcast %select_n3A_679 : i32 to vector<16xi32>
      %rem3A_681 = arith.remsi %add3A_674, %rem3A_680 : vector<16xi32>
      %ne3A_682 = arith.constant 0 : i32
      %ne3A_683 = vector.broadcast %ne3A_682 : i32 to vector<16xi32>
      %ne3A_684 = arith.cmpi ne, %rem3A_681, %ne3A_683 : vector<16xi32>
      %lt3A_685 = arith.constant 0 : i32
      %lt3A_686 = vector.broadcast %lt3A_685 : i32 to vector<16xi32>
      %lt3A_687 = arith.cmpi slt, %rem3A_681, %lt3A_686 : vector<16xi32>
      %lt3A_688 = arith.constant 0 : i32
      %lt3A_689 = arith.cmpi slt, %select_n3A_679, %lt3A_688 : i32
      %ne3A_690 = vector.broadcast %lt3A_689 : i1 to vector<16xi1>
      %ne3A_691 = vector.broadcast %ne3A_690 : vector<16xi1> to vector<16xi1>
      %ne3A_692 = arith.xori %lt3A_687, %ne3A_691 : vector<16xi1>
      %and3A_693 = arith.andi %ne3A_692, %ne3A_684 : vector<16xi1>
      %add3A_694 = vector.broadcast %select_n3A_679 : i32 to vector<16xi32>
      %add3A_695 = arith.addi %rem3A_681, %add3A_694 : vector<16xi32>
      %select_n3A_696 = arith.select %and3A_693, %add3A_695, %rem3A_681 : vector<16xi1>, vector<16xi32>
      %sub3A_697 = arith.constant 24 : i32
      %sub3A_698 = vector.broadcast %sub3A_697 : i32 to vector<16xi32>
      %sub3A_699 = arith.subi %select_n3A_696, %sub3A_698 : vector<16xi32>
      %jit3A_700 = arith.constant -16 : i32
      %jit3A_701 = arith.constant 16 : i32
      %max3A_702 = vector.broadcast %jit3A_700 : i32 to vector<16xi32>
      %max3A_703 = arith.maxsi %max3A_702, %sub3A_699 : vector<16xi32>
      %min3A_704 = vector.broadcast %jit3A_701 : i32 to vector<16xi32>
      %min3A_705 = arith.minsi %min3A_704, %max3A_703 : vector<16xi32>
      %add3A_706 = arith.constant 16 : i32
      %add3A_707 = vector.broadcast %add3A_706 : i32 to vector<16xi32>
      %add3A_708 = arith.addi %min3A_705, %add3A_707 : vector<16xi32>
      %swap3A_709 = arith.constant 192 : index
      %swap3A_710 = tpu.vector_load %arg5[%swap3A_709] {strides = array<i32>} : memref<384xi32, #tpu.memory_space<vmem>>, vector<16xi32>,
      tpu.vector_store %arg5[%swap3A_709], %add3A_708 {strides = array<i32>} : memref<384xi32, #tpu.memory_space<vmem>>, vector<16xi32>,
      %iota3A_711 = tpu.iota {dimensions = array<i32: 0>} : vector<16xi32>
      %add3A_712 = arith.constant 16 : i32
      %add3A_713 = vector.broadcast %add3A_712 : i32 to vector<16xi32>
      %add3A_714 = arith.addi %iota3A_711, %add3A_713 : vector<16xi32>
      %sub3A_715 = arith.constant 72 : i32
      %sub3A_716 = vector.broadcast %sub3A_715 : i32 to vector<16xi32>
      %sub3A_717 = arith.subi %sub3A_716, %add3A_714 : vector<16xi32>
      %add3A_718 = vector.broadcast %add3A_665 : i32 to vector<16xi32>
      %add3A_719 = arith.addi %sub3A_717, %add3A_718 : vector<16xi32>
      %jit3A_720 = arith.constant 48 : i32
      %eq3A_721 = arith.constant 0 : i32
      %eq3A_722 = arith.cmpi eq, %jit3A_720, %eq3A_721 : i32
      %jit3A_723 = arith.constant 1 : i32
      %select_n3A_724 = arith.select %eq3A_722, %jit3A_723, %jit3A_720 : i32
      %rem3A_725 = vector.broadcast %select_n3A_724 : i32 to vector<16xi32>
      %rem3A_726 = arith.remsi %add3A_719, %rem3A_725 : vector<16xi32>
      %ne3A_727 = arith.constant 0 : i32
      %ne3A_728 = vector.broadcast %ne3A_727 : i32 to vector<16xi32>
      %ne3A_729 = arith.cmpi ne, %rem3A_726, %ne3A_728 : vector<16xi32>
      %lt3A_730 = arith.constant 0 : i32
      %lt3A_731 = vector.broadcast %lt3A_730 : i32 to vector<16xi32>
      %lt3A_732 = arith.cmpi slt, %rem3A_726, %lt3A_731 : vector<16xi32>
      %lt3A_733 = arith.constant 0 : i32
      %lt3A_734 = arith.cmpi slt, %select_n3A_724, %lt3A_733 : i32
      %ne3A_735 = vector.broadcast %lt3A_734 : i1 to vector<16xi1>
      %ne3A_736 = vector.broadcast %ne3A_735 : vector<16xi1> to vector<16xi1>
      %ne3A_737 = arith.xori %lt3A_732, %ne3A_736 : vector<16xi1>
      %and3A_738 = arith.andi %ne3A_737, %ne3A_729 : vector<16xi1>
      %add3A_739 = vector.broadcast %select_n3A_724 : i32 to vector<16xi32>
      %add3A_740 = arith.addi %rem3A_726, %add3A_739 : vector<16xi32>
      %select_n3A_741 = arith.select %and3A_738, %add3A_740, %rem3A_726 : vector<16xi1>, vector<16xi32>
      %sub3A_742 = arith.constant 24 : i32
      %sub3A_743 = vector.broadcast %sub3A_742 : i32 to vector<16xi32>
      %sub3A_744 = arith.subi %select_n3A_741, %sub3A_743 : vector<16xi32>
      %jit3A_745 = arith.constant -16 : i32
      %jit3A_746 = arith.constant 16 : i32
      %max3A_747 = vector.broadcast %jit3A_745 : i32 to vector<16xi32>
      %max3A_748 = arith.maxsi %max3A_747, %sub3A_744 : vector<16xi32>
      %min3A_749 = vector.broadcast %jit3A_746 : i32 to vector<16xi32>
      %min3A_750 = arith.minsi %min3A_749, %max3A_748 : vector<16xi32>
      %add3A_751 = arith.constant 16 : i32
      %add3A_752 = vector.broadcast %add3A_751 : i32 to vector<16xi32>
      %add3A_753 = arith.addi %min3A_750, %add3A_752 : vector<16xi32>
      %swap3A_754 = arith.constant 208 : index
      %swap3A_755 = tpu.vector_load %arg5[%swap3A_754] {strides = array<i32>} : memref<384xi32, #tpu.memory_space<vmem>>, vector<16xi32>,
      tpu.vector_store %arg5[%swap3A_754], %add3A_753 {strides = array<i32>} : memref<384xi32, #tpu.memory_space<vmem>>, vector<16xi32>,
      %iota3A_756 = tpu.iota {dimensions = array<i32: 0>} : vector<16xi32>
      %add3A_757 = arith.constant 32 : i32
      %add3A_758 = vector.broadcast %add3A_757 : i32 to vector<16xi32>
      %add3A_759 = arith.addi %iota3A_756, %add3A_758 : vector<16xi32>
      %sub3A_760 = arith.constant 72 : i32
      %sub3A_761 = vector.broadcast %sub3A_760 : i32 to vector<16xi32>
      %sub3A_762 = arith.subi %sub3A_761, %add3A_759 : vector<16xi32>
      %add3A_763 = vector.broadcast %add3A_665 : i32 to vector<16xi32>
      %add3A_764 = arith.addi %sub3A_762, %add3A_763 : vector<16xi32>
      %jit3A_765 = arith.constant 48 : i32
      %eq3A_766 = arith.constant 0 : i32
      %eq3A_767 = arith.cmpi eq, %jit3A_765, %eq3A_766 : i32
      %jit3A_768 = arith.constant 1 : i32
      %select_n3A_769 = arith.select %eq3A_767, %jit3A_768, %jit3A_765 : i32
      %rem3A_770 = vector.broadcast %select_n3A_769 : i32 to vector<16xi32>
      %rem3A_771 = arith.remsi %add3A_764, %rem3A_770 : vector<16xi32>
      %ne3A_772 = arith.constant 0 : i32
      %ne3A_773 = vector.broadcast %ne3A_772 : i32 to vector<16xi32>
      %ne3A_774 = arith.cmpi ne, %rem3A_771, %ne3A_773 : vector<16xi32>
      %lt3A_775 = arith.constant 0 : i32
      %lt3A_776 = vector.broadcast %lt3A_775 : i32 to vector<16xi32>
      %lt3A_777 = arith.cmpi slt, %rem3A_771, %lt3A_776 : vector<16xi32>
      %lt3A_778 = arith.constant 0 : i32
      %lt3A_779 = arith.cmpi slt, %select_n3A_769, %lt3A_778 : i32
      %ne3A_780 = vector.broadcast %lt3A_779 : i1 to vector<16xi1>
      %ne3A_781 = vector.broadcast %ne3A_780 : vector<16xi1> to vector<16xi1>
      %ne3A_782 = arith.xori %lt3A_777, %ne3A_781 : vector<16xi1>
      %and3A_783 = arith.andi %ne3A_782, %ne3A_774 : vector<16xi1>
      %add3A_784 = vector.broadcast %select_n3A_769 : i32 to vector<16xi32>
      %add3A_785 = arith.addi %rem3A_771, %add3A_784 : vector<16xi32>
      %select_n3A_786 = arith.select %and3A_783, %add3A_785, %rem3A_771 : vector<16xi1>, vector<16xi32>
      %sub3A_787 = arith.constant 24 : i32
      %sub3A_788 = vector.broadcast %sub3A_787 : i32 to vector<16xi32>
      %sub3A_789 = arith.subi %select_n3A_786, %sub3A_788 : vector<16xi32>
      %jit3A_790 = arith.constant -16 : i32
      %jit3A_791 = arith.constant 16 : i32
      %max3A_792 = vector.broadcast %jit3A_790 : i32 to vector<16xi32>
      %max3A_793 = arith.maxsi %max3A_792, %sub3A_789 : vector<16xi32>
      %min3A_794 = vector.broadcast %jit3A_791 : i32 to vector<16xi32>
      %min3A_795 = arith.minsi %min3A_794, %max3A_793 : vector<16xi32>
      %add3A_796 = arith.constant 16 : i32
      %add3A_797 = vector.broadcast %add3A_796 : i32 to vector<16xi32>
      %add3A_798 = arith.addi %min3A_795, %add3A_797 : vector<16xi32>
      %swap3A_799 = arith.constant 224 : index
      %swap3A_800 = tpu.vector_load %arg5[%swap3A_799] {strides = array<i32>} : memref<384xi32, #tpu.memory_space<vmem>>, vector<16xi32>,
      tpu.vector_store %arg5[%swap3A_799], %add3A_798 {strides = array<i32>} : memref<384xi32, #tpu.memory_space<vmem>>, vector<16xi32>,
      %mul3A_801 = arith.constant 8 : i32
      %mul3A_802 = arith.muli %sub3A_109, %mul3A_801 : i32
      %add3A_803 = arith.constant 5 : i32
      %add3A_804 = arith.addi %mul3A_802, %add3A_803 : i32
      %iota3A_805 = tpu.iota {dimensions = array<i32: 0>} : vector<16xi32>
      %add3A_806 = arith.constant 0 : i32
      %add3A_807 = vector.broadcast %add3A_806 : i32 to vector<16xi32>
      %add3A_808 = arith.addi %iota3A_805, %add3A_807 : vector<16xi32>
      %sub3A_809 = arith.constant 72 : i32
      %sub3A_810 = vector.broadcast %sub3A_809 : i32 to vector<16xi32>
      %sub3A_811 = arith.subi %sub3A_810, %add3A_808 : vector<16xi32>
      %add3A_812 = vector.broadcast %add3A_804 : i32 to vector<16xi32>
      %add3A_813 = arith.addi %sub3A_811, %add3A_812 : vector<16xi32>
      %jit3A_814 = arith.constant 48 : i32
      %eq3A_815 = arith.constant 0 : i32
      %eq3A_816 = arith.cmpi eq, %jit3A_814, %eq3A_815 : i32
      %jit3A_817 = arith.constant 1 : i32
      %select_n3A_818 = arith.select %eq3A_816, %jit3A_817, %jit3A_814 : i32
      %rem3A_819 = vector.broadcast %select_n3A_818 : i32 to vector<16xi32>
      %rem3A_820 = arith.remsi %add3A_813, %rem3A_819 : vector<16xi32>
      %ne3A_821 = arith.constant 0 : i32
      %ne3A_822 = vector.broadcast %ne3A_821 : i32 to vector<16xi32>
      %ne3A_823 = arith.cmpi ne, %rem3A_820, %ne3A_822 : vector<16xi32>
      %lt3A_824 = arith.constant 0 : i32
      %lt3A_825 = vector.broadcast %lt3A_824 : i32 to vector<16xi32>
      %lt3A_826 = arith.cmpi slt, %rem3A_820, %lt3A_825 : vector<16xi32>
      %lt3A_827 = arith.constant 0 : i32
      %lt3A_828 = arith.cmpi slt, %select_n3A_818, %lt3A_827 : i32
      %ne3A_829 = vector.broadcast %lt3A_828 : i1 to vector<16xi1>
      %ne3A_830 = vector.broadcast %ne3A_829 : vector<16xi1> to vector<16xi1>
      %ne3A_831 = arith.xori %lt3A_826, %ne3A_830 : vector<16xi1>
      %and3A_832 = arith.andi %ne3A_831, %ne3A_823 : vector<16xi1>
      %add3A_833 = vector.broadcast %select_n3A_818 : i32 to vector<16xi32>
      %add3A_834 = arith.addi %rem3A_820, %add3A_833 : vector<16xi32>
      %select_n3A_835 = arith.select %and3A_832, %add3A_834, %rem3A_820 : vector<16xi1>, vector<16xi32>
      %sub3A_836 = arith.constant 24 : i32
      %sub3A_837 = vector.broadcast %sub3A_836 : i32 to vector<16xi32>
      %sub3A_838 = arith.subi %select_n3A_835, %sub3A_837 : vector<16xi32>
      %jit3A_839 = arith.constant -16 : i32
      %jit3A_840 = arith.constant 16 : i32
      %max3A_841 = vector.broadcast %jit3A_839 : i32 to vector<16xi32>
      %max3A_842 = arith.maxsi %max3A_841, %sub3A_838 : vector<16xi32>
      %min3A_843 = vector.broadcast %jit3A_840 : i32 to vector<16xi32>
      %min3A_844 = arith.minsi %min3A_843, %max3A_842 : vector<16xi32>
      %add3A_845 = arith.constant 16 : i32
      %add3A_846 = vector.broadcast %add3A_845 : i32 to vector<16xi32>
      %add3A_847 = arith.addi %min3A_844, %add3A_846 : vector<16xi32>
      %swap3A_848 = arith.constant 240 : index
      %swap3A_849 = tpu.vector_load %arg5[%swap3A_848] {strides = array<i32>} : memref<384xi32, #tpu.memory_space<vmem>>, vector<16xi32>,
      tpu.vector_store %arg5[%swap3A_848], %add3A_847 {strides = array<i32>} : memref<384xi32, #tpu.memory_space<vmem>>, vector<16xi32>,
      %iota3A_850 = tpu.iota {dimensions = array<i32: 0>} : vector<16xi32>
      %add3A_851 = arith.constant 16 : i32
      %add3A_852 = vector.broadcast %add3A_851 : i32 to vector<16xi32>
      %add3A_853 = arith.addi %iota3A_850, %add3A_852 : vector<16xi32>
      %sub3A_854 = arith.constant 72 : i32
      %sub3A_855 = vector.broadcast %sub3A_854 : i32 to vector<16xi32>
      %sub3A_856 = arith.subi %sub3A_855, %add3A_853 : vector<16xi32>
      %add3A_857 = vector.broadcast %add3A_804 : i32 to vector<16xi32>
      %add3A_858 = arith.addi %sub3A_856, %add3A_857 : vector<16xi32>
      %jit3A_859 = arith.constant 48 : i32
      %eq3A_860 = arith.constant 0 : i32
      %eq3A_861 = arith.cmpi eq, %jit3A_859, %eq3A_860 : i32
      %jit3A_862 = arith.constant 1 : i32
      %select_n3A_863 = arith.select %eq3A_861, %jit3A_862, %jit3A_859 : i32
      %rem3A_864 = vector.broadcast %select_n3A_863 : i32 to vector<16xi32>
      %rem3A_865 = arith.remsi %add3A_858, %rem3A_864 : vector<16xi32>
      %ne3A_866 = arith.constant 0 : i32
      %ne3A_867 = vector.broadcast %ne3A_866 : i32 to vector<16xi32>
      %ne3A_868 = arith.cmpi ne, %rem3A_865, %ne3A_867 : vector<16xi32>
      %lt3A_869 = arith.constant 0 : i32
      %lt3A_870 = vector.broadcast %lt3A_869 : i32 to vector<16xi32>
      %lt3A_871 = arith.cmpi slt, %rem3A_865, %lt3A_870 : vector<16xi32>
      %lt3A_872 = arith.constant 0 : i32
      %lt3A_873 = arith.cmpi slt, %select_n3A_863, %lt3A_872 : i32
      %ne3A_874 = vector.broadcast %lt3A_873 : i1 to vector<16xi1>
      %ne3A_875 = vector.broadcast %ne3A_874 : vector<16xi1> to vector<16xi1>
      %ne3A_876 = arith.xori %lt3A_871, %ne3A_875 : vector<16xi1>
      %and3A_877 = arith.andi %ne3A_876, %ne3A_868 : vector<16xi1>
      %add3A_878 = vector.broadcast %select_n3A_863 : i32 to vector<16xi32>
      %add3A_879 = arith.addi %rem3A_865, %add3A_878 : vector<16xi32>
      %select_n3A_880 = arith.select %and3A_877, %add3A_879, %rem3A_865 : vector<16xi1>, vector<16xi32>
      %sub3A_881 = arith.constant 24 : i32
      %sub3A_882 = vector.broadcast %sub3A_881 : i32 to vector<16xi32>
      %sub3A_883 = arith.subi %select_n3A_880, %sub3A_882 : vector<16xi32>
      %jit3A_884 = arith.constant -16 : i32
      %jit3A_885 = arith.constant 16 : i32
      %max3A_886 = vector.broadcast %jit3A_884 : i32 to vector<16xi32>
      %max3A_887 = arith.maxsi %max3A_886, %sub3A_883 : vector<16xi32>
      %min3A_888 = vector.broadcast %jit3A_885 : i32 to vector<16xi32>
      %min3A_889 = arith.minsi %min3A_888, %max3A_887 : vector<16xi32>
      %add3A_890 = arith.constant 16 : i32
      %add3A_891 = vector.broadcast %add3A_890 : i32 to vector<16xi32>
      %add3A_892 = arith.addi %min3A_889, %add3A_891 : vector<16xi32>
      %swap3A_893 = arith.constant 256 : index
      %swap3A_894 = tpu.vector_load %arg5[%swap3A_893] {strides = array<i32>} : memref<384xi32, #tpu.memory_space<vmem>>, vector<16xi32>,
      tpu.vector_store %arg5[%swap3A_893], %add3A_892 {strides = array<i32>} : memref<384xi32, #tpu.memory_space<vmem>>, vector<16xi32>,
      %iota3A_895 = tpu.iota {dimensions = array<i32: 0>} : vector<16xi32>
      %add3A_896 = arith.constant 32 : i32
      %add3A_897 = vector.broadcast %add3A_896 : i32 to vector<16xi32>
      %add3A_898 = arith.addi %iota3A_895, %add3A_897 : vector<16xi32>
      %sub3A_899 = arith.constant 72 : i32
      %sub3A_900 = vector.broadcast %sub3A_899 : i32 to vector<16xi32>
      %sub3A_901 = arith.subi %sub3A_900, %add3A_898 : vector<16xi32>
      %add3A_902 = vector.broadcast %add3A_804 : i32 to vector<16xi32>
      %add3A_903 = arith.addi %sub3A_901, %add3A_902 : vector<16xi32>
      %jit3A_904 = arith.constant 48 : i32
      %eq3A_905 = arith.constant 0 : i32
      %eq3A_906 = arith.cmpi eq, %jit3A_904, %eq3A_905 : i32
      %jit3A_907 = arith.constant 1 : i32
      %select_n3A_908 = arith.select %eq3A_906, %jit3A_907, %jit3A_904 : i32
      %rem3A_909 = vector.broadcast %select_n3A_908 : i32 to vector<16xi32>
      %rem3A_910 = arith.remsi %add3A_903, %rem3A_909 : vector<16xi32>
      %ne3A_911 = arith.constant 0 : i32
      %ne3A_912 = vector.broadcast %ne3A_911 : i32 to vector<16xi32>
      %ne3A_913 = arith.cmpi ne, %rem3A_910, %ne3A_912 : vector<16xi32>
      %lt3A_914 = arith.constant 0 : i32
      %lt3A_915 = vector.broadcast %lt3A_914 : i32 to vector<16xi32>
      %lt3A_916 = arith.cmpi slt, %rem3A_910, %lt3A_915 : vector<16xi32>
      %lt3A_917 = arith.constant 0 : i32
      %lt3A_918 = arith.cmpi slt, %select_n3A_908, %lt3A_917 : i32
      %ne3A_919 = vector.broadcast %lt3A_918 : i1 to vector<16xi1>
      %ne3A_920 = vector.broadcast %ne3A_919 : vector<16xi1> to vector<16xi1>
      %ne3A_921 = arith.xori %lt3A_916, %ne3A_920 : vector<16xi1>
      %and3A_922 = arith.andi %ne3A_921, %ne3A_913 : vector<16xi1>
      %add3A_923 = vector.broadcast %select_n3A_908 : i32 to vector<16xi32>
      %add3A_924 = arith.addi %rem3A_910, %add3A_923 : vector<16xi32>
      %select_n3A_925 = arith.select %and3A_922, %add3A_924, %rem3A_910 : vector<16xi1>, vector<16xi32>
      %sub3A_926 = arith.constant 24 : i32
      %sub3A_927 = vector.broadcast %sub3A_926 : i32 to vector<16xi32>
      %sub3A_928 = arith.subi %select_n3A_925, %sub3A_927 : vector<16xi32>
      %jit3A_929 = arith.constant -16 : i32
      %jit3A_930 = arith.constant 16 : i32
      %max3A_931 = vector.broadcast %jit3A_929 : i32 to vector<16xi32>
      %max3A_932 = arith.maxsi %max3A_931, %sub3A_928 : vector<16xi32>
      %min3A_933 = vector.broadcast %jit3A_930 : i32 to vector<16xi32>
      %min3A_934 = arith.minsi %min3A_933, %max3A_932 : vector<16xi32>
      %add3A_935 = arith.constant 16 : i32
      %add3A_936 = vector.broadcast %add3A_935 : i32 to vector<16xi32>
      %add3A_937 = arith.addi %min3A_934, %add3A_936 : vector<16xi32>
      %swap3A_938 = arith.constant 272 : index
      %swap3A_939 = tpu.vector_load %arg5[%swap3A_938] {strides = array<i32>} : memref<384xi32, #tpu.memory_space<vmem>>, vector<16xi32>,
      tpu.vector_store %arg5[%swap3A_938], %add3A_937 {strides = array<i32>} : memref<384xi32, #tpu.memory_space<vmem>>, vector<16xi32>,
      %mul3A_940 = arith.constant 8 : i32
      %mul3A_941 = arith.muli %sub3A_109, %mul3A_940 : i32
      %add3A_942 = arith.constant 6 : i32
      %add3A_943 = arith.addi %mul3A_941, %add3A_942 : i32
      %iota3A_944 = tpu.iota {dimensions = array<i32: 0>} : vector<16xi32>
      %add3A_945 = arith.constant 0 : i32
      %add3A_946 = vector.broadcast %add3A_945 : i32 to vector<16xi32>
      %add3A_947 = arith.addi %iota3A_944, %add3A_946 : vector<16xi32>
      %sub3A_948 = arith.constant 72 : i32
      %sub3A_949 = vector.broadcast %sub3A_948 : i32 to vector<16xi32>
      %sub3A_950 = arith.subi %sub3A_949, %add3A_947 : vector<16xi32>
      %add3A_951 = vector.broadcast %add3A_943 : i32 to vector<16xi32>
      %add3A_952 = arith.addi %sub3A_950, %add3A_951 : vector<16xi32>
      %jit3A_953 = arith.constant 48 : i32
      %eq3A_954 = arith.constant 0 : i32
      %eq3A_955 = arith.cmpi eq, %jit3A_953, %eq3A_954 : i32
      %jit3A_956 = arith.constant 1 : i32
      %select_n3A_957 = arith.select %eq3A_955, %jit3A_956, %jit3A_953 : i32
      %rem3A_958 = vector.broadcast %select_n3A_957 : i32 to vector<16xi32>
      %rem3A_959 = arith.remsi %add3A_952, %rem3A_958 : vector<16xi32>
      %ne3A_960 = arith.constant 0 : i32
      %ne3A_961 = vector.broadcast %ne3A_960 : i32 to vector<16xi32>
      %ne3A_962 = arith.cmpi ne, %rem3A_959, %ne3A_961 : vector<16xi32>
      %lt3A_963 = arith.constant 0 : i32
      %lt3A_964 = vector.broadcast %lt3A_963 : i32 to vector<16xi32>
      %lt3A_965 = arith.cmpi slt, %rem3A_959, %lt3A_964 : vector<16xi32>
      %lt3A_966 = arith.constant 0 : i32
      %lt3A_967 = arith.cmpi slt, %select_n3A_957, %lt3A_966 : i32
      %ne3A_968 = vector.broadcast %lt3A_967 : i1 to vector<16xi1>
      %ne3A_969 = vector.broadcast %ne3A_968 : vector<16xi1> to vector<16xi1>
      %ne3A_970 = arith.xori %lt3A_965, %ne3A_969 : vector<16xi1>
      %and3A_971 = arith.andi %ne3A_970, %ne3A_962 : vector<16xi1>
      %add3A_972 = vector.broadcast %select_n3A_957 : i32 to vector<16xi32>
      %add3A_973 = arith.addi %rem3A_959, %add3A_972 : vector<16xi32>
      %select_n3A_974 = arith.select %and3A_971, %add3A_973, %rem3A_959 : vector<16xi1>, vector<16xi32>
      %sub3A_975 = arith.constant 24 : i32
      %sub3A_976 = vector.broadcast %sub3A_975 : i32 to vector<16xi32>
      %sub3A_977 = arith.subi %select_n3A_974, %sub3A_976 : vector<16xi32>
      %jit3A_978 = arith.constant -16 : i32
      %jit3A_979 = arith.constant 16 : i32
      %max3A_980 = vector.broadcast %jit3A_978 : i32 to vector<16xi32>
      %max3A_981 = arith.maxsi %max3A_980, %sub3A_977 : vector<16xi32>
      %min3A_982 = vector.broadcast %jit3A_979 : i32 to vector<16xi32>
      %min3A_983 = arith.minsi %min3A_982, %max3A_981 : vector<16xi32>
      %add3A_984 = arith.constant 16 : i32
      %add3A_985 = vector.broadcast %add3A_984 : i32 to vector<16xi32>
      %add3A_986 = arith.addi %min3A_983, %add3A_985 : vector<16xi32>
      %swap3A_987 = arith.constant 288 : index
      %swap3A_988 = tpu.vector_load %arg5[%swap3A_987] {strides = array<i32>} : memref<384xi32, #tpu.memory_space<vmem>>, vector<16xi32>,
      tpu.vector_store %arg5[%swap3A_987], %add3A_986 {strides = array<i32>} : memref<384xi32, #tpu.memory_space<vmem>>, vector<16xi32>,
      %iota3A_989 = tpu.iota {dimensions = array<i32: 0>} : vector<16xi32>
      %add3A_990 = arith.constant 16 : i32
      %add3A_991 = vector.broadcast %add3A_990 : i32 to vector<16xi32>
      %add3A_992 = arith.addi %iota3A_989, %add3A_991 : vector<16xi32>
      %sub3A_993 = arith.constant 72 : i32
      %sub3A_994 = vector.broadcast %sub3A_993 : i32 to vector<16xi32>
      %sub3A_995 = arith.subi %sub3A_994, %add3A_992 : vector<16xi32>
      %add3A_996 = vector.broadcast %add3A_943 : i32 to vector<16xi32>
      %add3A_997 = arith.addi %sub3A_995, %add3A_996 : vector<16xi32>
      %jit3A_998 = arith.constant 48 : i32
      %eq3A_999 = arith.constant 0 : i32
      %eq3A_1000 = arith.cmpi eq, %jit3A_998, %eq3A_999 : i32
      %jit3A_1001 = arith.constant 1 : i32
      %select_n3A_1002 = arith.select %eq3A_1000, %jit3A_1001, %jit3A_998 : i32
      %rem3A_1003 = vector.broadcast %select_n3A_1002 : i32 to vector<16xi32>
      %rem3A_1004 = arith.remsi %add3A_997, %rem3A_1003 : vector<16xi32>
      %ne3A_1005 = arith.constant 0 : i32
      %ne3A_1006 = vector.broadcast %ne3A_1005 : i32 to vector<16xi32>
      %ne3A_1007 = arith.cmpi ne, %rem3A_1004, %ne3A_1006 : vector<16xi32>
      %lt3A_1008 = arith.constant 0 : i32
      %lt3A_1009 = vector.broadcast %lt3A_1008 : i32 to vector<16xi32>
      %lt3A_1010 = arith.cmpi slt, %rem3A_1004, %lt3A_1009 : vector<16xi32>
      %lt3A_1011 = arith.constant 0 : i32
      %lt3A_1012 = arith.cmpi slt, %select_n3A_1002, %lt3A_1011 : i32
      %ne3A_1013 = vector.broadcast %lt3A_1012 : i1 to vector<16xi1>
      %ne3A_1014 = vector.broadcast %ne3A_1013 : vector<16xi1> to vector<16xi1>
      %ne3A_1015 = arith.xori %lt3A_1010, %ne3A_1014 : vector<16xi1>
      %and3A_1016 = arith.andi %ne3A_1015, %ne3A_1007 : vector<16xi1>
      %add3A_1017 = vector.broadcast %select_n3A_1002 : i32 to vector<16xi32>
      %add3A_1018 = arith.addi %rem3A_1004, %add3A_1017 : vector<16xi32>
      %select_n3A_1019 = arith.select %and3A_1016, %add3A_1018, %rem3A_1004 : vector<16xi1>, vector<16xi32>
      %sub3A_1020 = arith.constant 24 : i32
      %sub3A_1021 = vector.broadcast %sub3A_1020 : i32 to vector<16xi32>
      %sub3A_1022 = arith.subi %select_n3A_1019, %sub3A_1021 : vector<16xi32>
      %jit3A_1023 = arith.constant -16 : i32
      %jit3A_1024 = arith.constant 16 : i32
      %max3A_1025 = vector.broadcast %jit3A_1023 : i32 to vector<16xi32>
      %max3A_1026 = arith.maxsi %max3A_1025, %sub3A_1022 : vector<16xi32>
      %min3A_1027 = vector.broadcast %jit3A_1024 : i32 to vector<16xi32>
      %min3A_1028 = arith.minsi %min3A_1027, %max3A_1026 : vector<16xi32>
      %add3A_1029 = arith.constant 16 : i32
      %add3A_1030 = vector.broadcast %add3A_1029 : i32 to vector<16xi32>
      %add3A_1031 = arith.addi %min3A_1028, %add3A_1030 : vector<16xi32>
      %swap3A_1032 = arith.constant 304 : index
      %swap3A_1033 = tpu.vector_load %arg5[%swap3A_1032] {strides = array<i32>} : memref<384xi32, #tpu.memory_space<vmem>>, vector<16xi32>,
      tpu.vector_store %arg5[%swap3A_1032], %add3A_1031 {strides = array<i32>} : memref<384xi32, #tpu.memory_space<vmem>>, vector<16xi32>,
      %iota3A_1034 = tpu.iota {dimensions = array<i32: 0>} : vector<16xi32>
      %add3A_1035 = arith.constant 32 : i32
      %add3A_1036 = vector.broadcast %add3A_1035 : i32 to vector<16xi32>
      %add3A_1037 = arith.addi %iota3A_1034, %add3A_1036 : vector<16xi32>
      %sub3A_1038 = arith.constant 72 : i32
      %sub3A_1039 = vector.broadcast %sub3A_1038 : i32 to vector<16xi32>
      %sub3A_1040 = arith.subi %sub3A_1039, %add3A_1037 : vector<16xi32>
      %add3A_1041 = vector.broadcast %add3A_943 : i32 to vector<16xi32>
      %add3A_1042 = arith.addi %sub3A_1040, %add3A_1041 : vector<16xi32>
      %jit3A_1043 = arith.constant 48 : i32
      %eq3A_1044 = arith.constant 0 : i32
      %eq3A_1045 = arith.cmpi eq, %jit3A_1043, %eq3A_1044 : i32
      %jit3A_1046 = arith.constant 1 : i32
      %select_n3A_1047 = arith.select %eq3A_1045, %jit3A_1046, %jit3A_1043 : i32
      %rem3A_1048 = vector.broadcast %select_n3A_1047 : i32 to vector<16xi32>
      %rem3A_1049 = arith.remsi %add3A_1042, %rem3A_1048 : vector<16xi32>
      %ne3A_1050 = arith.constant 0 : i32
      %ne3A_1051 = vector.broadcast %ne3A_1050 : i32 to vector<16xi32>
      %ne3A_1052 = arith.cmpi ne, %rem3A_1049, %ne3A_1051 : vector<16xi32>
      %lt3A_1053 = arith.constant 0 : i32
      %lt3A_1054 = vector.broadcast %lt3A_1053 : i32 to vector<16xi32>
      %lt3A_1055 = arith.cmpi slt, %rem3A_1049, %lt3A_1054 : vector<16xi32>
      %lt3A_1056 = arith.constant 0 : i32
      %lt3A_1057 = arith.cmpi slt, %select_n3A_1047, %lt3A_1056 : i32
      %ne3A_1058 = vector.broadcast %lt3A_1057 : i1 to vector<16xi1>
      %ne3A_1059 = vector.broadcast %ne3A_1058 : vector<16xi1> to vector<16xi1>
      %ne3A_1060 = arith.xori %lt3A_1055, %ne3A_1059 : vector<16xi1>
      %and3A_1061 = arith.andi %ne3A_1060, %ne3A_1052 : vector<16xi1>
      %add3A_1062 = vector.broadcast %select_n3A_1047 : i32 to vector<16xi32>
      %add3A_1063 = arith.addi %rem3A_1049, %add3A_1062 : vector<16xi32>
      %select_n3A_1064 = arith.select %and3A_1061, %add3A_1063, %rem3A_1049 : vector<16xi1>, vector<16xi32>
      %sub3A_1065 = arith.constant 24 : i32
      %sub3A_1066 = vector.broadcast %sub3A_1065 : i32 to vector<16xi32>
      %sub3A_1067 = arith.subi %select_n3A_1064, %sub3A_1066 : vector<16xi32>
      %jit3A_1068 = arith.constant -16 : i32
      %jit3A_1069 = arith.constant 16 : i32
      %max3A_1070 = vector.broadcast %jit3A_1068 : i32 to vector<16xi32>
      %max3A_1071 = arith.maxsi %max3A_1070, %sub3A_1067 : vector<16xi32>
      %min3A_1072 = vector.broadcast %jit3A_1069 : i32 to vector<16xi32>
      %min3A_1073 = arith.minsi %min3A_1072, %max3A_1071 : vector<16xi32>
      %add3A_1074 = arith.constant 16 : i32
      %add3A_1075 = vector.broadcast %add3A_1074 : i32 to vector<16xi32>
      %add3A_1076 = arith.addi %min3A_1073, %add3A_1075 : vector<16xi32>
      %swap3A_1077 = arith.constant 320 : index
      %swap3A_1078 = tpu.vector_load %arg5[%swap3A_1077] {strides = array<i32>} : memref<384xi32, #tpu.memory_space<vmem>>, vector<16xi32>,
      tpu.vector_store %arg5[%swap3A_1077], %add3A_1076 {strides = array<i32>} : memref<384xi32, #tpu.memory_space<vmem>>, vector<16xi32>,
      %mul3A_1079 = arith.constant 8 : i32
      %mul3A_1080 = arith.muli %sub3A_109, %mul3A_1079 : i32
      %add3A_1081 = arith.constant 7 : i32
      %add3A_1082 = arith.addi %mul3A_1080, %add3A_1081 : i32
      %iota3A_1083 = tpu.iota {dimensions = array<i32: 0>} : vector<16xi32>
      %add3A_1084 = arith.constant 0 : i32
      %add3A_1085 = vector.broadcast %add3A_1084 : i32 to vector<16xi32>
      %add3A_1086 = arith.addi %iota3A_1083, %add3A_1085 : vector<16xi32>
      %sub3A_1087 = arith.constant 72 : i32
      %sub3A_1088 = vector.broadcast %sub3A_1087 : i32 to vector<16xi32>
      %sub3A_1089 = arith.subi %sub3A_1088, %add3A_1086 : vector<16xi32>
      %add3A_1090 = vector.broadcast %add3A_1082 : i32 to vector<16xi32>
      %add3A_1091 = arith.addi %sub3A_1089, %add3A_1090 : vector<16xi32>
      %jit3A_1092 = arith.constant 48 : i32
      %eq3A_1093 = arith.constant 0 : i32
      %eq3A_1094 = arith.cmpi eq, %jit3A_1092, %eq3A_1093 : i32
      %jit3A_1095 = arith.constant 1 : i32
      %select_n3A_1096 = arith.select %eq3A_1094, %jit3A_1095, %jit3A_1092 : i32
      %rem3A_1097 = vector.broadcast %select_n3A_1096 : i32 to vector<16xi32>
      %rem3A_1098 = arith.remsi %add3A_1091, %rem3A_1097 : vector<16xi32>
      %ne3A_1099 = arith.constant 0 : i32
      %ne3A_1100 = vector.broadcast %ne3A_1099 : i32 to vector<16xi32>
      %ne3A_1101 = arith.cmpi ne, %rem3A_1098, %ne3A_1100 : vector<16xi32>
      %lt3A_1102 = arith.constant 0 : i32
      %lt3A_1103 = vector.broadcast %lt3A_1102 : i32 to vector<16xi32>
      %lt3A_1104 = arith.cmpi slt, %rem3A_1098, %lt3A_1103 : vector<16xi32>
      %lt3A_1105 = arith.constant 0 : i32
      %lt3A_1106 = arith.cmpi slt, %select_n3A_1096, %lt3A_1105 : i32
      %ne3A_1107 = vector.broadcast %lt3A_1106 : i1 to vector<16xi1>
      %ne3A_1108 = vector.broadcast %ne3A_1107 : vector<16xi1> to vector<16xi1>
      %ne3A_1109 = arith.xori %lt3A_1104, %ne3A_1108 : vector<16xi1>
      %and3A_1110 = arith.andi %ne3A_1109, %ne3A_1101 : vector<16xi1>
      %add3A_1111 = vector.broadcast %select_n3A_1096 : i32 to vector<16xi32>
      %add3A_1112 = arith.addi %rem3A_1098, %add3A_1111 : vector<16xi32>
      %select_n3A_1113 = arith.select %and3A_1110, %add3A_1112, %rem3A_1098 : vector<16xi1>, vector<16xi32>
      %sub3A_1114 = arith.constant 24 : i32
      %sub3A_1115 = vector.broadcast %sub3A_1114 : i32 to vector<16xi32>
      %sub3A_1116 = arith.subi %select_n3A_1113, %sub3A_1115 : vector<16xi32>
      %jit3A_1117 = arith.constant -16 : i32
      %jit3A_1118 = arith.constant 16 : i32
      %max3A_1119 = vector.broadcast %jit3A_1117 : i32 to vector<16xi32>
      %max3A_1120 = arith.maxsi %max3A_1119, %sub3A_1116 : vector<16xi32>
      %min3A_1121 = vector.broadcast %jit3A_1118 : i32 to vector<16xi32>
      %min3A_1122 = arith.minsi %min3A_1121, %max3A_1120 : vector<16xi32>
      %add3A_1123 = arith.constant 16 : i32
      %add3A_1124 = vector.broadcast %add3A_1123 : i32 to vector<16xi32>
      %add3A_1125 = arith.addi %min3A_1122, %add3A_1124 : vector<16xi32>
      %swap3A_1126 = arith.constant 336 : index
      %swap3A_1127 = tpu.vector_load %arg5[%swap3A_1126] {strides = array<i32>} : memref<384xi32, #tpu.memory_space<vmem>>, vector<16xi32>,
      tpu.vector_store %arg5[%swap3A_1126], %add3A_1125 {strides = array<i32>} : memref<384xi32, #tpu.memory_space<vmem>>, vector<16xi32>,
      %iota3A_1128 = tpu.iota {dimensions = array<i32: 0>} : vector<16xi32>
      %add3A_1129 = arith.constant 16 : i32
      %add3A_1130 = vector.broadcast %add3A_1129 : i32 to vector<16xi32>
      %add3A_1131 = arith.addi %iota3A_1128, %add3A_1130 : vector<16xi32>
      %sub3A_1132 = arith.constant 72 : i32
      %sub3A_1133 = vector.broadcast %sub3A_1132 : i32 to vector<16xi32>
      %sub3A_1134 = arith.subi %sub3A_1133, %add3A_1131 : vector<16xi32>
      %add3A_1135 = vector.broadcast %add3A_1082 : i32 to vector<16xi32>
      %add3A_1136 = arith.addi %sub3A_1134, %add3A_1135 : vector<16xi32>
      %jit3A_1137 = arith.constant 48 : i32
      %eq3A_1138 = arith.constant 0 : i32
      %eq3A_1139 = arith.cmpi eq, %jit3A_1137, %eq3A_1138 : i32
      %jit3A_1140 = arith.constant 1 : i32
      %select_n3A_1141 = arith.select %eq3A_1139, %jit3A_1140, %jit3A_1137 : i32
      %rem3A_1142 = vector.broadcast %select_n3A_1141 : i32 to vector<16xi32>
      %rem3A_1143 = arith.remsi %add3A_1136, %rem3A_1142 : vector<16xi32>
      %ne3A_1144 = arith.constant 0 : i32
      %ne3A_1145 = vector.broadcast %ne3A_1144 : i32 to vector<16xi32>
      %ne3A_1146 = arith.cmpi ne, %rem3A_1143, %ne3A_1145 : vector<16xi32>
      %lt3A_1147 = arith.constant 0 : i32
      %lt3A_1148 = vector.broadcast %lt3A_1147 : i32 to vector<16xi32>
      %lt3A_1149 = arith.cmpi slt, %rem3A_1143, %lt3A_1148 : vector<16xi32>
      %lt3A_1150 = arith.constant 0 : i32
      %lt3A_1151 = arith.cmpi slt, %select_n3A_1141, %lt3A_1150 : i32
      %ne3A_1152 = vector.broadcast %lt3A_1151 : i1 to vector<16xi1>
      %ne3A_1153 = vector.broadcast %ne3A_1152 : vector<16xi1> to vector<16xi1>
      %ne3A_1154 = arith.xori %lt3A_1149, %ne3A_1153 : vector<16xi1>
      %and3A_1155 = arith.andi %ne3A_1154, %ne3A_1146 : vector<16xi1>
      %add3A_1156 = vector.broadcast %select_n3A_1141 : i32 to vector<16xi32>
      %add3A_1157 = arith.addi %rem3A_1143, %add3A_1156 : vector<16xi32>
      %select_n3A_1158 = arith.select %and3A_1155, %add3A_1157, %rem3A_1143 : vector<16xi1>, vector<16xi32>
      %sub3A_1159 = arith.constant 24 : i32
      %sub3A_1160 = vector.broadcast %sub3A_1159 : i32 to vector<16xi32>
      %sub3A_1161 = arith.subi %select_n3A_1158, %sub3A_1160 : vector<16xi32>
      %jit3A_1162 = arith.constant -16 : i32
      %jit3A_1163 = arith.constant 16 : i32
      %max3A_1164 = vector.broadcast %jit3A_1162 : i32 to vector<16xi32>
      %max3A_1165 = arith.maxsi %max3A_1164, %sub3A_1161 : vector<16xi32>
      %min3A_1166 = vector.broadcast %jit3A_1163 : i32 to vector<16xi32>
      %min3A_1167 = arith.minsi %min3A_1166, %max3A_1165 : vector<16xi32>
      %add3A_1168 = arith.constant 16 : i32
      %add3A_1169 = vector.broadcast %add3A_1168 : i32 to vector<16xi32>
      %add3A_1170 = arith.addi %min3A_1167, %add3A_1169 : vector<16xi32>
      %swap3A_1171 = arith.constant 352 : index
      %swap3A_1172 = tpu.vector_load %arg5[%swap3A_1171] {strides = array<i32>} : memref<384xi32, #tpu.memory_space<vmem>>, vector<16xi32>,
      tpu.vector_store %arg5[%swap3A_1171], %add3A_1170 {strides = array<i32>} : memref<384xi32, #tpu.memory_space<vmem>>, vector<16xi32>,
      %iota3A_1173 = tpu.iota {dimensions = array<i32: 0>} : vector<16xi32>
      %add3A_1174 = arith.constant 32 : i32
      %add3A_1175 = vector.broadcast %add3A_1174 : i32 to vector<16xi32>
      %add3A_1176 = arith.addi %iota3A_1173, %add3A_1175 : vector<16xi32>
      %sub3A_1177 = arith.constant 72 : i32
      %sub3A_1178 = vector.broadcast %sub3A_1177 : i32 to vector<16xi32>
      %sub3A_1179 = arith.subi %sub3A_1178, %add3A_1176 : vector<16xi32>
      %add3A_1180 = vector.broadcast %add3A_1082 : i32 to vector<16xi32>
      %add3A_1181 = arith.addi %sub3A_1179, %add3A_1180 : vector<16xi32>
      %jit3A_1182 = arith.constant 48 : i32
      %eq3A_1183 = arith.constant 0 : i32
      %eq3A_1184 = arith.cmpi eq, %jit3A_1182, %eq3A_1183 : i32
      %jit3A_1185 = arith.constant 1 : i32
      %select_n3A_1186 = arith.select %eq3A_1184, %jit3A_1185, %jit3A_1182 : i32
      %rem3A_1187 = vector.broadcast %select_n3A_1186 : i32 to vector<16xi32>
      %rem3A_1188 = arith.remsi %add3A_1181, %rem3A_1187 : vector<16xi32>
      %ne3A_1189 = arith.constant 0 : i32
      %ne3A_1190 = vector.broadcast %ne3A_1189 : i32 to vector<16xi32>
      %ne3A_1191 = arith.cmpi ne, %rem3A_1188, %ne3A_1190 : vector<16xi32>
      %lt3A_1192 = arith.constant 0 : i32
      %lt3A_1193 = vector.broadcast %lt3A_1192 : i32 to vector<16xi32>
      %lt3A_1194 = arith.cmpi slt, %rem3A_1188, %lt3A_1193 : vector<16xi32>
      %lt3A_1195 = arith.constant 0 : i32
      %lt3A_1196 = arith.cmpi slt, %select_n3A_1186, %lt3A_1195 : i32
      %ne3A_1197 = vector.broadcast %lt3A_1196 : i1 to vector<16xi1>
      %ne3A_1198 = vector.broadcast %ne3A_1197 : vector<16xi1> to vector<16xi1>
      %ne3A_1199 = arith.xori %lt3A_1194, %ne3A_1198 : vector<16xi1>
      %and3A_1200 = arith.andi %ne3A_1199, %ne3A_1191 : vector<16xi1>
      %add3A_1201 = vector.broadcast %select_n3A_1186 : i32 to vector<16xi32>
      %add3A_1202 = arith.addi %rem3A_1188, %add3A_1201 : vector<16xi32>
      %select_n3A_1203 = arith.select %and3A_1200, %add3A_1202, %rem3A_1188 : vector<16xi1>, vector<16xi32>
      %sub3A_1204 = arith.constant 24 : i32
      %sub3A_1205 = vector.broadcast %sub3A_1204 : i32 to vector<16xi32>
      %sub3A_1206 = arith.subi %select_n3A_1203, %sub3A_1205 : vector<16xi32>
      %jit3A_1207 = arith.constant -16 : i32
      %jit3A_1208 = arith.constant 16 : i32
      %max3A_1209 = vector.broadcast %jit3A_1207 : i32 to vector<16xi32>
      %max3A_1210 = arith.maxsi %max3A_1209, %sub3A_1206 : vector<16xi32>
      %min3A_1211 = vector.broadcast %jit3A_1208 : i32 to vector<16xi32>
      %min3A_1212 = arith.minsi %min3A_1211, %max3A_1210 : vector<16xi32>
      %add3A_1213 = arith.constant 16 : i32
      %add3A_1214 = vector.broadcast %add3A_1213 : i32 to vector<16xi32>
      %add3A_1215 = arith.addi %min3A_1212, %add3A_1214 : vector<16xi32>
      %swap3A_1216 = arith.constant 368 : index
      %swap3A_1217 = tpu.vector_load %arg5[%swap3A_1216] {strides = array<i32>} : memref<384xi32, #tpu.memory_space<vmem>>, vector<16xi32>,
      tpu.vector_store %arg5[%swap3A_1216], %add3A_1215 {strides = array<i32>} : memref<384xi32, #tpu.memory_space<vmem>>, vector<16xi32>,
      %parallel_loop3A = arith.constant 0 : i32
      %parallel_loop3A_1218 = arith.constant 96 : i32
      %parallel_loop3A_1219 = arith.constant 1 : i32
      scf.for %parallel_loop3A_1243 = %parallel_loop3A to %parallel_loop3A_1218 step %parallel_loop3A_1219  : i32 {
        %parallel_loop3A_1244 = arith.constant 120 : i32
        %parallel_loop3A_1245 = arith.subi %parallel_loop3A_1244, %parallel_loop3A_1243 : i32
        %parallel_loop3A_1246 = arith.constant 48 : i32
        %parallel_loop3A_1247 = arith.constant 0 : i32
        %parallel_loop3A_1248 = arith.cmpi eq, %parallel_loop3A_1246, %parallel_loop3A_1247 : i32
        %parallel_loop3A_1249 = arith.constant 1 : i32
        %parallel_loop3A_1250 = arith.select %parallel_loop3A_1248, %parallel_loop3A_1249, %parallel_loop3A_1246 : i32
        %parallel_loop3A_1251 = arith.remsi %parallel_loop3A_1245, %parallel_loop3A_1250 : i32
        %parallel_loop3A_1252 = arith.constant 0 : i32
        %parallel_loop3A_1253 = arith.cmpi ne, %parallel_loop3A_1251, %parallel_loop3A_1252 : i32
        %parallel_loop3A_1254 = arith.constant 0 : i32
        %parallel_loop3A_1255 = arith.cmpi slt, %parallel_loop3A_1251, %parallel_loop3A_1254 : i32
        %parallel_loop3A_1256 = arith.constant 0 : i32
        %parallel_loop3A_1257 = arith.cmpi slt, %parallel_loop3A_1250, %parallel_loop3A_1256 : i32
        %parallel_loop3A_1258 = arith.xori %parallel_loop3A_1255, %parallel_loop3A_1257 : i1
        %parallel_loop3A_1259 = arith.andi %parallel_loop3A_1258, %parallel_loop3A_1253 : i1
        %parallel_loop3A_1260 = arith.addi %parallel_loop3A_1251, %parallel_loop3A_1250 : i32
        %parallel_loop3A_1261 = arith.select %parallel_loop3A_1259, %parallel_loop3A_1260, %parallel_loop3A_1251 : i32
        %parallel_loop3A_1262 = arith.constant 24 : i32
        %parallel_loop3A_1263 = arith.subi %parallel_loop3A_1261, %parallel_loop3A_1262 : i32
        %parallel_loop3A_1264 = arith.constant -16 : i32
        %parallel_loop3A_1265 = arith.constant 16 : i32
        %parallel_loop3A_1266 = arith.maxsi %parallel_loop3A_1264, %parallel_loop3A_1263 : i32
        %parallel_loop3A_1267 = arith.minsi %parallel_loop3A_1265, %parallel_loop3A_1266 : i32
        %parallel_loop3A_1268 = arith.constant 16 : i32
        %parallel_loop3A_1269 = arith.addi %parallel_loop3A_1267, %parallel_loop3A_1268 : i32
        %parallel_loop3A_1270 = arith.constant 33 : i32
        %parallel_loop3A_1271 = arith.muli %parallel_loop3A_1269, %parallel_loop3A_1270 : i32
        %parallel_loop3A_1272 = arith.addi %mul3A_111, %parallel_loop3A_1271 : i32
        %parallel_loop3A_1273 = arith.constant 0 : index
        %parallel_loop3A_1274 = tpu.vector_load %arg5[%parallel_loop3A_1273] {strides = array<i32>} : memref<384xi32, #tpu.memory_space<vmem>>, vector<16xi32>,
        %parallel_loop3A_1275 = vector.broadcast %parallel_loop3A_1272 : i32 to vector<16xi32>
        %parallel_loop3A_1276 = arith.addi %parallel_loop3A_1274, %parallel_loop3A_1275 : vector<16xi32>
        %parallel_loop3A_1277 = tpu.vector_load_idx %arg4[%parallel_loop3A_1276] : memref<13068xf32, #tpu.memory_space<vmem>>[vector<16xi32>], vector<16xf32>,
        %parallel_loop3A_1278 = arith.constant 48 : i32
        %parallel_loop3A_1279 = arith.muli %parallel_loop3A_1243, %parallel_loop3A_1278 : i32
        %parallel_loop3A_1280 = arith.constant 0 : i32
        %parallel_loop3A_1281 = arith.addi %parallel_loop3A_1280, %parallel_loop3A_1279 : i32
        %parallel_loop3A_1282 = arith.constant 0 : i32
        %parallel_loop3A_1283 = arith.addi %parallel_loop3A_1281, %parallel_loop3A_1282 : i32
        %parallel_loop3A_1284 = arith.index_cast %parallel_loop3A_1283 : i32 to index
        %parallel_loop3A_1285 = tpu.vector_load %arg6[%parallel_loop3A_1284] {strides = array<i32>} : memref<36864xf32, #tpu.memory_space<vmem>>, vector<16xf32>,
        tpu.vector_store %arg6[%parallel_loop3A_1284], %parallel_loop3A_1277 {strides = array<i32>} : memref<36864xf32, #tpu.memory_space<vmem>>, vector<16xf32>,
        %parallel_loop3A_1286 = arith.constant 16 : index
        %parallel_loop3A_1287 = tpu.vector_load %arg5[%parallel_loop3A_1286] {strides = array<i32>} : memref<384xi32, #tpu.memory_space<vmem>>, vector<16xi32>,
        %parallel_loop3A_1288 = vector.broadcast %parallel_loop3A_1272 : i32 to vector<16xi32>
        %parallel_loop3A_1289 = arith.addi %parallel_loop3A_1287, %parallel_loop3A_1288 : vector<16xi32>
        %parallel_loop3A_1290 = tpu.vector_load_idx %arg4[%parallel_loop3A_1289] : memref<13068xf32, #tpu.memory_space<vmem>>[vector<16xi32>], vector<16xf32>,
        %parallel_loop3A_1291 = arith.constant 48 : i32
        %parallel_loop3A_1292 = arith.muli %parallel_loop3A_1243, %parallel_loop3A_1291 : i32
        %parallel_loop3A_1293 = arith.constant 0 : i32
        %parallel_loop3A_1294 = arith.addi %parallel_loop3A_1293, %parallel_loop3A_1292 : i32
        %parallel_loop3A_1295 = arith.constant 16 : i32
        %parallel_loop3A_1296 = arith.addi %parallel_loop3A_1294, %parallel_loop3A_1295 : i32
        %parallel_loop3A_1297 = arith.index_cast %parallel_loop3A_1296 : i32 to index
        %parallel_loop3A_1298 = tpu.vector_load %arg6[%parallel_loop3A_1297] {strides = array<i32>} : memref<36864xf32, #tpu.memory_space<vmem>>, vector<16xf32>,
        tpu.vector_store %arg6[%parallel_loop3A_1297], %parallel_loop3A_1290 {strides = array<i32>} : memref<36864xf32, #tpu.memory_space<vmem>>, vector<16xf32>,
        %parallel_loop3A_1299 = arith.constant 32 : index
        %parallel_loop3A_1300 = tpu.vector_load %arg5[%parallel_loop3A_1299] {strides = array<i32>} : memref<384xi32, #tpu.memory_space<vmem>>, vector<16xi32>,
        %parallel_loop3A_1301 = vector.broadcast %parallel_loop3A_1272 : i32 to vector<16xi32>
        %parallel_loop3A_1302 = arith.addi %parallel_loop3A_1300, %parallel_loop3A_1301 : vector<16xi32>
        %parallel_loop3A_1303 = tpu.vector_load_idx %arg4[%parallel_loop3A_1302] : memref<13068xf32, #tpu.memory_space<vmem>>[vector<16xi32>], vector<16xf32>,
        %parallel_loop3A_1304 = arith.constant 48 : i32
        %parallel_loop3A_1305 = arith.muli %parallel_loop3A_1243, %parallel_loop3A_1304 : i32
        %parallel_loop3A_1306 = arith.constant 0 : i32
        %parallel_loop3A_1307 = arith.addi %parallel_loop3A_1306, %parallel_loop3A_1305 : i32
        %parallel_loop3A_1308 = arith.constant 32 : i32
        %parallel_loop3A_1309 = arith.addi %parallel_loop3A_1307, %parallel_loop3A_1308 : i32
        %parallel_loop3A_1310 = arith.index_cast %parallel_loop3A_1309 : i32 to index
        %parallel_loop3A_1311 = tpu.vector_load %arg6[%parallel_loop3A_1310] {strides = array<i32>} : memref<36864xf32, #tpu.memory_space<vmem>>, vector<16xf32>,
        tpu.vector_store %arg6[%parallel_loop3A_1310], %parallel_loop3A_1303 {strides = array<i32>} : memref<36864xf32, #tpu.memory_space<vmem>>, vector<16xf32>,
        %parallel_loop3A_1312 = arith.constant 48 : index
        %parallel_loop3A_1313 = tpu.vector_load %arg5[%parallel_loop3A_1312] {strides = array<i32>} : memref<384xi32, #tpu.memory_space<vmem>>, vector<16xi32>,
        %parallel_loop3A_1314 = vector.broadcast %parallel_loop3A_1272 : i32 to vector<16xi32>
        %parallel_loop3A_1315 = arith.addi %parallel_loop3A_1313, %parallel_loop3A_1314 : vector<16xi32>
        %parallel_loop3A_1316 = tpu.vector_load_idx %arg4[%parallel_loop3A_1315] : memref<13068xf32, #tpu.memory_space<vmem>>[vector<16xi32>], vector<16xf32>,
        %parallel_loop3A_1317 = arith.constant 48 : i32
        %parallel_loop3A_1318 = arith.muli %parallel_loop3A_1243, %parallel_loop3A_1317 : i32
        %parallel_loop3A_1319 = arith.constant 4608 : i32
        %parallel_loop3A_1320 = arith.addi %parallel_loop3A_1319, %parallel_loop3A_1318 : i32
        %parallel_loop3A_1321 = arith.constant 0 : i32
        %parallel_loop3A_1322 = arith.addi %parallel_loop3A_1320, %parallel_loop3A_1321 : i32
        %parallel_loop3A_1323 = arith.index_cast %parallel_loop3A_1322 : i32 to index
        %parallel_loop3A_1324 = tpu.vector_load %arg6[%parallel_loop3A_1323] {strides = array<i32>} : memref<36864xf32, #tpu.memory_space<vmem>>, vector<16xf32>,
        tpu.vector_store %arg6[%parallel_loop3A_1323], %parallel_loop3A_1316 {strides = array<i32>} : memref<36864xf32, #tpu.memory_space<vmem>>, vector<16xf32>,
        %parallel_loop3A_1325 = arith.constant 64 : index
        %parallel_loop3A_1326 = tpu.vector_load %arg5[%parallel_loop3A_1325] {strides = array<i32>} : memref<384xi32, #tpu.memory_space<vmem>>, vector<16xi32>,
        %parallel_loop3A_1327 = vector.broadcast %parallel_loop3A_1272 : i32 to vector<16xi32>
        %parallel_loop3A_1328 = arith.addi %parallel_loop3A_1326, %parallel_loop3A_1327 : vector<16xi32>
        %parallel_loop3A_1329 = tpu.vector_load_idx %arg4[%parallel_loop3A_1328] : memref<13068xf32, #tpu.memory_space<vmem>>[vector<16xi32>], vector<16xf32>,
        %parallel_loop3A_1330 = arith.constant 48 : i32
        %parallel_loop3A_1331 = arith.muli %parallel_loop3A_1243, %parallel_loop3A_1330 : i32
        %parallel_loop3A_1332 = arith.constant 4608 : i32
        %parallel_loop3A_1333 = arith.addi %parallel_loop3A_1332, %parallel_loop3A_1331 : i32
        %parallel_loop3A_1334 = arith.constant 16 : i32
        %parallel_loop3A_1335 = arith.addi %parallel_loop3A_1333, %parallel_loop3A_1334 : i32
        %parallel_loop3A_1336 = arith.index_cast %parallel_loop3A_1335 : i32 to index
        %parallel_loop3A_1337 = tpu.vector_load %arg6[%parallel_loop3A_1336] {strides = array<i32>} : memref<36864xf32, #tpu.memory_space<vmem>>, vector<16xf32>,
        tpu.vector_store %arg6[%parallel_loop3A_1336], %parallel_loop3A_1329 {strides = array<i32>} : memref<36864xf32, #tpu.memory_space<vmem>>, vector<16xf32>,
        %parallel_loop3A_1338 = arith.constant 80 : index
        %parallel_loop3A_1339 = tpu.vector_load %arg5[%parallel_loop3A_1338] {strides = array<i32>} : memref<384xi32, #tpu.memory_space<vmem>>, vector<16xi32>,
        %parallel_loop3A_1340 = vector.broadcast %parallel_loop3A_1272 : i32 to vector<16xi32>
        %parallel_loop3A_1341 = arith.addi %parallel_loop3A_1339, %parallel_loop3A_1340 : vector<16xi32>
        %parallel_loop3A_1342 = tpu.vector_load_idx %arg4[%parallel_loop3A_1341] : memref<13068xf32, #tpu.memory_space<vmem>>[vector<16xi32>], vector<16xf32>,
        %parallel_loop3A_1343 = arith.constant 48 : i32
        %parallel_loop3A_1344 = arith.muli %parallel_loop3A_1243, %parallel_loop3A_1343 : i32
        %parallel_loop3A_1345 = arith.constant 4608 : i32
        %parallel_loop3A_1346 = arith.addi %parallel_loop3A_1345, %parallel_loop3A_1344 : i32
        %parallel_loop3A_1347 = arith.constant 32 : i32
        %parallel_loop3A_1348 = arith.addi %parallel_loop3A_1346, %parallel_loop3A_1347 : i32
        %parallel_loop3A_1349 = arith.index_cast %parallel_loop3A_1348 : i32 to index
        %parallel_loop3A_1350 = tpu.vector_load %arg6[%parallel_loop3A_1349] {strides = array<i32>} : memref<36864xf32, #tpu.memory_space<vmem>>, vector<16xf32>,
        tpu.vector_store %arg6[%parallel_loop3A_1349], %parallel_loop3A_1342 {strides = array<i32>} : memref<36864xf32, #tpu.memory_space<vmem>>, vector<16xf32>,
        %parallel_loop3A_1351 = arith.constant 96 : index
        %parallel_loop3A_1352 = tpu.vector_load %arg5[%parallel_loop3A_1351] {strides = array<i32>} : memref<384xi32, #tpu.memory_space<vmem>>, vector<16xi32>,
        %parallel_loop3A_1353 = vector.broadcast %parallel_loop3A_1272 : i32 to vector<16xi32>
        %parallel_loop3A_1354 = arith.addi %parallel_loop3A_1352, %parallel_loop3A_1353 : vector<16xi32>
        %parallel_loop3A_1355 = tpu.vector_load_idx %arg4[%parallel_loop3A_1354] : memref<13068xf32, #tpu.memory_space<vmem>>[vector<16xi32>], vector<16xf32>,
        %parallel_loop3A_1356 = arith.constant 48 : i32
        %parallel_loop3A_1357 = arith.muli %parallel_loop3A_1243, %parallel_loop3A_1356 : i32
        %parallel_loop3A_1358 = arith.constant 9216 : i32
        %parallel_loop3A_1359 = arith.addi %parallel_loop3A_1358, %parallel_loop3A_1357 : i32
        %parallel_loop3A_1360 = arith.constant 0 : i32
        %parallel_loop3A_1361 = arith.addi %parallel_loop3A_1359, %parallel_loop3A_1360 : i32
        %parallel_loop3A_1362 = arith.index_cast %parallel_loop3A_1361 : i32 to index
        %parallel_loop3A_1363 = tpu.vector_load %arg6[%parallel_loop3A_1362] {strides = array<i32>} : memref<36864xf32, #tpu.memory_space<vmem>>, vector<16xf32>,
        tpu.vector_store %arg6[%parallel_loop3A_1362], %parallel_loop3A_1355 {strides = array<i32>} : memref<36864xf32, #tpu.memory_space<vmem>>, vector<16xf32>,
        %parallel_loop3A_1364 = arith.constant 112 : index
        %parallel_loop3A_1365 = tpu.vector_load %arg5[%parallel_loop3A_1364] {strides = array<i32>} : memref<384xi32, #tpu.memory_space<vmem>>, vector<16xi32>,
        %parallel_loop3A_1366 = vector.broadcast %parallel_loop3A_1272 : i32 to vector<16xi32>
        %parallel_loop3A_1367 = arith.addi %parallel_loop3A_1365, %parallel_loop3A_1366 : vector<16xi32>
        %parallel_loop3A_1368 = tpu.vector_load_idx %arg4[%parallel_loop3A_1367] : memref<13068xf32, #tpu.memory_space<vmem>>[vector<16xi32>], vector<16xf32>,
        %parallel_loop3A_1369 = arith.constant 48 : i32
        %parallel_loop3A_1370 = arith.muli %parallel_loop3A_1243, %parallel_loop3A_1369 : i32
        %parallel_loop3A_1371 = arith.constant 9216 : i32
        %parallel_loop3A_1372 = arith.addi %parallel_loop3A_1371, %parallel_loop3A_1370 : i32
        %parallel_loop3A_1373 = arith.constant 16 : i32
        %parallel_loop3A_1374 = arith.addi %parallel_loop3A_1372, %parallel_loop3A_1373 : i32
        %parallel_loop3A_1375 = arith.index_cast %parallel_loop3A_1374 : i32 to index
        %parallel_loop3A_1376 = tpu.vector_load %arg6[%parallel_loop3A_1375] {strides = array<i32>} : memref<36864xf32, #tpu.memory_space<vmem>>, vector<16xf32>,
        tpu.vector_store %arg6[%parallel_loop3A_1375], %parallel_loop3A_1368 {strides = array<i32>} : memref<36864xf32, #tpu.memory_space<vmem>>, vector<16xf32>,
        %parallel_loop3A_1377 = arith.constant 128 : index
        %parallel_loop3A_1378 = tpu.vector_load %arg5[%parallel_loop3A_1377] {strides = array<i32>} : memref<384xi32, #tpu.memory_space<vmem>>, vector<16xi32>,
        %parallel_loop3A_1379 = vector.broadcast %parallel_loop3A_1272 : i32 to vector<16xi32>
        %parallel_loop3A_1380 = arith.addi %parallel_loop3A_1378, %parallel_loop3A_1379 : vector<16xi32>
        %parallel_loop3A_1381 = tpu.vector_load_idx %arg4[%parallel_loop3A_1380] : memref<13068xf32, #tpu.memory_space<vmem>>[vector<16xi32>], vector<16xf32>,
        %parallel_loop3A_1382 = arith.constant 48 : i32
        %parallel_loop3A_1383 = arith.muli %parallel_loop3A_1243, %parallel_loop3A_1382 : i32
        %parallel_loop3A_1384 = arith.constant 9216 : i32
        %parallel_loop3A_1385 = arith.addi %parallel_loop3A_1384, %parallel_loop3A_1383 : i32
        %parallel_loop3A_1386 = arith.constant 32 : i32
        %parallel_loop3A_1387 = arith.addi %parallel_loop3A_1385, %parallel_loop3A_1386 : i32
        %parallel_loop3A_1388 = arith.index_cast %parallel_loop3A_1387 : i32 to index
        %parallel_loop3A_1389 = tpu.vector_load %arg6[%parallel_loop3A_1388] {strides = array<i32>} : memref<36864xf32, #tpu.memory_space<vmem>>, vector<16xf32>,
        tpu.vector_store %arg6[%parallel_loop3A_1388], %parallel_loop3A_1381 {strides = array<i32>} : memref<36864xf32, #tpu.memory_space<vmem>>, vector<16xf32>,
        %parallel_loop3A_1390 = arith.constant 144 : index
        %parallel_loop3A_1391 = tpu.vector_load %arg5[%parallel_loop3A_1390] {strides = array<i32>} : memref<384xi32, #tpu.memory_space<vmem>>, vector<16xi32>,
        %parallel_loop3A_1392 = vector.broadcast %parallel_loop3A_1272 : i32 to vector<16xi32>
        %parallel_loop3A_1393 = arith.addi %parallel_loop3A_1391, %parallel_loop3A_1392 : vector<16xi32>
        %parallel_loop3A_1394 = tpu.vector_load_idx %arg4[%parallel_loop3A_1393] : memref<13068xf32, #tpu.memory_space<vmem>>[vector<16xi32>], vector<16xf32>,
        %parallel_loop3A_1395 = arith.constant 48 : i32
        %parallel_loop3A_1396 = arith.muli %parallel_loop3A_1243, %parallel_loop3A_1395 : i32
        %parallel_loop3A_1397 = arith.constant 13824 : i32
        %parallel_loop3A_1398 = arith.addi %parallel_loop3A_1397, %parallel_loop3A_1396 : i32
        %parallel_loop3A_1399 = arith.constant 0 : i32
        %parallel_loop3A_1400 = arith.addi %parallel_loop3A_1398, %parallel_loop3A_1399 : i32
        %parallel_loop3A_1401 = arith.index_cast %parallel_loop3A_1400 : i32 to index
        %parallel_loop3A_1402 = tpu.vector_load %arg6[%parallel_loop3A_1401] {strides = array<i32>} : memref<36864xf32, #tpu.memory_space<vmem>>, vector<16xf32>,
        tpu.vector_store %arg6[%parallel_loop3A_1401], %parallel_loop3A_1394 {strides = array<i32>} : memref<36864xf32, #tpu.memory_space<vmem>>, vector<16xf32>,
        %parallel_loop3A_1403 = arith.constant 160 : index
        %parallel_loop3A_1404 = tpu.vector_load %arg5[%parallel_loop3A_1403] {strides = array<i32>} : memref<384xi32, #tpu.memory_space<vmem>>, vector<16xi32>,
        %parallel_loop3A_1405 = vector.broadcast %parallel_loop3A_1272 : i32 to vector<16xi32>
        %parallel_loop3A_1406 = arith.addi %parallel_loop3A_1404, %parallel_loop3A_1405 : vector<16xi32>
        %parallel_loop3A_1407 = tpu.vector_load_idx %arg4[%parallel_loop3A_1406] : memref<13068xf32, #tpu.memory_space<vmem>>[vector<16xi32>], vector<16xf32>,
        %parallel_loop3A_1408 = arith.constant 48 : i32
        %parallel_loop3A_1409 = arith.muli %parallel_loop3A_1243, %parallel_loop3A_1408 : i32
        %parallel_loop3A_1410 = arith.constant 13824 : i32
        %parallel_loop3A_1411 = arith.addi %parallel_loop3A_1410, %parallel_loop3A_1409 : i32
        %parallel_loop3A_1412 = arith.constant 16 : i32
        %parallel_loop3A_1413 = arith.addi %parallel_loop3A_1411, %parallel_loop3A_1412 : i32
        %parallel_loop3A_1414 = arith.index_cast %parallel_loop3A_1413 : i32 to index
        %parallel_loop3A_1415 = tpu.vector_load %arg6[%parallel_loop3A_1414] {strides = array<i32>} : memref<36864xf32, #tpu.memory_space<vmem>>, vector<16xf32>,
        tpu.vector_store %arg6[%parallel_loop3A_1414], %parallel_loop3A_1407 {strides = array<i32>} : memref<36864xf32, #tpu.memory_space<vmem>>, vector<16xf32>,
        %parallel_loop3A_1416 = arith.constant 176 : index
        %parallel_loop3A_1417 = tpu.vector_load %arg5[%parallel_loop3A_1416] {strides = array<i32>} : memref<384xi32, #tpu.memory_space<vmem>>, vector<16xi32>,
        %parallel_loop3A_1418 = vector.broadcast %parallel_loop3A_1272 : i32 to vector<16xi32>
        %parallel_loop3A_1419 = arith.addi %parallel_loop3A_1417, %parallel_loop3A_1418 : vector<16xi32>
        %parallel_loop3A_1420 = tpu.vector_load_idx %arg4[%parallel_loop3A_1419] : memref<13068xf32, #tpu.memory_space<vmem>>[vector<16xi32>], vector<16xf32>,
        %parallel_loop3A_1421 = arith.constant 48 : i32
        %parallel_loop3A_1422 = arith.muli %parallel_loop3A_1243, %parallel_loop3A_1421 : i32
        %parallel_loop3A_1423 = arith.constant 13824 : i32
        %parallel_loop3A_1424 = arith.addi %parallel_loop3A_1423, %parallel_loop3A_1422 : i32
        %parallel_loop3A_1425 = arith.constant 32 : i32
        %parallel_loop3A_1426 = arith.addi %parallel_loop3A_1424, %parallel_loop3A_1425 : i32
        %parallel_loop3A_1427 = arith.index_cast %parallel_loop3A_1426 : i32 to index
        %parallel_loop3A_1428 = tpu.vector_load %arg6[%parallel_loop3A_1427] {strides = array<i32>} : memref<36864xf32, #tpu.memory_space<vmem>>, vector<16xf32>,
        tpu.vector_store %arg6[%parallel_loop3A_1427], %parallel_loop3A_1420 {strides = array<i32>} : memref<36864xf32, #tpu.memory_space<vmem>>, vector<16xf32>,
        %parallel_loop3A_1429 = arith.constant 192 : index
        %parallel_loop3A_1430 = tpu.vector_load %arg5[%parallel_loop3A_1429] {strides = array<i32>} : memref<384xi32, #tpu.memory_space<vmem>>, vector<16xi32>,
        %parallel_loop3A_1431 = vector.broadcast %parallel_loop3A_1272 : i32 to vector<16xi32>
        %parallel_loop3A_1432 = arith.addi %parallel_loop3A_1430, %parallel_loop3A_1431 : vector<16xi32>
        %parallel_loop3A_1433 = tpu.vector_load_idx %arg4[%parallel_loop3A_1432] : memref<13068xf32, #tpu.memory_space<vmem>>[vector<16xi32>], vector<16xf32>,
        %parallel_loop3A_1434 = arith.constant 48 : i32
        %parallel_loop3A_1435 = arith.muli %parallel_loop3A_1243, %parallel_loop3A_1434 : i32
        %parallel_loop3A_1436 = arith.constant 18432 : i32
        %parallel_loop3A_1437 = arith.addi %parallel_loop3A_1436, %parallel_loop3A_1435 : i32
        %parallel_loop3A_1438 = arith.constant 0 : i32
        %parallel_loop3A_1439 = arith.addi %parallel_loop3A_1437, %parallel_loop3A_1438 : i32
        %parallel_loop3A_1440 = arith.index_cast %parallel_loop3A_1439 : i32 to index
        %parallel_loop3A_1441 = tpu.vector_load %arg6[%parallel_loop3A_1440] {strides = array<i32>} : memref<36864xf32, #tpu.memory_space<vmem>>, vector<16xf32>,
        tpu.vector_store %arg6[%parallel_loop3A_1440], %parallel_loop3A_1433 {strides = array<i32>} : memref<36864xf32, #tpu.memory_space<vmem>>, vector<16xf32>,
        %parallel_loop3A_1442 = arith.constant 208 : index
        %parallel_loop3A_1443 = tpu.vector_load %arg5[%parallel_loop3A_1442] {strides = array<i32>} : memref<384xi32, #tpu.memory_space<vmem>>, vector<16xi32>,
        %parallel_loop3A_1444 = vector.broadcast %parallel_loop3A_1272 : i32 to vector<16xi32>
        %parallel_loop3A_1445 = arith.addi %parallel_loop3A_1443, %parallel_loop3A_1444 : vector<16xi32>
        %parallel_loop3A_1446 = tpu.vector_load_idx %arg4[%parallel_loop3A_1445] : memref<13068xf32, #tpu.memory_space<vmem>>[vector<16xi32>], vector<16xf32>,
        %parallel_loop3A_1447 = arith.constant 48 : i32
        %parallel_loop3A_1448 = arith.muli %parallel_loop3A_1243, %parallel_loop3A_1447 : i32
        %parallel_loop3A_1449 = arith.constant 18432 : i32
        %parallel_loop3A_1450 = arith.addi %parallel_loop3A_1449, %parallel_loop3A_1448 : i32
        %parallel_loop3A_1451 = arith.constant 16 : i32
        %parallel_loop3A_1452 = arith.addi %parallel_loop3A_1450, %parallel_loop3A_1451 : i32
        %parallel_loop3A_1453 = arith.index_cast %parallel_loop3A_1452 : i32 to index
        %parallel_loop3A_1454 = tpu.vector_load %arg6[%parallel_loop3A_1453] {strides = array<i32>} : memref<36864xf32, #tpu.memory_space<vmem>>, vector<16xf32>,
        tpu.vector_store %arg6[%parallel_loop3A_1453], %parallel_loop3A_1446 {strides = array<i32>} : memref<36864xf32, #tpu.memory_space<vmem>>, vector<16xf32>,
        %parallel_loop3A_1455 = arith.constant 224 : index
        %parallel_loop3A_1456 = tpu.vector_load %arg5[%parallel_loop3A_1455] {strides = array<i32>} : memref<384xi32, #tpu.memory_space<vmem>>, vector<16xi32>,
        %parallel_loop3A_1457 = vector.broadcast %parallel_loop3A_1272 : i32 to vector<16xi32>
        %parallel_loop3A_1458 = arith.addi %parallel_loop3A_1456, %parallel_loop3A_1457 : vector<16xi32>
        %parallel_loop3A_1459 = tpu.vector_load_idx %arg4[%parallel_loop3A_1458] : memref<13068xf32, #tpu.memory_space<vmem>>[vector<16xi32>], vector<16xf32>,
        %parallel_loop3A_1460 = arith.constant 48 : i32
        %parallel_loop3A_1461 = arith.muli %parallel_loop3A_1243, %parallel_loop3A_1460 : i32
        %parallel_loop3A_1462 = arith.constant 18432 : i32
        %parallel_loop3A_1463 = arith.addi %parallel_loop3A_1462, %parallel_loop3A_1461 : i32
        %parallel_loop3A_1464 = arith.constant 32 : i32
        %parallel_loop3A_1465 = arith.addi %parallel_loop3A_1463, %parallel_loop3A_1464 : i32
        %parallel_loop3A_1466 = arith.index_cast %parallel_loop3A_1465 : i32 to index
        %parallel_loop3A_1467 = tpu.vector_load %arg6[%parallel_loop3A_1466] {strides = array<i32>} : memref<36864xf32, #tpu.memory_space<vmem>>, vector<16xf32>,
        tpu.vector_store %arg6[%parallel_loop3A_1466], %parallel_loop3A_1459 {strides = array<i32>} : memref<36864xf32, #tpu.memory_space<vmem>>, vector<16xf32>,
        %parallel_loop3A_1468 = arith.constant 240 : index
        %parallel_loop3A_1469 = tpu.vector_load %arg5[%parallel_loop3A_1468] {strides = array<i32>} : memref<384xi32, #tpu.memory_space<vmem>>, vector<16xi32>,
        %parallel_loop3A_1470 = vector.broadcast %parallel_loop3A_1272 : i32 to vector<16xi32>
        %parallel_loop3A_1471 = arith.addi %parallel_loop3A_1469, %parallel_loop3A_1470 : vector<16xi32>
        %parallel_loop3A_1472 = tpu.vector_load_idx %arg4[%parallel_loop3A_1471] : memref<13068xf32, #tpu.memory_space<vmem>>[vector<16xi32>], vector<16xf32>,
        %parallel_loop3A_1473 = arith.constant 48 : i32
        %parallel_loop3A_1474 = arith.muli %parallel_loop3A_1243, %parallel_loop3A_1473 : i32
        %parallel_loop3A_1475 = arith.constant 23040 : i32
        %parallel_loop3A_1476 = arith.addi %parallel_loop3A_1475, %parallel_loop3A_1474 : i32
        %parallel_loop3A_1477 = arith.constant 0 : i32
        %parallel_loop3A_1478 = arith.addi %parallel_loop3A_1476, %parallel_loop3A_1477 : i32
        %parallel_loop3A_1479 = arith.index_cast %parallel_loop3A_1478 : i32 to index
        %parallel_loop3A_1480 = tpu.vector_load %arg6[%parallel_loop3A_1479] {strides = array<i32>} : memref<36864xf32, #tpu.memory_space<vmem>>, vector<16xf32>,
        tpu.vector_store %arg6[%parallel_loop3A_1479], %parallel_loop3A_1472 {strides = array<i32>} : memref<36864xf32, #tpu.memory_space<vmem>>, vector<16xf32>,
        %parallel_loop3A_1481 = arith.constant 256 : index
        %parallel_loop3A_1482 = tpu.vector_load %arg5[%parallel_loop3A_1481] {strides = array<i32>} : memref<384xi32, #tpu.memory_space<vmem>>, vector<16xi32>,
        %parallel_loop3A_1483 = vector.broadcast %parallel_loop3A_1272 : i32 to vector<16xi32>
        %parallel_loop3A_1484 = arith.addi %parallel_loop3A_1482, %parallel_loop3A_1483 : vector<16xi32>
        %parallel_loop3A_1485 = tpu.vector_load_idx %arg4[%parallel_loop3A_1484] : memref<13068xf32, #tpu.memory_space<vmem>>[vector<16xi32>], vector<16xf32>,
        %parallel_loop3A_1486 = arith.constant 48 : i32
        %parallel_loop3A_1487 = arith.muli %parallel_loop3A_1243, %parallel_loop3A_1486 : i32
        %parallel_loop3A_1488 = arith.constant 23040 : i32
        %parallel_loop3A_1489 = arith.addi %parallel_loop3A_1488, %parallel_loop3A_1487 : i32
        %parallel_loop3A_1490 = arith.constant 16 : i32
        %parallel_loop3A_1491 = arith.addi %parallel_loop3A_1489, %parallel_loop3A_1490 : i32
        %parallel_loop3A_1492 = arith.index_cast %parallel_loop3A_1491 : i32 to index
        %parallel_loop3A_1493 = tpu.vector_load %arg6[%parallel_loop3A_1492] {strides = array<i32>} : memref<36864xf32, #tpu.memory_space<vmem>>, vector<16xf32>,
        tpu.vector_store %arg6[%parallel_loop3A_1492], %parallel_loop3A_1485 {strides = array<i32>} : memref<36864xf32, #tpu.memory_space<vmem>>, vector<16xf32>,
        %parallel_loop3A_1494 = arith.constant 272 : index
        %parallel_loop3A_1495 = tpu.vector_load %arg5[%parallel_loop3A_1494] {strides = array<i32>} : memref<384xi32, #tpu.memory_space<vmem>>, vector<16xi32>,
        %parallel_loop3A_1496 = vector.broadcast %parallel_loop3A_1272 : i32 to vector<16xi32>
        %parallel_loop3A_1497 = arith.addi %parallel_loop3A_1495, %parallel_loop3A_1496 : vector<16xi32>
        %parallel_loop3A_1498 = tpu.vector_load_idx %arg4[%parallel_loop3A_1497] : memref<13068xf32, #tpu.memory_space<vmem>>[vector<16xi32>], vector<16xf32>,
        %parallel_loop3A_1499 = arith.constant 48 : i32
        %parallel_loop3A_1500 = arith.muli %parallel_loop3A_1243, %parallel_loop3A_1499 : i32
        %parallel_loop3A_1501 = arith.constant 23040 : i32
        %parallel_loop3A_1502 = arith.addi %parallel_loop3A_1501, %parallel_loop3A_1500 : i32
        %parallel_loop3A_1503 = arith.constant 32 : i32
        %parallel_loop3A_1504 = arith.addi %parallel_loop3A_1502, %parallel_loop3A_1503 : i32
        %parallel_loop3A_1505 = arith.index_cast %parallel_loop3A_1504 : i32 to index
        %parallel_loop3A_1506 = tpu.vector_load %arg6[%parallel_loop3A_1505] {strides = array<i32>} : memref<36864xf32, #tpu.memory_space<vmem>>, vector<16xf32>,
        tpu.vector_store %arg6[%parallel_loop3A_1505], %parallel_loop3A_1498 {strides = array<i32>} : memref<36864xf32, #tpu.memory_space<vmem>>, vector<16xf32>,
        %parallel_loop3A_1507 = arith.constant 288 : index
        %parallel_loop3A_1508 = tpu.vector_load %arg5[%parallel_loop3A_1507] {strides = array<i32>} : memref<384xi32, #tpu.memory_space<vmem>>, vector<16xi32>,
        %parallel_loop3A_1509 = vector.broadcast %parallel_loop3A_1272 : i32 to vector<16xi32>
        %parallel_loop3A_1510 = arith.addi %parallel_loop3A_1508, %parallel_loop3A_1509 : vector<16xi32>
        %parallel_loop3A_1511 = tpu.vector_load_idx %arg4[%parallel_loop3A_1510] : memref<13068xf32, #tpu.memory_space<vmem>>[vector<16xi32>], vector<16xf32>,
        %parallel_loop3A_1512 = arith.constant 48 : i32
        %parallel_loop3A_1513 = arith.muli %parallel_loop3A_1243, %parallel_loop3A_1512 : i32
        %parallel_loop3A_1514 = arith.constant 27648 : i32
        %parallel_loop3A_1515 = arith.addi %parallel_loop3A_1514, %parallel_loop3A_1513 : i32
        %parallel_loop3A_1516 = arith.constant 0 : i32
        %parallel_loop3A_1517 = arith.addi %parallel_loop3A_1515, %parallel_loop3A_1516 : i32
        %parallel_loop3A_1518 = arith.index_cast %parallel_loop3A_1517 : i32 to index
        %parallel_loop3A_1519 = tpu.vector_load %arg6[%parallel_loop3A_1518] {strides = array<i32>} : memref<36864xf32, #tpu.memory_space<vmem>>, vector<16xf32>,
        tpu.vector_store %arg6[%parallel_loop3A_1518], %parallel_loop3A_1511 {strides = array<i32>} : memref<36864xf32, #tpu.memory_space<vmem>>, vector<16xf32>,
        %parallel_loop3A_1520 = arith.constant 304 : index
        %parallel_loop3A_1521 = tpu.vector_load %arg5[%parallel_loop3A_1520] {strides = array<i32>} : memref<384xi32, #tpu.memory_space<vmem>>, vector<16xi32>,
        %parallel_loop3A_1522 = vector.broadcast %parallel_loop3A_1272 : i32 to vector<16xi32>
        %parallel_loop3A_1523 = arith.addi %parallel_loop3A_1521, %parallel_loop3A_1522 : vector<16xi32>
        %parallel_loop3A_1524 = tpu.vector_load_idx %arg4[%parallel_loop3A_1523] : memref<13068xf32, #tpu.memory_space<vmem>>[vector<16xi32>], vector<16xf32>,
        %parallel_loop3A_1525 = arith.constant 48 : i32
        %parallel_loop3A_1526 = arith.muli %parallel_loop3A_1243, %parallel_loop3A_1525 : i32
        %parallel_loop3A_1527 = arith.constant 27648 : i32
        %parallel_loop3A_1528 = arith.addi %parallel_loop3A_1527, %parallel_loop3A_1526 : i32
        %parallel_loop3A_1529 = arith.constant 16 : i32
        %parallel_loop3A_1530 = arith.addi %parallel_loop3A_1528, %parallel_loop3A_1529 : i32
        %parallel_loop3A_1531 = arith.index_cast %parallel_loop3A_1530 : i32 to index
        %parallel_loop3A_1532 = tpu.vector_load %arg6[%parallel_loop3A_1531] {strides = array<i32>} : memref<36864xf32, #tpu.memory_space<vmem>>, vector<16xf32>,
        tpu.vector_store %arg6[%parallel_loop3A_1531], %parallel_loop3A_1524 {strides = array<i32>} : memref<36864xf32, #tpu.memory_space<vmem>>, vector<16xf32>,
        %parallel_loop3A_1533 = arith.constant 320 : index
        %parallel_loop3A_1534 = tpu.vector_load %arg5[%parallel_loop3A_1533] {strides = array<i32>} : memref<384xi32, #tpu.memory_space<vmem>>, vector<16xi32>,
        %parallel_loop3A_1535 = vector.broadcast %parallel_loop3A_1272 : i32 to vector<16xi32>
        %parallel_loop3A_1536 = arith.addi %parallel_loop3A_1534, %parallel_loop3A_1535 : vector<16xi32>
        %parallel_loop3A_1537 = tpu.vector_load_idx %arg4[%parallel_loop3A_1536] : memref<13068xf32, #tpu.memory_space<vmem>>[vector<16xi32>], vector<16xf32>,
        %parallel_loop3A_1538 = arith.constant 48 : i32
        %parallel_loop3A_1539 = arith.muli %parallel_loop3A_1243, %parallel_loop3A_1538 : i32
        %parallel_loop3A_1540 = arith.constant 27648 : i32
        %parallel_loop3A_1541 = arith.addi %parallel_loop3A_1540, %parallel_loop3A_1539 : i32
        %parallel_loop3A_1542 = arith.constant 32 : i32
        %parallel_loop3A_1543 = arith.addi %parallel_loop3A_1541, %parallel_loop3A_1542 : i32
        %parallel_loop3A_1544 = arith.index_cast %parallel_loop3A_1543 : i32 to index
        %parallel_loop3A_1545 = tpu.vector_load %arg6[%parallel_loop3A_1544] {strides = array<i32>} : memref<36864xf32, #tpu.memory_space<vmem>>, vector<16xf32>,
        tpu.vector_store %arg6[%parallel_loop3A_1544], %parallel_loop3A_1537 {strides = array<i32>} : memref<36864xf32, #tpu.memory_space<vmem>>, vector<16xf32>,
        %parallel_loop3A_1546 = arith.constant 336 : index
        %parallel_loop3A_1547 = tpu.vector_load %arg5[%parallel_loop3A_1546] {strides = array<i32>} : memref<384xi32, #tpu.memory_space<vmem>>, vector<16xi32>,
        %parallel_loop3A_1548 = vector.broadcast %parallel_loop3A_1272 : i32 to vector<16xi32>
        %parallel_loop3A_1549 = arith.addi %parallel_loop3A_1547, %parallel_loop3A_1548 : vector<16xi32>
        %parallel_loop3A_1550 = tpu.vector_load_idx %arg4[%parallel_loop3A_1549] : memref<13068xf32, #tpu.memory_space<vmem>>[vector<16xi32>], vector<16xf32>,
        %parallel_loop3A_1551 = arith.constant 48 : i32
        %parallel_loop3A_1552 = arith.muli %parallel_loop3A_1243, %parallel_loop3A_1551 : i32
        %parallel_loop3A_1553 = arith.constant 32256 : i32
        %parallel_loop3A_1554 = arith.addi %parallel_loop3A_1553, %parallel_loop3A_1552 : i32
        %parallel_loop3A_1555 = arith.constant 0 : i32
        %parallel_loop3A_1556 = arith.addi %parallel_loop3A_1554, %parallel_loop3A_1555 : i32
        %parallel_loop3A_1557 = arith.index_cast %parallel_loop3A_1556 : i32 to index
        %parallel_loop3A_1558 = tpu.vector_load %arg6[%parallel_loop3A_1557] {strides = array<i32>} : memref<36864xf32, #tpu.memory_space<vmem>>, vector<16xf32>,
        tpu.vector_store %arg6[%parallel_loop3A_1557], %parallel_loop3A_1550 {strides = array<i32>} : memref<36864xf32, #tpu.memory_space<vmem>>, vector<16xf32>,
        %parallel_loop3A_1559 = arith.constant 352 : index
        %parallel_loop3A_1560 = tpu.vector_load %arg5[%parallel_loop3A_1559] {strides = array<i32>} : memref<384xi32, #tpu.memory_space<vmem>>, vector<16xi32>,
        %parallel_loop3A_1561 = vector.broadcast %parallel_loop3A_1272 : i32 to vector<16xi32>
        %parallel_loop3A_1562 = arith.addi %parallel_loop3A_1560, %parallel_loop3A_1561 : vector<16xi32>
        %parallel_loop3A_1563 = tpu.vector_load_idx %arg4[%parallel_loop3A_1562] : memref<13068xf32, #tpu.memory_space<vmem>>[vector<16xi32>], vector<16xf32>,
        %parallel_loop3A_1564 = arith.constant 48 : i32
        %parallel_loop3A_1565 = arith.muli %parallel_loop3A_1243, %parallel_loop3A_1564 : i32
        %parallel_loop3A_1566 = arith.constant 32256 : i32
        %parallel_loop3A_1567 = arith.addi %parallel_loop3A_1566, %parallel_loop3A_1565 : i32
        %parallel_loop3A_1568 = arith.constant 16 : i32
        %parallel_loop3A_1569 = arith.addi %parallel_loop3A_1567, %parallel_loop3A_1568 : i32
        %parallel_loop3A_1570 = arith.index_cast %parallel_loop3A_1569 : i32 to index
        %parallel_loop3A_1571 = tpu.vector_load %arg6[%parallel_loop3A_1570] {strides = array<i32>} : memref<36864xf32, #tpu.memory_space<vmem>>, vector<16xf32>,
        tpu.vector_store %arg6[%parallel_loop3A_1570], %parallel_loop3A_1563 {strides = array<i32>} : memref<36864xf32, #tpu.memory_space<vmem>>, vector<16xf32>,
        %parallel_loop3A_1572 = arith.constant 368 : index
        %parallel_loop3A_1573 = tpu.vector_load %arg5[%parallel_loop3A_1572] {strides = array<i32>} : memref<384xi32, #tpu.memory_space<vmem>>, vector<16xi32>,
        %parallel_loop3A_1574 = vector.broadcast %parallel_loop3A_1272 : i32 to vector<16xi32>
        %parallel_loop3A_1575 = arith.addi %parallel_loop3A_1573, %parallel_loop3A_1574 : vector<16xi32>
        %parallel_loop3A_1576 = tpu.vector_load_idx %arg4[%parallel_loop3A_1575] : memref<13068xf32, #tpu.memory_space<vmem>>[vector<16xi32>], vector<16xf32>,
        %parallel_loop3A_1577 = arith.constant 48 : i32
        %parallel_loop3A_1578 = arith.muli %parallel_loop3A_1243, %parallel_loop3A_1577 : i32
        %parallel_loop3A_1579 = arith.constant 32256 : i32
        %parallel_loop3A_1580 = arith.addi %parallel_loop3A_1579, %parallel_loop3A_1578 : i32
        %parallel_loop3A_1581 = arith.constant 32 : i32
        %parallel_loop3A_1582 = arith.addi %parallel_loop3A_1580, %parallel_loop3A_1581 : i32
        %parallel_loop3A_1583 = arith.index_cast %parallel_loop3A_1582 : i32 to index
        %parallel_loop3A_1584 = tpu.vector_load %arg6[%parallel_loop3A_1583] {strides = array<i32>} : memref<36864xf32, #tpu.memory_space<vmem>>, vector<16xf32>,
        tpu.vector_store %arg6[%parallel_loop3A_1583], %parallel_loop3A_1576 {strides = array<i32>} : memref<36864xf32, #tpu.memory_space<vmem>>, vector<16xf32>,
      } {sc.loop_unroll_factor = 2 : i64, sc.parallel_access}
      %mul3A_1220 = arith.constant 48 : i32
      %mul3A_1221 = arith.muli %add3A_82, %mul3A_1220 : i32
      %max3A_1222 = arith.maxsi %mul3A_1221, %mul3A_2 : i32
      %mul3A_1223 = arith.constant 48 : i32
      %mul3A_1224 = arith.muli %add3A_82, %mul3A_1223 : i32
      %sub3A_1225 = arith.subi %max3A_1222, %mul3A_1224 : i32
      %mul3A_1226 = arith.constant 48 : i32
      %mul3A_1227 = arith.muli %add3A_82, %mul3A_1226 : i32
      %add3A_1228 = arith.constant 48 : i32
      %add3A_1229 = arith.addi %mul3A_1227, %add3A_1228 : i32
      %min3A_1230 = arith.minsi %add3A_1229, %add3A_4 : i32
      %mul3A_1231 = arith.constant 48 : i32
      %mul3A_1232 = arith.muli %add3A_82, %mul3A_1231 : i32
      %sub3A_1233 = arith.subi %min3A_1230, %mul3A_1232 : i32
      %while3A = arith.subi %sub3A_1233, %sub3A_1225 : i32
      %while3A_1234 = arith.addi %sub3A_1225, %while3A : i32
      %while3A_1235 = arith.constant 1 : i32
      %while3A_1236 = arith.divsi %while3A, %while3A_1235 : i32
      %while3A_1237 = arith.muli %while3A_1236, %while3A_1235 : i32
      %while3A_1238 = arith.addi %sub3A_1225, %while3A_1237 : i32
      %while3A_1239 = arith.constant 1 : i32
      %while3A_1240 = scf.for %while3A_1243 = %sub3A_1225 to %while3A_1238 step %while3A_1239 iter_args(%while3A_1244 = %scan3A_81) -> (i32)  : i32 {
        %jit3A_1245 = arith.constant 3 : i32
        %eq3A_1246 = arith.constant 0 : i32
        %eq3A_1247 = arith.cmpi eq, %jit3A_1245, %eq3A_1246 : i32
        %jit3A_1248 = arith.constant 1 : i32
        %select_n3A_1249 = arith.select %eq3A_1247, %jit3A_1248, %jit3A_1245 : i32
        %rem3A_1250 = arith.remsi %while3A_1244, %select_n3A_1249 : i32
        %ne3A_1251 = arith.constant 0 : i32
        %ne3A_1252 = arith.cmpi ne, %rem3A_1250, %ne3A_1251 : i32
        %lt3A_1253 = arith.constant 0 : i32
        %lt3A_1254 = arith.cmpi slt, %rem3A_1250, %lt3A_1253 : i32
        %lt3A_1255 = arith.constant 0 : i32
        %lt3A_1256 = arith.cmpi slt, %select_n3A_1249, %lt3A_1255 : i32
        %ne3A_1257 = arith.xori %lt3A_1254, %lt3A_1256 : i1
        %and3A_1258 = arith.andi %ne3A_1257, %ne3A_1252 : i1
        %add3A_1259 = arith.addi %rem3A_1250, %select_n3A_1249 : i32
        %select_n3A_1260 = arith.select %and3A_1258, %add3A_1259, %rem3A_1250 : i32
        %ge3A = arith.constant 3 : i32
        %ge3A_1261 = arith.cmpi sge, %while3A_1244, %ge3A : i32
        %convert_element_type3A = arith.extui %ge3A_1261 : i1 to i32
        %cond3A = arith.constant 0 : i32
        %cond3A_1262 = arith.cmpi ne, %convert_element_type3A, %cond3A : i32
        scf.if %cond3A_1262 {
          %dma_wait3A_1290 = arith.constant 0 : i32
          %dma_wait3A_1291 = arith.constant 0 : i32
          %dma_wait3A_1292 = arith.constant 0 : i32
          %dma_wait3A_1293 = arith.constant 0 : i32
          %dma_wait3A_1294 = tpu.memref_slice %arg7[%dma_wait3A_1290, %dma_wait3A_1292, %dma_wait3A_1293] : memref<3x8x2304xf32, #tpu.memory_space<vmem>> -> memref<1x8x2304xf32, #tpu.memory_space<vmem>>
          %dma_wait3A_1295 = tpu.memref_squeeze %dma_wait3A_1294 : memref<1x8x2304xf32, #tpu.memory_space<vmem>> -> memref<8x2304xf32, #tpu.memory_space<vmem>>
          %dma_wait3A_1296 = arith.constant 0 : i32
          %dma_wait3A_1297 = arith.constant 0 : i32
          %dma_wait3A_1298 = tpu.memref_slice %arg3[%dma_wait3A_1291, %dma_wait3A_1296, %dma_wait3A_1297] : memref<12x2304x2304xf32, #tpu.memory_space<hbm>> -> memref<1x8x2304xf32, #tpu.memory_space<hbm>>
          %dma_wait3A_1299 = tpu.memref_squeeze %dma_wait3A_1298 : memref<1x8x2304xf32, #tpu.memory_space<hbm>> -> memref<8x2304xf32, #tpu.memory_space<hbm>>
          %dma_wait3A_1300 = arith.constant 0 : i32
          %dma_wait3A_1301 = arith.constant 0 : i32
          %dma_wait3A_1302 = tpu.memref_slice %arg3[%dma_wait3A_1291, %dma_wait3A_1300, %dma_wait3A_1301] : memref<12x2304x2304xf32, #tpu.memory_space<hbm>> -> memref<1x8x2304xf32, #tpu.memory_space<hbm>>
          %dma_wait3A_1303 = tpu.memref_squeeze %dma_wait3A_1302 : memref<1x8x2304xf32, #tpu.memory_space<hbm>> -> memref<8x2304xf32, #tpu.memory_space<hbm>>
          %dma_wait3A_1304 = arith.constant 0 : i32
          %dma_wait3A_1305 = arith.constant 0 : i32
          %dma_wait3A_1306 = tpu.memref_slice %arg7[%dma_wait3A_1290, %dma_wait3A_1304, %dma_wait3A_1305] : memref<3x8x2304xf32, #tpu.memory_space<vmem>> -> memref<1x8x2304xf32, #tpu.memory_space<vmem>>
          %dma_wait3A_1307 = tpu.memref_squeeze %dma_wait3A_1306 : memref<1x8x2304xf32, #tpu.memory_space<vmem>> -> memref<8x2304xf32, #tpu.memory_space<vmem>>
          tpu.wait_dma2 semaphore(%arg8 : memref<!tpu.dma_semaphore, #tpu.memory_space<semaphore_mem>>) src(%dma_wait3A_1307 : memref<8x2304xf32, #tpu.memory_space<vmem>>) dst(%dma_wait3A_1303 : memref<8x2304xf32, #tpu.memory_space<hbm>>)
        } else {
        }
        %sub3A_1263 = arith.constant 48 : i32
        %sub3A_1264 = arith.subi %sub3A_1263, %while3A_1243 : i32
        %mul3A_1265 = arith.constant 48 : i32
        %mul3A_1266 = arith.muli %sub3A_1264, %mul3A_1265 : i32
        %parallel_loop3A_1267 = arith.constant 0 : i32
        %parallel_loop3A_1268 = arith.constant 2304 : i32
        %parallel_loop3A_1269 = arith.constant 16 : i32
        scf.for %parallel_loop3A_1290 = %parallel_loop3A_1267 to %parallel_loop3A_1268 step %parallel_loop3A_1269  : i32 {
          %parallel_loop3A_1291 = arith.constant 0 : i32
          %parallel_loop3A_1292 = arith.addi %parallel_loop3A_1291, %mul3A_1266 : i32
          %parallel_loop3A_1293 = arith.addi %parallel_loop3A_1292, %parallel_loop3A_1290 : i32
          %parallel_loop3A_1294 = arith.index_cast %parallel_loop3A_1293 : i32 to index
          %parallel_loop3A_1295 = tpu.vector_load %arg6[%parallel_loop3A_1294] {strides = array<i32>} : memref<36864xf32, #tpu.memory_space<vmem>>, vector<16xf32>,
          %parallel_loop3A_1296 = arith.constant 0 : i32
          %parallel_loop3A_1297 = arith.index_cast %select_n3A_1260 : i32 to index
          %parallel_loop3A_1298 = arith.index_cast %parallel_loop3A_1296 : i32 to index
          %parallel_loop3A_1299 = arith.index_cast %parallel_loop3A_1290 : i32 to index
          %parallel_loop3A_1300 = tpu.vector_load %arg7[%parallel_loop3A_1297, %parallel_loop3A_1298, %parallel_loop3A_1299] {strides = array<i32>} : memref<3x8x2304xf32, #tpu.memory_space<vmem>>, vector<16xf32>,
          tpu.vector_store %arg7[%parallel_loop3A_1297, %parallel_loop3A_1298, %parallel_loop3A_1299], %parallel_loop3A_1295 {strides = array<i32>} : memref<3x8x2304xf32, #tpu.memory_space<vmem>>, vector<16xf32>,
          %parallel_loop3A_1301 = arith.constant 4608 : i32
          %parallel_loop3A_1302 = arith.addi %parallel_loop3A_1301, %mul3A_1266 : i32
          %parallel_loop3A_1303 = arith.addi %parallel_loop3A_1302, %parallel_loop3A_1290 : i32
          %parallel_loop3A_1304 = arith.index_cast %parallel_loop3A_1303 : i32 to index
          %parallel_loop3A_1305 = tpu.vector_load %arg6[%parallel_loop3A_1304] {strides = array<i32>} : memref<36864xf32, #tpu.memory_space<vmem>>, vector<16xf32>,
          %parallel_loop3A_1306 = arith.constant 1 : i32
          %parallel_loop3A_1307 = arith.index_cast %select_n3A_1260 : i32 to index
          %parallel_loop3A_1308 = arith.index_cast %parallel_loop3A_1306 : i32 to index
          %parallel_loop3A_1309 = arith.index_cast %parallel_loop3A_1290 : i32 to index
          %parallel_loop3A_1310 = tpu.vector_load %arg7[%parallel_loop3A_1307, %parallel_loop3A_1308, %parallel_loop3A_1309] {strides = array<i32>} : memref<3x8x2304xf32, #tpu.memory_space<vmem>>, vector<16xf32>,
          tpu.vector_store %arg7[%parallel_loop3A_1307, %parallel_loop3A_1308, %parallel_loop3A_1309], %parallel_loop3A_1305 {strides = array<i32>} : memref<3x8x2304xf32, #tpu.memory_space<vmem>>, vector<16xf32>,
          %parallel_loop3A_1311 = arith.constant 9216 : i32
          %parallel_loop3A_1312 = arith.addi %parallel_loop3A_1311, %mul3A_1266 : i32
          %parallel_loop3A_1313 = arith.addi %parallel_loop3A_1312, %parallel_loop3A_1290 : i32
          %parallel_loop3A_1314 = arith.index_cast %parallel_loop3A_1313 : i32 to index
          %parallel_loop3A_1315 = tpu.vector_load %arg6[%parallel_loop3A_1314] {strides = array<i32>} : memref<36864xf32, #tpu.memory_space<vmem>>, vector<16xf32>,
          %parallel_loop3A_1316 = arith.constant 2 : i32
          %parallel_loop3A_1317 = arith.index_cast %select_n3A_1260 : i32 to index
          %parallel_loop3A_1318 = arith.index_cast %parallel_loop3A_1316 : i32 to index
          %parallel_loop3A_1319 = arith.index_cast %parallel_loop3A_1290 : i32 to index
          %parallel_loop3A_1320 = tpu.vector_load %arg7[%parallel_loop3A_1317, %parallel_loop3A_1318, %parallel_loop3A_1319] {strides = array<i32>} : memref<3x8x2304xf32, #tpu.memory_space<vmem>>, vector<16xf32>,
          tpu.vector_store %arg7[%parallel_loop3A_1317, %parallel_loop3A_1318, %parallel_loop3A_1319], %parallel_loop3A_1315 {strides = array<i32>} : memref<3x8x2304xf32, #tpu.memory_space<vmem>>, vector<16xf32>,
          %parallel_loop3A_1321 = arith.constant 13824 : i32
          %parallel_loop3A_1322 = arith.addi %parallel_loop3A_1321, %mul3A_1266 : i32
          %parallel_loop3A_1323 = arith.addi %parallel_loop3A_1322, %parallel_loop3A_1290 : i32
          %parallel_loop3A_1324 = arith.index_cast %parallel_loop3A_1323 : i32 to index
          %parallel_loop3A_1325 = tpu.vector_load %arg6[%parallel_loop3A_1324] {strides = array<i32>} : memref<36864xf32, #tpu.memory_space<vmem>>, vector<16xf32>,
          %parallel_loop3A_1326 = arith.constant 3 : i32
          %parallel_loop3A_1327 = arith.index_cast %select_n3A_1260 : i32 to index
          %parallel_loop3A_1328 = arith.index_cast %parallel_loop3A_1326 : i32 to index
          %parallel_loop3A_1329 = arith.index_cast %parallel_loop3A_1290 : i32 to index
          %parallel_loop3A_1330 = tpu.vector_load %arg7[%parallel_loop3A_1327, %parallel_loop3A_1328, %parallel_loop3A_1329] {strides = array<i32>} : memref<3x8x2304xf32, #tpu.memory_space<vmem>>, vector<16xf32>,
          tpu.vector_store %arg7[%parallel_loop3A_1327, %parallel_loop3A_1328, %parallel_loop3A_1329], %parallel_loop3A_1325 {strides = array<i32>} : memref<3x8x2304xf32, #tpu.memory_space<vmem>>, vector<16xf32>,
          %parallel_loop3A_1331 = arith.constant 18432 : i32
          %parallel_loop3A_1332 = arith.addi %parallel_loop3A_1331, %mul3A_1266 : i32
          %parallel_loop3A_1333 = arith.addi %parallel_loop3A_1332, %parallel_loop3A_1290 : i32
          %parallel_loop3A_1334 = arith.index_cast %parallel_loop3A_1333 : i32 to index
          %parallel_loop3A_1335 = tpu.vector_load %arg6[%parallel_loop3A_1334] {strides = array<i32>} : memref<36864xf32, #tpu.memory_space<vmem>>, vector<16xf32>,
          %parallel_loop3A_1336 = arith.constant 4 : i32
          %parallel_loop3A_1337 = arith.index_cast %select_n3A_1260 : i32 to index
          %parallel_loop3A_1338 = arith.index_cast %parallel_loop3A_1336 : i32 to index
          %parallel_loop3A_1339 = arith.index_cast %parallel_loop3A_1290 : i32 to index
          %parallel_loop3A_1340 = tpu.vector_load %arg7[%parallel_loop3A_1337, %parallel_loop3A_1338, %parallel_loop3A_1339] {strides = array<i32>} : memref<3x8x2304xf32, #tpu.memory_space<vmem>>, vector<16xf32>,
          tpu.vector_store %arg7[%parallel_loop3A_1337, %parallel_loop3A_1338, %parallel_loop3A_1339], %parallel_loop3A_1335 {strides = array<i32>} : memref<3x8x2304xf32, #tpu.memory_space<vmem>>, vector<16xf32>,
          %parallel_loop3A_1341 = arith.constant 23040 : i32
          %parallel_loop3A_1342 = arith.addi %parallel_loop3A_1341, %mul3A_1266 : i32
          %parallel_loop3A_1343 = arith.addi %parallel_loop3A_1342, %parallel_loop3A_1290 : i32
          %parallel_loop3A_1344 = arith.index_cast %parallel_loop3A_1343 : i32 to index
          %parallel_loop3A_1345 = tpu.vector_load %arg6[%parallel_loop3A_1344] {strides = array<i32>} : memref<36864xf32, #tpu.memory_space<vmem>>, vector<16xf32>,
          %parallel_loop3A_1346 = arith.constant 5 : i32
          %parallel_loop3A_1347 = arith.index_cast %select_n3A_1260 : i32 to index
          %parallel_loop3A_1348 = arith.index_cast %parallel_loop3A_1346 : i32 to index
          %parallel_loop3A_1349 = arith.index_cast %parallel_loop3A_1290 : i32 to index
          %parallel_loop3A_1350 = tpu.vector_load %arg7[%parallel_loop3A_1347, %parallel_loop3A_1348, %parallel_loop3A_1349] {strides = array<i32>} : memref<3x8x2304xf32, #tpu.memory_space<vmem>>, vector<16xf32>,
          tpu.vector_store %arg7[%parallel_loop3A_1347, %parallel_loop3A_1348, %parallel_loop3A_1349], %parallel_loop3A_1345 {strides = array<i32>} : memref<3x8x2304xf32, #tpu.memory_space<vmem>>, vector<16xf32>,
          %parallel_loop3A_1351 = arith.constant 27648 : i32
          %parallel_loop3A_1352 = arith.addi %parallel_loop3A_1351, %mul3A_1266 : i32
          %parallel_loop3A_1353 = arith.addi %parallel_loop3A_1352, %parallel_loop3A_1290 : i32
          %parallel_loop3A_1354 = arith.index_cast %parallel_loop3A_1353 : i32 to index
          %parallel_loop3A_1355 = tpu.vector_load %arg6[%parallel_loop3A_1354] {strides = array<i32>} : memref<36864xf32, #tpu.memory_space<vmem>>, vector<16xf32>,
          %parallel_loop3A_1356 = arith.constant 6 : i32
          %parallel_loop3A_1357 = arith.index_cast %select_n3A_1260 : i32 to index
          %parallel_loop3A_1358 = arith.index_cast %parallel_loop3A_1356 : i32 to index
          %parallel_loop3A_1359 = arith.index_cast %parallel_loop3A_1290 : i32 to index
          %parallel_loop3A_1360 = tpu.vector_load %arg7[%parallel_loop3A_1357, %parallel_loop3A_1358, %parallel_loop3A_1359] {strides = array<i32>} : memref<3x8x2304xf32, #tpu.memory_space<vmem>>, vector<16xf32>,
          tpu.vector_store %arg7[%parallel_loop3A_1357, %parallel_loop3A_1358, %parallel_loop3A_1359], %parallel_loop3A_1355 {strides = array<i32>} : memref<3x8x2304xf32, #tpu.memory_space<vmem>>, vector<16xf32>,
          %parallel_loop3A_1361 = arith.constant 32256 : i32
          %parallel_loop3A_1362 = arith.addi %parallel_loop3A_1361, %mul3A_1266 : i32
          %parallel_loop3A_1363 = arith.addi %parallel_loop3A_1362, %parallel_loop3A_1290 : i32
          %parallel_loop3A_1364 = arith.index_cast %parallel_loop3A_1363 : i32 to index
          %parallel_loop3A_1365 = tpu.vector_load %arg6[%parallel_loop3A_1364] {strides = array<i32>} : memref<36864xf32, #tpu.memory_space<vmem>>, vector<16xf32>,
          %parallel_loop3A_1366 = arith.constant 7 : i32
          %parallel_loop3A_1367 = arith.index_cast %select_n3A_1260 : i32 to index
          %parallel_loop3A_1368 = arith.index_cast %parallel_loop3A_1366 : i32 to index
          %parallel_loop3A_1369 = arith.index_cast %parallel_loop3A_1290 : i32 to index
          %parallel_loop3A_1370 = tpu.vector_load %arg7[%parallel_loop3A_1367, %parallel_loop3A_1368, %parallel_loop3A_1369] {strides = array<i32>} : memref<3x8x2304xf32, #tpu.memory_space<vmem>>, vector<16xf32>,
          tpu.vector_store %arg7[%parallel_loop3A_1367, %parallel_loop3A_1368, %parallel_loop3A_1369], %parallel_loop3A_1365 {strides = array<i32>} : memref<3x8x2304xf32, #tpu.memory_space<vmem>>, vector<16xf32>,
        } {sc.loop_unroll_factor = 8 : i64, sc.parallel_access}
        %mul3A_1270 = arith.constant 48 : i32
        %mul3A_1271 = arith.muli %while3A_1243, %mul3A_1270 : i32
        %mul3A_1272 = arith.constant 8 : i32
        %mul3A_1273 = arith.muli %sub3A_109, %mul3A_1272 : i32
        %add3A_1274 = arith.addi %mul3A_1271, %mul3A_1273 : i32
        %dma_start3A = arith.constant 0 : i32
        %dma_start3A_1275 = arith.constant 0 : i32
        %dma_start3A_1276 = tpu.memref_slice %arg7[%select_n3A_1260, %dma_start3A, %dma_start3A_1275] : memref<3x8x2304xf32, #tpu.memory_space<vmem>> -> memref<1x8x2304xf32, #tpu.memory_space<vmem>>
        %dma_start3A_1277 = tpu.memref_squeeze %dma_start3A_1276 : memref<1x8x2304xf32, #tpu.memory_space<vmem>> -> memref<8x2304xf32, #tpu.memory_space<vmem>>
        %dma_start3A_1278 = arith.constant 0 : i32
        %dma_start3A_1279 = tpu.memref_slice %arg3[%select_n3A_106, %add3A_1274, %dma_start3A_1278] : memref<12x2304x2304xf32, #tpu.memory_space<hbm>> -> memref<1x8x2304xf32, #tpu.memory_space<hbm>>
        %dma_start3A_1280 = tpu.memref_squeeze %dma_start3A_1279 : memref<1x8x2304xf32, #tpu.memory_space<hbm>> -> memref<8x2304xf32, #tpu.memory_space<hbm>>
        %dma_start3A_1281 = arith.constant 0 : i32
        %dma_start3A_1282 = tpu.memref_slice %arg3[%select_n3A_106, %add3A_1274, %dma_start3A_1281] : memref<12x2304x2304xf32, #tpu.memory_space<hbm>> -> memref<1x8x2304xf32, #tpu.memory_space<hbm>>
        %dma_start3A_1283 = tpu.memref_squeeze %dma_start3A_1282 : memref<1x8x2304xf32, #tpu.memory_space<hbm>> -> memref<8x2304xf32, #tpu.memory_space<hbm>>
        %dma_start3A_1284 = arith.constant 0 : i32
        %dma_start3A_1285 = arith.constant 0 : i32
        %dma_start3A_1286 = tpu.memref_slice %arg7[%select_n3A_1260, %dma_start3A_1284, %dma_start3A_1285] : memref<3x8x2304xf32, #tpu.memory_space<vmem>> -> memref<1x8x2304xf32, #tpu.memory_space<vmem>>
        %dma_start3A_1287 = tpu.memref_squeeze %dma_start3A_1286 : memref<1x8x2304xf32, #tpu.memory_space<vmem>> -> memref<8x2304xf32, #tpu.memory_space<vmem>>
        tpu.enqueue_dma source(%dma_start3A_1287 : memref<8x2304xf32, #tpu.memory_space<vmem>>) target(%dma_start3A_1283 : memref<8x2304xf32, #tpu.memory_space<hbm>>) target_semaphore(%arg8 : memref<!tpu.dma_semaphore, #tpu.memory_space<semaphore_mem>>)
        %add3A_1288 = arith.constant 1 : i32
        %add3A_1289 = arith.addi %while3A_1244, %add3A_1288 : i32
        scf.yield %add3A_1289 : i32
      }
      %while3A_1241 = arith.constant 1 : i32
      %while3A_1242 = scf.for %while3A_1243 = %while3A_1238 to %while3A_1234 step %while3A_1241 iter_args(%while3A_1244 = %while3A_1240) -> (i32)  : i32 {
        %jit3A_1245 = arith.constant 3 : i32
        %eq3A_1246 = arith.constant 0 : i32
        %eq3A_1247 = arith.cmpi eq, %jit3A_1245, %eq3A_1246 : i32
        %jit3A_1248 = arith.constant 1 : i32
        %select_n3A_1249 = arith.select %eq3A_1247, %jit3A_1248, %jit3A_1245 : i32
        %rem3A_1250 = arith.remsi %while3A_1244, %select_n3A_1249 : i32
        %ne3A_1251 = arith.constant 0 : i32
        %ne3A_1252 = arith.cmpi ne, %rem3A_1250, %ne3A_1251 : i32
        %lt3A_1253 = arith.constant 0 : i32
        %lt3A_1254 = arith.cmpi slt, %rem3A_1250, %lt3A_1253 : i32
        %lt3A_1255 = arith.constant 0 : i32
        %lt3A_1256 = arith.cmpi slt, %select_n3A_1249, %lt3A_1255 : i32
        %ne3A_1257 = arith.xori %lt3A_1254, %lt3A_1256 : i1
        %and3A_1258 = arith.andi %ne3A_1257, %ne3A_1252 : i1
        %add3A_1259 = arith.addi %rem3A_1250, %select_n3A_1249 : i32
        %select_n3A_1260 = arith.select %and3A_1258, %add3A_1259, %rem3A_1250 : i32
        %ge3A = arith.constant 3 : i32
        %ge3A_1261 = arith.cmpi sge, %while3A_1244, %ge3A : i32
        %convert_element_type3A = arith.extui %ge3A_1261 : i1 to i32
        %cond3A = arith.constant 0 : i32
        %cond3A_1262 = arith.cmpi ne, %convert_element_type3A, %cond3A : i32
        scf.if %cond3A_1262 {
          %dma_wait3A_1290 = arith.constant 0 : i32
          %dma_wait3A_1291 = arith.constant 0 : i32
          %dma_wait3A_1292 = arith.constant 0 : i32
          %dma_wait3A_1293 = arith.constant 0 : i32
          %dma_wait3A_1294 = tpu.memref_slice %arg7[%dma_wait3A_1290, %dma_wait3A_1292, %dma_wait3A_1293] : memref<3x8x2304xf32, #tpu.memory_space<vmem>> -> memref<1x8x2304xf32, #tpu.memory_space<vmem>>
          %dma_wait3A_1295 = tpu.memref_squeeze %dma_wait3A_1294 : memref<1x8x2304xf32, #tpu.memory_space<vmem>> -> memref<8x2304xf32, #tpu.memory_space<vmem>>
          %dma_wait3A_1296 = arith.constant 0 : i32
          %dma_wait3A_1297 = arith.constant 0 : i32
          %dma_wait3A_1298 = tpu.memref_slice %arg3[%dma_wait3A_1291, %dma_wait3A_1296, %dma_wait3A_1297] : memref<12x2304x2304xf32, #tpu.memory_space<hbm>> -> memref<1x8x2304xf32, #tpu.memory_space<hbm>>
          %dma_wait3A_1299 = tpu.memref_squeeze %dma_wait3A_1298 : memref<1x8x2304xf32, #tpu.memory_space<hbm>> -> memref<8x2304xf32, #tpu.memory_space<hbm>>
          %dma_wait3A_1300 = arith.constant 0 : i32
          %dma_wait3A_1301 = arith.constant 0 : i32
          %dma_wait3A_1302 = tpu.memref_slice %arg3[%dma_wait3A_1291, %dma_wait3A_1300, %dma_wait3A_1301] : memref<12x2304x2304xf32, #tpu.memory_space<hbm>> -> memref<1x8x2304xf32, #tpu.memory_space<hbm>>
          %dma_wait3A_1303 = tpu.memref_squeeze %dma_wait3A_1302 : memref<1x8x2304xf32, #tpu.memory_space<hbm>> -> memref<8x2304xf32, #tpu.memory_space<hbm>>
          %dma_wait3A_1304 = arith.constant 0 : i32
          %dma_wait3A_1305 = arith.constant 0 : i32
          %dma_wait3A_1306 = tpu.memref_slice %arg7[%dma_wait3A_1290, %dma_wait3A_1304, %dma_wait3A_1305] : memref<3x8x2304xf32, #tpu.memory_space<vmem>> -> memref<1x8x2304xf32, #tpu.memory_space<vmem>>
          %dma_wait3A_1307 = tpu.memref_squeeze %dma_wait3A_1306 : memref<1x8x2304xf32, #tpu.memory_space<vmem>> -> memref<8x2304xf32, #tpu.memory_space<vmem>>
          tpu.wait_dma2 semaphore(%arg8 : memref<!tpu.dma_semaphore, #tpu.memory_space<semaphore_mem>>) src(%dma_wait3A_1307 : memref<8x2304xf32, #tpu.memory_space<vmem>>) dst(%dma_wait3A_1303 : memref<8x2304xf32, #tpu.memory_space<hbm>>)
        } else {
        }
        %sub3A_1263 = arith.constant 48 : i32
        %sub3A_1264 = arith.subi %sub3A_1263, %while3A_1243 : i32
        %mul3A_1265 = arith.constant 48 : i32
        %mul3A_1266 = arith.muli %sub3A_1264, %mul3A_1265 : i32
        %parallel_loop3A_1267 = arith.constant 0 : i32
        %parallel_loop3A_1268 = arith.constant 2304 : i32
        %parallel_loop3A_1269 = arith.constant 16 : i32
        scf.for %parallel_loop3A_1290 = %parallel_loop3A_1267 to %parallel_loop3A_1268 step %parallel_loop3A_1269  : i32 {
          %parallel_loop3A_1291 = arith.constant 0 : i32
          %parallel_loop3A_1292 = arith.addi %parallel_loop3A_1291, %mul3A_1266 : i32
          %parallel_loop3A_1293 = arith.addi %parallel_loop3A_1292, %parallel_loop3A_1290 : i32
          %parallel_loop3A_1294 = arith.index_cast %parallel_loop3A_1293 : i32 to index
          %parallel_loop3A_1295 = tpu.vector_load %arg6[%parallel_loop3A_1294] {strides = array<i32>} : memref<36864xf32, #tpu.memory_space<vmem>>, vector<16xf32>,
          %parallel_loop3A_1296 = arith.constant 0 : i32
          %parallel_loop3A_1297 = arith.index_cast %select_n3A_1260 : i32 to index
          %parallel_loop3A_1298 = arith.index_cast %parallel_loop3A_1296 : i32 to index
          %parallel_loop3A_1299 = arith.index_cast %parallel_loop3A_1290 : i32 to index
          %parallel_loop3A_1300 = tpu.vector_load %arg7[%parallel_loop3A_1297, %parallel_loop3A_1298, %parallel_loop3A_1299] {strides = array<i32>} : memref<3x8x2304xf32, #tpu.memory_space<vmem>>, vector<16xf32>,
          tpu.vector_store %arg7[%parallel_loop3A_1297, %parallel_loop3A_1298, %parallel_loop3A_1299], %parallel_loop3A_1295 {strides = array<i32>} : memref<3x8x2304xf32, #tpu.memory_space<vmem>>, vector<16xf32>,
          %parallel_loop3A_1301 = arith.constant 4608 : i32
          %parallel_loop3A_1302 = arith.addi %parallel_loop3A_1301, %mul3A_1266 : i32
          %parallel_loop3A_1303 = arith.addi %parallel_loop3A_1302, %parallel_loop3A_1290 : i32
          %parallel_loop3A_1304 = arith.index_cast %parallel_loop3A_1303 : i32 to index
          %parallel_loop3A_1305 = tpu.vector_load %arg6[%parallel_loop3A_1304] {strides = array<i32>} : memref<36864xf32, #tpu.memory_space<vmem>>, vector<16xf32>,
          %parallel_loop3A_1306 = arith.constant 1 : i32
          %parallel_loop3A_1307 = arith.index_cast %select_n3A_1260 : i32 to index
          %parallel_loop3A_1308 = arith.index_cast %parallel_loop3A_1306 : i32 to index
          %parallel_loop3A_1309 = arith.index_cast %parallel_loop3A_1290 : i32 to index
          %parallel_loop3A_1310 = tpu.vector_load %arg7[%parallel_loop3A_1307, %parallel_loop3A_1308, %parallel_loop3A_1309] {strides = array<i32>} : memref<3x8x2304xf32, #tpu.memory_space<vmem>>, vector<16xf32>,
          tpu.vector_store %arg7[%parallel_loop3A_1307, %parallel_loop3A_1308, %parallel_loop3A_1309], %parallel_loop3A_1305 {strides = array<i32>} : memref<3x8x2304xf32, #tpu.memory_space<vmem>>, vector<16xf32>,
          %parallel_loop3A_1311 = arith.constant 9216 : i32
          %parallel_loop3A_1312 = arith.addi %parallel_loop3A_1311, %mul3A_1266 : i32
          %parallel_loop3A_1313 = arith.addi %parallel_loop3A_1312, %parallel_loop3A_1290 : i32
          %parallel_loop3A_1314 = arith.index_cast %parallel_loop3A_1313 : i32 to index
          %parallel_loop3A_1315 = tpu.vector_load %arg6[%parallel_loop3A_1314] {strides = array<i32>} : memref<36864xf32, #tpu.memory_space<vmem>>, vector<16xf32>,
          %parallel_loop3A_1316 = arith.constant 2 : i32
          %parallel_loop3A_1317 = arith.index_cast %select_n3A_1260 : i32 to index
          %parallel_loop3A_1318 = arith.index_cast %parallel_loop3A_1316 : i32 to index
          %parallel_loop3A_1319 = arith.index_cast %parallel_loop3A_1290 : i32 to index
          %parallel_loop3A_1320 = tpu.vector_load %arg7[%parallel_loop3A_1317, %parallel_loop3A_1318, %parallel_loop3A_1319] {strides = array<i32>} : memref<3x8x2304xf32, #tpu.memory_space<vmem>>, vector<16xf32>,
          tpu.vector_store %arg7[%parallel_loop3A_1317, %parallel_loop3A_1318, %parallel_loop3A_1319], %parallel_loop3A_1315 {strides = array<i32>} : memref<3x8x2304xf32, #tpu.memory_space<vmem>>, vector<16xf32>,
          %parallel_loop3A_1321 = arith.constant 13824 : i32
          %parallel_loop3A_1322 = arith.addi %parallel_loop3A_1321, %mul3A_1266 : i32
          %parallel_loop3A_1323 = arith.addi %parallel_loop3A_1322, %parallel_loop3A_1290 : i32
          %parallel_loop3A_1324 = arith.index_cast %parallel_loop3A_1323 : i32 to index
          %parallel_loop3A_1325 = tpu.vector_load %arg6[%parallel_loop3A_1324] {strides = array<i32>} : memref<36864xf32, #tpu.memory_space<vmem>>, vector<16xf32>,
          %parallel_loop3A_1326 = arith.constant 3 : i32
          %parallel_loop3A_1327 = arith.index_cast %select_n3A_1260 : i32 to index
          %parallel_loop3A_1328 = arith.index_cast %parallel_loop3A_1326 : i32 to index
          %parallel_loop3A_1329 = arith.index_cast %parallel_loop3A_1290 : i32 to index
          %parallel_loop3A_1330 = tpu.vector_load %arg7[%parallel_loop3A_1327, %parallel_loop3A_1328, %parallel_loop3A_1329] {strides = array<i32>} : memref<3x8x2304xf32, #tpu.memory_space<vmem>>, vector<16xf32>,
          tpu.vector_store %arg7[%parallel_loop3A_1327, %parallel_loop3A_1328, %parallel_loop3A_1329], %parallel_loop3A_1325 {strides = array<i32>} : memref<3x8x2304xf32, #tpu.memory_space<vmem>>, vector<16xf32>,
          %parallel_loop3A_1331 = arith.constant 18432 : i32
          %parallel_loop3A_1332 = arith.addi %parallel_loop3A_1331, %mul3A_1266 : i32
          %parallel_loop3A_1333 = arith.addi %parallel_loop3A_1332, %parallel_loop3A_1290 : i32
          %parallel_loop3A_1334 = arith.index_cast %parallel_loop3A_1333 : i32 to index
          %parallel_loop3A_1335 = tpu.vector_load %arg6[%parallel_loop3A_1334] {strides = array<i32>} : memref<36864xf32, #tpu.memory_space<vmem>>, vector<16xf32>,
          %parallel_loop3A_1336 = arith.constant 4 : i32
          %parallel_loop3A_1337 = arith.index_cast %select_n3A_1260 : i32 to index
          %parallel_loop3A_1338 = arith.index_cast %parallel_loop3A_1336 : i32 to index
          %parallel_loop3A_1339 = arith.index_cast %parallel_loop3A_1290 : i32 to index
          %parallel_loop3A_1340 = tpu.vector_load %arg7[%parallel_loop3A_1337, %parallel_loop3A_1338, %parallel_loop3A_1339] {strides = array<i32>} : memref<3x8x2304xf32, #tpu.memory_space<vmem>>, vector<16xf32>,
          tpu.vector_store %arg7[%parallel_loop3A_1337, %parallel_loop3A_1338, %parallel_loop3A_1339], %parallel_loop3A_1335 {strides = array<i32>} : memref<3x8x2304xf32, #tpu.memory_space<vmem>>, vector<16xf32>,
          %parallel_loop3A_1341 = arith.constant 23040 : i32
          %parallel_loop3A_1342 = arith.addi %parallel_loop3A_1341, %mul3A_1266 : i32
          %parallel_loop3A_1343 = arith.addi %parallel_loop3A_1342, %parallel_loop3A_1290 : i32
          %parallel_loop3A_1344 = arith.index_cast %parallel_loop3A_1343 : i32 to index
          %parallel_loop3A_1345 = tpu.vector_load %arg6[%parallel_loop3A_1344] {strides = array<i32>} : memref<36864xf32, #tpu.memory_space<vmem>>, vector<16xf32>,
          %parallel_loop3A_1346 = arith.constant 5 : i32
          %parallel_loop3A_1347 = arith.index_cast %select_n3A_1260 : i32 to index
          %parallel_loop3A_1348 = arith.index_cast %parallel_loop3A_1346 : i32 to index
          %parallel_loop3A_1349 = arith.index_cast %parallel_loop3A_1290 : i32 to index
          %parallel_loop3A_1350 = tpu.vector_load %arg7[%parallel_loop3A_1347, %parallel_loop3A_1348, %parallel_loop3A_1349] {strides = array<i32>} : memref<3x8x2304xf32, #tpu.memory_space<vmem>>, vector<16xf32>,
          tpu.vector_store %arg7[%parallel_loop3A_1347, %parallel_loop3A_1348, %parallel_loop3A_1349], %parallel_loop3A_1345 {strides = array<i32>} : memref<3x8x2304xf32, #tpu.memory_space<vmem>>, vector<16xf32>,
          %parallel_loop3A_1351 = arith.constant 27648 : i32
          %parallel_loop3A_1352 = arith.addi %parallel_loop3A_1351, %mul3A_1266 : i32
          %parallel_loop3A_1353 = arith.addi %parallel_loop3A_1352, %parallel_loop3A_1290 : i32
          %parallel_loop3A_1354 = arith.index_cast %parallel_loop3A_1353 : i32 to index
          %parallel_loop3A_1355 = tpu.vector_load %arg6[%parallel_loop3A_1354] {strides = array<i32>} : memref<36864xf32, #tpu.memory_space<vmem>>, vector<16xf32>,
          %parallel_loop3A_1356 = arith.constant 6 : i32
          %parallel_loop3A_1357 = arith.index_cast %select_n3A_1260 : i32 to index
          %parallel_loop3A_1358 = arith.index_cast %parallel_loop3A_1356 : i32 to index
          %parallel_loop3A_1359 = arith.index_cast %parallel_loop3A_1290 : i32 to index
          %parallel_loop3A_1360 = tpu.vector_load %arg7[%parallel_loop3A_1357, %parallel_loop3A_1358, %parallel_loop3A_1359] {strides = array<i32>} : memref<3x8x2304xf32, #tpu.memory_space<vmem>>, vector<16xf32>,
          tpu.vector_store %arg7[%parallel_loop3A_1357, %parallel_loop3A_1358, %parallel_loop3A_1359], %parallel_loop3A_1355 {strides = array<i32>} : memref<3x8x2304xf32, #tpu.memory_space<vmem>>, vector<16xf32>,
          %parallel_loop3A_1361 = arith.constant 32256 : i32
          %parallel_loop3A_1362 = arith.addi %parallel_loop3A_1361, %mul3A_1266 : i32
          %parallel_loop3A_1363 = arith.addi %parallel_loop3A_1362, %parallel_loop3A_1290 : i32
          %parallel_loop3A_1364 = arith.index_cast %parallel_loop3A_1363 : i32 to index
          %parallel_loop3A_1365 = tpu.vector_load %arg6[%parallel_loop3A_1364] {strides = array<i32>} : memref<36864xf32, #tpu.memory_space<vmem>>, vector<16xf32>,
          %parallel_loop3A_1366 = arith.constant 7 : i32
          %parallel_loop3A_1367 = arith.index_cast %select_n3A_1260 : i32 to index
          %parallel_loop3A_1368 = arith.index_cast %parallel_loop3A_1366 : i32 to index
          %parallel_loop3A_1369 = arith.index_cast %parallel_loop3A_1290 : i32 to index
          %parallel_loop3A_1370 = tpu.vector_load %arg7[%parallel_loop3A_1367, %parallel_loop3A_1368, %parallel_loop3A_1369] {strides = array<i32>} : memref<3x8x2304xf32, #tpu.memory_space<vmem>>, vector<16xf32>,
          tpu.vector_store %arg7[%parallel_loop3A_1367, %parallel_loop3A_1368, %parallel_loop3A_1369], %parallel_loop3A_1365 {strides = array<i32>} : memref<3x8x2304xf32, #tpu.memory_space<vmem>>, vector<16xf32>,
        } {sc.loop_unroll_factor = 8 : i64, sc.parallel_access}
        %mul3A_1270 = arith.constant 48 : i32
        %mul3A_1271 = arith.muli %while3A_1243, %mul3A_1270 : i32
        %mul3A_1272 = arith.constant 8 : i32
        %mul3A_1273 = arith.muli %sub3A_109, %mul3A_1272 : i32
        %add3A_1274 = arith.addi %mul3A_1271, %mul3A_1273 : i32
        %dma_start3A = arith.constant 0 : i32
        %dma_start3A_1275 = arith.constant 0 : i32
        %dma_start3A_1276 = tpu.memref_slice %arg7[%select_n3A_1260, %dma_start3A, %dma_start3A_1275] : memref<3x8x2304xf32, #tpu.memory_space<vmem>> -> memref<1x8x2304xf32, #tpu.memory_space<vmem>>
        %dma_start3A_1277 = tpu.memref_squeeze %dma_start3A_1276 : memref<1x8x2304xf32, #tpu.memory_space<vmem>> -> memref<8x2304xf32, #tpu.memory_space<vmem>>
        %dma_start3A_1278 = arith.constant 0 : i32
        %dma_start3A_1279 = tpu.memref_slice %arg3[%select_n3A_106, %add3A_1274, %dma_start3A_1278] : memref<12x2304x2304xf32, #tpu.memory_space<hbm>> -> memref<1x8x2304xf32, #tpu.memory_space<hbm>>
        %dma_start3A_1280 = tpu.memref_squeeze %dma_start3A_1279 : memref<1x8x2304xf32, #tpu.memory_space<hbm>> -> memref<8x2304xf32, #tpu.memory_space<hbm>>
        %dma_start3A_1281 = arith.constant 0 : i32
        %dma_start3A_1282 = tpu.memref_slice %arg3[%select_n3A_106, %add3A_1274, %dma_start3A_1281] : memref<12x2304x2304xf32, #tpu.memory_space<hbm>> -> memref<1x8x2304xf32, #tpu.memory_space<hbm>>
        %dma_start3A_1283 = tpu.memref_squeeze %dma_start3A_1282 : memref<1x8x2304xf32, #tpu.memory_space<hbm>> -> memref<8x2304xf32, #tpu.memory_space<hbm>>
        %dma_start3A_1284 = arith.constant 0 : i32
        %dma_start3A_1285 = arith.constant 0 : i32
        %dma_start3A_1286 = tpu.memref_slice %arg7[%select_n3A_1260, %dma_start3A_1284, %dma_start3A_1285] : memref<3x8x2304xf32, #tpu.memory_space<vmem>> -> memref<1x8x2304xf32, #tpu.memory_space<vmem>>
        %dma_start3A_1287 = tpu.memref_squeeze %dma_start3A_1286 : memref<1x8x2304xf32, #tpu.memory_space<vmem>> -> memref<8x2304xf32, #tpu.memory_space<vmem>>
        tpu.enqueue_dma source(%dma_start3A_1287 : memref<8x2304xf32, #tpu.memory_space<vmem>>) target(%dma_start3A_1283 : memref<8x2304xf32, #tpu.memory_space<hbm>>) target_semaphore(%arg8 : memref<!tpu.dma_semaphore, #tpu.memory_space<semaphore_mem>>)
        %add3A_1288 = arith.constant 1 : i32
        %add3A_1289 = arith.addi %while3A_1244, %add3A_1288 : i32
        scf.yield %add3A_1289 : i32
      }
      scf.yield %while3A_1242 : i32
    }
    %scan3A_26 = arith.constant 3 : i32
    %dma_wait3A = arith.constant 0 : i32
    %dma_wait3A_27 = arith.constant 0 : i32
    %dma_wait3A_28 = arith.constant 0 : i32
    %dma_wait3A_29 = arith.constant 0 : i32
    %dma_wait3A_30 = tpu.memref_slice %arg7[%dma_wait3A, %dma_wait3A_28, %dma_wait3A_29] : memref<3x8x2304xf32, #tpu.memory_space<vmem>> -> memref<1x8x2304xf32, #tpu.memory_space<vmem>>
    %dma_wait3A_31 = tpu.memref_squeeze %dma_wait3A_30 : memref<1x8x2304xf32, #tpu.memory_space<vmem>> -> memref<8x2304xf32, #tpu.memory_space<vmem>>
    %dma_wait3A_32 = arith.constant 0 : i32
    %dma_wait3A_33 = arith.constant 0 : i32
    %dma_wait3A_34 = tpu.memref_slice %arg3[%dma_wait3A_27, %dma_wait3A_32, %dma_wait3A_33] : memref<12x2304x2304xf32, #tpu.memory_space<hbm>> -> memref<1x8x2304xf32, #tpu.memory_space<hbm>>
    %dma_wait3A_35 = tpu.memref_squeeze %dma_wait3A_34 : memref<1x8x2304xf32, #tpu.memory_space<hbm>> -> memref<8x2304xf32, #tpu.memory_space<hbm>>
    %dma_wait3A_36 = arith.constant 0 : i32
    %dma_wait3A_37 = arith.constant 0 : i32
    %dma_wait3A_38 = tpu.memref_slice %arg3[%dma_wait3A_27, %dma_wait3A_36, %dma_wait3A_37] : memref<12x2304x2304xf32, #tpu.memory_space<hbm>> -> memref<1x8x2304xf32, #tpu.memory_space<hbm>>
    %dma_wait3A_39 = tpu.memref_squeeze %dma_wait3A_38 : memref<1x8x2304xf32, #tpu.memory_space<hbm>> -> memref<8x2304xf32, #tpu.memory_space<hbm>>
    %dma_wait3A_40 = arith.constant 0 : i32
    %dma_wait3A_41 = arith.constant 0 : i32
    %dma_wait3A_42 = tpu.memref_slice %arg7[%dma_wait3A, %dma_wait3A_40, %dma_wait3A_41] : memref<3x8x2304xf32, #tpu.memory_space<vmem>> -> memref<1x8x2304xf32, #tpu.memory_space<vmem>>
    %dma_wait3A_43 = tpu.memref_squeeze %dma_wait3A_42 : memref<1x8x2304xf32, #tpu.memory_space<vmem>> -> memref<8x2304xf32, #tpu.memory_space<vmem>>
    tpu.wait_dma2 semaphore(%arg8 : memref<!tpu.dma_semaphore, #tpu.memory_space<semaphore_mem>>) src(%dma_wait3A_43 : memref<8x2304xf32, #tpu.memory_space<vmem>>) dst(%dma_wait3A_39 : memref<8x2304xf32, #tpu.memory_space<hbm>>)
    %dma_wait3A_44 = arith.constant 0 : i32
    %dma_wait3A_45 = arith.constant 0 : i32
    %dma_wait3A_46 = arith.constant 0 : i32
    %dma_wait3A_47 = arith.constant 0 : i32
    %dma_wait3A_48 = tpu.memref_slice %arg7[%dma_wait3A_44, %dma_wait3A_46, %dma_wait3A_47] : memref<3x8x2304xf32, #tpu.memory_space<vmem>> -> memref<1x8x2304xf32, #tpu.memory_space<vmem>>
    %dma_wait3A_49 = tpu.memref_squeeze %dma_wait3A_48 : memref<1x8x2304xf32, #tpu.memory_space<vmem>> -> memref<8x2304xf32, #tpu.memory_space<vmem>>
    %dma_wait3A_50 = arith.constant 0 : i32
    %dma_wait3A_51 = arith.constant 0 : i32
    %dma_wait3A_52 = tpu.memref_slice %arg3[%dma_wait3A_45, %dma_wait3A_50, %dma_wait3A_51] : memref<12x2304x2304xf32, #tpu.memory_space<hbm>> -> memref<1x8x2304xf32, #tpu.memory_space<hbm>>
    %dma_wait3A_53 = tpu.memref_squeeze %dma_wait3A_52 : memref<1x8x2304xf32, #tpu.memory_space<hbm>> -> memref<8x2304xf32, #tpu.memory_space<hbm>>
    %dma_wait3A_54 = arith.constant 0 : i32
    %dma_wait3A_55 = arith.constant 0 : i32
    %dma_wait3A_56 = tpu.memref_slice %arg3[%dma_wait3A_45, %dma_wait3A_54, %dma_wait3A_55] : memref<12x2304x2304xf32, #tpu.memory_space<hbm>> -> memref<1x8x2304xf32, #tpu.memory_space<hbm>>
    %dma_wait3A_57 = tpu.memref_squeeze %dma_wait3A_56 : memref<1x8x2304xf32, #tpu.memory_space<hbm>> -> memref<8x2304xf32, #tpu.memory_space<hbm>>
    %dma_wait3A_58 = arith.constant 0 : i32
    %dma_wait3A_59 = arith.constant 0 : i32
    %dma_wait3A_60 = tpu.memref_slice %arg7[%dma_wait3A_44, %dma_wait3A_58, %dma_wait3A_59] : memref<3x8x2304xf32, #tpu.memory_space<vmem>> -> memref<1x8x2304xf32, #tpu.memory_space<vmem>>
    %dma_wait3A_61 = tpu.memref_squeeze %dma_wait3A_60 : memref<1x8x2304xf32, #tpu.memory_space<vmem>> -> memref<8x2304xf32, #tpu.memory_space<vmem>>
    tpu.wait_dma2 semaphore(%arg8 : memref<!tpu.dma_semaphore, #tpu.memory_space<semaphore_mem>>) src(%dma_wait3A_61 : memref<8x2304xf32, #tpu.memory_space<vmem>>) dst(%dma_wait3A_57 : memref<8x2304xf32, #tpu.memory_space<hbm>>)
    %dma_wait3A_62 = arith.constant 0 : i32
    %dma_wait3A_63 = arith.constant 0 : i32
    %dma_wait3A_64 = arith.constant 0 : i32
    %dma_wait3A_65 = arith.constant 0 : i32
    %dma_wait3A_66 = tpu.memref_slice %arg7[%dma_wait3A_62, %dma_wait3A_64, %dma_wait3A_65] : memref<3x8x2304xf32, #tpu.memory_space<vmem>> -> memref<1x8x2304xf32, #tpu.memory_space<vmem>>
    %dma_wait3A_67 = tpu.memref_squeeze %dma_wait3A_66 : memref<1x8x2304xf32, #tpu.memory_space<vmem>> -> memref<8x2304xf32, #tpu.memory_space<vmem>>
    %dma_wait3A_68 = arith.constant 0 : i32
    %dma_wait3A_69 = arith.constant 0 : i32
    %dma_wait3A_70 = tpu.memref_slice %arg3[%dma_wait3A_63, %dma_wait3A_68, %dma_wait3A_69] : memref<12x2304x2304xf32, #tpu.memory_space<hbm>> -> memref<1x8x2304xf32, #tpu.memory_space<hbm>>
    %dma_wait3A_71 = tpu.memref_squeeze %dma_wait3A_70 : memref<1x8x2304xf32, #tpu.memory_space<hbm>> -> memref<8x2304xf32, #tpu.memory_space<hbm>>
    %dma_wait3A_72 = arith.constant 0 : i32
    %dma_wait3A_73 = arith.constant 0 : i32
    %dma_wait3A_74 = tpu.memref_slice %arg3[%dma_wait3A_63, %dma_wait3A_72, %dma_wait3A_73] : memref<12x2304x2304xf32, #tpu.memory_space<hbm>> -> memref<1x8x2304xf32, #tpu.memory_space<hbm>>
    %dma_wait3A_75 = tpu.memref_squeeze %dma_wait3A_74 : memref<1x8x2304xf32, #tpu.memory_space<hbm>> -> memref<8x2304xf32, #tpu.memory_space<hbm>>
    %dma_wait3A_76 = arith.constant 0 : i32
    %dma_wait3A_77 = arith.constant 0 : i32
    %dma_wait3A_78 = tpu.memref_slice %arg7[%dma_wait3A_62, %dma_wait3A_76, %dma_wait3A_77] : memref<3x8x2304xf32, #tpu.memory_space<vmem>> -> memref<1x8x2304xf32, #tpu.memory_space<vmem>>
    %dma_wait3A_79 = tpu.memref_squeeze %dma_wait3A_78 : memref<1x8x2304xf32, #tpu.memory_space<vmem>> -> memref<8x2304xf32, #tpu.memory_space<vmem>>
    tpu.wait_dma2 semaphore(%arg8 : memref<!tpu.dma_semaphore, #tpu.memory_space<semaphore_mem>>) src(%dma_wait3A_79 : memref<8x2304xf32, #tpu.memory_space<vmem>>) dst(%dma_wait3A_75 : memref<8x2304xf32, #tpu.memory_space<hbm>>)
    return
  }
}

</mosaic_0001>

<sc_bundles>
// kernel: kernel.3.cloned.1.call-start
scs
__scs_entry_jumppad:
0x0: {  	(pc) =	sbr.rel $0x88, $3  }
0x1: {  	(tag) =	ssettag $0x0;
	lr =	simm.s32 $0x1  }
0x2: {  	[smem:$0x3FA0] =	sst lr;
	_ =	strace $0xD0000000  }
0x3: {  	_ = 	snop  }
0x4: {  	_ = 	snop  }
0x5: {  	_ = 	snop  }
0x6: {  	_ = 	snop  }
0x7: {  	_ = 	snop  }
__scs_overlays_trampoline_lowered:
0x8: {  	[smem:$0x3FAF] =	sst s0  }
0x9: {  	[smem:$0x3FB0] =	sst s1  }
0xa: {  	[smem:$0x3FB1] =	sst s2  }
0xb: {  	[smem:$0x3FB2] =	sst s3  }
0xc: {  	[smem:$0x3FB3] =	sst s4  }
0xd: {  	[smem:$0x3FB4] =	sst s5  }
0xe: {  	[smem:$0x3FB5] =	sst s6  }
0xf: {  	[smem:$0x3FB6] =	sst s7  }
0x10: {  	[smem:$0x3FB7] =	sst s8  }
0x11: {  	[smem:$0x3FB8] =	sst s9;
	s0 =	simm.s32 @!p0 $0x0  }
0x12: {  	s1 =	sld [smem:$0x3F9E];
	s0 =	simm.s32 @p0 $0x1  }
0x13: {  	[smem:$0x3FB9] =	sst s0;
	s0 =	simm.s32 @!p1 $0x0  }
0x14: {  	s2 =	sld [smem:$0x3F9D];
	s0 =	simm.s32 @p1 $0x1  }
0x15: {  	[smem:$0x3FBA] =	sst s0;
	s0 =	simm.s32 @!p2 $0x0  }
0x16: {  	s3 =	sld [smem:$0x3FDB];
	s0 =	simm.s32 @p2 $0x1  }
0x17: {  	s4 =	simm.s32 $0x1BF5;
	[smem:$0x3FBC] =	sst s0  }
0x18: {  	s0 =	sld [smem:$0x3F9F];
	_ =	swait.ge [sflag:s4], $0x0  }
0x19: {  	s7 =	sld [smem:$0x3FA0]  }
0x1a: {  	s8 =	sadd.s32 $0xFFFFE003, lr  }
0x1b: {  	s9 =	sadd.s32 $0xFFFFFEF7, lr;
	s5 =	simm.s32 $0xFFFFFFFF;
	p2 =	slt.u32 s8, $0xFFFFF086  }
0x1c: {  	p1 =	slt.u32 s9, $0xF7A;
	s5 =	simm.s32 @!p2 $0x0  }
0x1d: {  	s5 =	simm.s32 @p1 $0x1;
	p0 =	seq.s32 s7, s2  }
0x1e: {  	s7 =	smul.u32 @!p0 $0xF7A, s2;
	p2 =	seq.s32 @!p0 s5, $0x0  }
0x1f: {  	s9 =	smul.u32 $0xF7A, s1;
	s8 =	simm.s32 @!p0 $0x1BF5;
	p2 =	por !p2, p0  }
0x20: {  	[sflag:s8] =	ssyncset.s32 @!p0 $0xFFFFF086;
	s6 =	sadd.s32 @!p0 s3, s7;
	s7 =	simm.s32 @!p0 $0x108  }
0x21: {  	s3 =	sadd.s32 s3, s9;
	s6 =	sadd.s32 @!p0 $0x88, s6;
	s7 =	simm.s32 @p2 $0x1082  }
0x22: {  	[simem:s7], [sflag:s8] =	dma.local @!p0 [hbm:s6], $0xF7A  }
0x23: {  	s9 =	sor.u32 $0xD0000000, s2;
	s6 =	simm.s32 $0x108;
	_ =	swait.ge @!p0 [sflag:s8], $0x0  }
0x24: {  	s3 =	sadd.s32 $0x88, s3;
	s6 =	simm.s32 @!p1 $0x1082;
	[sflag:s4] =	ssyncset.s32 $0xFFFFF086  }
0x25: {  	[simem:s6], [sflag:s4] =	dma.local [hbm:s3], $0xF7A  }
0x26: {  	[smem:$0x3FA0] =	sst s1;
	(tag) =	ssettag s2;
	_ =	strace s9  }
0x27: {  	s1 =	sld [smem:$0x3FB0]  }
0x28: {  	s2 =	sld [smem:$0x3FB1]  }
0x29: {  	s4 =	sld [smem:$0x3FB3]  }
0x2a: {  	p0 =	seq.s32 s5, $0x0;
	s5 =	sld [smem:$0x3FB4]  }
0x2b: {  	s6 =	sld [smem:$0x3FB5]  }
0x2c: {  	s7 =	sld [smem:$0x3FB6]  }
0x2d: {  	s3 =	simm.s32 $0x108;
	s8 =	sld [smem:$0x3FB7]  }
0x2e: {  	s3 =	simm.s32 @!p0 $0x1082;
	s9 =	sld [smem:$0x3FB8]  }
0x2f: {  	lr =	sadd.s32 s0, s3;
	s0 =	sld [smem:$0x3FAF]  }
0x30: {  	s3 =	sld [smem:$0x3FB2]  }
0x31: {  	[smem:$0x3FBB] =	sst s10  }
0x32: {  	s10 =	sld [smem:$0x3FB9];
	_ =	sdelay $0x3  }
0x33: {  	p0 =	seq.s32 s10, $0x1;
	s10 =	sld [smem:$0x3FBB];
	_ =	sdelay $0x3  }
0x34: {  	[smem:$0x3FBB] =	sst s10  }
0x35: {  	s10 =	sld [smem:$0x3FBA];
	_ =	sdelay $0x3  }
0x36: {  	p1 =	seq.s32 s10, $0x1;
	s10 =	sld [smem:$0x3FBB];
	_ =	sdelay $0x3  }
0x37: {  	[smem:$0x3FBB] =	sst s10  }
0x38: {  	s10 =	sld [smem:$0x3FBC]  }
0x39: {  	_ = 	snop;
	(pc) =	sbr.ind lr, $3  }
0x3a: {  	_ = 	snop  }
0x3b: {  	_ = 	snop  }
0x3c: {  	p2 =	seq.s32 s10, $0x1;
	s10 =	sld [smem:$0x3FBB]  }
0x3d: {  	_ =	shalt  }
0x3e: {  	_ =	shalt  }
0x3f: {  	_ =	shalt  }
0x40: {  	_ =	shalt  }
0x41: {  	_ =	shalt  }
0x42: {  	_ =	shalt  }
0x43: {  	_ =	shalt  }
0x44: {  	_ =	shalt  }
0x45: {  	_ =	shalt  }
0x46: {  	_ =	shalt  }
0x47: {  	_ =	shalt  }
0x48: {  	_ =	shalt  }
0x49: {  	_ =	shalt  }
0x4a: {  	_ =	shalt  }
0x4b: {  	_ =	shalt  }
0x4c: {  	_ =	shalt  }
0x4d: {  	_ =	shalt  }
0x4e: {  	_ =	shalt  }
0x4f: {  	_ =	shalt  }
0x50: {  	_ =	shalt  }
0x51: {  	_ =	shalt  }
0x52: {  	_ =	shalt  }
0x53: {  	_ =	shalt  }
0x54: {  	_ =	shalt  }
0x55: {  	_ =	shalt  }
0x56: {  	_ =	shalt  }
0x57: {  	_ =	shalt  }
0x58: {  	_ =	shalt  }
0x59: {  	_ =	shalt  }
0x5a: {  	_ =	shalt  }
0x5b: {  	_ =	shalt  }
0x5c: {  	_ =	shalt  }
0x5d: {  	_ =	shalt  }
0x5e: {  	_ =	shalt  }
0x5f: {  	_ =	shalt  }
0x60: {  	_ =	shalt  }
0x61: {  	_ =	shalt  }
0x62: {  	_ =	shalt  }
0x63: {  	_ =	shalt  }
0x64: {  	_ =	shalt  }
0x65: {  	_ =	shalt  }
0x66: {  	_ =	shalt  }
0x67: {  	_ =	shalt  }
0x68: {  	_ =	shalt  }
0x69: {  	_ =	shalt  }
0x6a: {  	_ =	shalt  }
0x6b: {  	_ =	shalt  }
0x6c: {  	_ =	shalt  }
0x6d: {  	_ =	shalt  }
0x6e: {  	_ =	shalt  }
0x6f: {  	_ =	shalt  }
0x70: {  	_ =	shalt  }
0x71: {  	_ =	shalt  }
0x72: {  	_ =	shalt  }
0x73: {  	_ =	shalt  }
0x74: {  	_ =	shalt  }
0x75: {  	_ =	shalt  }
0x76: {  	_ =	shalt  }
0x77: {  	_ =	shalt  }
0x78: {  	_ =	shalt  }
0x79: {  	_ =	shalt  }
0x7a: {  	_ =	shalt  }
0x7b: {  	_ =	shalt  }
0x7c: {  	_ =	shalt  }
0x7d: {  	_ =	shalt  }
0x7e: {  	_ =	shalt  }
0x7f: {  	_ =	shalt  }
0x80: {  	_ =	shalt  }
0x81: {  	_ =	shalt  }
0x82: {  	_ =	shalt  }
0x83: {  	_ =	shalt  }
0x84: {  	_ =	shalt  }
0x85: {  	_ =	shalt  }
0x86: {  	_ =	shalt  }
0x87: {  	_ =	shalt  }
.Lfunc_end0:
.L_simem_size_0:
called_computation_lowered:
.L_overlay_start_0:
0x88: {  	s2 =	sld [smem:$0x3FD9]  }
0x89: {  	s3 =	sld [smem:$0x3FFE];
	_ =	sdelay $0x1  }
0x8a: {  	s1 =	srdreg.scid  }
0x8b: {  	s0 =	sand.u32 $0x1, s1  }
0x8c: {  	s17 =	sshll.u32 s0, $0xA;
	s2 =	sadd.s32 s3, s2  }
0x8d: {  	s2 =	sadd.s32 s2, s17  }
0x8e: {  	[smem:$0x3FC7] =	sst s2  }
0x8f: {  	_ = 	snop  }
0x90: {  	s2 =	sld [smem:$0x3FD0];
	(tm) =	ssettm $0x1  }
0x91: {  	s18 =	sld [smem:$0x3FFB];
	_ =	sdelay $0x3  }
0x92: {  	_ =	strace s18  }
0x93: {  	s3 =	sld [smem:$0x3FFC];
	_ =	sdelay $0x3  }
0x94: {  	_ =	strace s3  }
0x95: {  	s3 =	sld [smem:$0x3FFD];
	_ =	sdelay $0x3  }
0x96: {  	_ =	strace s3  }
0x97: {  	_ =	strace $0x8FFFFFFF  }
0x98: {  	s19 =	sld [smem:$0x3FDB];
	_ =	sdelay $0x1  }
0x99: {  	s4 =	simm.s32 $_scs_section_size  }
0x9a: {  	s5 =	simm.s32 $_size__tile_overlayer_lowered;
	s6 =	simm.s32 $_tile_overlayer_lowered  }
0x9b: {  	s22 =	simm.s32 $0x1BFF;
	s21 =	sshll.u32 s6, $0x1;
	s3 =	sadd.s32 s4, s19  }
0x9c: {  	s7 =	simm.s32 $0x0;
	s20 =	sshll.u32 s5, $0x1;
	s5 =	sadd.s32 s21, s3  }
0x9d: {  	[timem:s7], [sflag:s22] =	dma.local [hbm:s5], s20  }
0x9e: {  	_ =	swait.ge [sflag:s22], s20  }
0x9f: {  	s4 =	ssub.s32 $0x0, s20;
	[sflag:s22] =	ssyncset.done $0x0  }
0xa0: {  	[sflag:s22] =	ssyncadd.s32 s4;
	_ =	sdelay $0x1  }
0xa1: {  	s23 =	simm.s32 $0x1B8B  }
0xa2: {  	_ =	swait.ge [sflag:s23], $0x1  }
0xa3: {  	[sflag:s23] =	ssyncset.done $0x0  }
0xa4: {  	s25 =	simm.s32 $0x1B8E;
	s24 =	sld [smem:$0x3FFE];
	[sflag:s23] =	ssyncadd.s32 $0xFFFFFFFF  }
0xa5: {  	s26 =	simm.s32 $execute0_lowered;
	[smem:$0x3FD2] =	sst s25  }
0xa6: {  	s5 =	sshll.u32 s26, $0x1;
	_ =	strace $0x80000046;
	[dreg:$0x1] =	wrdreg $0xFFFFFFFF  }
0xa7: {  	s28 =	simm.s32 $_size_execute0_lowered;
	s3 =	sadd.s32 s3, s5;
	[dreg:$0x0] =	wrdreg $0x0  }
0xa8: {  	s5 =	sshll.u32 s28, $0x1;
	[dreg:$0x2] =	wrdreg s3  }
0xa9: {  	[dreg:$0x3] =	wrdreg s5  }
0xaa: {  	[dreg:$0x4] =	wrdreg $0xC0  }
0xab: {  	_ =	task [dreg:s7], $0x5FFFF  }
0xac: {  	[dreg:$0x1] =	wrdreg $0xFFFFFFFF  }
0xad: {  	[dreg:$0x0] =	wrdreg $0x60  }
0xae: {  	[dreg:$0x2] =	wrdreg s24  }
0xaf: {  	[dreg:$0x3] =	wrdreg s2  }
0xb0: {  	[dreg:$0x4] =	wrdreg $0x9  }
0xb1: {  	_ =	task.clear_ibuf [dreg:s7], $0x5FFFF;
	_ =	strace $0x90000046  }
0xb2: {  	s29 =	simm.s32 $0x9;
	_ =	strace $0x80000048  }
0xb3: {  	_ =	swait.ge [sflag:s29], $0x1  }
0xb4: {  	[sflag:s29] =	ssyncadd.s32 $0xFFFFFFFF  }
0xb5: {  	_ =	strace $0x90000048  }
0xb6: {  	_ =	sfence  }
0xb7: {  	s30 =	sld [smem:$0x0];
	_ =	sdelay $0x2  }
0xb8: {  	s31 =	sshll.u32 s1, $0xD;
	s1 =	sshrl.u32 s1, $0x2  }
0xb9: {  	s3 =	sand.u32 $0x4000, s31;
	s1 =	sadd.s32 s1, s30  }
0xba: {  	s0 =	sor.u32 s3, s0;
	s1 =	sshll.u32 s1, $0x11  }
0xbb: {  	s0 =	sor.u32 s1, s0  }
0xbc: {  	s0 =	sadd.s32 $0x8F2B, s0  }
0xbd: {  	[sflag:s0] =	ssyncadd.remote.s32 $0x1  }
0xbe: {  	_ =	sfence.sel $0xFFFF  }
0xbf: {  	[dreg:$0x0] =	wrdreg $0xFFFFFFFF;
	(pc) =	sbr.abs _section_cstart, $3  }
0xc0: {  	[dreg:$0x1] =	wrdreg $0xFFFFFFFF  }
0xc1: {  	_ =	task.clear_ibuf [dreg:s7], $0x2FFFF;
	_ =	strace $0x9FFFFFFF  }
0xc2: {  	(tm) =	ssettm $0x7FFFFFFF  }
0xc3: {  	_ =	shalt  }
tec
execute0_lowered:
.L_overlay_start_1:
0x0: {  	(tag) =	ssettag $0x1  }
0x1: {  	s0 =	srdreg.scid  }
0x2: {  	s2 =	stileid.u32;
	s4 =	rddreg [dreg:$0x0]  }
0x3: {  	s0 =	sand.u32 $0x1, s0;
	s1 =	smul.u32 $0xD8, s2;
	s2 =	sshll.u32 s2, $0x1  }
0x4: {  	s5 =	simm.s32 $0x0;
	s3 =	smul.u32 $0x6C, s0;
	s2 =	sor.u32 s0, s2  }
0x5: {  	[smem:$0x7FF] =	sst s5;
	s4 =	sadd.s32 $0x400, s4;
	s7 =	smul.u32 $0x6C, s2  }
0x6: {  	s0 =	ssub.s32 $0x2, s0;
	s2 =	smul.u32 $0x48024, s2;
	s1 =	sadd.s32 s3, s1  }
0x7: {  	s25 =	sshrl.u32 s0, $0x1;
	[dreg:$0x4] =	wrdreg s1;
	s1 =	smulhi.u32 $0x5555556, s1  }
0x8: {  	s0 =	ssub.s32 s0, s25;
	_ =	strace $0x80000047;
	[dreg:$0x5] =	wrdreg s4  }
0x9: {  	v0 =	vlaneseq.u32;
	s26 =	sadd.s32 $0x6C, s7;
	[dreg:$0x3] =	wrdreg s7;
	s6 =	smul.u32 $0x2400, s1  }
0xa: {  	v1 =	vimm.s32 $0xECA86420;
	vm0 =	vcmask $0xB08;
	v3 =	vmul.u32 $0xFFFFFFFF, v0;
	s2 =	sshrl.u32 s2, $0x11;
	[dreg:$0x6] =	wrdreg s26;
	s28 =	smul.u32 $0x900, s1  }
.Ltmp0:
0xb: {  	vm1 =	vcmask $0x1310;
	vm2 =	vcmask $0x1B18;
	vm3 =	vcmask $0x300;
	s0 =	smax.u32 s0, $0x1;
	[dreg:$0x7] =	wrdreg s2;
	(pc) =	sbr.rel .LBB2_1-.Ltmp0, $4  }
0xc: {  	vm4 =	vcmask $0x2320;
	vm5 =	vcmask $0x2B28;
	v2 =	vadd.s32 $0x48, v3;
	[dreg:$0x9] =	wrdreg s0;
	s30 =	smul.u32 $0x30, s1  }
0xd: {  	v1 =	vunpack.c.l.s4.s8 v1;
	[tilespmem:$0x1FFD0] =	vst v2;
	v2 =	vmul.u32 $0x2, v0;
	v0 =	vadd.s32 $0x38, v3;
	[dreg:$0x8] =	wrdreg s28;
	s29 =	sshrl.u32 s6, $0x2  }
0xe: {  	vm6 =	vcmask $0x3330;
	vm7 =	vcmask $0x3B38;
	[tilespmem:$0x1FFE0] =	vst v0;
	v0 =	vadd.s32 $0x28, v3;
	[dreg:$0xa] =	wrdreg s30;
	s31 =	sadd.s32 $0xBC70, s29  }
0xf: {  	vm8 =	vmmov $0xff;
	v45 =	vimm.s32 $0xFFFFFFE8;
	v48 =	vunpack.c.0.s8.s32 v1;
	s2 =	simm.s32 $0x0;
	[tilespmem:$0x1FFF0] =	vst v0;
	[dreg:$0xb] =	wrdreg s31  }
.LBB2_11:
0x10: {  	s1 =	simm.s32 $0x1  }
0x11: {  	_ =	swait.ge [sflag:s1], $0x4800  }
0x12: {  	[sflag:s1] =	ssyncset.done $0x0  }
0x13: {  	[sflag:s1] =	ssyncadd.s32 $0xFFFFB800  }
0x14: {  	_ =	swait.ge [sflag:s1], $0x4800  }
0x15: {  	[sflag:s1] =	ssyncset.done $0x0  }
0x16: {  	[sflag:s1] =	ssyncadd.s32 $0xFFFFB800  }
0x17: {  	_ =	swait.ge [sflag:s1], $0x4800  }
0x18: {  	s2 =	rddreg [dreg:$0xc]  }
0x19: {  	s0 =	rddreg [dreg:$0x9];
	s2 =	sadd.s32 $0x1, s2  }
0x1a: {  	p0 =	sne.s32 s2, s0  }
.Ltmp1:
0x1b: {  	_ = 	snop;
	(pc) =	sbr.rel @!p0 .LBB2_12-.Ltmp1, $3  }
0x1c: {  	_ =	sdelay $0x1  }
0x1d: {  	[sflag:s1] =	ssyncset.done $0x0  }
0x1e: {  	[sflag:s1] =	ssyncadd.s32 $0xFFFFB800  }
.LBB2_1:
0x1f: {  	s0 =	rddreg [dreg:$0x5]  }
0x20: {  	[tilespmem:s5], [sflag:$0x2] =	stream.linear.gather [hbm4b:s0+s5], $0x3380, $0x38;
	[tilespmem:$0x19D00] =	vst v63  }
.Ltmp2:
0x21: {  	[dreg:$0xc] =	wrdreg s2;
	s31 =	simm.s32 $0x2;
	(pc) =	sbr.rel .LBB2_2-.Ltmp2, $4  }
0x22: {  	_ =	swait.ge [sflag:s31], $0x3380  }
0x23: {  	s14 =	rddreg [dreg:$0xb]  }
0x24: {  	s15 =	simm.s32 $0x0;
	[sflag:s31] =	ssyncset.done $0x0;
	s20 =	rddreg [dreg:$0xa]  }
0x25: {  	s1 =	simm.s32 $0x0;
	s21 =	rddreg [dreg:$0x8];
	[sflag:s31] =	ssyncadd.s32 $0xFFFFCC80  }
.LBB2_5:
0x26: {  	s14 =	rddreg [dreg:$0xd]  }
0x27: {  	s15 =	rddreg [dreg:$0x10]  }
.LBB2_10:
0x28: {  	s1 =	rddreg [dreg:$0x11]  }
0x29: {  	s1 =	sadd.s32 $0x1, s1  }
0x2a: {  	p0 =	sne.s32 s1, $0x3  }
.Ltmp3:
0x2b: {  	_ = 	snop;
	(pc) =	sbr.rel @!p0 .LBB2_11-.Ltmp3, $2  }
0x2c: {  	_ =	sdelay $0x2  }
0x2d: {  	s21 =	sadd.s32 $0x900, s21;
	s20 =	sadd.s32 $0x30, s20;
	s14 =	sadd.s32 $0x900, s14  }
.LBB2_2:
0x2e: {  	s0 =	rddreg [dreg:$0x7]  }
0x2f: {  	[dreg:$0x10] =	wrdreg s15;
	s15 =	sadd.s32 s0, s1  }
0x30: {  	s0 =	smulhi.u32 $0xAAAAAAAB, s15;
	_ =	sdelay $0x1  }
0x31: {  	v39 =	vld [tilespmem:$0x1FFD0];
	s0 =	sshrl.u32 s0, $0x2  }
0x32: {  	[dreg:$0x14] =	wrdreg s0;
	s0 =	smul.u32 $0x1FFFFFFA, s0  }
0x33: {  	_ = 	snop  }
0x34: {  	s0 =	sadd.s32 s15, s0  }
0x35: {  	[dreg:$0x11] =	wrdreg s1;
	s1 =	sshll.u32 s0, $0x3  }
0x36: {  	v6 =	vadd.s32 s1, v39  }
0x37: {  	(v2sf) =	vpush v6, $0xD;
	_ =	sdelay $0x1  }
0x38: {  	(v2sf) =	vpush v6, $0xC;
	_ =	sdelay $0x1  }
0x39: {  	(v2sf) =	vpush v6, $0xE;
	_ =	sdelay $0x1  }
0x3a: {  	(v2sf) =	vpush v6, $0xF;
	_ =	sdelay $0x1  }
0x3b: {  	(v2sf) =	vpush v6, $0x9;
	_ =	sdelay $0x1  }
0x3c: {  	(v2sf) =	vpush v6, $0x8;
	_ =	sdelay $0x1  }
0x3d: {  	(v2sf) =	vpush v6, $0xA;
	_ =	sdelay $0x1  }
0x3e: {  	(v2sf) =	vpush v6, $0xB  }
0x3f: {  	s16 =	spop (v2sf)  }
0x40: {  	[dreg:$0x15] =	wrdreg s0;
	(v2sf) =	vpush v6, $0x0;
	s2 =	smulhi.u32 $0x2AAAAAAB, s16;
	s0 =	sshra.s32 s16, $0x1F  }
0x41: {  	s17 =	spop (v2sf);
	s4 =	smul.u32 $0x2AAAAAAB, s0  }
0x42: {  	(v2sf) =	vpush v6, $0x1;
	s3 =	smulhi.u32 $0x2AAAAAAB, s17;
	s0 =	sshra.s32 s17, $0x1F  }
0x43: {  	s18 =	spop (v2sf);
	s7 =	smul.u32 $0x2AAAAAAB, s0  }
0x44: {  	(v2sf) =	vpush v6, $0x2;
	s6 =	smulhi.u32 $0x2AAAAAAB, s18;
	s0 =	sshra.s32 s18, $0x1F  }
0x45: {  	s19 =	spop (v2sf);
	s9 =	smul.u32 $0x2AAAAAAB, s0  }
0x46: {  	[dreg:$0xe] =	wrdreg s20;
	(v2sf) =	vpush v6, $0x3;
	s8 =	smulhi.u32 $0x2AAAAAAB, s19;
	s0 =	sshra.s32 s19, $0x1F  }
0x47: {  	s20 =	spop (v2sf);
	s11 =	smul.u32 $0x2AAAAAAB, s0  }
0x48: {  	[dreg:$0xf] =	wrdreg s21;
	(v2sf) =	vpush v6, $0x4;
	s10 =	smulhi.u32 $0x2AAAAAAB, s20;
	s0 =	sshra.s32 s20, $0x1F  }
0x49: {  	s21 =	spop (v2sf);
	(v2sf) =	vpush v6, $0x5;
	s13 =	smul.u32 $0x2AAAAAAB, s0  }
0x4a: {  	[dreg:$0x13] =	wrdreg s15;
	s12 =	smulhi.u32 $0x2AAAAAAB, s21;
	s0 =	sshra.s32 s21, $0x1F  }
0x4b: {  	s22 =	spop (v2sf);
	s15 =	smul.u32 $0x2AAAAAAB, s0  }
0x4c: {  	[dreg:$0xd] =	wrdreg s14;
	s14 =	smulhi.u32 $0x2AAAAAAB, s22;
	s0 =	sshra.s32 s22, $0x1F  }
0x4d: {  	(v2sf) =	vpush v6, $0x6;
	s23 =	spop (v2sf);
	s17 =	smul.u32 $0x2AAAAAAB, s0  }
0x4e: {  	s16 =	smulhi.u32 $0x2AAAAAAB, s23;
	s0 =	sshra.s32 s23, $0x1F  }
0x4f: {  	v38 =	vld [tilespmem:$0x1FFE0];
	s19 =	smul.u32 $0x2AAAAAAB, s0;
	s24 =	spop (v2sf)  }
0x50: {  	s18 =	smulhi.u32 $0x2AAAAAAB, s24;
	s0 =	sshra.s32 s24, $0x1F  }
0x51: {  	(v2sf) =	vpush v6, $0x7;
	s25 =	spop (v2sf);
	s21 =	smul.u32 $0x2AAAAAAB, s0  }
0x52: {  	s20 =	smulhi.u32 $0x2AAAAAAB, s25;
	s0 =	sshra.s32 s25, $0x1F  }
0x53: {  	s26 =	spop (v2sf);
	s24 =	smul.u32 $0x2AAAAAAB, s0  }
0x54: {  	v8 =	vadd.s32 s1, v38;
	s22 =	smulhi.u32 $0x2AAAAAAB, s26;
	s0 =	sshra.s32 s26, $0x1F  }
0x55: {  	(v2sf) =	vpush v8, $0xD;
	s23 =	spop (v2sf);
	s26 =	smul.u32 $0x2AAAAAAB, s0  }
0x56: {  	s25 =	smulhi.u32 $0x2AAAAAAB, s23;
	s0 =	sshra.s32 s23, $0x1F  }
0x57: {  	s23 =	spop (v2sf);
	s29 =	smul.u32 $0x2AAAAAAB, s0  }
0x58: {  	s28 =	smulhi.u32 $0x2AAAAAAB, s23;
	s0 =	sshra.s32 s23, $0x1F;
	s23 =	spop (v2sf)  }
0x59: {  	(v2sf) =	vpush v8, $0xC;
	s31 =	smul.u32 $0x2AAAAAAB, s0;
	s0 =	sshra.s32 s23, $0x1F  }
0x5a: {  	s0 =	smul.u32 $0x2AAAAAAB, s0  }
0x5b: {  	s30 =	smulhi.u32 $0x2AAAAAAB, s23  }
0x5c: {  	[smem:$0x5C3] =	sst s0;
	s0 =	spop (v2sf)  }
0x5d: {  	(v2sf) =	vpush v8, $0xE;
	s23 =	smulhi.u32 $0x2AAAAAAB, s0;
	s0 =	sshra.s32 s0, $0x1F  }
0x5e: {  	s0 =	smul.u32 $0x2AAAAAAB, s0;
	_ =	sdelay $0x1  }
0x5f: {  	[smem:$0x5C5] =	sst s0;
	s0 =	spop (v2sf)  }
0x60: {  	(v2sf) =	vpush v8, $0xF;
	[smem:$0x5C4] =	sst s23;
	s23 =	smulhi.u32 $0x2AAAAAAB, s0;
	s0 =	sshra.s32 s0, $0x1F  }
0x61: {  	s0 =	smul.u32 $0x2AAAAAAB, s0;
	_ =	sdelay $0x1  }
0x62: {  	[smem:$0x5C7] =	sst s0;
	s0 =	spop (v2sf)  }
0x63: {  	(v2sf) =	vpush v8, $0x9;
	[smem:$0x5C6] =	sst s23;
	s23 =	smulhi.u32 $0x2AAAAAAB, s0;
	s0 =	sshra.s32 s0, $0x1F  }
0x64: {  	s0 =	smul.u32 $0x2AAAAAAB, s0;
	_ =	sdelay $0x1  }
0x65: {  	[smem:$0x5C9] =	sst s0;
	s0 =	spop (v2sf)  }
0x66: {  	(v2sf) =	vpush v8, $0x8;
	[smem:$0x5C8] =	sst s23;
	s23 =	smulhi.u32 $0x2AAAAAAB, s0;
	s0 =	sshra.s32 s0, $0x1F  }
0x67: {  	s0 =	smul.u32 $0x2AAAAAAB, s0;
	_ =	sdelay $0x1  }
0x68: {  	[smem:$0x5CB] =	sst s0;
	s0 =	spop (v2sf)  }
0x69: {  	(v2sf) =	vpush v8, $0xA;
	[smem:$0x5CA] =	sst s23;
	s23 =	smulhi.u32 $0x2AAAAAAB, s0;
	s0 =	sshra.s32 s0, $0x1F  }
0x6a: {  	s0 =	smul.u32 $0x2AAAAAAB, s0;
	_ =	sdelay $0x1  }
0x6b: {  	[smem:$0x5CD] =	sst s0;
	s0 =	spop (v2sf)  }
0x6c: {  	(v2sf) =	vpush v8, $0xB;
	[smem:$0x5CC] =	sst s23;
	s23 =	smulhi.u32 $0x2AAAAAAB, s0;
	s0 =	sshra.s32 s0, $0x1F  }
0x6d: {  	s0 =	smul.u32 $0x2AAAAAAB, s0;
	_ =	sdelay $0x1  }
0x6e: {  	[smem:$0x5CF] =	sst s0;
	s0 =	spop (v2sf)  }
0x6f: {  	(v2sf) =	vpush v8, $0x0;
	[smem:$0x5CE] =	sst s23;
	s23 =	smulhi.u32 $0x2AAAAAAB, s0;
	s0 =	sshra.s32 s0, $0x1F  }
0x70: {  	s0 =	smul.u32 $0x2AAAAAAB, s0;
	_ =	sdelay $0x1  }
0x71: {  	[smem:$0x5D1] =	sst s0;
	s0 =	spop (v2sf)  }
0x72: {  	(v2sf) =	vpush v8, $0x1;
	[smem:$0x5D0] =	sst s23;
	s23 =	smulhi.u32 $0x2AAAAAAB, s0;
	s0 =	sshra.s32 s0, $0x1F  }
0x73: {  	s0 =	smul.u32 $0x2AAAAAAB, s0;
	_ =	sdelay $0x1  }
0x74: {  	[smem:$0x5D3] =	sst s0;
	s0 =	spop (v2sf)  }
0x75: {  	(v2sf) =	vpush v8, $0x2;
	[smem:$0x5D2] =	sst s23;
	s23 =	smulhi.u32 $0x2AAAAAAB, s0;
	s0 =	sshra.s32 s0, $0x1F  }
0x76: {  	s0 =	smul.u32 $0x2AAAAAAB, s0;
	_ =	sdelay $0x1  }
0x77: {  	[smem:$0x5D5] =	sst s0;
	s0 =	spop (v2sf)  }
0x78: {  	(v2sf) =	vpush v8, $0x3;
	[smem:$0x5D4] =	sst s23;
	s23 =	smulhi.u32 $0x2AAAAAAB, s0;
	s0 =	sshra.s32 s0, $0x1F  }
0x79: {  	s0 =	smul.u32 $0x2AAAAAAB, s0;
	_ =	sdelay $0x1  }
0x7a: {  	[smem:$0x5D7] =	sst s0;
	s0 =	spop (v2sf)  }
0x7b: {  	(v2sf) =	vpush v8, $0x4;
	[smem:$0x5D6] =	sst s23;
	s23 =	smulhi.u32 $0x2AAAAAAB, s0;
	s0 =	sshra.s32 s0, $0x1F  }
0x7c: {  	s0 =	smul.u32 $0x2AAAAAAB, s0;
	_ =	sdelay $0x1  }
0x7d: {  	[smem:$0x5D9] =	sst s0;
	s0 =	spop (v2sf)  }
0x7e: {  	(v2sf) =	vpush v8, $0x5;
	[smem:$0x5D8] =	sst s23;
	s23 =	smulhi.u32 $0x2AAAAAAB, s0;
	s0 =	sshra.s32 s0, $0x1F  }
0x7f: {  	s0 =	smul.u32 $0x2AAAAAAB, s0;
	_ =	sdelay $0x1  }
0x80: {  	[smem:$0x5DB] =	sst s0;
	s0 =	spop (v2sf)  }
0x81: {  	(v2sf) =	vpush v8, $0x6;
	[smem:$0x5DA] =	sst s23;
	s23 =	smulhi.u32 $0x2AAAAAAB, s0;
	s0 =	sshra.s32 s0, $0x1F  }
0x82: {  	s0 =	smul.u32 $0x2AAAAAAB, s0  }
0x83: {  	v1 =	vld [tilespmem:$0x1FFF0]  }
0x84: {  	[smem:$0x5DD] =	sst s0;
	s0 =	spop (v2sf)  }
0x85: {  	(v2sf) =	vpush v8, $0x7;
	[smem:$0x5DC] =	sst s23;
	s23 =	smulhi.u32 $0x2AAAAAAB, s0;
	s0 =	sshra.s32 s0, $0x1F  }
0x86: {  	s0 =	smul.u32 $0x2AAAAAAB, s0;
	_ =	sdelay $0x1  }
0x87: {  	v9 =	vadd.s32 s1, v1;
	[smem:$0x5DF] =	sst s0;
	s0 =	spop (v2sf)  }
0x88: {  	(v2sf) =	vpush v9, $0xD;
	[smem:$0x5DE] =	sst s23;
	s23 =	smulhi.u32 $0x2AAAAAAB, s0;
	s0 =	sshra.s32 s0, $0x1F  }
0x89: {  	s0 =	smul.u32 $0x2AAAAAAB, s0;
	_ =	sdelay $0x1  }
0x8a: {  	[smem:$0x5E1] =	sst s0;
	s0 =	spop (v2sf)  }
0x8b: {  	(v2sf) =	vpush v9, $0xC;
	[smem:$0x5E0] =	sst s23;
	s23 =	smulhi.u32 $0x2AAAAAAB, s0;
	s0 =	sshra.s32 s0, $0x1F  }
0x8c: {  	s0 =	smul.u32 $0x2AAAAAAB, s0;
	_ =	sdelay $0x1  }
0x8d: {  	[smem:$0x5E3] =	sst s0;
	s0 =	spop (v2sf)  }
0x8e: {  	(v2sf) =	vpush v9, $0xE;
	[smem:$0x5E2] =	sst s23;
	s23 =	smulhi.u32 $0x2AAAAAAB, s0;
	s0 =	sshra.s32 s0, $0x1F  }
0x8f: {  	s0 =	smul.u32 $0x2AAAAAAB, s0;
	_ =	sdelay $0x1  }
0x90: {  	[smem:$0x5E5] =	sst s0;
	s0 =	spop (v2sf)  }
0x91: {  	(v2sf) =	vpush v9, $0xF;
	[smem:$0x5E4] =	sst s23;
	s23 =	smulhi.u32 $0x2AAAAAAB, s0;
	s0 =	sshra.s32 s0, $0x1F  }
0x92: {  	s0 =	smul.u32 $0x2AAAAAAB, s0;
	_ =	sdelay $0x1  }
0x93: {  	[smem:$0x5E7] =	sst s0;
	s0 =	spop (v2sf)  }
0x94: {  	(v2sf) =	vpush v9, $0x9;
	[smem:$0x5E6] =	sst s23;
	s23 =	smulhi.u32 $0x2AAAAAAB, s0;
	s0 =	sshra.s32 s0, $0x1F  }
0x95: {  	s0 =	smul.u32 $0x2AAAAAAB, s0;
	_ =	sdelay $0x1  }
0x96: {  	[smem:$0x5E9] =	sst s0;
	s0 =	spop (v2sf)  }
0x97: {  	(v2sf) =	vpush v9, $0x8;
	[smem:$0x5E8] =	sst s23;
	s23 =	smulhi.u32 $0x2AAAAAAB, s0;
	s0 =	sshra.s32 s0, $0x1F  }
0x98: {  	s0 =	smul.u32 $0x2AAAAAAB, s0;
	_ =	sdelay $0x1  }
0x99: {  	[smem:$0x5EB] =	sst s0;
	s0 =	spop (v2sf)  }
0x9a: {  	(v2sf) =	vpush v9, $0xA;
	[smem:$0x5EA] =	sst s23;
	s23 =	smulhi.u32 $0x2AAAAAAB, s0;
	s0 =	sshra.s32 s0, $0x1F  }
0x9b: {  	s0 =	smul.u32 $0x2AAAAAAB, s0  }
0x9c: {  	[dreg:$0x12] =	wrdreg s1  }
0x9d: {  	s4 =	sadd.s32 s4, s2;
	[smem:$0x5ED] =	sst s0;
	s0 =	spop (v2sf)  }
0x9e: {  	(v2sf) =	vpush v9, $0xB;
	[smem:$0x5EC] =	sst s23;
	s23 =	smulhi.u32 $0x2AAAAAAB, s0;
	s0 =	sshra.s32 s0, $0x1F  }
0x9f: {  	[smem:$0x619] =	sst s4;
	s7 =	sadd.s32 s7, s3;
	s0 =	smul.u32 $0x2AAAAAAB, s0  }
0xa0: {  	[smem:$0x618] =	sst s7  }
0xa1: {  	s9 =	sadd.s32 s9, s6;
	[smem:$0x5EF] =	sst s0;
	s0 =	spop (v2sf)  }
0xa2: {  	(v2sf) =	vpush v9, $0x0;
	[smem:$0x5EE] =	sst s23;
	s23 =	smulhi.u32 $0x2AAAAAAB, s0;
	s0 =	sshra.s32 s0, $0x1F  }
0xa3: {  	[smem:$0x61B] =	sst s9;
	s9 =	sadd.s32 s11, s8;
	s0 =	smul.u32 $0x2AAAAAAB, s0  }
0xa4: {  	[smem:$0x61D] =	sst s9  }
0xa5: {  	s10 =	sadd.s32 s13, s10;
	[smem:$0x5F1] =	sst s0;
	s0 =	spop (v2sf)  }
0xa6: {  	(v2sf) =	vpush v9, $0x1;
	[smem:$0x5F0] =	sst s23;
	s23 =	smulhi.u32 $0x2AAAAAAB, s0;
	s0 =	sshra.s32 s0, $0x1F  }
0xa7: {  	[smem:$0x620] =	sst s10;
	s12 =	sadd.s32 s15, s12;
	s0 =	smul.u32 $0x2AAAAAAB, s0  }
0xa8: {  	[smem:$0x61E] =	sst s12  }
0xa9: {  	s13 =	sadd.s32 s17, s14;
	[smem:$0x5F3] =	sst s0;
	s0 =	spop (v2sf)  }
0xaa: {  	(v2sf) =	vpush v9, $0x2;
	[smem:$0x5F2] =	sst s23;
	s23 =	smulhi.u32 $0x2AAAAAAB, s0;
	s0 =	sshra.s32 s0, $0x1F  }
0xab: {  	[smem:$0x622] =	sst s13;
	s15 =	sadd.s32 s19, s16;
	s0 =	smul.u32 $0x2AAAAAAB, s0  }
0xac: {  	[smem:$0x624] =	sst s15  }
0xad: {  	s16 =	sadd.s32 s21, s18;
	[smem:$0x5F5] =	sst s0;
	s0 =	spop (v2sf)  }
0xae: {  	(v2sf) =	vpush v9, $0x3;
	[smem:$0x5F4] =	sst s23;
	s23 =	smulhi.u32 $0x2AAAAAAB, s0;
	s0 =	sshra.s32 s0, $0x1F  }
0xaf: {  	[smem:$0x617] =	sst s16;
	s0 =	smul.u32 $0x2AAAAAAB, s0  }
0xb0: {  	[smem:$0x5F6] =	sst s23  }
0xb1: {  	s18 =	sadd.s32 s24, s20;
	[smem:$0x5F7] =	sst s0;
	s0 =	spop (v2sf)  }
0xb2: {  	(v2sf) =	vpush v9, $0x4;
	s23 =	sor.u32 $0x1, s1;
	s1 =	smulhi.u32 $0x2AAAAAAB, s0;
	s0 =	sshra.s32 s0, $0x1F  }
0xb3: {  	[smem:$0x61A] =	sst s18;
	s21 =	sadd.s32 s26, s22;
	s0 =	smul.u32 $0x2AAAAAAB, s0  }
0xb4: {  	[smem:$0x61C] =	sst s21;
	(v2sf) =	vpush v9, $0x5  }
0xb5: {  	s24 =	sadd.s32 s29, s25;
	(v2sf) =	vpush v9, $0x6;
	[smem:$0x5F9] =	sst s0;
	s0 =	spop (v2sf)  }
0xb6: {  	[smem:$0x5F8] =	sst s1;
	s1 =	smulhi.u32 $0x2AAAAAAB, s0;
	s0 =	sshra.s32 s0, $0x1F  }
0xb7: {  	[smem:$0x61F] =	sst s24;
	s26 =	sadd.s32 s31, s28;
	(v2sf) =	vpush v9, $0x7;
	v10 =	vadd.s32 s23, v39;
	s0 =	smul.u32 $0x2AAAAAAB, s0  }
0xb8: {  	[smem:$0x621] =	sst s26;
	(v2sf) =	vpush v10, $0xD  }
0xb9: {  	[smem:$0x5FB] =	sst s0;
	s0 =	spop (v2sf)  }
0xba: {  	(v2sf) =	vpush v10, $0xC;
	[smem:$0x5FA] =	sst s1;
	s1 =	smulhi.u32 $0x2AAAAAAB, s0;
	s0 =	sshra.s32 s0, $0x1F  }
0xbb: {  	s15 =	sld [smem:$0x5C5];
	s0 =	smul.u32 $0x2AAAAAAB, s0  }
0xbc: {  	s18 =	sld [smem:$0x5C7]  }
0xbd: {  	[smem:$0x5FD] =	sst s0;
	s0 =	spop (v2sf)  }
0xbe: {  	[smem:$0x5FC] =	sst s1;
	s1 =	smulhi.u32 $0x2AAAAAAB, s0;
	s0 =	sshra.s32 s0, $0x1F  }
0xbf: {  	s21 =	sld [smem:$0x5C8];
	s0 =	smul.u32 $0x2AAAAAAB, s0  }
0xc0: {  	s26 =	sld [smem:$0x5CB]  }
0xc1: {  	[smem:$0x5FF] =	sst s0;
	s0 =	spop (v2sf)  }
0xc2: {  	(v2sf) =	vpush v10, $0xE;
	[smem:$0x5FE] =	sst s1;
	s1 =	smulhi.u32 $0x2AAAAAAB, s0;
	s0 =	sshra.s32 s0, $0x1F  }
0xc3: {  	s2 =	spop (v2sf);
	s4 =	smul.u32 $0x2AAAAAAB, s0  }
0xc4: {  	s3 =	smulhi.u32 $0x2AAAAAAB, s2;
	s0 =	sshra.s32 s2, $0x1F;
	s2 =	spop (v2sf)  }
0xc5: {  	[smem:$0x600] =	sst s1;
	s7 =	smul.u32 $0x2AAAAAAB, s0;
	s0 =	sshra.s32 s2, $0x1F  }
0xc6: {  	s11 =	spop (v2sf);
	s8 =	smul.u32 $0x2AAAAAAB, s0  }
0xc7: {  	s9 =	smulhi.u32 $0x2AAAAAAB, s11;
	s0 =	sshra.s32 s11, $0x1F;
	s14 =	spop (v2sf)  }
0xc8: {  	s11 =	sld [smem:$0x5C3];
	s12 =	smul.u32 $0x2AAAAAAB, s0  }
0xc9: {  	(v2sf) =	vpush v10, $0xF;
	s10 =	smulhi.u32 $0x2AAAAAAB, s14;
	s17 =	spop (v2sf)  }
0xca: {  	s0 =	sshra.s32 s14, $0x1F;
	s14 =	sld [smem:$0x5C4];
	s20 =	smulhi.u32 $0x2AAAAAAB, s17  }
0xcb: {  	s19 =	smul.u32 $0x2AAAAAAB, s0;
	s0 =	sshra.s32 s17, $0x1F;
	s17 =	sld [smem:$0x5C6]  }
0xcc: {  	s1 =	sadd.s32 s11, s30;
	[smem:$0x601] =	sst s20  }
0xcd: {  	s0 =	smul.u32 $0x2AAAAAAB, s0;
	[smem:$0x623] =	sst s1  }
0xce: {  	s12 =	sadd.s32 s12, s9;
	s1 =	sadd.s32 s15, s14;
	s14 =	sld [smem:$0x5CD]  }
0xcf: {  	[smem:$0x646] =	sst s12  }
0xd0: {  	(v2sf) =	vpush v10, $0x9;
	[smem:$0x602] =	sst s0  }
0xd1: {  	s22 =	spop (v2sf);
	[smem:$0x625] =	sst s1  }
0xd2: {  	s25 =	smulhi.u32 $0x2AAAAAAB, s22;
	s0 =	sshra.s32 s22, $0x1F;
	s22 =	sld [smem:$0x5C9]  }
0xd3: {  	(v2sf) =	vpush v10, $0x8;
	s1 =	sadd.s32 s18, s17;
	s17 =	sld [smem:$0x5CF]  }
0xd4: {  	[smem:$0x603] =	sst s25  }
0xd5: {  	s0 =	smul.u32 $0x2AAAAAAB, s0;
	[smem:$0x626] =	sst s1  }
0xd6: {  	s25 =	sld [smem:$0x5CA]  }
0xd7: {  	s6 =	smulhi.u32 $0x2AAAAAAB, s2;
	[smem:$0x604] =	sst s0  }
0xd8: {  	s2 =	spop (v2sf);
	s1 =	sadd.s32 s22, s21;
	s21 =	sld [smem:$0x5D1]  }
0xd9: {  	(v2sf) =	vpush v10, $0xA;
	s13 =	smulhi.u32 $0x2AAAAAAB, s2;
	s0 =	sshra.s32 s2, $0x1F;
	s2 =	sld [smem:$0x5D4]  }
0xda: {  	[smem:$0x628] =	sst s1  }
0xdb: {  	(v2sf) =	vpush v10, $0xB;
	s1 =	sadd.s32 s26, s25;
	s25 =	sld [smem:$0x5D3]  }
0xdc: {  	[smem:$0x605] =	sst s13  }
0xdd: {  	s0 =	smul.u32 $0x2AAAAAAB, s0;
	[smem:$0x629] =	sst s1  }
0xde: {  	s13 =	sld [smem:$0x5CC]  }
0xdf: {  	[smem:$0x606] =	sst s0;
	s16 =	spop (v2sf)  }
0xe0: {  	s20 =	smulhi.u32 $0x2AAAAAAB, s16;
	s0 =	sshra.s32 s16, $0x1F;
	s16 =	sld [smem:$0x5CE]  }
0xe1: {  	(v2sf) =	vpush v10, $0x0;
	s1 =	sadd.s32 s14, s13;
	s14 =	sld [smem:$0x5D6]  }
0xe2: {  	s24 =	spop (v2sf);
	[smem:$0x607] =	sst s20  }
0xe3: {  	s0 =	smul.u32 $0x2AAAAAAB, s0;
	[smem:$0x62C] =	sst s1  }
0xe4: {  	s11 =	smulhi.u32 $0x2AAAAAAB, s24;
	s20 =	sld [smem:$0x5D0]  }
0xe5: {  	[smem:$0x608] =	sst s0  }
0xe6: {  	[smem:$0x609] =	sst s11  }
0xe7: {  	(v2sf) =	vpush v10, $0x1;
	s0 =	sshra.s32 s24, $0x1F;
	s24 =	sld [smem:$0x5D2]  }
0xe8: {  	s15 =	spop (v2sf);
	s11 =	sld [smem:$0x5D5]  }
0xe9: {  	s18 =	smulhi.u32 $0x2AAAAAAB, s15;
	s1 =	sadd.s32 s17, s16;
	s17 =	sld [smem:$0x5D8]  }
0xea: {  	s22 =	spop (v2sf);
	[smem:$0x62F] =	sst s1  }
0xeb: {  	s26 =	smulhi.u32 $0x2AAAAAAB, s22;
	[smem:$0x60B] =	sst s18  }
0xec: {  	s18 =	sld [smem:$0x5D9]  }
0xed: {  	[smem:$0x60D] =	sst s26  }
0xee: {  	s0 =	smul.u32 $0x2AAAAAAB, s0;
	s1 =	sadd.s32 s21, s20;
	s21 =	sld [smem:$0x5DA]  }
0xef: {  	(v2sf) =	vpush v10, $0x2;
	s26 =	sld [smem:$0x5DD]  }
0xf0: {  	s13 =	spop (v2sf);
	[smem:$0x60A] =	sst s0  }
0xf1: {  	s16 =	smulhi.u32 $0x2AAAAAAB, s13;
	[smem:$0x62D] =	sst s1  }
0xf2: {  	s0 =	sshra.s32 s15, $0x1F;
	s15 =	sld [smem:$0x5D7]  }
0xf3: {  	[smem:$0x60F] =	sst s16  }
0xf4: {  	s1 =	sadd.s32 s25, s24;
	s25 =	sld [smem:$0x5DC]  }
0xf5: {  	s16 =	sld [smem:$0x5E0]  }
0xf6: {  	s20 =	spop (v2sf);
	[smem:$0x62A] =	sst s1  }
0xf7: {  	(v2sf) =	vpush v10, $0x3;
	s24 =	smulhi.u32 $0x2AAAAAAB, s20;
	s1 =	sadd.s32 s11, s2;
	s2 =	sld [smem:$0x5E6]  }
0xf8: {  	[smem:$0x630] =	sst s1  }
0xf9: {  	s0 =	smul.u32 $0x2AAAAAAB, s0;
	[smem:$0x611] =	sst s24  }
0xfa: {  	s24 =	sld [smem:$0x5E4]  }
0xfb: {  	[smem:$0x60C] =	sst s0  }
0xfc: {  	s0 =	sshra.s32 s22, $0x1F;
	s22 =	sld [smem:$0x5DB]  }
0xfd: {  	s1 =	sadd.s32 s15, s14;
	s14 =	sld [smem:$0x5DF]  }
0xfe: {  	(v2sf) =	vpush v10, $0x4;
	s11 =	spop (v2sf);
	[smem:$0x632] =	sst s1  }
0xff: {  	s15 =	smulhi.u32 $0x2AAAAAAB, s11;
	s1 =	sadd.s32 s18, s17;
	s17 =	sld [smem:$0x5E1]  }
0x100: {  	[smem:$0x627] =	sst s1  }
0x101: {  	s0 =	smul.u32 $0x2AAAAAAB, s0;
	[smem:$0x613] =	sst s15  }
0x102: {  	s15 =	sld [smem:$0x5E9]  }
0x103: {  	[smem:$0x60E] =	sst s0  }
0x104: {  	s0 =	sshra.s32 s13, $0x1F;
	s13 =	sld [smem:$0x5DE]  }
0x105: {  	s1 =	sadd.s32 s22, s21;
	s21 =	sld [smem:$0x5E3]  }
0x106: {  	s18 =	spop (v2sf);
	[smem:$0x62B] =	sst s1  }
0x107: {  	s22 =	smulhi.u32 $0x2AAAAAAB, s18;
	s1 =	sadd.s32 s26, s25;
	s25 =	sld [smem:$0x5E5]  }
0x108: {  	s0 =	smul.u32 $0x2AAAAAAB, s0;
	[smem:$0x62E] =	sst s1  }
0x109: {  	[smem:$0x615] =	sst s22  }
0x10a: {  	[smem:$0x610] =	sst s0  }
0x10b: {  	s0 =	sshra.s32 s20, $0x1F;
	s20 =	sld [smem:$0x5E2]  }
0x10c: {  	s1 =	sadd.s32 s14, s13;
	s14 =	sld [smem:$0x5E8]  }
0x10d: {  	(v2sf) =	vpush v10, $0x5;
	s26 =	spop (v2sf);
	[smem:$0x631] =	sst s1  }
0x10e: {  	s13 =	smulhi.u32 $0x2AAAAAAB, s26;
	s1 =	sadd.s32 s17, s16;
	s17 =	sld [smem:$0x5EA]  }
0x10f: {  	s0 =	smul.u32 $0x2AAAAAAB, s0;
	[smem:$0x633] =	sst s1  }
0x110: {  	(v2sf) =	vpush v10, $0x6;
	[smem:$0x616] =	sst s13  }
0x111: {  	(v2sf) =	vpush v10, $0x7;
	[smem:$0x612] =	sst s0  }
0x112: {  	s0 =	sshra.s32 s11, $0x1F;
	s11 =	sld [smem:$0x5E7]  }
0x113: {  	s1 =	sadd.s32 s21, s20;
	s20 =	sld [smem:$0x5EC]  }
0x114: {  	s21 =	sld [smem:$0x5ED]  }
0x115: {  	[smem:$0x634] =	sst s1  }
0x116: {  	s0 =	smul.u32 $0x2AAAAAAB, s0;
	s1 =	sadd.s32 s25, s24;
	s24 =	sld [smem:$0x5EE]  }
0x117: {  	[smem:$0x635] =	sst s1  }
0x118: {  	v7 =	vadd.s32 s23, v38;
	[smem:$0x614] =	sst s0  }
0x119: {  	(v2sf) =	vpush v7, $0xD;
	s0 =	sshra.s32 s18, $0x1F;
	s18 =	sld [smem:$0x5EB]  }
0x11a: {  	s1 =	sadd.s32 s11, s2;
	s2 =	sld [smem:$0x5F0]  }
0x11b: {  	s11 =	sld [smem:$0x5F1]  }
0x11c: {  	s16 =	spop (v2sf);
	[smem:$0x636] =	sst s1  }
0x11d: {  	s30 =	smul.u32 $0x2AAAAAAB, s0;
	s0 =	sshra.s32 s26, $0x1F;
	s26 =	sld [smem:$0x5EF]  }
0x11e: {  	s29 =	smulhi.u32 $0x2AAAAAAB, s16;
	s1 =	sadd.s32 s15, s14;
	s14 =	sld [smem:$0x5F2]  }
0x11f: {  	s22 =	spop (v2sf);
	s15 =	sld [smem:$0x5F3]  }
0x120: {  	s13 =	spop (v2sf);
	s31 =	sld [smem:$0x614]  }
0x121: {  	[smem:$0x638] =	sst s1;
	s28 =	smul.u32 $0x2AAAAAAB, s0;
	s0 =	sshra.s32 s16, $0x1F  }
0x122: {  	s16 =	sld [smem:$0x5F4];
	s1 =	sadd.s32 s18, s17;
	s25 =	smul.u32 $0x2AAAAAAB, s0  }
0x123: {  	(v2sf) =	vpush v7, $0xC;
	s0 =	sshra.s32 s22, $0x1F;
	[smem:$0x63A] =	sst s1;
	s1 =	sadd.s32 s21, s20  }
0x124: {  	[smem:$0x63C] =	sst s1;
	s1 =	sadd.s32 s26, s24;
	s26 =	smulhi.u32 $0x2AAAAAAB, s22  }
0x125: {  	(v2sf) =	vpush v7, $0xE;
	s17 =	sld [smem:$0x5F5];
	s22 =	smul.u32 $0x2AAAAAAB, s0  }
0x126: {  	s24 =	smulhi.u32 $0x2AAAAAAB, s13;
	s0 =	sshra.s32 s13, $0x1F;
	s13 =	sld [smem:$0x5F8]  }
0x127: {  	[smem:$0x641] =	sst s1  }
0x128: {  	s18 =	spop (v2sf);
	s1 =	sadd.s32 s11, s2;
	s2 =	sld [smem:$0x5F6]  }
0x129: {  	s21 =	smulhi.u32 $0x2AAAAAAB, s18;
	s11 =	sld [smem:$0x5F7]  }
0x12a: {  	(v2sf) =	vpush v7, $0xF;
	s20 =	smul.u32 $0x2AAAAAAB, s0;
	s0 =	sshra.s32 s18, $0x1F;
	s18 =	sld [smem:$0x5FB]  }
0x12b: {  	[smem:$0x63F] =	sst s1  }
0x12c: {  	s1 =	sadd.s32 s15, s14;
	s14 =	sld [smem:$0x5F9]  }
0x12d: {  	[smem:$0x63D] =	sst s1  }
0x12e: {  	s1 =	sadd.s32 s17, s16;
	s16 =	sld [smem:$0x5FA]  }
0x12f: {  	(v2sf) =	vpush v7, $0x9;
	[smem:$0x642] =	sst s1  }
0x130: {  	s1 =	sadd.s32 s11, s2;
	s11 =	sld [smem:$0x5FC]  }
0x131: {  	(v2sf) =	vpush v7, $0x8;
	[smem:$0x644] =	sst s1  }
0x132: {  	s15 =	spop (v2sf);
	s1 =	sadd.s32 s14, s13;
	s13 =	sld [smem:$0x5FD]  }
0x133: {  	s17 =	smul.u32 $0x2AAAAAAB, s0;
	[smem:$0x637] =	sst s1;
	s1 =	sadd.s32 s18, s16  }
0x134: {  	s0 =	sshra.s32 s15, $0x1F;
	s14 =	spop (v2sf);
	[smem:$0x639] =	sst s1  }
0x135: {  	(v2sf) =	vpush v7, $0xA;
	s18 =	smulhi.u32 $0x2AAAAAAB, s15;
	s1 =	sadd.s32 s13, s11;
	s11 =	sld [smem:$0x5FE]  }
0x136: {  	s25 =	sadd.s32 s25, s29;
	s15 =	smul.u32 $0x2AAAAAAB, s0;
	s13 =	sld [smem:$0x5FF]  }
0x137: {  	s16 =	smulhi.u32 $0x2AAAAAAB, s14;
	s0 =	sshra.s32 s14, $0x1F;
	s14 =	sld [smem:$0x600]  }
0x138: {  	[smem:$0x653] =	sst s25  }
0x139: {  	s2 =	spop (v2sf);
	[smem:$0x63B] =	sst s1;
	s1 =	sadd.s32 s13, s11  }
0x13a: {  	s13 =	smul.u32 $0x2AAAAAAB, s0;
	[smem:$0x63E] =	sst s1;
	s1 =	sadd.s32 s4, s14  }
0x13b: {  	s4 =	sadd.s32 s7, s3;
	s7 =	sadd.s32 s8, s6;
	s6 =	sld [smem:$0x602]  }
0x13c: {  	(v2sf) =	vpush v7, $0xB;
	s0 =	sshra.s32 s2, $0x1F;
	s14 =	smulhi.u32 $0x2AAAAAAB, s2;
	[smem:$0x640] =	sst s1  }
0x13d: {  	s11 =	smul.u32 $0x2AAAAAAB, s0;
	[smem:$0x643] =	sst s4  }
0x13e: {  	s8 =	spop (v2sf);
	[smem:$0x645] =	sst s7  }
0x13f: {  	s12 =	smulhi.u32 $0x2AAAAAAB, s8;
	s4 =	sld [smem:$0x601]  }
0x140: {  	s0 =	sshra.s32 s8, $0x1F;
	s3 =	spop (v2sf);
	s7 =	sld [smem:$0x603]  }
0x141: {  	s2 =	sadd.s32 s19, s10;
	s8 =	sld [smem:$0x604];
	s9 =	smul.u32 $0x2AAAAAAB, s0  }
0x142: {  	s10 =	smulhi.u32 $0x2AAAAAAB, s3;
	s0 =	sshra.s32 s3, $0x1F;
	s3 =	sld [smem:$0x605]  }
0x143: {  	s1 =	sadd.s32 s6, s4;
	s4 =	sld [smem:$0x606]  }
0x144: {  	s19 =	spop (v2sf);
	s6 =	sld [smem:$0x607]  }
0x145: {  	[smem:$0x649] =	sst s1;
	s1 =	sadd.s32 s8, s7;
	s7 =	smul.u32 $0x2AAAAAAB, s0  }
0x146: {  	s8 =	smulhi.u32 $0x2AAAAAAB, s19;
	s0 =	sshra.s32 s19, $0x1F;
	s19 =	sld [smem:$0x608]  }
0x147: {  	[smem:$0x64A] =	sst s1  }
0x148: {  	s1 =	sadd.s32 s4, s3;
	s4 =	sld [smem:$0x609]  }
0x149: {  	[smem:$0x64C] =	sst s1  }
0x14a: {  	s22 =	sadd.s32 s22, s26;
	s1 =	sadd.s32 s19, s6;
	s19 =	sld [smem:$0x60A]  }
0x14b: {  	[smem:$0x655] =	sst s22;
	s3 =	spop (v2sf)  }
0x14c: {  	s6 =	smul.u32 $0x2AAAAAAB, s0;
	s0 =	sshra.s32 s3, $0x1F;
	[smem:$0x64E] =	sst s1  }
0x14d: {  	s1 =	sadd.s32 s19, s4;
	s4 =	smulhi.u32 $0x2AAAAAAB, s3;
	s3 =	sld [smem:$0x60B]  }
0x14e: {  	(v2sf) =	vpush v7, $0x0;
	s19 =	sld [smem:$0x60C]  }
0x14f: {  	[smem:$0x647] =	sst s2  }
0x150: {  	[smem:$0x64F] =	sst s1  }
0x151: {  	(v2sf) =	vpush v7, $0x1;
	s1 =	sadd.s32 s19, s3;
	s3 =	sld [smem:$0x60D]  }
0x152: {  	s19 =	sld [smem:$0x60E]  }
0x153: {  	[smem:$0x652] =	sst s1  }
0x154: {  	s20 =	sadd.s32 s20, s24;
	(v2sf) =	vpush v7, $0x2;
	s1 =	sld [smem:$0x60F]  }
0x155: {  	s2 =	smul.u32 $0x2AAAAAAB, s0;
	s0 =	sadd.s32 s19, s3;
	s19 =	sld [smem:$0x610]  }
0x156: {  	[smem:$0x656] =	sst s20  }
0x157: {  	(v2sf) =	vpush v7, $0x3;
	[smem:$0x654] =	sst s0  }
0x158: {  	s0 =	sadd.s32 s19, s1;
	s1 =	sld [smem:$0x611]  }
0x159: {  	s17 =	sadd.s32 s17, s21;
	(v2sf) =	vpush v7, $0x4;
	s19 =	sld [smem:$0x612]  }
0x15a: {  	[smem:$0x657] =	sst s17;
	s15 =	sadd.s32 s15, s18  }
0x15b: {  	[smem:$0x658] =	sst s15;
	(v2sf) =	vpush v7, $0x5  }
0x15c: {  	s13 =	sadd.s32 s13, s16;
	s1 =	sadd.s32 s19, s1;
	s19 =	sld [smem:$0x613]  }
0x15d: {  	v11 =	vadd.s32 s23, v1;
	(v2sf) =	vpush v7, $0x6;
	[smem:$0x659] =	sst s13;
	s11 =	sadd.s32 s11, s14;
	s23 =	spop (v2sf)  }
0x15e: {  	[smem:$0x65A] =	sst s11;
	s3 =	smulhi.u32 $0x2AAAAAAB, s23;
	s23 =	sshra.s32 s23, $0x1F  }
0x15f: {  	(v2sf) =	vpush v7, $0x7;
	s23 =	smul.u32 $0x2AAAAAAB, s23;
	s19 =	sadd.s32 s31, s19;
	s31 =	sld [smem:$0x615]  }
0x160: {  	[smem:$0x648] =	sst s0;
	s0 =	spop (v2sf)  }
0x161: {  	(v2sf) =	vpush v11, $0xD;
	[smem:$0x64B] =	sst s1;
	s1 =	smulhi.u32 $0x2AAAAAAB, s0;
	s0 =	sshra.s32 s0, $0x1F  }
0x162: {  	s0 =	smul.u32 $0x2AAAAAAB, s0;
	s30 =	sadd.s32 s30, s31;
	s31 =	sld [smem:$0x616]  }
0x163: {  	s9 =	sadd.s32 s9, s12;
	(v2sf) =	vpush v11, $0xC;
	[smem:$0x64D] =	sst s19;
	s19 =	spop (v2sf)  }
0x164: {  	[smem:$0x650] =	sst s30;
	s30 =	smulhi.u32 $0x2AAAAAAB, s19;
	s19 =	sshra.s32 s19, $0x1F  }
0x165: {  	[smem:$0x65B] =	sst s9;
	s19 =	smul.u32 $0x2AAAAAAB, s19;
	s28 =	sadd.s32 s28, s31  }
0x166: {  	s7 =	sadd.s32 s7, s10;
	(v2sf) =	vpush v11, $0xE;
	[smem:$0x651] =	sst s28;
	s28 =	spop (v2sf)  }
0x167: {  	[smem:$0x65C] =	sst s7;
	(v2sf) =	vpush v11, $0xF;
	s25 =	smulhi.u32 $0x2AAAAAAB, s28;
	s28 =	sshra.s32 s28, $0x1F  }
0x168: {  	s6 =	sadd.s32 s6, s8;
	s26 =	spop (v2sf);
	s22 =	smul.u32 $0x2AAAAAAB, s28  }
0x169: {  	s8 =	sld [smem:$0x61B];
	(v2sf) =	vpush v11, $0x9;
	s20 =	smulhi.u32 $0x2AAAAAAB, s26;
	s26 =	sshra.s32 s26, $0x1F  }
0x16a: {  	s17 =	smul.u32 $0x2AAAAAAB, s26;
	s26 =	spop (v2sf)  }
0x16b: {  	[smem:$0x65D] =	sst s6;
	(v2sf) =	vpush v11, $0x8;
	s15 =	smulhi.u32 $0x2AAAAAAB, s26;
	s24 =	sshra.s32 s26, $0x1F  }
0x16c: {  	s26 =	spop (v2sf);
	s13 =	smul.u32 $0x2AAAAAAB, s24  }
0x16d: {  	s2 =	sadd.s32 s2, s4;
	s11 =	smulhi.u32 $0x2AAAAAAB, s26;
	s18 =	sshra.s32 s26, $0x1F  }
0x16e: {  	s6 =	sshrl.u32 s8, $0x1F;
	s21 =	spop (v2sf);
	s9 =	smul.u32 $0x2AAAAAAB, s18  }
0x16f: {  	[smem:$0x65E] =	sst s2;
	s7 =	smulhi.u32 $0x2AAAAAAB, s21;
	s24 =	sshra.s32 s21, $0x1F  }
0x170: {  	s0 =	sadd.s32 s0, s1;
	(v2sf) =	vpush v11, $0xA;
	s14 =	spop (v2sf);
	s26 =	smul.u32 $0x2AAAAAAB, s24  }
0x171: {  	[smem:$0x65F] =	sst s0;
	s2 =	smulhi.u32 $0x2AAAAAAB, s14;
	s16 =	sshra.s32 s14, $0x1F  }
0x172: {  	s31 =	sadd.s32 s23, s3;
	s18 =	spop (v2sf);
	s3 =	smul.u32 $0x2AAAAAAB, s16  }
0x173: {  	s30 =	sadd.s32 s19, s30;
	s24 =	sadd.s32 s22, s25;
	s0 =	smulhi.u32 $0x2AAAAAAB, s18  }
0x174: {  	s21 =	sshra.s32 s18, $0x1F;
	[smem:$0x660] =	sst s24;
	s24 =	sadd.s32 s17, s20  }
0x175: {  	s20 =	sadd.s32 s9, s11;
	s1 =	smul.u32 $0x2AAAAAAB, s21;
	s23 =	spop (v2sf)  }
0x176: {  	s25 =	smulhi.u32 $0x2AAAAAAB, s23;
	s4 =	sshra.s32 s23, $0x1F;
	s12 =	spop (v2sf)  }
0x177: {  	s9 =	sld [smem:$0x617];
	s4 =	smul.u32 $0x2AAAAAAB, s4;
	s10 =	sshra.s32 s12, $0x1F  }
0x178: {  	s18 =	sadd.s32 s13, s15;
	s16 =	spop (v2sf);
	s15 =	smul.u32 $0x2AAAAAAB, s10  }
0x179: {  	s19 =	sadd.s32 s26, s7;
	s17 =	smulhi.u32 $0x2AAAAAAB, s16;
	s26 =	sshra.s32 s16, $0x1F  }
0x17a: {  	s21 =	sadd.s32 s3, s2;
	s7 =	smul.u32 $0x2AAAAAAB, s26;
	s10 =	spop (v2sf)  }
0x17b: {  	s11 =	smulhi.u32 $0x2AAAAAAB, s10;
	s13 =	sshra.s32 s10, $0x1F;
	s10 =	sld [smem:$0x618]  }
0x17c: {  	s22 =	sadd.s32 s1, s0;
	s2 =	sshrl.u32 s9, $0x3;
	s14 =	smulhi.u32 $0x2AAAAAAB, s12  }
0x17d: {  	s23 =	sadd.s32 s4, s25;
	s26 =	sadd.s32 s7, s17;
	s7 =	sld [smem:$0x619]  }
0x17e: {  	s12 =	sld [smem:$0x61A];
	s25 =	sadd.s32 s15, s14;
	s16 =	sshrl.u32 s10, $0x1F  }
0x17f: {  	s14 =	sshrl.u32 s9, $0x1F;
	s15 =	spop (v2sf);
	v3 =	vmov s16;
	s16 =	sld [smem:$0x61C]  }
0x180: {  	s1 =	smul.u32 $0x2AAAAAAB, s13;
	v0 =	vmov s14;
	s17 =	sshra.s32 s15, $0x1F;
	s3 =	sshrl.u32 s7, $0x1F  }
0x181: {  	s4 =	sshrl.u32 s12, $0x1F;
	s9 =	sld [smem:$0x620];
	v0 =	vnsel vm3, $0x0, v0;
	s0 =	smul.u32 $0x2AAAAAAB, s17;
	v3 =	vsel vm0, s3, v3  }
0x182: {  	s28 =	sadd.s32 s1, s11;
	v0 =	vsel vm0, s4, v0;
	v3 =	vsel vm1, s6, v3;
	s6 =	sld [smem:$0x61D];
	s11 =	sshrl.u32 s16, $0x1F  }
0x183: {  	s1 =	smulhi.u32 $0x2AAAAAAB, s15;
	v4 =	vsel vm1, s11, v0;
	s11 =	sld [smem:$0x61E]  }
0x184: {  	s15 =	sld [smem:$0x61F]  }
0x185: {  	s4 =	sld [smem:$0x622];
	s29 =	sadd.s32 s0, s1;
	s0 =	sshrl.u32 s12, $0x3  }
0x186: {  	s12 =	sld [smem:$0x625];
	s13 =	sshrl.u32 s6, $0x1F;
	s14 =	sshrl.u32 s11, $0x1F  }
0x187: {  	v0 =	vsel vm2, s13, v3;
	s13 =	sshrl.u32 s9, $0x1F;
	v3 =	vmov s14;
	s14 =	sld [smem:$0x621]  }
0x188: {  	s3 =	sshrl.u32 s4, $0x1F;
	v3 =	vsel vm0, s13, v3;
	s13 =	sld [smem:$0x623]  }
0x189: {  	s17 =	sshrl.u32 s15, $0x1F;
	v3 =	vsel vm1, s3, v3;
	s3 =	sld [smem:$0x624]  }
0x18a: {  	v4 =	vsel vm2, s17, v4;
	s17 =	sshrl.u32 s14, $0x1F  }
0x18b: {  	v5 =	vmov s2;
	s1 =	sshrl.u32 s10, $0x3;
	v4 =	vsel vm4, s17, v4;
	s17 =	sshrl.u32 s13, $0x1F  }
0x18c: {  	v12 =	vnsel vm3, $0x0, v5;
	s10 =	sld [smem:$0x626];
	v4 =	vsel vm5, s17, v4;
	s2 =	sshrl.u32 s3, $0x1F;
	s17 =	sshrl.u32 s12, $0x1F  }
0x18d: {  	s16 =	sshrl.u32 s16, $0x3;
	v5 =	vsel vm2, s2, v3;
	v3 =	vsel vm6, s17, v4;
	v4 =	vsel vm0, s0, v12  }
0x18e: {  	s8 =	sshrl.u32 s8, $0x3;
	v25 =	vmov s1;
	s1 =	sshrl.u32 s7, $0x3;
	s7 =	sshrl.u32 s15, $0x3;
	v4 =	vsel vm1, s16, v4  }
0x18f: {  	s15 =	sshrl.u32 s6, $0x3;
	s14 =	sshrl.u32 s14, $0x3;
	s17 =	sshrl.u32 s10, $0x1F;
	v4 =	vsel vm2, s7, v4  }
0x190: {  	s2 =	sshrl.u32 s11, $0x3;
	v12 =	vsel vm0, s1, v25;
	v3 =	vsel vm7, s17, v3;
	s17 =	sshrl.u32 s13, $0x3;
	s7 =	sld [smem:$0x627];
	v4 =	vsel vm4, s14, v4  }
0x191: {  	v13 =	vmov s2;
	v12 =	vsel vm1, s8, v12;
	s2 =	sshrl.u32 s3, $0x3;
	s3 =	sshrl.u32 s12, $0x3;
	s8 =	sld [smem:$0x628];
	v4 =	vsel vm5, s17, v4  }
0x192: {  	s6 =	sshrl.u32 s10, $0x3;
	v23 =	vsel vm2, s15, v12;
	s15 =	sld [smem:$0x62B];
	v4 =	vsel vm6, s3, v4  }
0x193: {  	s16 =	sshrl.u32 s4, $0x3;
	s4 =	sshrl.u32 s7, $0x1F;
	v19 =	vsel vm7, s6, v4;
	s6 =	sld [smem:$0x62A]  }
0x194: {  	v27 =	vmov s4;
	s4 =	sld [smem:$0x629]  }
0x195: {  	s11 =	sshrl.u32 s9, $0x3;
	s14 =	sld [smem:$0x62E];
	s9 =	sshrl.u32 s8, $0x1F  }
0x196: {  	v13 =	vsel vm0, s11, v13;
	s0 =	sshrl.u32 s8, $0x3;
	s8 =	sld [smem:$0x62D];
	s11 =	sshrl.u32 s6, $0x1F  }
0x197: {  	s10 =	sshrl.u32 s4, $0x1F;
	v28 =	vmov s11;
	s11 =	sld [smem:$0x62C]  }
0x198: {  	v4 =	vmov s10;
	s10 =	sld [smem:$0x62F]  }
0x199: {  	s12 =	sshrl.u32 s15, $0x1F;
	v12 =	vnsel vm3, $0x0, v27;
	v4 =	vsel vm0, s9, v4;
	s9 =	sld [smem:$0x630]  }
0x19a: {  	v26 =	vsel vm1, s16, v13;
	s17 =	sshrl.u32 s14, $0x1F;
	s16 =	sshrl.u32 s8, $0x1F;
	v12 =	vsel vm0, s12, v12  }
0x19b: {  	v14 =	vsel vm1, s17, v12;
	s17 =	sshrl.u32 s7, $0x3;
	s7 =	sld [smem:$0x632];
	s13 =	sshrl.u32 s11, $0x1F  }
0x19c: {  	v13 =	vsel vm0, s16, v28;
	s3 =	sshrl.u32 s10, $0x1F;
	v4 =	vsel vm1, s13, v4;
	s12 =	sshrl.u32 s9, $0x1F;
	s13 =	sld [smem:$0x631]  }
0x19d: {  	v30 =	vmov s17;
	s17 =	sshrl.u32 s4, $0x3;
	v12 =	vsel vm2, s3, v4;
	v4 =	vsel vm1, s12, v13;
	s12 =	sld [smem:$0x633]  }
0x19e: {  	v26 =	vsel vm2, s2, v26;
	s2 =	sshrl.u32 s11, $0x3;
	s1 =	sshrl.u32 s10, $0x3;
	s11 =	sld [smem:$0x634]  }
0x19f: {  	v31 =	vmov s17;
	s3 =	sshrl.u32 s7, $0x1F;
	s10 =	sld [smem:$0x635];
	s16 =	sshrl.u32 s13, $0x1F  }
0x1a0: {  	v29 =	vsel vm2, s16, v14;
	s16 =	sshrl.u32 s12, $0x1F;
	v14 =	vsel vm0, s0, v31;
	s0 =	sshrl.u32 s8, $0x3;
	s8 =	sld [smem:$0x636]  }
0x1a1: {  	v16 =	vsel vm2, s3, v4;
	v4 =	vsel vm4, s16, v29;
	s4 =	sshrl.u32 s11, $0x1F  }
0x1a2: {  	s15 =	sshrl.u32 s15, $0x3;
	s17 =	sshrl.u32 s14, $0x3;
	v13 =	vnsel vm3, $0x0, v30;
	s16 =	sshrl.u32 s10, $0x1F;
	v4 =	vsel vm5, s4, v4  }
0x1a3: {  	v13 =	vsel vm0, s15, v13;
	v4 =	vsel vm6, s16, v4;
	s14 =	sshrl.u32 s8, $0x1F;
	s16 =	sshrl.u32 s9, $0x3;
	s9 =	sld [smem:$0x637]  }
0x1a4: {  	s15 =	sshrl.u32 s6, $0x3;
	v13 =	vsel vm1, s17, v13;
	s17 =	sshrl.u32 s13, $0x3;
	v18 =	vsel vm7, s14, v4;
	v4 =	vsel vm1, s2, v14  }
0x1a5: {  	s13 =	sld [smem:$0x639];
	v13 =	vsel vm2, s17, v13;
	s6 =	sshrl.u32 s12, $0x3;
	v25 =	vsel vm2, s1, v4;
	v4 =	vmov s15  }
0x1a6: {  	v13 =	vsel vm4, s6, v13;
	s11 =	sshrl.u32 s11, $0x3;
	s1 =	sshrl.u32 s7, $0x3;
	s7 =	sshrl.u32 s9, $0x1F;
	v4 =	vsel vm0, s0, v4  }
0x1a7: {  	s12 =	sshrl.u32 s10, $0x3;
	s6 =	sld [smem:$0x63A];
	v13 =	vsel vm5, s11, v13;
	v32 =	vmov s7;
	v4 =	vsel vm1, s16, v4  }
0x1a8: {  	v14 =	vnsel vm3, $0x0, v32;
	v32 =	vsel vm2, s1, v4;
	v4 =	vsel vm6, s12, v13;
	s12 =	sld [smem:$0x63B]  }
0x1a9: {  	s10 =	sld [smem:$0x63C]  }
0x1aa: {  	s17 =	sshrl.u32 s13, $0x1F;
	s14 =	sshrl.u32 s8, $0x3;
	s15 =	sld [smem:$0x638]  }
0x1ab: {  	v33 =	vsel vm0, s17, v14;
	v31 =	vsel vm7, s14, v4;
	s14 =	sld [smem:$0x63E];
	s8 =	sshrl.u32 s12, $0x1F  }
0x1ac: {  	s0 =	sshrl.u32 s10, $0x3;
	s7 =	sshrl.u32 s6, $0x1F;
	v13 =	vsel vm1, s8, v33;
	s8 =	sld [smem:$0x63D]  }
0x1ad: {  	s16 =	sshrl.u32 s15, $0x1F;
	s1 =	sshrl.u32 s10, $0x1F;
	s10 =	sld [smem:$0x63F]  }
0x1ae: {  	s3 =	sshrl.u32 s15, $0x3;
	v4 =	vmov s7;
	s7 =	sld [smem:$0x641];
	s15 =	sshrl.u32 s14, $0x1F  }
0x1af: {  	v13 =	vsel vm2, s15, v13;
	s15 =	sld [smem:$0x640];
	s11 =	sshrl.u32 s8, $0x1F  }
0x1b0: {  	v4 =	vsel vm0, s16, v4;
	v34 =	vmov s11;
	s11 =	sld [smem:$0x642]  }
0x1b1: {  	v4 =	vsel vm1, s1, v4;
	s1 =	sshrl.u32 s9, $0x3;
	s9 =	sld [smem:$0x644]  }
0x1b2: {  	s2 =	sshrl.u32 s6, $0x3;
	s16 =	sshrl.u32 s10, $0x1F  }
0x1b3: {  	s4 =	sshrl.u32 s7, $0x1F;
	s17 =	sshrl.u32 s15, $0x1F;
	v14 =	vsel vm0, s16, v34;
	s6 =	sshrl.u32 s11, $0x1F  }
0x1b4: {  	s8 =	sshrl.u32 s8, $0x3;
	v15 =	vsel vm4, s17, v13;
	s16 =	sld [smem:$0x643];
	v13 =	vsel vm2, s4, v4;
	s4 =	sshrl.u32 s9, $0x1F;
	v4 =	vsel vm1, s6, v14  }
0x1b5: {  	v20 =	vmov s8;
	v17 =	vsel vm2, s4, v4;
	s4 =	sshrl.u32 s10, $0x3  }
0x1b6: {  	v36 =	vmov s1;
	s11 =	sshrl.u32 s11, $0x3;
	v20 =	vsel vm0, s4, v20  }
0x1b7: {  	s13 =	sshrl.u32 s13, $0x3;
	s17 =	sshrl.u32 s16, $0x1F;
	v14 =	vnsel vm3, $0x0, v36;
	v40 =	vsel vm1, s11, v20;
	s11 =	sld [smem:$0x648]  }
0x1b8: {  	s12 =	sshrl.u32 s12, $0x3;
	v35 =	vsel vm5, s17, v15;
	s17 =	sld [smem:$0x645];
	v14 =	vsel vm0, s13, v14  }
0x1b9: {  	s10 =	sld [smem:$0x646];
	s13 =	sshrl.u32 s14, $0x3;
	v14 =	vsel vm1, s12, v14  }
0x1ba: {  	s1 =	sshrl.u32 s7, $0x3;
	v14 =	vsel vm2, s13, v14;
	s13 =	sld [smem:$0x649];
	s12 =	sshrl.u32 s11, $0x1F  }
0x1bb: {  	v37 =	vmov s2;
	s8 =	sshrl.u32 s9, $0x3;
	s14 =	sshrl.u32 s15, $0x3;
	v41 =	vmov s12;
	s12 =	sld [smem:$0x64B]  }
0x1bc: {  	s9 =	sld [smem:$0x647];
	v15 =	vsel vm0, s3, v37;
	s15 =	sshrl.u32 s16, $0x3;
	s6 =	sshrl.u32 s17, $0x1F;
	v14 =	vsel vm4, s14, v14  }
0x1bd: {  	v15 =	vsel vm1, s0, v15;
	s7 =	sshrl.u32 s10, $0x1F;
	v4 =	vsel vm6, s6, v35;
	v14 =	vsel vm5, s15, v14;
	s15 =	sld [smem:$0x64A];
	s14 =	sshrl.u32 s13, $0x1F  }
0x1be: {  	v27 =	vsel vm2, s1, v15;
	v4 =	vsel vm7, s7, v4;
	s7 =	sshrl.u32 s13, $0x3;
	s13 =	sld [smem:$0x64D];
	v15 =	vnsel vm3, $0x0, v41;
	s0 =	sshrl.u32 s12, $0x1F  }
0x1bf: {  	s1 =	sshrl.u32 s10, $0x3;
	s10 =	sshrl.u32 s9, $0x1F;
	v42 =	vmov s14;
	v15 =	vsel vm0, s0, v15;
	s0 =	sld [smem:$0x64F]  }
0x1c0: {  	v20 =	vsel vm0, s10, v42;
	s10 =	sld [smem:$0x64E]  }
0x1c1: {  	s4 =	sshrl.u32 s17, $0x3;
	s14 =	sld [smem:$0x650]  }
0x1c2: {  	v14 =	vsel vm6, s4, v14;
	s17 =	sshrl.u32 s15, $0x1F;
	s3 =	sshrl.u32 s15, $0x3;
	s15 =	sshrl.u32 s0, $0x1F  }
0x1c3: {  	v29 =	vsel vm2, s8, v40;
	s8 =	sld [smem:$0x64C];
	v30 =	vsel vm7, s1, v14;
	s1 =	sshrl.u32 s10, $0x1F;
	v44 =	vmov s15  }
0x1c4: {  	s16 =	sshrl.u32 s9, $0x3;
	s9 =	sshrl.u32 s13, $0x1F;
	v46 =	vsel vm0, s1, v44;
	s1 =	sld [smem:$0x652]  }
0x1c5: {  	v43 =	vsel vm1, s17, v20;
	s17 =	sshrl.u32 s14, $0x1F;
	v15 =	vsel vm1, s9, v15  }
0x1c6: {  	v21 =	vsel vm2, s17, v15;
	s17 =	sld [smem:$0x651]  }
0x1c7: {  	s4 =	sshrl.u32 s8, $0x1F;
	s15 =	sld [smem:$0x653];
	s9 =	sshrl.u32 s1, $0x1F  }
0x1c8: {  	v15 =	vsel vm2, s4, v43;
	s4 =	sshrl.u32 s1, $0x3;
	s1 =	sshrl.u32 s11, $0x3;
	s11 =	sld [smem:$0x654]  }
0x1c9: {  	s6 =	sshrl.u32 s8, $0x3;
	s8 =	sshrl.u32 s0, $0x3;
	s0 =	sshrl.u32 s17, $0x1F  }
0x1ca: {  	v47 =	vsel vm4, s0, v21;
	s0 =	sld [smem:$0x655]  }
0x1cb: {  	s2 =	sshrl.u32 s10, $0x3;
	s10 =	sshrl.u32 s15, $0x1F;
	v14 =	vsel vm1, s9, v46;
	s9 =	sshrl.u32 s11, $0x1F  }
0x1cc: {  	v51 =	vmov s7;
	v50 =	vmov s1;
	s1 =	sshrl.u32 s11, $0x3;
	s11 =	sshrl.u32 s17, $0x3;
	s17 =	sld [smem:$0x656]  }
0x1cd: {  	v52 =	vsel vm0, s16, v51;
	s16 =	sld [smem:$0x657];
	v20 =	vsel vm5, s10, v47;
	s10 =	sshrl.u32 s0, $0x1F  }
0x1ce: {  	s7 =	sshrl.u32 s14, $0x3;
	v49 =	vsel vm6, s10, v20;
	s10 =	sshrl.u32 s13, $0x3;
	v24 =	vsel vm2, s9, v14;
	s9 =	sshrl.u32 s12, $0x3  }
0x1cf: {  	v22 =	vnsel vm3, $0x0, v50;
	s14 =	sshrl.u32 s17, $0x1F;
	s13 =	sshrl.u32 s17, $0x3;
	s17 =	sld [smem:$0x658]  }
0x1d0: {  	v54 =	vmov s8;
	s8 =	sshrl.u32 s16, $0x1F;
	v14 =	vsel vm1, s3, v52;
	s3 =	sld [smem:$0x659];
	v53 =	vsel vm0, s9, v22  }
0x1d1: {  	(v2sf) =	vpush v11, $0xB;
	s12 =	sshrl.u32 s0, $0x3;
	s0 =	sshrl.u32 s16, $0x3;
	s16 =	sld [smem:$0x65B];
	v21 =	vsel vm1, s10, v53  }
0x1d2: {  	v21 =	vsel vm2, s7, v21;
	s10 =	sshrl.u32 s17, $0x1F;
	s7 =	sshrl.u32 s17, $0x3;
	s17 =	sld [smem:$0x65C]  }
0x1d3: {  	v21 =	vsel vm4, s11, v21;
	s11 =	sld [smem:$0x65A]  }
0x1d4: {  	(v2sf) =	vpush v11, $0x0;
	s9 =	sshrl.u32 s15, $0x3;
	v20 =	vsel vm7, s14, v49;
	s14 =	sshrl.u32 s3, $0x1F;
	s15 =	sshrl.u32 s3, $0x3  }
0x1d5: {  	v22 =	vsel vm0, s2, v54;
	v33 =	vsel vm2, s6, v14;
	v55 =	vsel vm5, s9, v21;
	s6 =	sshrl.u32 s17, $0x1F;
	s9 =	sshrl.u32 s17, $0x3;
	s17 =	sld [smem:$0x65D]  }
0x1d6: {  	(v2sf) =	vpush v11, $0x1;
	v22 =	vsel vm1, s4, v22;
	s3 =	sshrl.u32 s16, $0x3;
	v14 =	vsel vm6, s12, v55;
	s12 =	sld [smem:$0x65E];
	s4 =	sshrl.u32 s11, $0x1F  }
0x1d7: {  	s2 =	sshrl.u32 s11, $0x3;
	s11 =	sshrl.u32 s16, $0x1F;
	s16 =	sshrl.u32 s31, $0x1F  }
0x1d8: {  	(v2sf) =	vpush v11, $0x2;
	v56 =	vmov s10;
	v57 =	vmov s16;
	s10 =	sshrl.u32 s17, $0x1F;
	s16 =	sshrl.u32 s17, $0x3;
	s17 =	sld [smem:$0x65F]  }
0x1d9: {  	(v2sf) =	vpush v11, $0x3  }
0x1da: {  	(v2sf) =	vpush v11, $0x4  }
0x1db: {  	v34 =	vsel vm2, s1, v22;
	v21 =	vsel vm0, s8, v56;
	v22 =	vnsel vm3, $0x0, v57;
	s8 =	sshrl.u32 s12, $0x1F;
	s1 =	sshrl.u32 s12, $0x3;
	s12 =	sshrl.u32 s17, $0x1F  }
0x1dc: {  	v28 =	vmov s7;
	v35 =	vsel vm7, s13, v14;
	s13 =	sshrl.u32 s17, $0x3;
	s17 =	sshrl.u32 s30, $0x1F;
	v59 =	vsel vm0, s12, v22  }
0x1dd: {  	v28 =	vsel vm0, s0, v28;
	v58 =	vsel vm1, s14, v21;
	v21 =	vsel vm1, s17, v59;
	s17 =	sld [smem:$0x660]  }
0x1de: {  	v0 =	vcombine.low v5, v0;
	v28 =	vsel vm1, s15, v28;
	s15 =	sshrl.u32 s25, $0x1F;
	v60 =	vmov s6;
	s6 =	sshrl.u32 s30, $0x3  }
0x1df: {  	v14 =	vsel vm2, s4, v58;
	s4 =	sshrl.u32 s24, $0x1F;
	v28 =	vsel vm2, s2, v28;
	s2 =	sshrl.u32 s21, $0x1F;
	s12 =	sshrl.u32 s31, $0x3;
	v22 =	vsel vm0, s11, v60  }
0x1e0: {  	(v2sf) =	vpush v11, $0x5;
	s11 =	sshrl.u32 s24, $0x3;
	s24 =	spop (v2sf);
	v22 =	vsel vm1, s10, v22;
	v36 =	vmov s12;
	s14 =	sshrl.u32 s17, $0x1F  }
0x1e1: {  	s10 =	sshrl.u32 s20, $0x1F;
	s7 =	smulhi.u32 $0x2AAAAAAB, s24;
	v22 =	vsel vm2, s8, v22;
	s8 =	sshrl.u32 s20, $0x3;
	v36 =	vnsel vm3, $0x0, v36;
	v21 =	vsel vm2, s14, v21  }
0x1e2: {  	(v2sf) =	vpush v11, $0x6;
	v5 =	vsel vm0, s13, v36;
	s14 =	sshrl.u32 s18, $0x1F;
	v21 =	vsel vm4, s4, v21;
	s4 =	sshrl.u32 s18, $0x3;
	s18 =	sshra.s32 s24, $0x1F  }
0x1e3: {  	s17 =	sshrl.u32 s17, $0x3;
	v5 =	vsel vm1, s6, v5;
	s24 =	spop (v2sf);
	s0 =	smul.u32 $0x2AAAAAAB, s18  }
0x1e4: {  	(v2sf) =	vpush v11, $0x7;
	s20 =	sshrl.u32 s19, $0x1F;
	v5 =	vsel vm2, s17, v5;
	v21 =	vsel vm5, s14, v21;
	s12 =	smulhi.u32 $0x2AAAAAAB, s24;
	s14 =	sshra.s32 s24, $0x1F  }
0x1e5: {  	v62 =	vperm.xlane v0, v48;
	v37 =	vmov s9;
	s6 =	sshrl.u32 s23, $0x1F;
	v0 =	vsel vm4, s11, v5;
	s18 =	spop (v2sf);
	s9 =	smul.u32 $0x2AAAAAAB, s14  }
0x1e6: {  	v37 =	vsel vm0, s3, v37;
	s23 =	sshrl.u32 s23, $0x3;
	v36 =	vsel vm5, s4, v0;
	v21 =	vsel vm6, s10, v21;
	s10 =	sshrl.u32 s19, $0x3;
	s3 =	smulhi.u32 $0x2AAAAAAB, s18  }
0x1e7: {  	v23 =	vcombine.low v26, v23;
	v5 =	vperm.xlane v19, v2;
	s19 =	sshra.s32 s18, $0x1F;
	s24 =	spop (v2sf);
	v19 =	vsel vm6, s8, v36;
	s8 =	sshrl.u32 s26, $0x1F  }
0x1e8: {  	v61 =	vsel vm1, s16, v37;
	s16 =	smulhi.u32 $0x2AAAAAAB, s24;
	s18 =	sshra.s32 s24, $0x1F;
	s24 =	rddreg [dreg:$0x12]  }
0x1e9: {  	v63 =	vperm.xlane v3, v2;
	v23 =	vperm.xlane v23, v48;
	s13 =	smul.u32 $0x2AAAAAAB, s19;
	s0 =	sadd.s32 s0, s7;
	s7 =	sor.u32 $0x2, s24  }
0x1ea: {  	v12 =	vcombine.low v16, v12;
	v21 =	vsel vm7, s20, v21;
	s20 =	sshrl.u32 s22, $0x1F;
	s19 =	spop (v2sf);
	s11 =	smul.u32 $0x2AAAAAAB, s18;
	v0 =	vadd.s32 s7, v39  }
0x1eb: {  	v3 =	vsel vm2, s1, v61;
	s4 =	smulhi.u32 $0x2AAAAAAB, s19;
	s1 =	sshra.s32 s19, $0x1F;
	v40 =	vmov s20;
	s20 =	spop (v2sf);
	(v2sf) =	vpush v0, $0xD  }
0x1ec: {  	v26 =	vsel vm8, v63, v62;
	v12 =	vperm.xlane v12, v48;
	s19 =	sshrl.u32 s29, $0x1F;
	s18 =	sshrl.u32 s0, $0x1F;
	s14 =	smul.u32 $0x2AAAAAAB, s1  }
0x1ed: {  	v18 =	vperm.xlane v18, v2;
	v5 =	vsel vm8, v5, v23;
	s1 =	sadd.s32 s9, s12;
	s9 =	sshrl.u32 s28, $0x1F;
	s12 =	smulhi.u32 $0x2AAAAAAB, s20;
	(v2sf) =	vpush v0, $0xC  }
0x1ee: {  	v26 =	vadd.s32 v26, v5;
	v19 =	vsel vm7, s10, v19;
	v36 =	vsel vm0, s2, v40;
	s17 =	sshra.s32 s20, $0x1F;
	s2 =	sadd.s32 s13, s3;
	s3 =	sshrl.u32 s28, $0x3  }
0x1ef: {  	v42 =	vmul.u32 $0x30, v26;
	v41 =	vsel vm1, s6, v36;
	s20 =	smul.u32 $0x2AAAAAAB, s17;
	s10 =	sadd.s32 s11, s16;
	s11 =	sshrl.u32 s2, $0x1F;
	(v2sf) =	vpush v0, $0xE  }
0x1f0: {  	v12 =	vsel vm8, v18, v12;
	v43 =	vmov s9;
	s2 =	sshrl.u32 s2, $0x3;
	v5 =	vsel vm2, s15, v41;
	s15 =	spop (v2sf);
	s9 =	sadd.s32 s14, s4  }
0x1f1: {  	v23 =	vsub.s32 v6, v42;
	v6 =	vcombine.low v32, v25;
	s13 =	smulhi.u32 $0x2AAAAAAB, s15;
	s6 =	sshra.s32 s15, $0x1F;
	s16 =	spop (v2sf);
	(v2sf) =	vpush v0, $0xF  }
0x1f2: {  	v44 =	vperm.xlane v31, v2;
	v16 =	vsel vm0, s8, v43;
	vm9 =	vlt.s32 v23, $0x0;
	s15 =	sshrl.u32 s1, $0x1F;
	s12 =	sadd.s32 s20, s12;
	s6 =	smul.u32 $0x2AAAAAAB, s6  }
0x1f3: {  	v25 =	vperm.xlane v6, v48;
	v6 =	vsel vm1, s19, v16;
	s1 =	sshrl.u32 s1, $0x3;
	s4 =	smulhi.u32 $0x2AAAAAAB, s16;
	s19 =	spop (v2sf);
	(v2sf) =	vpush v0, $0x9  }
0x1f4: {  	v46 =	vsel vm9, $0x18, v45;
	s8 =	sshra.s32 s16, $0x1F;
	v6 =	vsel vm2, s18, v6;
	v49 =	vmov s15;
	s16 =	sshrl.u32 s9, $0x1F;
	s18 =	sshrl.u32 s12, $0x1F  }
0x1f5: {  	v16 =	vadd.s32 v23, v46;
	s15 =	sshrl.u32 s25, $0x3;
	s9 =	sshrl.u32 s9, $0x3;
	s8 =	smul.u32 $0x2AAAAAAB, s8;
	v47 =	vsel vm8, v44, v25;
	(v2sf) =	vpush v0, $0x8  }
0x1f6: {  	s20 =	smulhi.u32 $0x2AAAAAAB, s19;
	s14 =	sshra.s32 s19, $0x1F;
	v18 =	vnsel vm3, $0x0, v49;
	vm9 =	vgt.s32 v16, $0xFFFFFFF0;
	s13 =	sadd.s32 s6, s13;
	v12 =	vadd.s32 v12, v47  }
0x1f7: {  	s6 =	sshrl.u32 s10, $0x1F;
	s14 =	smul.u32 $0x2AAAAAAB, s14;
	v18 =	vsel vm0, s11, v18;
	s11 =	sshrl.u32 s21, $0x3;
	v12 =	vmul.u32 $0x30, v12;
	(v2sf) =	vpush v0, $0xA  }
0x1f8: {  	v13 =	vcombine.low v17, v13;
	s21 =	sshrl.u32 s22, $0x3;
	v16 =	vnsel vm9, $0xFFFFFFF0, v16;
	s17 =	sadd.s32 s8, s4;
	v18 =	vsel vm1, s6, v18;
	s4 =	sshrl.u32 s26, $0x3  }
0x1f9: {  	vm9 =	vlt.s32 v16, $0x10;
	s6 =	sshrl.u32 s29, $0x3;
	s8 =	sshrl.u32 s0, $0x3;
	s19 =	sadd.s32 s14, s20;
	(v2sf) =	vpush v0, $0xB;
	v8 =	vsub.s32 v8, v12  }
0x1fa: {  	s14 =	sshrl.u32 s13, $0x1F;
	s20 =	sshrl.u32 s17, $0x1F;
	v50 =	vnsel vm9, $0x10, v16;
	v18 =	vsel vm2, s16, v18;
	vm10 =	vlt.s32 v8, $0x0;
	s26 =	spop (v2sf)  }
0x1fb: {  	s16 =	sshrl.u32 s10, $0x3;
	v52 =	vsel vm4, s18, v18;
	(v2sf) =	vpush v0, $0x0;
	v51 =	vsel vm10, $0x18, v45;
	s18 =	smulhi.u32 $0x2AAAAAAB, s26;
	s0 =	sshra.s32 s26, $0x1F  }
0x1fc: {  	s13 =	sshrl.u32 s13, $0x3;
	v17 =	vsel vm5, s14, v52;
	v16 =	vadd.s32 v8, v51;
	v8 =	vcombine.low v29, v27;
	s25 =	spop (v2sf);
	s0 =	smul.u32 $0x2AAAAAAB, s0  }
0x1fd: {  	s22 =	sshrl.u32 s19, $0x1F;
	(v2sf) =	vpush v0, $0x1;
	v17 =	vsel vm6, s20, v17;
	s20 =	smulhi.u32 $0x2AAAAAAB, s25;
	s10 =	sshra.s32 s25, $0x1F  }
0x1fe: {  	s14 =	sshrl.u32 s12, $0x3;
	v54 =	vperm.xlane v8, v48;
	v8 =	vsel vm7, s22, v17;
	s26 =	spop (v2sf);
	s22 =	smul.u32 $0x2AAAAAAB, s10  }
0x1ff: {  	v56 =	vmov s21;
	(v2sf) =	vpush v0, $0x2;
	s10 =	sshrl.u32 s17, $0x3;
	s17 =	smulhi.u32 $0x2AAAAAAB, s26;
	s12 =	sshra.s32 s26, $0x1F  }
0x200: {  	v13 =	vperm.xlane v13, v48;
	v53 =	vperm.xlane v4, v2;
	v57 =	vsel vm0, s11, v56;
	s11 =	sshrl.u32 s19, $0x3;
	s25 =	spop (v2sf);
	s19 =	smul.u32 $0x2AAAAAAB, s12  }
0x201: {  	v55 =	vperm.xlane v30, v2;
	(v2sf) =	vpush v0, $0x3;
	s0 =	sadd.s32 s0, s18;
	s18 =	smulhi.u32 $0x2AAAAAAB, s25;
	s26 =	sshra.s32 s25, $0x1F  }
0x202: {  	v13 =	vsel vm8, v53, v13;
	s25 =	spop (v2sf);
	s12 =	sshrl.u32 s0, $0x1F;
	s21 =	smul.u32 $0x2AAAAAAB, s26  }
0x203: {  	v58 =	vmov s1;
	v17 =	vsel vm8, v55, v54;
	(v2sf) =	vpush v0, $0x4;
	s1 =	sadd.s32 s22, s20;
	s20 =	smulhi.u32 $0x2AAAAAAB, s25;
	s26 =	sshra.s32 s25, $0x1F  }
0x204: {  	v12 =	vsel vm1, s23, v57;
	v13 =	vadd.s32 v13, v17;
	v17 =	vnsel vm3, $0x0, v58;
	s25 =	spop (v2sf);
	s23 =	sshrl.u32 s1, $0x1F;
	s22 =	smul.u32 $0x2AAAAAAB, s26  }
0x205: {  	v17 =	vsel vm0, s2, v17;
	(v2sf) =	vpush v0, $0x5;
	s2 =	sadd.s32 s19, s17;
	s17 =	smulhi.u32 $0x2AAAAAAB, s25;
	s26 =	sshra.s32 s25, $0x1F  }
0x206: {  	v12 =	vsel vm2, s15, v12;
	v17 =	vsel vm1, s16, v17;
	s25 =	spop (v2sf);
	s15 =	sshrl.u32 s2, $0x1F;
	s16 =	smul.u32 $0x2AAAAAAB, s26  }
0x207: {  	v60 =	vmov s3;
	(v2sf) =	vpush v0, $0x6;
	s3 =	sadd.s32 s21, s18;
	s18 =	smulhi.u32 $0x2AAAAAAB, s25;
	s19 =	sshra.s32 s25, $0x1F  }
0x208: {  	v17 =	vsel vm2, s9, v17;
	s26 =	spop (v2sf);
	s9 =	sshrl.u32 s3, $0x1F;
	s19 =	smul.u32 $0x2AAAAAAB, s19  }
0x209: {  	v59 =	vcombine.low v24, v15;
	v15 =	vsel vm0, s4, v60;
	(v2sf) =	vpush v0, $0x7;
	s4 =	sadd.s32 s22, s20;
	s20 =	smulhi.u32 $0x2AAAAAAB, s26;
	s21 =	sshra.s32 s26, $0x1F  }
0x20a: {  	v17 =	vsel vm4, s14, v17;
	s25 =	spop (v2sf);
	s14 =	sshrl.u32 s4, $0x1F;
	s21 =	smul.u32 $0x2AAAAAAB, s21  }
0x20b: {  	v15 =	vsel vm1, s6, v15;
	s6 =	sadd.s32 s16, s17;
	s16 =	smulhi.u32 $0x2AAAAAAB, s25;
	s26 =	sshra.s32 s25, $0x1F  }
0x20c: {  	v17 =	vsel vm5, s13, v17;
	s25 =	spop (v2sf);
	s22 =	sshrl.u32 s6, $0x1F;
	s13 =	smul.u32 $0x2AAAAAAB, s26  }
0x20d: {  	v15 =	vsel vm2, s8, v15;
	s8 =	sadd.s32 s19, s18;
	s18 =	smulhi.u32 $0x2AAAAAAB, s25;
	s17 =	sshra.s32 s25, $0x1F  }
0x20e: {  	s19 =	sshrl.u32 s8, $0x1F;
	s17 =	smul.u32 $0x2AAAAAAB, s17;
	s26 =	spop (v2sf)  }
0x20f: {  	v61 =	vcombine.low v34, v33;
	v17 =	vsel vm6, s10, v17;
	v29 =	vmov s23;
	s10 =	sadd.s32 s21, s20;
	s20 =	smulhi.u32 $0x2AAAAAAB, s26;
	s23 =	sshra.s32 s26, $0x1F  }
0x210: {  	v20 =	vperm.xlane v20, v2;
	v13 =	vmul.u32 $0x30, v13;
	s13 =	sadd.s32 s13, s16;
	s25 =	spop (v2sf);
	s16 =	smul.u32 $0x2AAAAAAB, s23  }
0x211: {  	v62 =	vperm.xlane v35, v2;
	v18 =	vperm.xlane v61, v48;
	v17 =	vsel vm7, s11, v17;
	s11 =	sadd.s32 s17, s18;
	s23 =	smulhi.u32 $0x2AAAAAAB, s25;
	s21 =	sshra.s32 s25, $0x1F  }
0x212: {  	v9 =	vsub.s32 v9, v13;
	v13 =	vperm.xlane v59, v48;
	v31 =	vsel vm0, s12, v29;
	s26 =	sshrl.u32 s13, $0x1F;
	s17 =	smul.u32 $0x2AAAAAAB, s21;
	s21 =	spop (v2sf)  }
0x213: {  	v32 =	vsel vm1, s15, v31;
	s25 =	sshrl.u32 s11, $0x1F;
	s15 =	smulhi.u32 $0x2AAAAAAB, s21;
	s18 =	sshra.s32 s21, $0x1F  }
0x214: {  	v18 =	vsel vm8, v62, v18;
	v13 =	vsel vm8, v20, v13;
	v33 =	vmov s26;
	s16 =	sadd.s32 s16, s20;
	s26 =	spop (v2sf);
	s18 =	smul.u32 $0x2AAAAAAB, s18  }
0x215: {  	v13 =	vadd.s32 v13, v18;
	v35 =	vmov s22;
	v18 =	vnsel vm3, $0x0, v33;
	s22 =	sshrl.u32 s16, $0x1F;
	s21 =	smulhi.u32 $0x2AAAAAAB, s26;
	s20 =	sshra.s32 s26, $0x1F  }
0x216: {  	v5 =	vcombine.low v6, v5;
	v6 =	vsel vm0, s14, v35;
	v18 =	vsel vm0, s25, v18;
	s17 =	sadd.s32 s17, s23;
	s23 =	spop (v2sf);
	s20 =	smul.u32 $0x2AAAAAAB, s20  }
0x217: {  	v6 =	vsel vm1, s19, v6;
	s19 =	sshrl.u32 s10, $0x1F;
	v18 =	vsel vm1, s22, v18;
	s14 =	smulhi.u32 $0x2AAAAAAB, s23;
	s22 =	sshra.s32 s23, $0x1F  }
0x218: {  	s13 =	sshrl.u32 s13, $0x3;
	s12 =	smul.u32 $0x2AAAAAAB, s22;
	s26 =	spop (v2sf)  }
0x219: {  	v12 =	vcombine.low v15, v12;
	s25 =	sshrl.u32 s17, $0x1F;
	s15 =	sadd.s32 s18, s15;
	s23 =	smulhi.u32 $0x2AAAAAAB, s26  }
0x21a: {  	v37 =	vsel vm2, s9, v32;
	v6 =	vsel vm2, s19, v6;
	v36 =	vsel vm2, s25, v18;
	s22 =	sshra.s32 s26, $0x1F;
	s20 =	sadd.s32 s20, s21;
	s25 =	sshrl.u32 s15, $0x1F  }
0x21b: {  	v6 =	vcombine.low v6, v37;
	v41 =	vmov s13;
	s22 =	smul.u32 $0x2AAAAAAB, s22;
	v15 =	vsel vm4, s25, v36;
	s26 =	sshrl.u32 s20, $0x1F  }
0x21c: {  	s11 =	sshrl.u32 s11, $0x3;
	v40 =	vsel vm5, s26, v15;
	v15 =	vnsel vm3, $0x0, v41  }
0x21d: {  	v43 =	vperm.xlane v6, v48;
	s21 =	sadd.s32 s22, s23;
	v6 =	vsel vm0, s11, v15;
	s23 =	sshrl.u32 s16, $0x3  }
0x21e: {  	s6 =	sshrl.u32 s6, $0x3;
	s26 =	sshrl.u32 s17, $0x3;
	v6 =	vsel vm1, s23, v6  }
0x21f: {  	v46 =	vmov s6;
	s6 =	sshrl.u32 s8, $0x3;
	s8 =	sshrl.u32 s15, $0x3;
	v6 =	vsel vm2, s26, v6  }
0x220: {  	s12 =	sadd.s32 s12, s14;
	s13 =	sshrl.u32 s20, $0x3;
	v6 =	vsel vm4, s8, v6  }
0x221: {  	s15 =	sshrl.u32 s12, $0x3;
	v6 =	vsel vm5, s13, v6  }
0x222: {  	v47 =	vsel vm6, s15, v6;
	v6 =	vadd.s32 s7, v38  }
0x223: {  	v3 =	vcombine.low v3, v28;
	v14 =	vcombine.low v22, v14;
	(v2sf) =	vpush v6, $0xD;
	_ =	sdelay $0x1  }
0x224: {  	v3 =	vperm.xlane v3, v48;
	v14 =	vperm.xlane v14, v48;
	(v2sf) =	vpush v6, $0xC  }
0x225: {  	v34 =	vperm.xlane v21, v2;
	v19 =	vperm.xlane v19, v2  }
0x226: {  	(v2sf) =	vpush v6, $0xE  }
0x227: {  	v14 =	vsel vm8, v34, v14;
	v3 =	vsel vm8, v19, v3  }
0x228: {  	v3 =	vadd.s32 v14, v3;
	(v2sf) =	vpush v6, $0xF  }
0x229: {  	v3 =	vmul.u32 $0x30, v3  }
0x22a: {  	vm9 =	vgt.s32 v16, $0xFFFFFFF0;
	(v2sf) =	vpush v6, $0x9  }
0x22b: {  	v3 =	vsub.s32 v7, v3;
	v16 =	vnsel vm9, $0xFFFFFFF0, v16;
	vm9 =	vlt.s32 v9, $0x0  }
0x22c: {  	v5 =	vperm.xlane v5, v48;
	v63 =	vsel vm9, $0x18, v45;
	(v2sf) =	vpush v6, $0x8  }
0x22d: {  	v12 =	vperm.xlane v12, v48;
	v8 =	vperm.xlane v8, v2;
	v9 =	vadd.s32 v9, v63  }
0x22e: {  	vm9 =	vlt.s32 v16, $0x10;
	s1 =	sshrl.u32 s1, $0x3;
	vm10 =	vgt.s32 v9, $0xFFFFFFF0;
	(v2sf) =	vpush v6, $0xA  }
0x22f: {  	v44 =	vmov s1;
	v13 =	vmul.u32 $0x30, v13;
	v27 =	vnsel vm10, $0xFFFFFFF0, v9  }
0x230: {  	s0 =	sshrl.u32 s0, $0x3;
	v9 =	vnsel vm9, $0x10, v16;
	v42 =	vperm.xlane v17, v2;
	(v2sf) =	vpush v6, $0xB  }
0x231: {  	s2 =	sshrl.u32 s2, $0x3;
	vm9 =	vlt.s32 v27, $0x10;
	v13 =	vsub.s32 v10, v13;
	s9 =	sshrl.u32 s3, $0x3;
	v15 =	vsel vm0, s0, v44;
	s17 =	spop (v2sf)  }
0x232: {  	v10 =	vnsel vm9, $0x10, v27;
	s25 =	sshrl.u32 s4, $0x3;
	v15 =	vsel vm1, s2, v15;
	(v2sf) =	vpush v6, $0x0;
	s4 =	smulhi.u32 $0x2AAAAAAB, s17;
	s0 =	sshra.s32 s17, $0x1F  }
0x233: {  	vm9 =	vlt.s32 v13, $0x0;
	s19 =	sshrl.u32 s12, $0x1F;
	v18 =	vsel vm0, s25, v46;
	v15 =	vsel vm2, s9, v15;
	s18 =	spop (v2sf);
	s9 =	smul.u32 $0x2AAAAAAB, s0  }
0x234: {  	v14 =	vsel vm6, s19, v40;
	v18 =	vsel vm1, s6, v18;
	(v2sf) =	vpush v6, $0x1;
	s6 =	smulhi.u32 $0x2AAAAAAB, s18;
	s19 =	sshra.s32 s18, $0x1F  }
0x235: {  	v5 =	vsel vm8, v8, v5;
	v8 =	vsel vm8, v42, v12;
	v30 =	vsel vm9, $0x18, v45;
	s11 =	sshrl.u32 s10, $0x3;
	s20 =	spop (v2sf);
	s10 =	smul.u32 $0x2AAAAAAB, s19  }
0x236: {  	v5 =	vadd.s32 v5, v8;
	s22 =	sshrl.u32 s21, $0x1F;
	v18 =	vsel vm2, s11, v18;
	(v2sf) =	vpush v6, $0x2;
	s8 =	smulhi.u32 $0x2AAAAAAB, s20;
	s0 =	sshra.s32 s20, $0x1F  }
0x237: {  	v13 =	vadd.s32 v13, v30;
	s16 =	sshrl.u32 s21, $0x3;
	v14 =	vsel vm7, s22, v14;
	v15 =	vcombine.low v18, v15;
	s21 =	spop (v2sf);
	s12 =	smul.u32 $0x2AAAAAAB, s0  }
0x238: {  	v14 =	vperm.xlane v14, v2;
	v18 =	vsel vm7, s16, v47;
	(v2sf) =	vpush v6, $0x3;
	s11 =	smulhi.u32 $0x2AAAAAAB, s21;
	s0 =	sshra.s32 s21, $0x1F  }
0x239: {  	v15 =	vperm.xlane v15, v48;
	v18 =	vperm.xlane v18, v2;
	(v2sf) =	vpush v6, $0x4;
	s22 =	spop (v2sf);
	s14 =	smul.u32 $0x2AAAAAAB, s0  }
0x23a: {  	v4 =	vadd.s32 $0x10, v50;
	v5 =	vmul.u32 $0x30, v5;
	vm9 =	vgt.s32 v13, $0xFFFFFFF0;
	s13 =	smulhi.u32 $0x2AAAAAAB, s22;
	s0 =	sshra.s32 s22, $0x1F  }
0x23b: {  	v13 =	vnsel vm9, $0xFFFFFFF0, v13;
	v8 =	vsel vm8, v14, v43;
	v49 =	vsel vm8, v18, v15;
	s23 =	spop (v2sf);
	s16 =	smul.u32 $0x2AAAAAAB, s0  }
0x23c: {  	vm9 =	vlt.s32 v13, $0x10;
	v8 =	vadd.s32 v8, v49;
	(v2sf) =	vpush v6, $0x5;
	s15 =	smulhi.u32 $0x2AAAAAAB, s23;
	s0 =	sshra.s32 s23, $0x1F  }
0x23d: {  	v50 =	vnsel vm9, $0x10, v13;
	vm9 =	vlt.s32 v3, $0x0;
	v7 =	vmul.u32 $0x30, v8;
	s25 =	spop (v2sf);
	s18 =	smul.u32 $0x2AAAAAAB, s0  }
0x23e: {  	v5 =	vsub.s32 v11, v5;
	v11 =	vsel vm9, $0x18, v45;
	s17 =	smulhi.u32 $0x2AAAAAAB, s25;
	s0 =	sshra.s32 s25, $0x1F  }
0x23f: {  	vm9 =	vlt.s32 v5, $0x0;
	v0 =	vsub.s32 v0, v7;
	(v2sf) =	vpush v6, $0x6;
	s26 =	spop (v2sf);
	s20 =	smul.u32 $0x2AAAAAAB, s0  }
0x240: {  	v7 =	vsel vm9, $0x18, v45;
	vm9 =	vlt.s32 v0, $0x0;
	s19 =	smulhi.u32 $0x2AAAAAAB, s26;
	s0 =	sshra.s32 s26, $0x1F  }
0x241: {  	v5 =	vadd.s32 v5, v7;
	v7 =	vsel vm9, $0x18, v45;
	s1 =	spop (v2sf);
	s21 =	smul.u32 $0x2AAAAAAB, s0  }
0x242: {  	v0 =	vadd.s32 v0, v7;
	v7 =	vadd.s32 s7, v1;
	(v2sf) =	vpush v6, $0x7;
	s7 =	smulhi.u32 $0x2AAAAAAB, s1;
	s0 =	sshra.s32 s1, $0x1F  }
0x243: {  	s2 =	spop (v2sf);
	s23 =	smul.u32 $0x2AAAAAAB, s0  }
0x244: {  	s22 =	smulhi.u32 $0x2AAAAAAB, s2;
	s0 =	sshra.s32 s2, $0x1F  }
0x245: {  	(v2sf) =	vpush v7, $0xD;
	s3 =	spop (v2sf);
	s26 =	smul.u32 $0x2AAAAAAB, s0  }
0x246: {  	s25 =	smulhi.u32 $0x2AAAAAAB, s3;
	s0 =	sshra.s32 s3, $0x1F  }
0x247: {  	s29 =	smul.u32 $0x2AAAAAAB, s0;
	s1 =	spop (v2sf)  }
0x248: {  	(v2sf) =	vpush v7, $0xC;
	s28 =	smulhi.u32 $0x2AAAAAAB, s1;
	s0 =	sshra.s32 s1, $0x1F;
	s2 =	spop (v2sf)  }
0x249: {  	s31 =	smul.u32 $0x2AAAAAAB, s0;
	s0 =	sshra.s32 s2, $0x1F  }
0x24a: {  	s0 =	smul.u32 $0x2AAAAAAB, s0  }
0x24b: {  	(v2sf) =	vpush v7, $0xE;
	s30 =	smulhi.u32 $0x2AAAAAAB, s2;
	s3 =	spop (v2sf)  }
0x24c: {  	s2 =	smulhi.u32 $0x2AAAAAAB, s3;
	[smem:$0x661] =	sst s0;
	s0 =	sshra.s32 s3, $0x1F  }
0x24d: {  	s0 =	smul.u32 $0x2AAAAAAB, s0  }
0x24e: {  	(v2sf) =	vpush v7, $0xF;
	[smem:$0x662] =	sst s2;
	s3 =	spop (v2sf)  }
0x24f: {  	s2 =	smulhi.u32 $0x2AAAAAAB, s3;
	[smem:$0x663] =	sst s0;
	s0 =	sshra.s32 s3, $0x1F  }
0x250: {  	s0 =	smul.u32 $0x2AAAAAAB, s0  }
0x251: {  	(v2sf) =	vpush v7, $0x9;
	[smem:$0x664] =	sst s2;
	s3 =	spop (v2sf)  }
0x252: {  	s2 =	smulhi.u32 $0x2AAAAAAB, s3;
	[smem:$0x665] =	sst s0;
	s0 =	sshra.s32 s3, $0x1F  }
0x253: {  	s0 =	smul.u32 $0x2AAAAAAB, s0  }
0x254: {  	(v2sf) =	vpush v7, $0x8;
	[smem:$0x666] =	sst s2;
	s3 =	spop (v2sf)  }
0x255: {  	s2 =	smulhi.u32 $0x2AAAAAAB, s3;
	[smem:$0x667] =	sst s0;
	s0 =	sshra.s32 s3, $0x1F  }
0x256: {  	s0 =	smul.u32 $0x2AAAAAAB, s0  }
0x257: {  	(v2sf) =	vpush v7, $0xA;
	[smem:$0x668] =	sst s2;
	s3 =	spop (v2sf)  }
0x258: {  	s2 =	smulhi.u32 $0x2AAAAAAB, s3;
	[smem:$0x669] =	sst s0;
	s0 =	sshra.s32 s3, $0x1F  }
0x259: {  	(v2sf) =	vpush v7, $0xB;
	s0 =	smul.u32 $0x2AAAAAAB, s0  }
0x25a: {  	[smem:$0x66A] =	sst s2;
	s3 =	spop (v2sf)  }
0x25b: {  	s2 =	smulhi.u32 $0x2AAAAAAB, s3;
	[smem:$0x66B] =	sst s0;
	s0 =	sshra.s32 s3, $0x1F  }
0x25c: {  	(v2sf) =	vpush v7, $0x0;
	s0 =	smul.u32 $0x2AAAAAAB, s0  }
0x25d: {  	[smem:$0x66C] =	sst s2;
	s3 =	spop (v2sf)  }
0x25e: {  	s2 =	smulhi.u32 $0x2AAAAAAB, s3;
	[smem:$0x66D] =	sst s0;
	s0 =	sshra.s32 s3, $0x1F  }
0x25f: {  	s0 =	smul.u32 $0x2AAAAAAB, s0  }
0x260: {  	(v2sf) =	vpush v7, $0x1;
	[smem:$0x66E] =	sst s2;
	s3 =	spop (v2sf)  }
0x261: {  	s2 =	smulhi.u32 $0x2AAAAAAB, s3;
	[smem:$0x66F] =	sst s0;
	s0 =	sshra.s32 s3, $0x1F  }
0x262: {  	s0 =	smul.u32 $0x2AAAAAAB, s0  }
0x263: {  	[smem:$0x670] =	sst s2;
	s3 =	spop (v2sf)  }
0x264: {  	(v2sf) =	vpush v7, $0x2;
	s2 =	smulhi.u32 $0x2AAAAAAB, s3;
	[smem:$0x671] =	sst s0;
	s0 =	sshra.s32 s3, $0x1F  }
0x265: {  	s0 =	smul.u32 $0x2AAAAAAB, s0  }
0x266: {  	[smem:$0x672] =	sst s2;
	s3 =	spop (v2sf)  }
0x267: {  	s2 =	smulhi.u32 $0x2AAAAAAB, s3;
	[smem:$0x673] =	sst s0;
	s0 =	sshra.s32 s3, $0x1F  }
0x268: {  	(v2sf) =	vpush v7, $0x3;
	s3 =	spop (v2sf);
	s0 =	smul.u32 $0x2AAAAAAB, s0  }
0x269: {  	[smem:$0x674] =	sst s2;
	s2 =	smulhi.u32 $0x2AAAAAAB, s3;
	s3 =	sshra.s32 s3, $0x1F  }
0x26a: {  	s1 =	smul.u32 $0x2AAAAAAB, s3  }
0x26b: {  	s3 =	spop (v2sf);
	[smem:$0x675] =	sst s0  }
0x26c: {  	(v2sf) =	vpush v7, $0x4;
	[smem:$0x677] =	sst s1;
	s1 =	sshra.s32 s3, $0x1F  }
0x26d: {  	[smem:$0x676] =	sst s2;
	s1 =	smul.u32 $0x2AAAAAAB, s1  }
0x26e: {  	s2 =	smov.u32 s24;
	s0 =	sor.u32 $0x3, s24;
	s24 =	smulhi.u32 $0x2AAAAAAB, s3  }
0x26f: {  	[smem:$0x678] =	sst s1;
	s1 =	spop (v2sf)  }
0x270: {  	(v2sf) =	vpush v7, $0x5;
	s3 =	smulhi.u32 $0x2AAAAAAB, s1;
	s1 =	sshra.s32 s1, $0x1F  }
0x271: {  	s1 =	smul.u32 $0x2AAAAAAB, s1;
	_ =	sdelay $0x1  }
0x272: {  	[smem:$0x67A] =	sst s1;
	s1 =	spop (v2sf)  }
0x273: {  	(v2sf) =	vpush v7, $0x6;
	[smem:$0x679] =	sst s3;
	s3 =	smulhi.u32 $0x2AAAAAAB, s1;
	s1 =	sshra.s32 s1, $0x1F  }
0x274: {  	s1 =	smul.u32 $0x2AAAAAAB, s1;
	_ =	sdelay $0x1  }
0x275: {  	[smem:$0x67C] =	sst s1;
	s1 =	spop (v2sf)  }
0x276: {  	(v2sf) =	vpush v7, $0x7;
	[smem:$0x67B] =	sst s3;
	s3 =	smulhi.u32 $0x2AAAAAAB, s1;
	s1 =	sshra.s32 s1, $0x1F  }
0x277: {  	s1 =	smul.u32 $0x2AAAAAAB, s1  }
0x278: {  	v9 =	vadd.s32 $0x10, v9  }
0x279: {  	[tilespmem:$0x3390] =	vst v9;
	v9 =	vadd.s32 s0, v39;
	[smem:$0x67E] =	sst s1;
	s1 =	spop (v2sf)  }
0x27a: {  	(v2sf) =	vpush v9, $0xD;
	[smem:$0x67D] =	sst s3;
	s3 =	smulhi.u32 $0x2AAAAAAB, s1;
	s1 =	sshra.s32 s1, $0x1F  }
0x27b: {  	s1 =	smul.u32 $0x2AAAAAAB, s1;
	_ =	sdelay $0x1  }
0x27c: {  	[smem:$0x680] =	sst s1;
	s1 =	spop (v2sf)  }
0x27d: {  	(v2sf) =	vpush v9, $0xC;
	[smem:$0x67F] =	sst s3;
	s3 =	smulhi.u32 $0x2AAAAAAB, s1;
	s1 =	sshra.s32 s1, $0x1F  }
0x27e: {  	s1 =	smul.u32 $0x2AAAAAAB, s1;
	_ =	sdelay $0x1  }
0x27f: {  	[smem:$0x682] =	sst s1;
	s1 =	spop (v2sf)  }
0x280: {  	(v2sf) =	vpush v9, $0xE;
	[smem:$0x681] =	sst s3;
	s3 =	smulhi.u32 $0x2AAAAAAB, s1;
	s1 =	sshra.s32 s1, $0x1F  }
0x281: {  	s1 =	smul.u32 $0x2AAAAAAB, s1;
	_ =	sdelay $0x1  }
0x282: {  	[smem:$0x684] =	sst s1;
	s1 =	spop (v2sf)  }
0x283: {  	(v2sf) =	vpush v9, $0xF;
	[smem:$0x683] =	sst s3;
	s3 =	smulhi.u32 $0x2AAAAAAB, s1;
	s1 =	sshra.s32 s1, $0x1F  }
0x284: {  	s1 =	smul.u32 $0x2AAAAAAB, s1;
	_ =	sdelay $0x1  }
0x285: {  	[smem:$0x686] =	sst s1;
	s1 =	spop (v2sf)  }
0x286: {  	(v2sf) =	vpush v9, $0x9;
	[smem:$0x685] =	sst s3;
	s3 =	smulhi.u32 $0x2AAAAAAB, s1;
	s1 =	sshra.s32 s1, $0x1F  }
0x287: {  	s1 =	smul.u32 $0x2AAAAAAB, s1;
	_ =	sdelay $0x1  }
0x288: {  	[smem:$0x688] =	sst s1;
	s1 =	spop (v2sf)  }
0x289: {  	(v2sf) =	vpush v9, $0x8;
	[smem:$0x687] =	sst s3;
	s3 =	smulhi.u32 $0x2AAAAAAB, s1;
	s1 =	sshra.s32 s1, $0x1F  }
0x28a: {  	s1 =	smul.u32 $0x2AAAAAAB, s1;
	_ =	sdelay $0x1  }
0x28b: {  	[smem:$0x68A] =	sst s1;
	s1 =	spop (v2sf)  }
0x28c: {  	(v2sf) =	vpush v9, $0xA;
	[smem:$0x689] =	sst s3;
	s3 =	smulhi.u32 $0x2AAAAAAB, s1;
	s1 =	sshra.s32 s1, $0x1F  }
0x28d: {  	s1 =	smul.u32 $0x2AAAAAAB, s1;
	_ =	sdelay $0x1  }
0x28e: {  	[smem:$0x68C] =	sst s1;
	s1 =	spop (v2sf)  }
0x28f: {  	(v2sf) =	vpush v9, $0xB;
	[smem:$0x68B] =	sst s3;
	s3 =	smulhi.u32 $0x2AAAAAAB, s1;
	s1 =	sshra.s32 s1, $0x1F  }
0x290: {  	s1 =	smul.u32 $0x2AAAAAAB, s1;
	_ =	sdelay $0x1  }
0x291: {  	[smem:$0x68E] =	sst s1;
	s1 =	spop (v2sf)  }
0x292: {  	(v2sf) =	vpush v9, $0x0;
	[smem:$0x68D] =	sst s3;
	s3 =	smulhi.u32 $0x2AAAAAAB, s1;
	s1 =	sshra.s32 s1, $0x1F  }
0x293: {  	s1 =	smul.u32 $0x2AAAAAAB, s1;
	_ =	sdelay $0x1  }
0x294: {  	[smem:$0x690] =	sst s1;
	s1 =	spop (v2sf)  }
0x295: {  	(v2sf) =	vpush v9, $0x1;
	[smem:$0x68F] =	sst s3;
	s3 =	smulhi.u32 $0x2AAAAAAB, s1;
	s1 =	sshra.s32 s1, $0x1F  }
0x296: {  	s1 =	smul.u32 $0x2AAAAAAB, s1;
	_ =	sdelay $0x1  }
0x297: {  	[smem:$0x692] =	sst s1;
	s1 =	spop (v2sf)  }
0x298: {  	(v2sf) =	vpush v9, $0x2;
	[smem:$0x691] =	sst s3;
	s3 =	smulhi.u32 $0x2AAAAAAB, s1;
	s1 =	sshra.s32 s1, $0x1F  }
0x299: {  	s1 =	smul.u32 $0x2AAAAAAB, s1;
	_ =	sdelay $0x1  }
0x29a: {  	[smem:$0x694] =	sst s1;
	s1 =	spop (v2sf)  }
0x29b: {  	(v2sf) =	vpush v9, $0x3;
	[smem:$0x693] =	sst s3;
	s3 =	smulhi.u32 $0x2AAAAAAB, s1;
	s1 =	sshra.s32 s1, $0x1F  }
0x29c: {  	s1 =	smul.u32 $0x2AAAAAAB, s1;
	_ =	sdelay $0x1  }
0x29d: {  	[smem:$0x696] =	sst s1;
	s1 =	spop (v2sf)  }
0x29e: {  	(v2sf) =	vpush v9, $0x4;
	[smem:$0x695] =	sst s3;
	s3 =	smulhi.u32 $0x2AAAAAAB, s1;
	s1 =	sshra.s32 s1, $0x1F  }
0x29f: {  	s1 =	smul.u32 $0x2AAAAAAB, s1;
	_ =	sdelay $0x1  }
0x2a0: {  	[smem:$0x698] =	sst s1;
	s1 =	spop (v2sf)  }
0x2a1: {  	(v2sf) =	vpush v9, $0x5;
	[smem:$0x697] =	sst s3;
	s3 =	smulhi.u32 $0x2AAAAAAB, s1;
	s1 =	sshra.s32 s1, $0x1F  }
0x2a2: {  	s1 =	smul.u32 $0x2AAAAAAB, s1;
	_ =	sdelay $0x1  }
0x2a3: {  	[smem:$0x69A] =	sst s1;
	s1 =	spop (v2sf)  }
0x2a4: {  	(v2sf) =	vpush v9, $0x6;
	[smem:$0x699] =	sst s3;
	s3 =	smulhi.u32 $0x2AAAAAAB, s1;
	s1 =	sshra.s32 s1, $0x1F  }
0x2a5: {  	s1 =	smul.u32 $0x2AAAAAAB, s1;
	_ =	sdelay $0x1  }
0x2a6: {  	[smem:$0x69C] =	sst s1;
	s1 =	spop (v2sf)  }
0x2a7: {  	(v2sf) =	vpush v9, $0x7;
	[smem:$0x69B] =	sst s3;
	s3 =	smulhi.u32 $0x2AAAAAAB, s1;
	s1 =	sshra.s32 s1, $0x1F  }
0x2a8: {  	s1 =	smul.u32 $0x2AAAAAAB, s1  }
0x2a9: {  	v8 =	vadd.s32 $0x10, v50  }
0x2aa: {  	[tilespmem:$0x33B0] =	vst v8;
	v8 =	vadd.s32 s0, v38;
	[smem:$0x69E] =	sst s1;
	s1 =	spop (v2sf)  }
0x2ab: {  	(v2sf) =	vpush v8, $0xD;
	[smem:$0x69D] =	sst s3;
	s3 =	smulhi.u32 $0x2AAAAAAB, s1;
	s1 =	sshra.s32 s1, $0x1F  }
0x2ac: {  	s1 =	smul.u32 $0x2AAAAAAB, s1;
	_ =	sdelay $0x1  }
0x2ad: {  	[smem:$0x6A0] =	sst s1;
	s1 =	spop (v2sf)  }
0x2ae: {  	(v2sf) =	vpush v8, $0xC;
	[smem:$0x69F] =	sst s3;
	s3 =	smulhi.u32 $0x2AAAAAAB, s1;
	s1 =	sshra.s32 s1, $0x1F  }
0x2af: {  	s1 =	smul.u32 $0x2AAAAAAB, s1;
	_ =	sdelay $0x1  }
0x2b0: {  	[smem:$0x6A2] =	sst s1;
	s1 =	spop (v2sf)  }
0x2b1: {  	(v2sf) =	vpush v8, $0xE;
	[smem:$0x6A1] =	sst s3;
	s3 =	smulhi.u32 $0x2AAAAAAB, s1;
	s1 =	sshra.s32 s1, $0x1F  }
0x2b2: {  	s1 =	smul.u32 $0x2AAAAAAB, s1;
	_ =	sdelay $0x1  }
0x2b3: {  	[smem:$0x6A4] =	sst s1;
	s1 =	spop (v2sf)  }
0x2b4: {  	(v2sf) =	vpush v8, $0xF;
	[smem:$0x6A3] =	sst s3;
	s3 =	smulhi.u32 $0x2AAAAAAB, s1;
	s1 =	sshra.s32 s1, $0x1F  }
0x2b5: {  	s1 =	smul.u32 $0x2AAAAAAB, s1;
	_ =	sdelay $0x1  }
0x2b6: {  	[smem:$0x6A6] =	sst s1;
	s1 =	spop (v2sf)  }
0x2b7: {  	(v2sf) =	vpush v8, $0x9;
	[smem:$0x6A5] =	sst s3;
	s3 =	smulhi.u32 $0x2AAAAAAB, s1;
	s1 =	sshra.s32 s1, $0x1F  }
0x2b8: {  	s1 =	smul.u32 $0x2AAAAAAB, s1;
	_ =	sdelay $0x1  }
0x2b9: {  	[smem:$0x6A8] =	sst s1;
	s1 =	spop (v2sf)  }
0x2ba: {  	(v2sf) =	vpush v8, $0x8;
	[smem:$0x6A7] =	sst s3;
	s3 =	smulhi.u32 $0x2AAAAAAB, s1;
	s1 =	sshra.s32 s1, $0x1F  }
0x2bb: {  	s1 =	smul.u32 $0x2AAAAAAB, s1;
	_ =	sdelay $0x1  }
0x2bc: {  	[smem:$0x6AA] =	sst s1;
	s1 =	spop (v2sf)  }
0x2bd: {  	(v2sf) =	vpush v8, $0xA;
	[smem:$0x6A9] =	sst s3;
	s3 =	smulhi.u32 $0x2AAAAAAB, s1;
	s1 =	sshra.s32 s1, $0x1F  }
0x2be: {  	s1 =	smul.u32 $0x2AAAAAAB, s1;
	_ =	sdelay $0x1  }
0x2bf: {  	[smem:$0x6AC] =	sst s1;
	s1 =	spop (v2sf)  }
0x2c0: {  	(v2sf) =	vpush v8, $0xB;
	[smem:$0x6AB] =	sst s3;
	s3 =	smulhi.u32 $0x2AAAAAAB, s1;
	s1 =	sshra.s32 s1, $0x1F  }
0x2c1: {  	s1 =	smul.u32 $0x2AAAAAAB, s1  }
0x2c2: {  	(v2sf) =	vpush v8, $0x0  }
0x2c3: {  	[smem:$0x6AE] =	sst s1;
	s1 =	spop (v2sf)  }
0x2c4: {  	[smem:$0x6AD] =	sst s3;
	s3 =	smulhi.u32 $0x2AAAAAAB, s1;
	s1 =	sshra.s32 s1, $0x1F  }
0x2c5: {  	s1 =	smul.u32 $0x2AAAAAAB, s1  }
0x2c6: {  	(v2sf) =	vpush v8, $0x1  }
0x2c7: {  	[smem:$0x6B0] =	sst s1;
	s1 =	spop (v2sf)  }
0x2c8: {  	[smem:$0x6AF] =	sst s3;
	s3 =	smulhi.u32 $0x2AAAAAAB, s1;
	s1 =	sshra.s32 s1, $0x1F  }
0x2c9: {  	s1 =	smul.u32 $0x2AAAAAAB, s1  }
0x2ca: {  	(v2sf) =	vpush v8, $0x2  }
0x2cb: {  	[smem:$0x6B2] =	sst s1;
	s1 =	spop (v2sf)  }
0x2cc: {  	[smem:$0x6B1] =	sst s3;
	s3 =	smulhi.u32 $0x2AAAAAAB, s1;
	s1 =	sshra.s32 s1, $0x1F  }
0x2cd: {  	s1 =	smul.u32 $0x2AAAAAAB, s1  }
0x2ce: {  	(v2sf) =	vpush v8, $0x3  }
0x2cf: {  	[smem:$0x6B4] =	sst s1;
	s1 =	spop (v2sf)  }
0x2d0: {  	v10 =	vadd.s32 $0x10, v10;
	[smem:$0x6B3] =	sst s3;
	s3 =	smulhi.u32 $0x2AAAAAAB, s1  }
0x2d1: {  	[tilespmem:$0x33A0] =	vst v10;
	v10 =	vadd.s32 s0, v1;
	s0 =	spop (v2sf)  }
0x2d2: {  	(v2sf) =	vpush v8, $0x4;
	[smem:$0x6B5] =	sst s3;
	s3 =	smulhi.u32 $0x2AAAAAAB, s0;
	s0 =	sshra.s32 s0, $0x1F  }
0x2d3: {  	s0 =	smul.u32 $0x2AAAAAAB, s0;
	_ =	sdelay $0x1  }
0x2d4: {  	[smem:$0x6B8] =	sst s0;
	s0 =	spop (v2sf)  }
0x2d5: {  	(v2sf) =	vpush v8, $0x5;
	[smem:$0x6B7] =	sst s3;
	s3 =	smulhi.u32 $0x2AAAAAAB, s0;
	s0 =	sshra.s32 s0, $0x1F  }
0x2d6: {  	s0 =	smul.u32 $0x2AAAAAAB, s0;
	_ =	sdelay $0x1  }
0x2d7: {  	[smem:$0x6BA] =	sst s0;
	s0 =	spop (v2sf)  }
0x2d8: {  	(v2sf) =	vpush v8, $0x6;
	[smem:$0x6B9] =	sst s3;
	s3 =	smulhi.u32 $0x2AAAAAAB, s0;
	s0 =	sshra.s32 s0, $0x1F  }
0x2d9: {  	s0 =	smul.u32 $0x2AAAAAAB, s0;
	_ =	sdelay $0x1  }
0x2da: {  	[smem:$0x6BC] =	sst s0;
	s0 =	spop (v2sf)  }
0x2db: {  	(v2sf) =	vpush v8, $0x7;
	[smem:$0x6BB] =	sst s3;
	s3 =	smulhi.u32 $0x2AAAAAAB, s0;
	s0 =	sshra.s32 s0, $0x1F  }
0x2dc: {  	s0 =	smul.u32 $0x2AAAAAAB, s0;
	_ =	sdelay $0x1  }
0x2dd: {  	[smem:$0x6BE] =	sst s0;
	s0 =	spop (v2sf)  }
0x2de: {  	(v2sf) =	vpush v10, $0xD;
	[smem:$0x6BD] =	sst s3;
	s3 =	smulhi.u32 $0x2AAAAAAB, s0;
	s0 =	sshra.s32 s0, $0x1F  }
0x2df: {  	s0 =	smul.u32 $0x2AAAAAAB, s0;
	_ =	sdelay $0x1  }
0x2e0: {  	[smem:$0x6C0] =	sst s0;
	s0 =	spop (v2sf)  }
0x2e1: {  	(v2sf) =	vpush v10, $0xC;
	[smem:$0x6BF] =	sst s3;
	s3 =	smulhi.u32 $0x2AAAAAAB, s0;
	s0 =	sshra.s32 s0, $0x1F  }
0x2e2: {  	s0 =	smul.u32 $0x2AAAAAAB, s0;
	_ =	sdelay $0x1  }
0x2e3: {  	[smem:$0x6C2] =	sst s0;
	s0 =	spop (v2sf)  }
0x2e4: {  	(v2sf) =	vpush v10, $0xE;
	[smem:$0x6C1] =	sst s3;
	s3 =	smulhi.u32 $0x2AAAAAAB, s0;
	s0 =	sshra.s32 s0, $0x1F  }
0x2e5: {  	s0 =	smul.u32 $0x2AAAAAAB, s0;
	_ =	sdelay $0x1  }
0x2e6: {  	[smem:$0x6C4] =	sst s0;
	s0 =	spop (v2sf)  }
0x2e7: {  	(v2sf) =	vpush v10, $0xF;
	[smem:$0x6C3] =	sst s3;
	s3 =	smulhi.u32 $0x2AAAAAAB, s0;
	s0 =	sshra.s32 s0, $0x1F  }
0x2e8: {  	s0 =	smul.u32 $0x2AAAAAAB, s0;
	_ =	sdelay $0x1  }
0x2e9: {  	[smem:$0x6C6] =	sst s0;
	s0 =	spop (v2sf)  }
0x2ea: {  	(v2sf) =	vpush v10, $0x9;
	[smem:$0x6C5] =	sst s3;
	s3 =	smulhi.u32 $0x2AAAAAAB, s0;
	s0 =	sshra.s32 s0, $0x1F  }
0x2eb: {  	s0 =	smul.u32 $0x2AAAAAAB, s0;
	_ =	sdelay $0x1  }
0x2ec: {  	[smem:$0x6C8] =	sst s0;
	s0 =	spop (v2sf)  }
0x2ed: {  	(v2sf) =	vpush v10, $0x8;
	[smem:$0x6C7] =	sst s3;
	s3 =	smulhi.u32 $0x2AAAAAAB, s0;
	s0 =	sshra.s32 s0, $0x1F  }
0x2ee: {  	s0 =	smul.u32 $0x2AAAAAAB, s0;
	_ =	sdelay $0x1  }
0x2ef: {  	[smem:$0x6CA] =	sst s0;
	s0 =	spop (v2sf)  }
0x2f0: {  	(v2sf) =	vpush v10, $0xA;
	[smem:$0x6C9] =	sst s3;
	s3 =	smulhi.u32 $0x2AAAAAAB, s0;
	s0 =	sshra.s32 s0, $0x1F  }
0x2f1: {  	s0 =	smul.u32 $0x2AAAAAAB, s0;
	_ =	sdelay $0x1  }
0x2f2: {  	[smem:$0x6CC] =	sst s0;
	s0 =	spop (v2sf)  }
0x2f3: {  	(v2sf) =	vpush v10, $0xB;
	[smem:$0x6CB] =	sst s3;
	s3 =	smulhi.u32 $0x2AAAAAAB, s0;
	s0 =	sshra.s32 s0, $0x1F  }
0x2f4: {  	s0 =	smul.u32 $0x2AAAAAAB, s0;
	_ =	sdelay $0x1  }
0x2f5: {  	[smem:$0x6CE] =	sst s0;
	s0 =	spop (v2sf)  }
0x2f6: {  	(v2sf) =	vpush v10, $0x0;
	[smem:$0x6CD] =	sst s3;
	s3 =	smulhi.u32 $0x2AAAAAAB, s0;
	s0 =	sshra.s32 s0, $0x1F  }
0x2f7: {  	s0 =	smul.u32 $0x2AAAAAAB, s0;
	_ =	sdelay $0x1  }
0x2f8: {  	[smem:$0x6D0] =	sst s0;
	s0 =	spop (v2sf)  }
0x2f9: {  	(v2sf) =	vpush v10, $0x1;
	[smem:$0x6CF] =	sst s3;
	s3 =	smulhi.u32 $0x2AAAAAAB, s0;
	s0 =	sshra.s32 s0, $0x1F  }
0x2fa: {  	s1 =	sshra.s32 s1, $0x1F;
	s0 =	smul.u32 $0x2AAAAAAB, s0  }
0x2fb: {  	s1 =	smul.u32 $0x2AAAAAAB, s1  }
0x2fc: {  	[smem:$0x6D2] =	sst s0;
	s0 =	spop (v2sf)  }
0x2fd: {  	(v2sf) =	vpush v10, $0x2;
	[smem:$0x6D1] =	sst s3;
	s3 =	smulhi.u32 $0x2AAAAAAB, s0;
	s0 =	sshra.s32 s0, $0x1F  }
0x2fe: {  	s0 =	smul.u32 $0x2AAAAAAB, s0  }
0x2ff: {  	[smem:$0x6B6] =	sst s1  }
0x300: {  	[smem:$0x6D4] =	sst s0;
	s0 =	spop (v2sf)  }
0x301: {  	(v2sf) =	vpush v10, $0x3;
	[smem:$0x6D3] =	sst s3;
	s3 =	smulhi.u32 $0x2AAAAAAB, s0;
	s1 =	sshra.s32 s0, $0x1F  }
0x302: {  	s1 =	smul.u32 $0x2AAAAAAB, s1  }
0x303: {  	[smem:$0x6D5] =	sst s3  }
0x304: {  	s0 =	sor.u32 $0x4, s2;
	[smem:$0x6D6] =	sst s1;
	s1 =	spop (v2sf)  }
0x305: {  	(v2sf) =	vpush v10, $0x4;
	s3 =	smov.u32 s2;
	s2 =	smulhi.u32 $0x2AAAAAAB, s1;
	s1 =	sshra.s32 s1, $0x1F  }
0x306: {  	s1 =	smul.u32 $0x2AAAAAAB, s1;
	_ =	sdelay $0x1  }
0x307: {  	[smem:$0x6D8] =	sst s1;
	s1 =	spop (v2sf)  }
0x308: {  	(v2sf) =	vpush v10, $0x5;
	[smem:$0x6D7] =	sst s2;
	s2 =	smulhi.u32 $0x2AAAAAAB, s1;
	s1 =	sshra.s32 s1, $0x1F  }
0x309: {  	s1 =	smul.u32 $0x2AAAAAAB, s1;
	_ =	sdelay $0x1  }
0x30a: {  	[smem:$0x6DA] =	sst s1;
	s1 =	spop (v2sf)  }
0x30b: {  	(v2sf) =	vpush v10, $0x6;
	[smem:$0x6D9] =	sst s2;
	s2 =	smulhi.u32 $0x2AAAAAAB, s1;
	s1 =	sshra.s32 s1, $0x1F  }
0x30c: {  	s1 =	smul.u32 $0x2AAAAAAB, s1;
	_ =	sdelay $0x1  }
0x30d: {  	[smem:$0x6DC] =	sst s1;
	s1 =	spop (v2sf)  }
0x30e: {  	(v2sf) =	vpush v10, $0x7;
	[smem:$0x6DB] =	sst s2;
	s2 =	smulhi.u32 $0x2AAAAAAB, s1;
	s1 =	sshra.s32 s1, $0x1F  }
0x30f: {  	s1 =	smul.u32 $0x2AAAAAAB, s1;
	_ =	sdelay $0x1  }
0x310: {  	v3 =	vadd.s32 v3, v11;
	v11 =	vadd.s32 s0, v39;
	[smem:$0x6DE] =	sst s1;
	s1 =	spop (v2sf)  }
0x311: {  	(v2sf) =	vpush v11, $0xD;
	[smem:$0x6DD] =	sst s2;
	s2 =	smulhi.u32 $0x2AAAAAAB, s1;
	s1 =	sshra.s32 s1, $0x1F  }
0x312: {  	s1 =	smul.u32 $0x2AAAAAAB, s1;
	_ =	sdelay $0x1  }
0x313: {  	[smem:$0x6E0] =	sst s1;
	s1 =	spop (v2sf)  }
0x314: {  	(v2sf) =	vpush v11, $0xC;
	[smem:$0x6DF] =	sst s2;
	s2 =	smulhi.u32 $0x2AAAAAAB, s1;
	s1 =	sshra.s32 s1, $0x1F  }
0x315: {  	s1 =	smul.u32 $0x2AAAAAAB, s1;
	_ =	sdelay $0x1  }
0x316: {  	[smem:$0x6E2] =	sst s1;
	s1 =	spop (v2sf)  }
0x317: {  	(v2sf) =	vpush v11, $0xE;
	[smem:$0x6E1] =	sst s2;
	s2 =	smulhi.u32 $0x2AAAAAAB, s1;
	s1 =	sshra.s32 s1, $0x1F  }
0x318: {  	s1 =	smul.u32 $0x2AAAAAAB, s1;
	_ =	sdelay $0x1  }
0x319: {  	[smem:$0x6E4] =	sst s1;
	s1 =	spop (v2sf)  }
0x31a: {  	(v2sf) =	vpush v11, $0xF;
	[smem:$0x6E3] =	sst s2;
	s2 =	smulhi.u32 $0x2AAAAAAB, s1;
	s1 =	sshra.s32 s1, $0x1F  }
0x31b: {  	s1 =	smul.u32 $0x2AAAAAAB, s1;
	_ =	sdelay $0x1  }
0x31c: {  	[smem:$0x6E6] =	sst s1;
	s1 =	spop (v2sf)  }
0x31d: {  	(v2sf) =	vpush v11, $0x9;
	[smem:$0x6E5] =	sst s2;
	s2 =	smulhi.u32 $0x2AAAAAAB, s1;
	s1 =	sshra.s32 s1, $0x1F  }
0x31e: {  	s9 =	sadd.s32 s9, s4;
	s1 =	smul.u32 $0x2AAAAAAB, s1  }
0x31f: {  	[smem:$0x74D] =	sst s9  }
0x320: {  	s6 =	sadd.s32 s10, s6;
	[smem:$0x6E8] =	sst s1;
	s1 =	spop (v2sf)  }
0x321: {  	(v2sf) =	vpush v11, $0x8;
	[smem:$0x6E7] =	sst s2;
	s2 =	smulhi.u32 $0x2AAAAAAB, s1;
	s1 =	sshra.s32 s1, $0x1F  }
0x322: {  	[smem:$0x74C] =	sst s6;
	s8 =	sadd.s32 s12, s8;
	s1 =	smul.u32 $0x2AAAAAAB, s1  }
0x323: {  	[smem:$0x750] =	sst s8  }
0x324: {  	s11 =	sadd.s32 s14, s11;
	[smem:$0x6EA] =	sst s1;
	s1 =	spop (v2sf)  }
0x325: {  	(v2sf) =	vpush v11, $0xA;
	[smem:$0x6E9] =	sst s2;
	s2 =	smulhi.u32 $0x2AAAAAAB, s1;
	s1 =	sshra.s32 s1, $0x1F  }
0x326: {  	[smem:$0x753] =	sst s11;
	s13 =	sadd.s32 s16, s13;
	s1 =	smul.u32 $0x2AAAAAAB, s1  }
0x327: {  	[smem:$0x751] =	sst s13  }
0x328: {  	s16 =	sadd.s32 s18, s15;
	[smem:$0x6EC] =	sst s1;
	s1 =	spop (v2sf)  }
0x329: {  	(v2sf) =	vpush v11, $0xB;
	[smem:$0x6EB] =	sst s2;
	s2 =	smulhi.u32 $0x2AAAAAAB, s1;
	s1 =	sshra.s32 s1, $0x1F  }
0x32a: {  	[smem:$0x74E] =	sst s16;
	s17 =	sadd.s32 s20, s17;
	s1 =	smul.u32 $0x2AAAAAAB, s1  }
0x32b: {  	[smem:$0x754] =	sst s17;
	(v2sf) =	vpush v11, $0x0  }
0x32c: {  	s20 =	sadd.s32 s21, s19;
	[smem:$0x6EE] =	sst s1;
	s1 =	spop (v2sf)  }
0x32d: {  	(v2sf) =	vpush v11, $0x1;
	[smem:$0x6ED] =	sst s2;
	s2 =	smulhi.u32 $0x2AAAAAAB, s1;
	s1 =	sshra.s32 s1, $0x1F  }
0x32e: {  	[smem:$0x756] =	sst s20;
	s21 =	sadd.s32 s23, s7;
	s1 =	smul.u32 $0x2AAAAAAB, s1  }
0x32f: {  	[smem:$0x74B] =	sst s21;
	(v2sf) =	vpush v11, $0x2  }
0x330: {  	s26 =	sadd.s32 s26, s22;
	(v2sf) =	vpush v11, $0x3;
	[smem:$0x6F0] =	sst s1;
	s1 =	spop (v2sf)  }
0x331: {  	[smem:$0x6EF] =	sst s2;
	s2 =	smulhi.u32 $0x2AAAAAAB, s1;
	s1 =	sshra.s32 s1, $0x1F  }
0x332: {  	[smem:$0x74F] =	sst s26;
	s19 =	sadd.s32 s31, s28;
	(v2sf) =	vpush v11, $0x4;
	s1 =	smul.u32 $0x2AAAAAAB, s1  }
0x333: {  	[smem:$0x755] =	sst s19  }
0x334: {  	[smem:$0x6F2] =	sst s1;
	s1 =	spop (v2sf)  }
0x335: {  	(v2sf) =	vpush v11, $0x5;
	[smem:$0x6F1] =	sst s2;
	s2 =	smulhi.u32 $0x2AAAAAAB, s1;
	s1 =	sshra.s32 s1, $0x1F  }
0x336: {  	s20 =	sld [smem:$0x661];
	s1 =	smul.u32 $0x2AAAAAAB, s1  }
0x337: {  	s22 =	sld [smem:$0x662]  }
0x338: {  	(v2sf) =	vpush v11, $0x6;
	[smem:$0x6F4] =	sst s1;
	s1 =	spop (v2sf)  }
0x339: {  	[smem:$0x6F3] =	sst s2;
	s2 =	smulhi.u32 $0x2AAAAAAB, s1;
	s1 =	sshra.s32 s1, $0x1F  }
0x33a: {  	s4 =	spop (v2sf);
	s9 =	smul.u32 $0x2AAAAAAB, s1  }
0x33b: {  	s26 =	sld [smem:$0x665];
	s6 =	smulhi.u32 $0x2AAAAAAB, s4;
	s1 =	sshra.s32 s4, $0x1F  }
0x33c: {  	s10 =	spop (v2sf);
	s4 =	sadd.s32 s29, s25;
	s12 =	smul.u32 $0x2AAAAAAB, s1  }
0x33d: {  	s25 =	sld [smem:$0x664];
	s8 =	smulhi.u32 $0x2AAAAAAB, s10;
	s1 =	sshra.s32 s10, $0x1F  }
0x33e: {  	v12 =	vadd.s32 s0, v38;
	(v2sf) =	vpush v11, $0x7;
	s14 =	spop (v2sf);
	s11 =	smul.u32 $0x2AAAAAAB, s1  }
0x33f: {  	(v2sf) =	vpush v12, $0xD;
	s13 =	smulhi.u32 $0x2AAAAAAB, s14;
	s1 =	sshra.s32 s14, $0x1F;
	s18 =	spop (v2sf)  }
0x340: {  	[smem:$0x6F5] =	sst s2;
	s15 =	smul.u32 $0x2AAAAAAB, s1;
	s1 =	sshra.s32 s18, $0x1F  }
0x341: {  	s2 =	sadd.s32 s20, s30;
	s23 =	spop (v2sf);
	s7 =	smul.u32 $0x2AAAAAAB, s1  }
0x342: {  	s16 =	smulhi.u32 $0x2AAAAAAB, s23;
	s1 =	sshra.s32 s23, $0x1F;
	s23 =	sld [smem:$0x663]  }
0x343: {  	[smem:$0x757] =	sst s2;
	s14 =	smulhi.u32 $0x2AAAAAAB, s18  }
0x344: {  	s18 =	smul.u32 $0x2AAAAAAB, s1;
	s10 =	spop (v2sf)  }
0x345: {  	s1 =	sshra.s32 s10, $0x1F;
	s2 =	sadd.s32 s23, s22;
	s23 =	sld [smem:$0x667]  }
0x346: {  	s19 =	smul.u32 $0x2AAAAAAB, s1;
	[smem:$0x758] =	sst s2  }
0x347: {  	s2 =	sadd.s32 s26, s25;
	s25 =	sld [smem:$0x668];
	s21 =	spop (v2sf)  }
0x348: {  	s20 =	smulhi.u32 $0x2AAAAAAB, s21;
	s1 =	sshra.s32 s21, $0x1F;
	s21 =	sld [smem:$0x666]  }
0x349: {  	s26 =	sld [smem:$0x669]  }
0x34a: {  	[smem:$0x759] =	sst s2  }
0x34b: {  	s17 =	smulhi.u32 $0x2AAAAAAB, s10;
	s2 =	sadd.s32 s23, s21;
	s23 =	sld [smem:$0x66A]  }
0x34c: {  	s22 =	smul.u32 $0x2AAAAAAB, s1;
	[smem:$0x75A] =	sst s2  }
0x34d: {  	s10 =	spop (v2sf);
	s2 =	sadd.s32 s26, s25;
	s26 =	sld [smem:$0x66B]  }
0x34e: {  	(v2sf) =	vpush v12, $0xC;
	s21 =	smulhi.u32 $0x2AAAAAAB, s10;
	s1 =	sshra.s32 s10, $0x1F;
	s10 =	spop (v2sf)  }
0x34f: {  	[smem:$0x75C] =	sst s2;
	s25 =	smul.u32 $0x2AAAAAAB, s1;
	s1 =	sshra.s32 s10, $0x1F  }
0x350: {  	s2 =	sadd.s32 s26, s23;
	s23 =	smulhi.u32 $0x2AAAAAAB, s10;
	s10 =	sld [smem:$0x66C]  }
0x351: {  	(v2sf) =	vpush v12, $0xE;
	s26 =	sld [smem:$0x66D]  }
0x352: {  	[smem:$0x752] =	sst s4  }
0x353: {  	[smem:$0x75D] =	sst s2  }
0x354: {  	s2 =	sadd.s32 s26, s10;
	s10 =	sld [smem:$0x66E]  }
0x355: {  	s26 =	sld [smem:$0x66F]  }
0x356: {  	vm10 =	vgt.s32 v3, $0xFFFFFFF0;
	s4 =	sld [smem:$0x670]  }
0x357: {  	v3 =	vnsel vm10, $0xFFFFFFF0, v3;
	[smem:$0x761] =	sst s2  }
0x358: {  	vm10 =	vlt.s32 v3, $0x10;
	s2 =	sadd.s32 s26, s10;
	s10 =	sld [smem:$0x671]  }
0x359: {  	v3 =	vnsel vm10, $0x10, v3;
	(v2sf) =	vpush v12, $0xF  }
0x35a: {  	v3 =	vadd.s32 $0x10, v3;
	vm9 =	vgt.s32 v5, $0xFFFFFFF0;
	(v2sf) =	vpush v12, $0x9;
	[smem:$0x764] =	sst s2  }
0x35b: {  	[tilespmem:$0x3380] =	vst v4;
	v4 =	vnsel vm9, $0xFFFFFFF0, v5;
	vm9 =	vgt.s32 v0, $0xFFFFFFF0;
	(v2sf) =	vpush v12, $0x8;
	s2 =	sadd.s32 s10, s4;
	s4 =	sld [smem:$0x672]  }
0x35c: {  	vm10 =	vlt.s32 v4, $0x10;
	v0 =	vnsel vm9, $0xFFFFFFF0, v0;
	(v2sf) =	vpush v12, $0xA;
	s10 =	sld [smem:$0x673]  }
0x35d: {  	v4 =	vnsel vm10, $0x10, v4;
	vm9 =	vlt.s32 v0, $0x10;
	(v2sf) =	vpush v12, $0xB;
	s28 =	smul.u32 $0x2AAAAAAB, s1;
	s1 =	spop (v2sf)  }
0x35e: {  	[tilespmem:$0x33C0] =	vst v3;
	v3 =	vadd.s32 $0x10, v4;
	v0 =	vnsel vm9, $0x10, v0;
	(v2sf) =	vpush v12, $0x0;
	s26 =	smulhi.u32 $0x2AAAAAAB, s1;
	s1 =	sshra.s32 s1, $0x1F  }
0x35f: {  	[tilespmem:$0x33D0] =	vst v3;
	v0 =	vadd.s32 $0x10, v0;
	(v2sf) =	vpush v12, $0x1;
	s29 =	smul.u32 $0x2AAAAAAB, s1;
	[smem:$0x762] =	sst s2;
	s2 =	sadd.s32 s10, s4  }
0x360: {  	[tilespmem:$0x33E0] =	vst v0;
	s1 =	spop (v2sf);
	(v2sf) =	vpush v12, $0x2;
	[smem:$0x75F] =	sst s2  }
0x361: {  	s2 =	sld [smem:$0x674]  }
0x362: {  	s10 =	sld [smem:$0x675]  }
0x363: {  	s30 =	smulhi.u32 $0x2AAAAAAB, s1;
	s1 =	sshra.s32 s1, $0x1F  }
0x364: {  	s1 =	smul.u32 $0x2AAAAAAB, s1;
	s4 =	sld [smem:$0x676]  }
0x365: {  	s2 =	sadd.s32 s10, s2;
	s10 =	sld [smem:$0x677]  }
0x366: {  	[smem:$0x6F6] =	sst s1  }
0x367: {  	[smem:$0x765] =	sst s2  }
0x368: {  	s2 =	sadd.s32 s10, s4;
	s10 =	sld [smem:$0x678]  }
0x369: {  	s4 =	sld [smem:$0x679]  }
0x36a: {  	[smem:$0x767] =	sst s2  }
0x36b: {  	s1 =	spop (v2sf);
	s2 =	sadd.s32 s10, s24;
	s10 =	sld [smem:$0x67A]  }
0x36c: {  	s31 =	smulhi.u32 $0x2AAAAAAB, s1;
	s1 =	sshra.s32 s1, $0x1F  }
0x36d: {  	s24 =	smul.u32 $0x2AAAAAAB, s1;
	s1 =	spop (v2sf)  }
0x36e: {  	[smem:$0x75B] =	sst s2;
	s2 =	sadd.s32 s10, s4;
	s10 =	smulhi.u32 $0x2AAAAAAB, s1  }
0x36f: {  	s4 =	sld [smem:$0x67B]  }
0x370: {  	[smem:$0x6F7] =	sst s10  }
0x371: {  	s10 =	sld [smem:$0x67C];
	_ =	sdelay $0x1  }
0x372: {  	[smem:$0x75E] =	sst s2  }
0x373: {  	s1 =	sshra.s32 s1, $0x1F;
	s2 =	sadd.s32 s10, s4;
	s4 =	sld [smem:$0x67D]  }
0x374: {  	s1 =	smul.u32 $0x2AAAAAAB, s1;
	s10 =	sld [smem:$0x67E]  }
0x375: {  	_ = 	snop  }
0x376: {  	[smem:$0x6F8] =	sst s1;
	s1 =	spop (v2sf)  }
0x377: {  	[smem:$0x760] =	sst s2;
	s2 =	sadd.s32 s10, s4;
	s10 =	smulhi.u32 $0x2AAAAAAB, s1  }
0x378: {  	s4 =	sld [smem:$0x67F]  }
0x379: {  	[smem:$0x6F9] =	sst s10  }
0x37a: {  	s10 =	sld [smem:$0x680];
	_ =	sdelay $0x1  }
0x37b: {  	[smem:$0x763] =	sst s2  }
0x37c: {  	s1 =	sshra.s32 s1, $0x1F;
	s2 =	sadd.s32 s10, s4;
	s4 =	sld [smem:$0x681]  }
0x37d: {  	s1 =	smul.u32 $0x2AAAAAAB, s1;
	s10 =	sld [smem:$0x682]  }
0x37e: {  	_ = 	snop  }
0x37f: {  	[smem:$0x6FA] =	sst s1;
	s1 =	spop (v2sf)  }
0x380: {  	[smem:$0x766] =	sst s2;
	s2 =	sadd.s32 s10, s4;
	s10 =	smulhi.u32 $0x2AAAAAAB, s1  }
0x381: {  	s4 =	sld [smem:$0x683]  }
0x382: {  	[smem:$0x6FB] =	sst s10  }
0x383: {  	s10 =	sld [smem:$0x684];
	_ =	sdelay $0x1  }
0x384: {  	[smem:$0x768] =	sst s2  }
0x385: {  	s1 =	sshra.s32 s1, $0x1F;
	s2 =	sadd.s32 s10, s4;
	s4 =	sld [smem:$0x685]  }
0x386: {  	s1 =	smul.u32 $0x2AAAAAAB, s1;
	s10 =	sld [smem:$0x686]  }
0x387: {  	_ = 	snop  }
0x388: {  	[smem:$0x6FC] =	sst s1;
	s1 =	spop (v2sf)  }
0x389: {  	[smem:$0x769] =	sst s2;
	s2 =	sadd.s32 s10, s4;
	s10 =	smulhi.u32 $0x2AAAAAAB, s1  }
0x38a: {  	s4 =	sld [smem:$0x687]  }
0x38b: {  	[smem:$0x6FD] =	sst s10  }
0x38c: {  	s10 =	sld [smem:$0x688];
	_ =	sdelay $0x1  }
0x38d: {  	[smem:$0x76A] =	sst s2  }
0x38e: {  	s2 =	sadd.s32 s10, s4;
	s10 =	sld [smem:$0x68A]  }
0x38f: {  	[smem:$0x76E] =	sst s2  }
0x390: {  	s2 =	sld [smem:$0x689]  }
0x391: {  	s1 =	sshra.s32 s1, $0x1F  }
0x392: {  	v13 =	vadd.s32 s0, v1;
	s0 =	spop (v2sf);
	s4 =	smul.u32 $0x2AAAAAAB, s1  }
0x393: {  	s1 =	sadd.s32 s10, s2;
	s10 =	smulhi.u32 $0x2AAAAAAB, s0  }
0x394: {  	s2 =	sld [smem:$0x68B]  }
0x395: {  	[smem:$0x6FE] =	sst s10  }
0x396: {  	s10 =	sld [smem:$0x68C];
	_ =	sdelay $0x1  }
0x397: {  	[smem:$0x76C] =	sst s1  }
0x398: {  	s0 =	sshra.s32 s0, $0x1F;
	s1 =	sadd.s32 s10, s2;
	s2 =	sld [smem:$0x68D]  }
0x399: {  	s0 =	smul.u32 $0x2AAAAAAB, s0;
	s10 =	sld [smem:$0x68E]  }
0x39a: {  	_ = 	snop  }
0x39b: {  	[smem:$0x6FF] =	sst s0;
	s0 =	spop (v2sf)  }
0x39c: {  	[smem:$0x770] =	sst s1;
	s1 =	sadd.s32 s10, s2;
	s10 =	smulhi.u32 $0x2AAAAAAB, s0  }
0x39d: {  	s2 =	sld [smem:$0x68F]  }
0x39e: {  	[smem:$0x700] =	sst s10  }
0x39f: {  	s10 =	sld [smem:$0x690]  }
0x3a0: {  	(v2sf) =	vpush v12, $0x3  }
0x3a1: {  	[smem:$0x773] =	sst s1  }
0x3a2: {  	s0 =	sshra.s32 s0, $0x1F;
	s1 =	sadd.s32 s10, s2;
	s2 =	sld [smem:$0x691]  }
0x3a3: {  	s0 =	smul.u32 $0x2AAAAAAB, s0;
	s10 =	sld [smem:$0x692]  }
0x3a4: {  	_ = 	snop  }
0x3a5: {  	[smem:$0x701] =	sst s0;
	s0 =	spop (v2sf)  }
0x3a6: {  	[smem:$0x774] =	sst s1;
	s1 =	sadd.s32 s10, s2;
	s10 =	smulhi.u32 $0x2AAAAAAB, s0  }
0x3a7: {  	s2 =	sld [smem:$0x693]  }
0x3a8: {  	[smem:$0x702] =	sst s10  }
0x3a9: {  	s10 =	sld [smem:$0x694]  }
0x3aa: {  	(v2sf) =	vpush v12, $0x4  }
0x3ab: {  	[smem:$0x771] =	sst s1  }
0x3ac: {  	s0 =	sshra.s32 s0, $0x1F;
	s1 =	sadd.s32 s10, s2;
	s2 =	sld [smem:$0x695]  }
0x3ad: {  	s0 =	smul.u32 $0x2AAAAAAB, s0;
	s10 =	sld [smem:$0x696]  }
0x3ae: {  	_ = 	snop  }
0x3af: {  	[smem:$0x703] =	sst s0;
	s0 =	spop (v2sf)  }
0x3b0: {  	[smem:$0x776] =	sst s1;
	s1 =	sadd.s32 s10, s2;
	s10 =	smulhi.u32 $0x2AAAAAAB, s0  }
0x3b1: {  	s2 =	sld [smem:$0x697]  }
0x3b2: {  	[smem:$0x704] =	sst s10  }
0x3b3: {  	s10 =	sld [smem:$0x698]  }
0x3b4: {  	(v2sf) =	vpush v12, $0x5  }
0x3b5: {  	[smem:$0x779] =	sst s1  }
0x3b6: {  	s0 =	sshra.s32 s0, $0x1F;
	s1 =	sadd.s32 s10, s2;
	s2 =	sld [smem:$0x699]  }
0x3b7: {  	s0 =	smul.u32 $0x2AAAAAAB, s0;
	s10 =	sld [smem:$0x69A]  }
0x3b8: {  	_ = 	snop  }
0x3b9: {  	[smem:$0x705] =	sst s0;
	s0 =	spop (v2sf)  }
0x3ba: {  	[smem:$0x76B] =	sst s1;
	s1 =	sadd.s32 s10, s2;
	s10 =	smulhi.u32 $0x2AAAAAAB, s0  }
0x3bb: {  	s2 =	sld [smem:$0x69B]  }
0x3bc: {  	[smem:$0x706] =	sst s10  }
0x3bd: {  	s10 =	sld [smem:$0x69C]  }
0x3be: {  	(v2sf) =	vpush v12, $0x6  }
0x3bf: {  	[smem:$0x76D] =	sst s1  }
0x3c0: {  	s0 =	sshra.s32 s0, $0x1F;
	s1 =	sadd.s32 s10, s2;
	s2 =	sld [smem:$0x69D]  }
0x3c1: {  	s0 =	smul.u32 $0x2AAAAAAB, s0;
	s10 =	sld [smem:$0x69E]  }
0x3c2: {  	_ = 	snop  }
0x3c3: {  	[smem:$0x707] =	sst s0;
	s0 =	spop (v2sf)  }
0x3c4: {  	[smem:$0x76F] =	sst s1;
	s1 =	sadd.s32 s10, s2;
	s10 =	smulhi.u32 $0x2AAAAAAB, s0  }
0x3c5: {  	s2 =	sld [smem:$0x69F]  }
0x3c6: {  	[smem:$0x708] =	sst s10  }
0x3c7: {  	s10 =	sld [smem:$0x6A0]  }
0x3c8: {  	(v2sf) =	vpush v12, $0x7  }
0x3c9: {  	[smem:$0x772] =	sst s1  }
0x3ca: {  	s0 =	sshra.s32 s0, $0x1F;
	s1 =	sadd.s32 s10, s2;
	s2 =	sld [smem:$0x6A1]  }
0x3cb: {  	s0 =	smul.u32 $0x2AAAAAAB, s0;
	s10 =	sld [smem:$0x6A2]  }
0x3cc: {  	_ = 	snop  }
0x3cd: {  	[smem:$0x709] =	sst s0;
	s0 =	spop (v2sf)  }
0x3ce: {  	[smem:$0x775] =	sst s1;
	s1 =	sadd.s32 s10, s2;
	s10 =	smulhi.u32 $0x2AAAAAAB, s0  }
0x3cf: {  	s2 =	sld [smem:$0x6A3]  }
0x3d0: {  	[smem:$0x70A] =	sst s10  }
0x3d1: {  	s10 =	sld [smem:$0x6A4]  }
0x3d2: {  	(v2sf) =	vpush v13, $0xD  }
0x3d3: {  	[smem:$0x777] =	sst s1  }
0x3d4: {  	s0 =	sshra.s32 s0, $0x1F;
	s1 =	sadd.s32 s10, s2;
	s2 =	sld [smem:$0x6A5]  }
0x3d5: {  	s0 =	smul.u32 $0x2AAAAAAB, s0;
	s10 =	sld [smem:$0x6A6]  }
0x3d6: {  	_ = 	snop  }
0x3d7: {  	[smem:$0x70B] =	sst s0;
	s0 =	spop (v2sf)  }
0x3d8: {  	[smem:$0x778] =	sst s1;
	s1 =	sadd.s32 s10, s2;
	s10 =	smulhi.u32 $0x2AAAAAAB, s0  }
0x3d9: {  	s2 =	sld [smem:$0x6A7]  }
0x3da: {  	[smem:$0x70C] =	sst s10  }
0x3db: {  	s10 =	sld [smem:$0x6A8]  }
0x3dc: {  	(v2sf) =	vpush v13, $0xC  }
0x3dd: {  	[smem:$0x77A] =	sst s1  }
0x3de: {  	s0 =	sshra.s32 s0, $0x1F;
	s1 =	sadd.s32 s10, s2;
	s2 =	sld [smem:$0x6A9]  }
0x3df: {  	s0 =	smul.u32 $0x2AAAAAAB, s0;
	s10 =	sld [smem:$0x6AA]  }
0x3e0: {  	_ = 	snop  }
0x3e1: {  	[smem:$0x70D] =	sst s0;
	s0 =	spop (v2sf)  }
0x3e2: {  	[smem:$0x77D] =	sst s1;
	s1 =	sadd.s32 s10, s2;
	s10 =	smulhi.u32 $0x2AAAAAAB, s0  }
0x3e3: {  	s2 =	sld [smem:$0x6AB]  }
0x3e4: {  	[smem:$0x70E] =	sst s10  }
0x3e5: {  	s10 =	sld [smem:$0x6AC]  }
0x3e6: {  	(v2sf) =	vpush v13, $0xE  }
0x3e7: {  	[smem:$0x77B] =	sst s1  }
0x3e8: {  	s0 =	sshra.s32 s0, $0x1F;
	s1 =	sadd.s32 s10, s2;
	s2 =	sld [smem:$0x6AD]  }
0x3e9: {  	s0 =	smul.u32 $0x2AAAAAAB, s0;
	s10 =	sld [smem:$0x6AE]  }
0x3ea: {  	_ = 	snop  }
0x3eb: {  	[smem:$0x70F] =	sst s0;
	s0 =	spop (v2sf)  }
0x3ec: {  	[smem:$0x77E] =	sst s1;
	s1 =	sadd.s32 s10, s2;
	s10 =	smulhi.u32 $0x2AAAAAAB, s0  }
0x3ed: {  	s2 =	sld [smem:$0x6AF]  }
0x3ee: {  	[smem:$0x710] =	sst s10  }
0x3ef: {  	s10 =	sld [smem:$0x6B0]  }
0x3f0: {  	(v2sf) =	vpush v13, $0xF  }
0x3f1: {  	[smem:$0x781] =	sst s1  }
0x3f2: {  	s0 =	sshra.s32 s0, $0x1F;
	s1 =	sadd.s32 s10, s2;
	s2 =	sld [smem:$0x6B1]  }
0x3f3: {  	s0 =	smul.u32 $0x2AAAAAAB, s0;
	s10 =	sld [smem:$0x6B2]  }
0x3f4: {  	_ = 	snop  }
0x3f5: {  	[smem:$0x711] =	sst s0;
	s0 =	spop (v2sf)  }
0x3f6: {  	[smem:$0x782] =	sst s1;
	s1 =	sadd.s32 s10, s2;
	s10 =	smulhi.u32 $0x2AAAAAAB, s0  }
0x3f7: {  	s2 =	sld [smem:$0x6B3]  }
0x3f8: {  	[smem:$0x712] =	sst s10  }
0x3f9: {  	s10 =	sld [smem:$0x6B4]  }
0x3fa: {  	(v2sf) =	vpush v13, $0x9  }
0x3fb: {  	[smem:$0x77F] =	sst s1  }
0x3fc: {  	s0 =	sshra.s32 s0, $0x1F;
	s1 =	sadd.s32 s10, s2;
	s2 =	sld [smem:$0x6B5]  }
0x3fd: {  	s0 =	smul.u32 $0x2AAAAAAB, s0;
	s10 =	sld [smem:$0x6B6]  }
0x3fe: {  	_ = 	snop  }
0x3ff: {  	[smem:$0x713] =	sst s0;
	s0 =	spop (v2sf)  }
0x400: {  	[smem:$0x784] =	sst s1;
	s1 =	sadd.s32 s10, s2;
	s10 =	smulhi.u32 $0x2AAAAAAB, s0  }
0x401: {  	s2 =	sld [smem:$0x6B7]  }
0x402: {  	[smem:$0x714] =	sst s10  }
0x403: {  	s10 =	sld [smem:$0x6B8]  }
0x404: {  	(v2sf) =	vpush v13, $0x8  }
0x405: {  	[smem:$0x786] =	sst s1  }
0x406: {  	s0 =	sshra.s32 s0, $0x1F;
	s1 =	sadd.s32 s10, s2;
	s2 =	sld [smem:$0x6B9]  }
0x407: {  	s0 =	smul.u32 $0x2AAAAAAB, s0;
	s10 =	sld [smem:$0x6BA]  }
0x408: {  	_ = 	snop  }
0x409: {  	[smem:$0x715] =	sst s0;
	s0 =	spop (v2sf)  }
0x40a: {  	[smem:$0x77C] =	sst s1;
	s1 =	sadd.s32 s10, s2;
	s10 =	smulhi.u32 $0x2AAAAAAB, s0  }
0x40b: {  	s2 =	sld [smem:$0x6BB]  }
0x40c: {  	[smem:$0x716] =	sst s10  }
0x40d: {  	s10 =	sld [smem:$0x6BC]  }
0x40e: {  	(v2sf) =	vpush v13, $0xA  }
0x40f: {  	[smem:$0x780] =	sst s1  }
0x410: {  	s0 =	sshra.s32 s0, $0x1F;
	s1 =	sadd.s32 s10, s2;
	s2 =	sld [smem:$0x6BD]  }
0x411: {  	s0 =	smul.u32 $0x2AAAAAAB, s0;
	s10 =	sld [smem:$0x6BE]  }
0x412: {  	_ = 	snop  }
0x413: {  	[smem:$0x717] =	sst s0;
	s0 =	spop (v2sf)  }
0x414: {  	[smem:$0x783] =	sst s1;
	s1 =	sadd.s32 s10, s2;
	s10 =	smulhi.u32 $0x2AAAAAAB, s0  }
0x415: {  	(v2sf) =	vpush v13, $0xB;
	s2 =	sld [smem:$0x6BF]  }
0x416: {  	[smem:$0x718] =	sst s10  }
0x417: {  	s10 =	sld [smem:$0x6C0];
	_ =	sdelay $0x1  }
0x418: {  	[smem:$0x785] =	sst s1  }
0x419: {  	s0 =	sshra.s32 s0, $0x1F;
	s1 =	sadd.s32 s10, s2;
	s2 =	sld [smem:$0x6C1]  }
0x41a: {  	s0 =	smul.u32 $0x2AAAAAAB, s0;
	s10 =	sld [smem:$0x6C2]  }
0x41b: {  	_ = 	snop  }
0x41c: {  	[smem:$0x719] =	sst s0;
	s0 =	spop (v2sf)  }
0x41d: {  	[smem:$0x787] =	sst s1;
	s1 =	sadd.s32 s10, s2;
	s10 =	smulhi.u32 $0x2AAAAAAB, s0  }
0x41e: {  	s2 =	sld [smem:$0x6C3]  }
0x41f: {  	[smem:$0x71A] =	sst s10  }
0x420: {  	(v2sf) =	vpush v13, $0x0;
	s10 =	sld [smem:$0x6C4]  }
0x421: {  	s0 =	sshra.s32 s0, $0x1F  }
0x422: {  	s0 =	smul.u32 $0x2AAAAAAB, s0  }
0x423: {  	[smem:$0x788] =	sst s1;
	s1 =	sadd.s32 s10, s2;
	s2 =	spop (v2sf)  }
0x424: {  	[smem:$0x71B] =	sst s0;
	s10 =	smulhi.u32 $0x2AAAAAAB, s2  }
0x425: {  	s0 =	sshra.s32 s2, $0x1F;
	s2 =	sld [smem:$0x6C5]  }
0x426: {  	[smem:$0x71C] =	sst s10  }
0x427: {  	s10 =	sor.u32 $0x5, s3;
	s3 =	sld [smem:$0x6C6];
	_ =	sdelay $0x1  }
0x428: {  	[smem:$0x789] =	sst s1  }
0x429: {  	s1 =	sadd.s32 s3, s2;
	s2 =	sld [smem:$0x6C8]  }
0x42a: {  	[smem:$0x78A] =	sst s1  }
0x42b: {  	(v2sf) =	vpush v13, $0x1;
	s1 =	sld [smem:$0x6C7];
	_ =	sdelay $0x2  }
0x42c: {  	s3 =	smul.u32 $0x2AAAAAAB, s0;
	s0 =	spop (v2sf);
	s1 =	sadd.s32 s2, s1  }
0x42d: {  	s2 =	smulhi.u32 $0x2AAAAAAB, s0;
	[smem:$0x790] =	sst s1  }
0x42e: {  	s1 =	sld [smem:$0x6C9]  }
0x42f: {  	[smem:$0x71D] =	sst s2  }
0x430: {  	s2 =	sld [smem:$0x6CA];
	_ =	sdelay $0x2  }
0x431: {  	s1 =	sadd.s32 s2, s1;
	s2 =	sld [smem:$0x6CC]  }
0x432: {  	[smem:$0x78D] =	sst s1  }
0x433: {  	(v2sf) =	vpush v13, $0x2;
	s0 =	sshra.s32 s0, $0x1F;
	s1 =	sld [smem:$0x6CB]  }
0x434: {  	s0 =	smul.u32 $0x2AAAAAAB, s0;
	_ =	sdelay $0x1  }
0x435: {  	[smem:$0x71E] =	sst s0;
	s0 =	spop (v2sf);
	s1 =	sadd.s32 s2, s1  }
0x436: {  	s2 =	smulhi.u32 $0x2AAAAAAB, s0;
	[smem:$0x793] =	sst s1  }
0x437: {  	s1 =	sld [smem:$0x6CD]  }
0x438: {  	[smem:$0x71F] =	sst s2  }
0x439: {  	s2 =	sld [smem:$0x6CE];
	_ =	sdelay $0x2  }
0x43a: {  	s1 =	sadd.s32 s2, s1;
	s2 =	sld [smem:$0x6D0]  }
0x43b: {  	[smem:$0x796] =	sst s1  }
0x43c: {  	(v2sf) =	vpush v13, $0x3;
	s0 =	sshra.s32 s0, $0x1F;
	s1 =	sld [smem:$0x6CF]  }
0x43d: {  	s0 =	smul.u32 $0x2AAAAAAB, s0;
	_ =	sdelay $0x1  }
0x43e: {  	[smem:$0x720] =	sst s0;
	s0 =	spop (v2sf);
	s1 =	sadd.s32 s2, s1  }
0x43f: {  	s2 =	smulhi.u32 $0x2AAAAAAB, s0;
	[smem:$0x791] =	sst s1  }
0x440: {  	s1 =	sld [smem:$0x6D1]  }
0x441: {  	[smem:$0x721] =	sst s2  }
0x442: {  	s2 =	sld [smem:$0x6D2];
	_ =	sdelay $0x2  }
0x443: {  	s1 =	sadd.s32 s2, s1;
	s2 =	sld [smem:$0x6D4]  }
0x444: {  	[smem:$0x78E] =	sst s1  }
0x445: {  	(v2sf) =	vpush v13, $0x4;
	s0 =	sshra.s32 s0, $0x1F;
	s1 =	sld [smem:$0x6D3]  }
0x446: {  	s0 =	smul.u32 $0x2AAAAAAB, s0;
	_ =	sdelay $0x1  }
0x447: {  	[smem:$0x722] =	sst s0;
	s0 =	spop (v2sf);
	s1 =	sadd.s32 s2, s1  }
0x448: {  	s2 =	smulhi.u32 $0x2AAAAAAB, s0;
	[smem:$0x794] =	sst s1  }
0x449: {  	s1 =	sld [smem:$0x6D5]  }
0x44a: {  	[smem:$0x723] =	sst s2  }
0x44b: {  	s2 =	sld [smem:$0x6D6];
	_ =	sdelay $0x2  }
0x44c: {  	s1 =	sadd.s32 s2, s1;
	s2 =	sld [smem:$0x6D8]  }
0x44d: {  	[smem:$0x797] =	sst s1  }
0x44e: {  	(v2sf) =	vpush v13, $0x5;
	s0 =	sshra.s32 s0, $0x1F;
	s1 =	sld [smem:$0x6D7]  }
0x44f: {  	s0 =	smul.u32 $0x2AAAAAAB, s0;
	_ =	sdelay $0x1  }
0x450: {  	[smem:$0x724] =	sst s0;
	s0 =	spop (v2sf);
	s1 =	sadd.s32 s2, s1  }
0x451: {  	s2 =	smulhi.u32 $0x2AAAAAAB, s0;
	[smem:$0x78B] =	sst s1  }
0x452: {  	s1 =	sld [smem:$0x6D9]  }
0x453: {  	[smem:$0x725] =	sst s2  }
0x454: {  	s2 =	sld [smem:$0x6DA];
	_ =	sdelay $0x2  }
0x455: {  	s1 =	sadd.s32 s2, s1;
	s2 =	sld [smem:$0x6DC]  }
0x456: {  	[smem:$0x78C] =	sst s1  }
0x457: {  	(v2sf) =	vpush v13, $0x6;
	s0 =	sshra.s32 s0, $0x1F;
	s1 =	sld [smem:$0x6DB]  }
0x458: {  	s0 =	smul.u32 $0x2AAAAAAB, s0;
	_ =	sdelay $0x1  }
0x459: {  	[smem:$0x726] =	sst s0;
	s0 =	spop (v2sf);
	s1 =	sadd.s32 s2, s1  }
0x45a: {  	s2 =	smulhi.u32 $0x2AAAAAAB, s0;
	[smem:$0x78F] =	sst s1  }
0x45b: {  	s1 =	sld [smem:$0x6DD]  }
0x45c: {  	[smem:$0x727] =	sst s2  }
0x45d: {  	s2 =	sld [smem:$0x6DE];
	_ =	sdelay $0x2  }
0x45e: {  	s1 =	sadd.s32 s2, s1;
	s2 =	sld [smem:$0x6E0]  }
0x45f: {  	[smem:$0x792] =	sst s1  }
0x460: {  	(v2sf) =	vpush v13, $0x7;
	s0 =	sshra.s32 s0, $0x1F;
	s1 =	sld [smem:$0x6DF]  }
0x461: {  	s0 =	smul.u32 $0x2AAAAAAB, s0;
	_ =	sdelay $0x1  }
0x462: {  	[smem:$0x728] =	sst s0;
	s0 =	spop (v2sf);
	s1 =	sadd.s32 s2, s1  }
0x463: {  	s2 =	smulhi.u32 $0x2AAAAAAB, s0;
	[smem:$0x795] =	sst s1  }
0x464: {  	s1 =	sld [smem:$0x6E1]  }
0x465: {  	[smem:$0x729] =	sst s2  }
0x466: {  	s2 =	sld [smem:$0x6E2];
	_ =	sdelay $0x2  }
0x467: {  	s1 =	sadd.s32 s2, s1;
	s2 =	sld [smem:$0x6E4]  }
0x468: {  	v14 =	vadd.s32 s10, v39;
	[smem:$0x798] =	sst s1  }
0x469: {  	(v2sf) =	vpush v14, $0xD;
	s0 =	sshra.s32 s0, $0x1F;
	s1 =	sld [smem:$0x6E3]  }
0x46a: {  	s0 =	smul.u32 $0x2AAAAAAB, s0;
	_ =	sdelay $0x1  }
0x46b: {  	[smem:$0x72A] =	sst s0;
	s0 =	spop (v2sf);
	s1 =	sadd.s32 s2, s1  }
0x46c: {  	s2 =	smulhi.u32 $0x2AAAAAAB, s0;
	[smem:$0x799] =	sst s1  }
0x46d: {  	s1 =	sld [smem:$0x6E5]  }
0x46e: {  	[smem:$0x72B] =	sst s2  }
0x46f: {  	s2 =	sld [smem:$0x6E6];
	_ =	sdelay $0x2  }
0x470: {  	s1 =	sadd.s32 s2, s1;
	s2 =	sld [smem:$0x6E8]  }
0x471: {  	[smem:$0x79A] =	sst s1  }
0x472: {  	(v2sf) =	vpush v14, $0xC;
	s0 =	sshra.s32 s0, $0x1F;
	s1 =	sld [smem:$0x6E7]  }
0x473: {  	s6 =	sadd.s32 s12, s6;
	s0 =	smul.u32 $0x2AAAAAAB, s0  }
0x474: {  	[smem:$0x79B] =	sst s6  }
0x475: {  	[smem:$0x72C] =	sst s0;
	s0 =	spop (v2sf);
	s1 =	sadd.s32 s2, s1  }
0x476: {  	s2 =	smulhi.u32 $0x2AAAAAAB, s0;
	[smem:$0x79E] =	sst s1  }
0x477: {  	s1 =	sld [smem:$0x6E9]  }
0x478: {  	[smem:$0x72D] =	sst s2  }
0x479: {  	s11 =	sadd.s32 s11, s8;
	s2 =	sld [smem:$0x6EA]  }
0x47a: {  	s13 =	sadd.s32 s15, s13;
	[smem:$0x79D] =	sst s11  }
0x47b: {  	[smem:$0x79F] =	sst s13  }
0x47c: {  	s1 =	sadd.s32 s2, s1;
	s2 =	sld [smem:$0x6EC]  }
0x47d: {  	[smem:$0x79C] =	sst s1  }
0x47e: {  	s14 =	sadd.s32 s7, s14;
	(v2sf) =	vpush v14, $0xE;
	s0 =	sshra.s32 s0, $0x1F;
	s1 =	sld [smem:$0x6EB]  }
0x47f: {  	s16 =	sadd.s32 s18, s16;
	[smem:$0x7A1] =	sst s14;
	s0 =	smul.u32 $0x2AAAAAAB, s0  }
0x480: {  	[smem:$0x7A4] =	sst s16  }
0x481: {  	[smem:$0x72E] =	sst s0;
	s0 =	spop (v2sf);
	s1 =	sadd.s32 s2, s1  }
0x482: {  	s2 =	smulhi.u32 $0x2AAAAAAB, s0;
	[smem:$0x7A0] =	sst s1  }
0x483: {  	s1 =	sld [smem:$0x6ED]  }
0x484: {  	[smem:$0x72F] =	sst s2  }
0x485: {  	s17 =	sadd.s32 s19, s17;
	s2 =	sld [smem:$0x6EE]  }
0x486: {  	s20 =	sadd.s32 s22, s20;
	[smem:$0x7A6] =	sst s17  }
0x487: {  	[smem:$0x7A8] =	sst s20  }
0x488: {  	s1 =	sadd.s32 s2, s1;
	s2 =	sld [smem:$0x6F0]  }
0x489: {  	(v2sf) =	vpush v14, $0xF;
	[smem:$0x7A2] =	sst s1  }
0x48a: {  	s21 =	sadd.s32 s25, s21;
	s0 =	sshra.s32 s0, $0x1F;
	s1 =	sld [smem:$0x6EF]  }
0x48b: {  	s23 =	sadd.s32 s28, s23;
	[smem:$0x7AA] =	sst s21;
	s0 =	smul.u32 $0x2AAAAAAB, s0  }
0x48c: {  	[smem:$0x7AB] =	sst s23  }
0x48d: {  	[smem:$0x730] =	sst s0;
	s0 =	spop (v2sf);
	s1 =	sadd.s32 s2, s1  }
0x48e: {  	s2 =	smulhi.u32 $0x2AAAAAAB, s0;
	[smem:$0x7A5] =	sst s1  }
0x48f: {  	s1 =	sld [smem:$0x6F1]  }
0x490: {  	(v2sf) =	vpush v14, $0x9;
	[smem:$0x731] =	sst s2  }
0x491: {  	s2 =	sld [smem:$0x6F2]  }
0x492: {  	s14 =	sld [smem:$0x6F6];
	s16 =	sadd.s32 s24, s31;
	(v2sf) =	vpush v14, $0x8  }
0x493: {  	[smem:$0x7B1] =	sst s16  }
0x494: {  	(v2sf) =	vpush v14, $0xA;
	s1 =	sadd.s32 s2, s1;
	s2 =	sld [smem:$0x6F4]  }
0x495: {  	s0 =	sshra.s32 s0, $0x1F;
	[smem:$0x7A3] =	sst s1  }
0x496: {  	(v2sf) =	vpush v14, $0xB;
	s0 =	smul.u32 $0x2AAAAAAB, s0;
	s1 =	sld [smem:$0x6F3]  }
0x497: {  	s20 =	sld [smem:$0x6F8]  }
0x498: {  	(v2sf) =	vpush v14, $0x0;
	[smem:$0x732] =	sst s0;
	s0 =	spop (v2sf)  }
0x499: {  	s23 =	sld [smem:$0x6FA];
	s1 =	sadd.s32 s2, s1;
	s2 =	smulhi.u32 $0x2AAAAAAB, s0  }
0x49a: {  	s16 =	sld [smem:$0x6FF];
	(v2sf) =	vpush v14, $0x1  }
0x49b: {  	[smem:$0x733] =	sst s2  }
0x49c: {  	(v2sf) =	vpush v14, $0x2;
	s2 =	sld [smem:$0x6F5]  }
0x49d: {  	v15 =	vadd.s32 s10, v38;
	v17 =	vadd.s32 s10, v1;
	s10 =	sld [smem:$0x72F]  }
0x49e: {  	s0 =	sshra.s32 s0, $0x1F;
	[smem:$0x7A7] =	sst s1  }
0x49f: {  	s1 =	sadd.s32 s9, s2;
	s9 =	smul.u32 $0x2AAAAAAB, s0;
	s2 =	spop (v2sf)  }
0x4a0: {  	[smem:$0x7A9] =	sst s1;
	s6 =	smulhi.u32 $0x2AAAAAAB, s2;
	s0 =	sshra.s32 s2, $0x1F  }
0x4a1: {  	s12 =	spop (v2sf);
	s2 =	sadd.s32 s29, s26;
	s11 =	smul.u32 $0x2AAAAAAB, s0  }
0x4a2: {  	(v2sf) =	vpush v14, $0x3;
	s26 =	sld [smem:$0x6FC];
	s8 =	smulhi.u32 $0x2AAAAAAB, s12;
	s0 =	sshra.s32 s12, $0x1F  }
0x4a3: {  	s15 =	spop (v2sf);
	s7 =	smul.u32 $0x2AAAAAAB, s0  }
0x4a4: {  	[smem:$0x7AC] =	sst s2;
	s13 =	smulhi.u32 $0x2AAAAAAB, s15;
	s0 =	sshra.s32 s15, $0x1F  }
0x4a5: {  	s1 =	sadd.s32 s14, s30;
	s18 =	spop (v2sf);
	s0 =	smul.u32 $0x2AAAAAAB, s0  }
0x4a6: {  	[smem:$0x7AE] =	sst s1;
	s19 =	smulhi.u32 $0x2AAAAAAB, s18;
	s6 =	sadd.s32 s11, s6  }
0x4a7: {  	s22 =	spop (v2sf);
	[smem:$0x7D2] =	sst s6  }
0x4a8: {  	s25 =	smulhi.u32 $0x2AAAAAAB, s22;
	[smem:$0x734] =	sst s0  }
0x4a9: {  	s12 =	spop (v2sf);
	s0 =	sshra.s32 s18, $0x1F;
	s18 =	sld [smem:$0x6F7]  }
0x4aa: {  	s15 =	smulhi.u32 $0x2AAAAAAB, s12;
	[smem:$0x736] =	sst s25  }
0x4ab: {  	s17 =	spop (v2sf);
	s25 =	sld [smem:$0x6FB]  }
0x4ac: {  	s0 =	smul.u32 $0x2AAAAAAB, s0;
	[smem:$0x738] =	sst s15  }
0x4ad: {  	s21 =	smulhi.u32 $0x2AAAAAAB, s17;
	s15 =	sld [smem:$0x6FE]  }
0x4ae: {  	[smem:$0x735] =	sst s0  }
0x4af: {  	[smem:$0x73A] =	sst s21  }
0x4b0: {  	s0 =	sshra.s32 s22, $0x1F;
	s22 =	sld [smem:$0x6F9]  }
0x4b1: {  	(v2sf) =	vpush v14, $0x4;
	s24 =	spop (v2sf);
	s1 =	sadd.s32 s20, s18;
	s18 =	sld [smem:$0x700]  }
0x4b2: {  	s2 =	smulhi.u32 $0x2AAAAAAB, s24;
	s20 =	sld [smem:$0x701]  }
0x4b3: {  	[smem:$0x7B2] =	sst s1  }
0x4b4: {  	s0 =	smul.u32 $0x2AAAAAAB, s0;
	[smem:$0x73C] =	sst s2  }
0x4b5: {  	s2 =	sld [smem:$0x70E]  }
0x4b6: {  	[smem:$0x737] =	sst s0  }
0x4b7: {  	s0 =	sshra.s32 s12, $0x1F;
	s12 =	sld [smem:$0x6FD]  }
0x4b8: {  	(v2sf) =	vpush v14, $0x5;
	s1 =	sadd.s32 s23, s22;
	s22 =	sld [smem:$0x702]  }
0x4b9: {  	s23 =	sld [smem:$0x703]  }
0x4ba: {  	[smem:$0x7AF] =	sst s1  }
0x4bb: {  	(v2sf) =	vpush v14, $0x6;
	s1 =	sadd.s32 s26, s25;
	s25 =	sld [smem:$0x704]  }
0x4bc: {  	s0 =	smul.u32 $0x2AAAAAAB, s0;
	s26 =	sld [smem:$0x705]  }
0x4bd: {  	[smem:$0x7B4] =	sst s1  }
0x4be: {  	(v2sf) =	vpush v14, $0x7;
	[smem:$0x739] =	sst s0;
	s1 =	sadd.s32 s4, s12  }
0x4bf: {  	s0 =	sshra.s32 s17, $0x1F;
	[smem:$0x7B6] =	sst s1  }
0x4c0: {  	s14 =	spop (v2sf);
	s1 =	sadd.s32 s16, s15;
	s15 =	sld [smem:$0x707]  }
0x4c1: {  	s0 =	smul.u32 $0x2AAAAAAB, s0;
	[smem:$0x7AD] =	sst s1  }
0x4c2: {  	s17 =	smulhi.u32 $0x2AAAAAAB, s14;
	s1 =	sadd.s32 s20, s18;
	s18 =	sld [smem:$0x709]  }
0x4c3: {  	[smem:$0x73B] =	sst s0  }
0x4c4: {  	[smem:$0x73D] =	sst s17  }
0x4c5: {  	[smem:$0x7B0] =	sst s1  }
0x4c6: {  	(v2sf) =	vpush v15, $0xD;
	s17 =	sld [smem:$0x708]  }
0x4c7: {  	s21 =	spop (v2sf);
	s1 =	sadd.s32 s23, s22;
	s22 =	sld [smem:$0x70B]  }
0x4c8: {  	s0 =	sshra.s32 s24, $0x1F;
	s24 =	smulhi.u32 $0x2AAAAAAB, s21;
	[smem:$0x7B3] =	sst s1  }
0x4c9: {  	s4 =	smul.u32 $0x2AAAAAAB, s0;
	s0 =	sshra.s32 s14, $0x1F;
	s14 =	sld [smem:$0x706]  }
0x4ca: {  	s12 =	spop (v2sf);
	s1 =	sadd.s32 s26, s25;
	s25 =	sld [smem:$0x70D]  }
0x4cb: {  	s16 =	smulhi.u32 $0x2AAAAAAB, s12;
	[smem:$0x73F] =	sst s24  }
0x4cc: {  	[smem:$0x7B5] =	sst s1  }
0x4cd: {  	s20 =	spop (v2sf);
	[smem:$0x741] =	sst s16  }
0x4ce: {  	(v2sf) =	vpush v15, $0xC;
	s23 =	smulhi.u32 $0x2AAAAAAB, s20;
	s24 =	sld [smem:$0x70C]  }
0x4cf: {  	s16 =	sld [smem:$0x711]  }
0x4d0: {  	s0 =	smul.u32 $0x2AAAAAAB, s0;
	[smem:$0x743] =	sst s23  }
0x4d1: {  	s23 =	sld [smem:$0x715]  }
0x4d2: {  	[smem:$0x73E] =	sst s0  }
0x4d3: {  	s0 =	sshra.s32 s21, $0x1F;
	s21 =	sld [smem:$0x70A]  }
0x4d4: {  	s1 =	sadd.s32 s15, s14;
	s15 =	sld [smem:$0x710]  }
0x4d5: {  	s26 =	spop (v2sf);
	[smem:$0x7B7] =	sst s1  }
0x4d6: {  	(v2sf) =	vpush v15, $0xE;
	s14 =	smulhi.u32 $0x2AAAAAAB, s26;
	s1 =	sadd.s32 s18, s17;
	s18 =	sld [smem:$0x712]  }
0x4d7: {  	[smem:$0x7B8] =	sst s1  }
0x4d8: {  	s0 =	smul.u32 $0x2AAAAAAB, s0;
	[smem:$0x745] =	sst s14  }
0x4d9: {  	s14 =	sld [smem:$0x718]  }
0x4da: {  	[smem:$0x740] =	sst s0  }
0x4db: {  	s0 =	sshra.s32 s12, $0x1F;
	s12 =	sld [smem:$0x70F]  }
0x4dc: {  	s1 =	sadd.s32 s22, s21;
	s22 =	sld [smem:$0x714]  }
0x4dd: {  	s17 =	spop (v2sf);
	[smem:$0x7B9] =	sst s1  }
0x4de: {  	(v2sf) =	vpush v15, $0xF;
	s21 =	smulhi.u32 $0x2AAAAAAB, s17;
	s1 =	sadd.s32 s25, s24;
	s25 =	sld [smem:$0x716]  }
0x4df: {  	[smem:$0x7BA] =	sst s1  }
0x4e0: {  	s0 =	smul.u32 $0x2AAAAAAB, s0;
	[smem:$0x747] =	sst s21  }
0x4e1: {  	s21 =	sld [smem:$0x71C]  }
0x4e2: {  	[smem:$0x742] =	sst s0  }
0x4e3: {  	s0 =	sshra.s32 s20, $0x1F;
	s20 =	sld [smem:$0x713]  }
0x4e4: {  	s1 =	sadd.s32 s12, s2;
	s2 =	sld [smem:$0x72D]  }
0x4e5: {  	s24 =	spop (v2sf);
	[smem:$0x7BC] =	sst s1  }
0x4e6: {  	s12 =	smulhi.u32 $0x2AAAAAAB, s24;
	s1 =	sadd.s32 s16, s15;
	s15 =	sld [smem:$0x719]  }
0x4e7: {  	[smem:$0x7BD] =	sst s1  }
0x4e8: {  	s0 =	smul.u32 $0x2AAAAAAB, s0;
	[smem:$0x749] =	sst s12  }
0x4e9: {  	s12 =	sld [smem:$0x721]  }
0x4ea: {  	[smem:$0x744] =	sst s0  }
0x4eb: {  	s0 =	sshra.s32 s26, $0x1F;
	s26 =	sld [smem:$0x717]  }
0x4ec: {  	s1 =	sadd.s32 s20, s18;
	s18 =	sld [smem:$0x71B]  }
0x4ed: {  	s16 =	spop (v2sf);
	[smem:$0x7BE] =	sst s1  }
0x4ee: {  	(v2sf) =	vpush v15, $0x9;
	s20 =	smulhi.u32 $0x2AAAAAAB, s16;
	s1 =	sadd.s32 s23, s22;
	s23 =	sld [smem:$0x71D]  }
0x4ef: {  	[smem:$0x7C2] =	sst s1  }
0x4f0: {  	s0 =	smul.u32 $0x2AAAAAAB, s0;
	[smem:$0x74A] =	sst s20  }
0x4f1: {  	s20 =	sld [smem:$0x726]  }
0x4f2: {  	[smem:$0x746] =	sst s0  }
0x4f3: {  	(v2sf) =	vpush v15, $0x8;
	s0 =	sshra.s32 s17, $0x1F;
	s17 =	sld [smem:$0x71A]  }
0x4f4: {  	(v2sf) =	vpush v15, $0xA;
	s1 =	sadd.s32 s26, s25;
	s25 =	sld [smem:$0x71F]  }
0x4f5: {  	s26 =	sld [smem:$0x720]  }
0x4f6: {  	[smem:$0x7C3] =	sst s1  }
0x4f7: {  	s1 =	sadd.s32 s15, s14;
	s14 =	sld [smem:$0x722]  }
0x4f8: {  	(v2sf) =	vpush v15, $0xB;
	s0 =	smul.u32 $0x2AAAAAAB, s0;
	s15 =	sld [smem:$0x723]  }
0x4f9: {  	[smem:$0x7C0] =	sst s1  }
0x4fa: {  	[smem:$0x748] =	sst s0  }
0x4fb: {  	s0 =	sshra.s32 s24, $0x1F;
	s24 =	sld [smem:$0x71E]  }
0x4fc: {  	s1 =	sadd.s32 s18, s17;
	s18 =	sld [smem:$0x725]  }
0x4fd: {  	(v2sf) =	vpush v15, $0x0;
	s22 =	spop (v2sf);
	[smem:$0x7C5] =	sst s1  }
0x4fe: {  	s30 =	smul.u32 $0x2AAAAAAB, s0;
	s0 =	sshra.s32 s16, $0x1F;
	s16 =	sld [smem:$0x724]  }
0x4ff: {  	s29 =	smulhi.u32 $0x2AAAAAAB, s22;
	s1 =	sadd.s32 s3, s21;
	s21 =	sld [smem:$0x727]  }
0x500: {  	[smem:$0x7C7] =	sst s1;
	s28 =	smul.u32 $0x2AAAAAAB, s0  }
0x501: {  	s0 =	sshra.s32 s22, $0x1F;
	s22 =	sld [smem:$0x728];
	s1 =	sadd.s32 s24, s23  }
0x502: {  	s3 =	spop (v2sf);
	[smem:$0x7BB] =	sst s1;
	s1 =	sadd.s32 s26, s25  }
0x503: {  	s17 =	spop (v2sf);
	[smem:$0x7BF] =	sst s1  }
0x504: {  	s24 =	smulhi.u32 $0x2AAAAAAB, s17;
	s1 =	sadd.s32 s14, s12;
	s12 =	sld [smem:$0x729]  }
0x505: {  	s25 =	smul.u32 $0x2AAAAAAB, s0;
	s14 =	sld [smem:$0x72A]  }
0x506: {  	s26 =	smulhi.u32 $0x2AAAAAAB, s3;
	s0 =	sshra.s32 s3, $0x1F;
	[smem:$0x7C1] =	sst s1  }
0x507: {  	(v2sf) =	vpush v15, $0x1;
	s3 =	spop (v2sf);
	s1 =	sadd.s32 s16, s15;
	s15 =	sld [smem:$0x72B]  }
0x508: {  	(v2sf) =	vpush v15, $0x2;
	s23 =	smul.u32 $0x2AAAAAAB, s0;
	s16 =	sld [smem:$0x72C]  }
0x509: {  	s0 =	sshra.s32 s17, $0x1F;
	[smem:$0x7C4] =	sst s1;
	s1 =	sadd.s32 s20, s18  }
0x50a: {  	[smem:$0x7C6] =	sst s1;
	s1 =	sadd.s32 s22, s21;
	s21 =	smul.u32 $0x2AAAAAAB, s0  }
0x50b: {  	s22 =	smulhi.u32 $0x2AAAAAAB, s3;
	s0 =	sshra.s32 s3, $0x1F;
	s3 =	sld [smem:$0x72E]  }
0x50c: {  	s17 =	spop (v2sf);
	[smem:$0x7C8] =	sst s1  }
0x50d: {  	s20 =	smulhi.u32 $0x2AAAAAAB, s17;
	s1 =	sadd.s32 s14, s12;
	s12 =	sld [smem:$0x730]  }
0x50e: {  	s18 =	smul.u32 $0x2AAAAAAB, s0;
	s0 =	sshra.s32 s17, $0x1F;
	s17 =	sld [smem:$0x732]  }
0x50f: {  	[smem:$0x7C9] =	sst s1  }
0x510: {  	(v2sf) =	vpush v15, $0x3;
	s1 =	sadd.s32 s16, s15;
	s15 =	sld [smem:$0x731]  }
0x511: {  	(v2sf) =	vpush v15, $0x4;
	[smem:$0x7CA] =	sst s1  }
0x512: {  	(v2sf) =	vpush v15, $0x5;
	s1 =	sadd.s32 s3, s2;
	s2 =	sld [smem:$0x733]  }
0x513: {  	(v2sf) =	vpush v15, $0x6;
	[smem:$0x7CB] =	sst s1;
	s1 =	sadd.s32 s12, s10  }
0x514: {  	(v2sf) =	vpush v15, $0x7;
	[smem:$0x7CD] =	sst s1;
	s1 =	sadd.s32 s17, s15  }
0x515: {  	(v2sf) =	vpush v17, $0xD;
	[smem:$0x7CE] =	sst s1;
	s1 =	sadd.s32 s9, s2  }
0x516: {  	s14 =	spop (v2sf);
	(v2sf) =	vpush v17, $0xC;
	s9 =	sadd.s32 s7, s8;
	[smem:$0x7D0] =	sst s1  }
0x517: {  	s25 =	sadd.s32 s25, s29;
	s3 =	spop (v2sf);
	(v2sf) =	vpush v17, $0xE;
	[smem:$0x7D4] =	sst s9  }
0x518: {  	s23 =	sadd.s32 s23, s26;
	[smem:$0x7DE] =	sst s25  }
0x519: {  	[smem:$0x7DF] =	sst s23  }
0x51a: {  	s16 =	smul.u32 $0x2AAAAAAB, s0;
	s1 =	sld [smem:$0x734]  }
0x51b: {  	s0 =	sshra.s32 s14, $0x1F;
	s17 =	smulhi.u32 $0x2AAAAAAB, s14;
	s11 =	sld [smem:$0x735]  }
0x51c: {  	s15 =	smul.u32 $0x2AAAAAAB, s0;
	s2 =	sld [smem:$0x736]  }
0x51d: {  	s14 =	smulhi.u32 $0x2AAAAAAB, s3;
	s0 =	sshra.s32 s3, $0x1F;
	s3 =	sld [smem:$0x737]  }
0x51e: {  	s6 =	sld [smem:$0x738]  }
0x51f: {  	s12 =	smul.u32 $0x2AAAAAAB, s0;
	s7 =	sld [smem:$0x739]  }
0x520: {  	s10 =	spop (v2sf);
	s9 =	sld [smem:$0x73A]  }
0x521: {  	s0 =	sshra.s32 s10, $0x1F;
	s1 =	sadd.s32 s1, s13;
	s13 =	smulhi.u32 $0x2AAAAAAB, s10  }
0x522: {  	[dreg:$0x1c] =	wrdreg s1;
	s1 =	sadd.s32 s11, s19;
	s11 =	smul.u32 $0x2AAAAAAB, s0  }
0x523: {  	s19 =	spop (v2sf);
	[dreg:$0x1a] =	wrdreg s1  }
0x524: {  	s10 =	smulhi.u32 $0x2AAAAAAB, s19;
	s0 =	sshra.s32 s19, $0x1F;
	s19 =	sld [smem:$0x73B]  }
0x525: {  	s1 =	sadd.s32 s3, s2;
	s3 =	sld [smem:$0x73C]  }
0x526: {  	s2 =	sld [smem:$0x73D]  }
0x527: {  	s8 =	spop (v2sf);
	[smem:$0x7CC] =	sst s1  }
0x528: {  	s1 =	sadd.s32 s7, s6;
	s7 =	smul.u32 $0x2AAAAAAB, s0;
	s0 =	sshra.s32 s8, $0x1F  }
0x529: {  	[smem:$0x7CF] =	sst s1;
	s1 =	sadd.s32 s19, s9;
	s9 =	smulhi.u32 $0x2AAAAAAB, s8  }
0x52a: {  	s6 =	spop (v2sf);
	s19 =	smul.u32 $0x2AAAAAAB, s0  }
0x52b: {  	s8 =	smulhi.u32 $0x2AAAAAAB, s6;
	s0 =	sshra.s32 s6, $0x1F;
	s6 =	sld [smem:$0x740]  }
0x52c: {  	[smem:$0x7D1] =	sst s1  }
0x52d: {  	s1 =	sadd.s32 s4, s3;
	s3 =	sld [smem:$0x73E]  }
0x52e: {  	s4 =	sld [smem:$0x73F]  }
0x52f: {  	[smem:$0x7D3] =	sst s1  }
0x530: {  	s1 =	sadd.s32 s3, s2;
	s3 =	sld [smem:$0x741]  }
0x531: {  	[smem:$0x7D5] =	sst s1  }
0x532: {  	s1 =	sadd.s32 s6, s4;
	s6 =	sld [smem:$0x742]  }
0x533: {  	s2 =	sld [smem:$0x743]  }
0x534: {  	[smem:$0x7D6] =	sst s1  }
0x535: {  	s21 =	sadd.s32 s21, s24;
	s1 =	sadd.s32 s6, s3;
	s3 =	sld [smem:$0x744]  }
0x536: {  	[dreg:$0x1f] =	wrdreg s21  }
0x537: {  	[smem:$0x7D7] =	sst s1  }
0x538: {  	s1 =	sadd.s32 s3, s2;
	s3 =	sld [smem:$0x746]  }
0x539: {  	[smem:$0x7D8] =	sst s1  }
0x53a: {  	s18 =	sadd.s32 s18, s22;
	s1 =	sld [smem:$0x745]  }
0x53b: {  	s16 =	sadd.s32 s16, s20;
	[dreg:$0x1d] =	wrdreg s18  }
0x53c: {  	[smem:$0x7DD] =	sst s16;
	(v2sf) =	vpush v17, $0xF  }
0x53d: {  	s31 =	sld [smem:$0x748];
	s1 =	sadd.s32 s3, s1  }
0x53e: {  	(v2sf) =	vpush v17, $0x9;
	[smem:$0x7D9] =	sst s1  }
0x53f: {  	s1 =	sld [smem:$0x747]  }
0x540: {  	(v2sf) =	vpush v17, $0x8;
	s11 =	sadd.s32 s11, s13;
	s4 =	smul.u32 $0x2AAAAAAB, s0;
	s0 =	spop (v2sf)  }
0x541: {  	(v2sf) =	vpush v17, $0xA;
	[smem:$0x7E0] =	sst s11;
	s6 =	smulhi.u32 $0x2AAAAAAB, s0  }
0x542: {  	(v2sf) =	vpush v17, $0xB;
	s0 =	sshra.s32 s0, $0x1F;
	s1 =	sadd.s32 s31, s1;
	s31 =	sld [smem:$0x749]  }
0x543: {  	s22 =	sadd.s32 s15, s17;
	s2 =	smul.u32 $0x2AAAAAAB, s0;
	s0 =	spop (v2sf)  }
0x544: {  	s20 =	sadd.s32 s12, s14;
	s3 =	smulhi.u32 $0x2AAAAAAB, s0;
	[smem:$0x7DA] =	sst s1  }
0x545: {  	s0 =	sshra.s32 s0, $0x1F;
	s30 =	sadd.s32 s30, s31;
	s31 =	sld [smem:$0x74A]  }
0x546: {  	s7 =	sadd.s32 s7, s10;
	(v2sf) =	vpush v17, $0x0;
	s1 =	smul.u32 $0x2AAAAAAB, s0;
	s0 =	spop (v2sf)  }
0x547: {  	[smem:$0x7DB] =	sst s30;
	s30 =	smulhi.u32 $0x2AAAAAAB, s0;
	s0 =	sshra.s32 s0, $0x1F  }
0x548: {  	[smem:$0x7E1] =	sst s7;
	s0 =	smul.u32 $0x2AAAAAAB, s0;
	s28 =	sadd.s32 s28, s31  }
0x549: {  	s4 =	sadd.s32 s4, s8;
	(v2sf) =	vpush v17, $0x1;
	[smem:$0x7DC] =	sst s28;
	s28 =	spop (v2sf)  }
0x54a: {  	[smem:$0x7E2] =	sst s4;
	s25 =	smulhi.u32 $0x2AAAAAAB, s28;
	s28 =	sshra.s32 s28, $0x1F  }
0x54b: {  	s2 =	sadd.s32 s2, s6;
	(v2sf) =	vpush v17, $0x2;
	s26 =	spop (v2sf);
	s23 =	smul.u32 $0x2AAAAAAB, s28  }
0x54c: {  	[smem:$0x7E3] =	sst s2;
	s21 =	smulhi.u32 $0x2AAAAAAB, s26;
	s26 =	sshra.s32 s26, $0x1F  }
0x54d: {  	s1 =	sadd.s32 s1, s3;
	(v2sf) =	vpush v17, $0x3;
	s18 =	smul.u32 $0x2AAAAAAB, s26;
	s26 =	spop (v2sf)  }
0x54e: {  	[smem:$0x7E4] =	sst s1;
	(v2sf) =	vpush v17, $0x4;
	s16 =	smulhi.u32 $0x2AAAAAAB, s26;
	s24 =	sshra.s32 s26, $0x1F  }
0x54f: {  	s19 =	sadd.s32 s19, s9;
	s26 =	spop (v2sf);
	(v2sf) =	vpush v17, $0x5;
	s15 =	smul.u32 $0x2AAAAAAB, s24  }
0x550: {  	s12 =	smulhi.u32 $0x2AAAAAAB, s26;
	s24 =	sshra.s32 s26, $0x1F;
	s26 =	spop (v2sf);
	(v2sf) =	vpush v17, $0x6  }
0x551: {  	s0 =	sadd.s32 s0, s30;
	s11 =	smul.u32 $0x2AAAAAAB, s24;
	s17 =	spop (v2sf);
	(v2sf) =	vpush v17, $0x7  }
0x552: {  	[smem:$0x7E5] =	sst s0;
	s7 =	smulhi.u32 $0x2AAAAAAB, s26;
	s14 =	sshra.s32 s26, $0x1F  }
0x553: {  	s18 =	sadd.s32 s18, s21;
	s24 =	rddreg [dreg:$0x12];
	s9 =	smul.u32 $0x2AAAAAAB, s14  }
0x554: {  	[smem:$0x7E7] =	sst s18;
	s13 =	smulhi.u32 $0x2AAAAAAB, s17  }
0x555: {  	s10 =	sshra.s32 s17, $0x1F;
	s26 =	spop (v2sf);
	s14 =	sadd.s32 s23, s25  }
0x556: {  	s23 =	sadd.s32 s15, s16;
	s4 =	smul.u32 $0x2AAAAAAB, s10;
	[smem:$0x7E6] =	sst s14  }
0x557: {  	s2 =	smulhi.u32 $0x2AAAAAAB, s26;
	s8 =	sshra.s32 s26, $0x1F;
	[dreg:$0x1e] =	wrdreg s23  }
0x558: {  	s11 =	sadd.s32 s11, s12;
	s1 =	smul.u32 $0x2AAAAAAB, s8;
	s10 =	spop (v2sf)  }
0x559: {  	[dreg:$0x1b] =	wrdreg s11;
	s0 =	smulhi.u32 $0x2AAAAAAB, s10;
	s3 =	sshra.s32 s10, $0x1F  }
0x55a: {  	s4 =	sadd.s32 s4, s13;
	s3 =	smul.u32 $0x2AAAAAAB, s3;
	s17 =	spop (v2sf)  }
0x55b: {  	[dreg:$0x19] =	wrdreg s4;
	s21 =	smulhi.u32 $0x2AAAAAAB, s17;
	s6 =	sshra.s32 s17, $0x1F  }
0x55c: {  	s24 =	sor.u32 $0x6, s24;
	s25 =	spop (v2sf);
	s6 =	smul.u32 $0x2AAAAAAB, s6  }
0x55d: {  	v16 =	vadd.s32 s24, v39;
	s23 =	sadd.s32 s9, s7;
	s26 =	smulhi.u32 $0x2AAAAAAB, s25;
	s12 =	spop (v2sf)  }
0x55e: {  	(v2sf) =	vpush v16, $0xD;
	s13 =	smulhi.u32 $0x2AAAAAAB, s12;
	s9 =	sshra.s32 s12, $0x1F;
	s15 =	spop (v2sf)  }
0x55f: {  	s10 =	sshra.s32 s25, $0x1F;
	s14 =	smul.u32 $0x2AAAAAAB, s9;
	s18 =	spop (v2sf)  }
0x560: {  	s10 =	smul.u32 $0x2AAAAAAB, s10;
	s4 =	spop (v2sf)  }
0x561: {  	s30 =	sadd.s32 s14, s13;
	s8 =	sshra.s32 s4, $0x1F;
	s13 =	sld [smem:$0x74C]  }
0x562: {  	s17 =	sadd.s32 s6, s21;
	s9 =	smul.u32 $0x2AAAAAAB, s8;
	s8 =	sld [smem:$0x74B]  }
0x563: {  	s1 =	sadd.s32 s1, s2;
	s16 =	smulhi.u32 $0x2AAAAAAB, s15;
	[dreg:$0x17] =	wrdreg s17  }
0x564: {  	s2 =	sshra.s32 s15, $0x1F;
	s17 =	sld [smem:$0x74F];
	s12 =	sshrl.u32 s13, $0x1F  }
0x565: {  	s2 =	smul.u32 $0x2AAAAAAB, s2;
	s11 =	sshrl.u32 s8, $0x1F;
	v3 =	vmov s12;
	s12 =	sld [smem:$0x74E]  }
0x566: {  	s31 =	sadd.s32 s3, s0;
	s6 =	sld [smem:$0x751];
	s25 =	smulhi.u32 $0x2AAAAAAB, s18;
	v0 =	vmov s11  }
0x567: {  	s29 =	sadd.s32 s2, s16;
	s16 =	sshrl.u32 s17, $0x1F;
	s11 =	sld [smem:$0x74D];
	v0 =	vnsel vm3, $0x0, v0  }
0x568: {  	s3 =	sshra.s32 s18, $0x1F;
	s15 =	sshrl.u32 s12, $0x1F;
	v0 =	vsel vm0, s16, v0;
	s16 =	sld [smem:$0x752]  }
0x569: {  	s21 =	sadd.s32 s10, s26;
	s26 =	smul.u32 $0x2AAAAAAB, s3;
	v4 =	vmov s15;
	s15 =	sld [smem:$0x755]  }
0x56a: {  	[dreg:$0x16] =	wrdreg s21;
	s7 =	smulhi.u32 $0x2AAAAAAB, s4  }
0x56b: {  	s28 =	sadd.s32 s26, s25;
	s14 =	sshrl.u32 s11, $0x1F;
	s25 =	sshrl.u32 s16, $0x1F  }
0x56c: {  	s26 =	sadd.s32 s9, s7;
	s9 =	sld [smem:$0x750];
	v3 =	vsel vm0, s14, v3;
	v0 =	vsel vm1, s25, v0;
	s14 =	sshrl.u32 s15, $0x1F  }
0x56d: {  	s21 =	sshrl.u32 s6, $0x1F;
	s10 =	spop (v2sf);
	v0 =	vsel vm2, s14, v0;
	s14 =	sld [smem:$0x757]  }
0x56e: {  	s3 =	smulhi.u32 $0x2AAAAAAB, s10;
	s2 =	sshra.s32 s10, $0x1F;
	s7 =	sld [smem:$0x753]  }
0x56f: {  	s10 =	sld [smem:$0x754];
	s0 =	smul.u32 $0x2AAAAAAB, s2;
	s18 =	sshrl.u32 s9, $0x1F  }
0x570: {  	v3 =	vsel vm1, s18, v3;
	s18 =	sshrl.u32 s8, $0x3;
	s8 =	sld [smem:$0x756];
	s25 =	sshrl.u32 s14, $0x1F  }
0x571: {  	v0 =	vsel vm4, s25, v0;
	s25 =	sadd.s32 s0, s3;
	s0 =	sshrl.u32 s11, $0x3;
	s11 =	sld [smem:$0x758]  }
0x572: {  	s13 =	sshrl.u32 s13, $0x3;
	s2 =	sshrl.u32 s7, $0x1F;
	s4 =	sshrl.u32 s10, $0x1F;
	v4 =	vsel vm0, s21, v4  }
0x573: {  	v42 =	vsel vm2, s2, v3;
	v3 =	vsel vm1, s4, v4;
	v4 =	vmov s13;
	s13 =	sshrl.u32 s9, $0x3  }
0x574: {  	s9 =	sld [smem:$0x75A];
	s21 =	sshrl.u32 s8, $0x1F;
	s4 =	sshrl.u32 s11, $0x1F  }
0x575: {  	v44 =	vsel vm2, s21, v3;
	v3 =	vmov s18;
	v0 =	vsel vm5, s4, v0;
	s4 =	sld [smem:$0x759]  }
0x576: {  	s18 =	sshrl.u32 s17, $0x3;
	v3 =	vnsel vm3, $0x0, v3  }
0x577: {  	[dreg:$0x18] =	wrdreg s1;
	s17 =	sshrl.u32 s16, $0x3;
	s16 =	sshrl.u32 s14, $0x3;
	v3 =	vsel vm0, s18, v3  }
0x578: {  	s18 =	sshrl.u32 s9, $0x1F;
	v3 =	vsel vm1, s17, v3;
	s17 =	sshrl.u32 s8, $0x3;
	s21 =	sshrl.u32 s4, $0x1F  }
0x579: {  	s8 =	sld [smem:$0x75B];
	v0 =	vsel vm6, s21, v0;
	s21 =	sshrl.u32 s7, $0x3;
	s7 =	sshrl.u32 s12, $0x3  }
0x57a: {  	s12 =	sshrl.u32 s15, $0x3;
	v46 =	vsel vm7, s18, v0;
	v0 =	vsel vm0, s0, v4;
	v4 =	vmov s7;
	s7 =	sshrl.u32 s9, $0x3;
	s9 =	sld [smem:$0x75C]  }
0x57b: {  	v3 =	vsel vm2, s12, v3;
	s18 =	sshrl.u32 s11, $0x3;
	s11 =	sld [smem:$0x75D];
	v0 =	vsel vm1, s13, v0;
	s13 =	sshrl.u32 s6, $0x3  }
0x57c: {  	s15 =	sshrl.u32 s10, $0x3;
	v3 =	vsel vm4, s16, v3;
	s16 =	sld [smem:$0x75E];
	v47 =	vsel vm2, s21, v0;
	v0 =	vsel vm0, s13, v4  }
0x57d: {  	s6 =	sshrl.u32 s4, $0x3;
	s21 =	sshrl.u32 s8, $0x1F;
	v0 =	vsel vm1, s15, v0;
	s10 =	sshrl.u32 s9, $0x1F  }
0x57e: {  	v3 =	vsel vm5, s18, v3;
	v4 =	vmov s21;
	s12 =	sshrl.u32 s11, $0x1F;
	s1 =	sshrl.u32 s11, $0x3;
	s11 =	sld [smem:$0x762];
	v0 =	vsel vm2, s17, v0  }
0x57f: {  	s0 =	sshrl.u32 s9, $0x3;
	s9 =	sld [smem:$0x765];
	s13 =	sshrl.u32 s16, $0x1F;
	[tilespmem:$0x1FEA0] =	vst v0;
	v0 =	vsel vm6, s6, v3;
	v3 =	vnsel vm3, $0x0, v4  }
0x580: {  	v3 =	vsel vm0, s13, v3;
	s13 =	sld [smem:$0x760]  }
0x581: {  	s6 =	sld [smem:$0x761]  }
0x582: {  	v0 =	vsel vm7, s7, v0;
	s7 =	sld [smem:$0x75F]  }
0x583: {  	[tilespmem:$0x1FED0] =	vst v0;
	v0 =	vmov s12;
	s12 =	sld [smem:$0x763];
	s15 =	sshrl.u32 s13, $0x1F  }
0x584: {  	v3 =	vsel vm1, s15, v3;
	s15 =	sld [smem:$0x766]  }
0x585: {  	v0 =	vsel vm0, s10, v0;
	s10 =	sld [smem:$0x764]  }
0x586: {  	(v2sf) =	vpush v16, $0xC;
	s17 =	sshrl.u32 s6, $0x1F;
	s14 =	sshrl.u32 s7, $0x1F;
	s21 =	sshrl.u32 s12, $0x1F  }
0x587: {  	v0 =	vsel vm1, s17, v0;
	s17 =	sshrl.u32 s8, $0x3;
	s8 =	sld [smem:$0x767];
	v4 =	vmov s14;
	v3 =	vsel vm2, s21, v3;
	s14 =	sshrl.u32 s15, $0x1F  }
0x588: {  	s18 =	sshrl.u32 s11, $0x1F;
	s3 =	sshrl.u32 s10, $0x1F;
	v3 =	vsel vm4, s14, v3;
	s14 =	sld [smem:$0x768]  }
0x589: {  	s4 =	sshrl.u32 s9, $0x1F;
	v4 =	vsel vm0, s18, v4;
	v0 =	vsel vm2, s3, v0  }
0x58a: {  	s18 =	sshrl.u32 s8, $0x1F;
	s3 =	sshrl.u32 s10, $0x3;
	s10 =	sld [smem:$0x769];
	[tilespmem:$0x1FEB0] =	vst v0;
	v0 =	vsel vm1, s4, v4  }
0x58b: {  	v4 =	vmov s1;
	s1 =	sshrl.u32 s11, $0x3;
	s11 =	sld [smem:$0x76A];
	v0 =	vsel vm2, s18, v0;
	s21 =	sshrl.u32 s14, $0x1F  }
0x58c: {  	[tilespmem:$0x1FEC0] =	vst v0;
	v0 =	vsel vm5, s21, v3;
	v3 =	vmov s17  }
0x58d: {  	s18 =	sshrl.u32 s16, $0x3;
	s17 =	sshrl.u32 s10, $0x1F;
	v3 =	vnsel vm3, $0x0, v3  }
0x58e: {  	s21 =	sshrl.u32 s11, $0x1F;
	v0 =	vsel vm6, s17, v0;
	v3 =	vsel vm0, s18, v3;
	s18 =	sshrl.u32 s13, $0x3  }
0x58f: {  	s2 =	sshrl.u32 s6, $0x3;
	s16 =	sshrl.u32 s7, $0x3;
	s7 =	sshrl.u32 s12, $0x3;
	v0 =	vsel vm7, s21, v0;
	v3 =	vsel vm1, s18, v3  }
0x590: {  	s21 =	sshrl.u32 s8, $0x3;
	s8 =	sshrl.u32 s15, $0x3;
	s13 =	sld [smem:$0x76B];
	[tilespmem:$0x1FEE0] =	vst v0;
	v0 =	vsel vm0, s0, v4;
	v3 =	vsel vm2, s7, v3  }
0x591: {  	v4 =	vmov s16;
	v0 =	vsel vm1, s2, v0;
	v3 =	vsel vm4, s8, v3;
	s8 =	sld [smem:$0x76C]  }
0x592: {  	s17 =	sshrl.u32 s9, $0x3;
	v32 =	vsel vm2, s3, v0;
	v0 =	vsel vm0, s1, v4  }
0x593: {  	s9 =	sshrl.u32 s14, $0x3;
	s12 =	sshrl.u32 s13, $0x1F;
	v0 =	vsel vm1, s17, v0  }
0x594: {  	s16 =	sshrl.u32 s11, $0x3;
	s11 =	sld [smem:$0x76E];
	v4 =	vmov s12;
	v18 =	vsel vm2, s21, v0;
	s7 =	sshrl.u32 s8, $0x1F  }
0x595: {  	s15 =	sshrl.u32 s10, $0x3;
	v0 =	vsel vm5, s9, v3;
	v3 =	vnsel vm3, $0x0, v4;
	v4 =	vmov s7;
	s7 =	sld [smem:$0x770]  }
0x596: {  	s14 =	spop (v2sf);
	s18 =	sld [smem:$0x76D];
	v0 =	vsel vm6, s15, v0  }
0x597: {  	s6 =	smulhi.u32 $0x2AAAAAAB, s14;
	s10 =	sshrl.u32 s11, $0x1F;
	s17 =	sld [smem:$0x76F];
	v0 =	vsel vm7, s16, v0  }
0x598: {  	s21 =	sshra.s32 s14, $0x1F;
	s16 =	sld [smem:$0x772];
	[tilespmem:$0x1FEF0] =	vst v0;
	v0 =	vsel vm0, s10, v4;
	s14 =	sshrl.u32 s7, $0x1F  }
0x599: {  	s9 =	sshrl.u32 s18, $0x1F;
	v0 =	vsel vm1, s14, v0;
	s14 =	sld [smem:$0x775]  }
0x59a: {  	s4 =	sld [smem:$0x773];
	v3 =	vsel vm0, s9, v3;
	s12 =	sshrl.u32 s17, $0x1F  }
0x59b: {  	s0 =	smul.u32 $0x2AAAAAAB, s21;
	v3 =	vsel vm1, s12, v3;
	s12 =	sld [smem:$0x771];
	s21 =	sshrl.u32 s16, $0x1F  }
0x59c: {  	s9 =	sld [smem:$0x774];
	v3 =	vsel vm2, s21, v3;
	s10 =	sshrl.u32 s14, $0x1F  }
0x59d: {  	v3 =	vsel vm4, s10, v3;
	s10 =	sld [smem:$0x776]  }
0x59e: {  	s15 =	sshrl.u32 s12, $0x1F  }
0x59f: {  	s2 =	sshrl.u32 s4, $0x1F;
	s3 =	sshrl.u32 s9, $0x1F;
	v4 =	vmov s15  }
0x5a0: {  	s1 =	sshrl.u32 s13, $0x3;
	s13 =	sld [smem:$0x777];
	v43 =	vsel vm2, s2, v0;
	v0 =	vsel vm0, s3, v4;
	s15 =	sshrl.u32 s10, $0x1F  }
0x5a1: {  	v0 =	vsel vm1, s15, v0;
	s15 =	sld [smem:$0x778];
	_ =	sdelay $0x1  }
0x5a2: {  	s0 =	sadd.s32 s0, s6;
	s6 =	sld [smem:$0x779];
	s21 =	sshrl.u32 s13, $0x1F  }
0x5a3: {  	[smem:$0x7E8] =	sst s0;
	s0 =	sshrl.u32 s11, $0x3;
	v3 =	vsel vm5, s21, v3;
	s11 =	sshrl.u32 s15, $0x1F  }
0x5a4: {  	v3 =	vsel vm6, s11, v3;
	s11 =	sld [smem:$0x77A];
	_ =	sdelay $0x1  }
0x5a5: {  	s8 =	sshrl.u32 s8, $0x3;
	s12 =	sshrl.u32 s12, $0x3  }
0x5a6: {  	v4 =	vmov s1;
	s1 =	sshrl.u32 s18, $0x3;
	s18 =	sshrl.u32 s6, $0x1F;
	s21 =	sshrl.u32 s11, $0x1F  }
0x5a7: {  	v51 =	vsel vm2, s18, v0;
	s18 =	sshrl.u32 s17, $0x3;
	s17 =	sld [smem:$0x77B];
	v0 =	vsel vm7, s21, v3;
	s21 =	sshrl.u32 s7, $0x3  }
0x5a8: {  	v4 =	vnsel vm3, $0x0, v4;
	v3 =	vmov s8;
	s7 =	sshrl.u32 s16, $0x3;
	s16 =	sshrl.u32 s11, $0x3;
	s11 =	sld [smem:$0x77D]  }
0x5a9: {  	s3 =	sshrl.u32 s9, $0x3;
	[tilespmem:$0x1FF00] =	vst v0;
	v0 =	vsel vm0, s1, v4;
	v4 =	vmov s12;
	v3 =	vsel vm0, s0, v3;
	s12 =	sshrl.u32 s6, $0x3;
	s6 =	sld [smem:$0x781]  }
0x5aa: {  	s9 =	sshrl.u32 s10, $0x3;
	v0 =	vsel vm1, s18, v0;
	v4 =	vsel vm0, s3, v4;
	v3 =	vsel vm1, s21, v3;
	s21 =	sld [smem:$0x77C]  }
0x5ab: {  	s10 =	sshrl.u32 s14, $0x3;
	s8 =	sshrl.u32 s4, $0x3;
	v0 =	vsel vm2, s7, v0;
	v4 =	vsel vm1, s9, v4;
	s9 =	sld [smem:$0x77E]  }
0x5ac: {  	s14 =	sshrl.u32 s13, $0x3;
	s18 =	sshrl.u32 s17, $0x1F;
	v39 =	vsel vm2, s8, v3;
	s8 =	sld [smem:$0x77F];
	v0 =	vsel vm4, s10, v0  }
0x5ad: {  	s15 =	sshrl.u32 s15, $0x3;
	v3 =	vmov s18;
	s7 =	sld [smem:$0x784];
	v0 =	vsel vm5, s14, v0;
	s10 =	sshrl.u32 s21, $0x1F  }
0x5ae: {  	v31 =	vmovc v38;
	s2 =	sshrl.u32 s11, $0x3;
	v38 =	vsel vm2, s12, v4;
	s12 =	sshrl.u32 s11, $0x1F;
	v0 =	vsel vm6, s15, v0;
	v4 =	vmov s10;
	s10 =	sld [smem:$0x782]  }
0x5af: {  	(v2sf) =	vpush v16, $0xE;
	s11 =	sld [smem:$0x780];
	s13 =	sshrl.u32 s9, $0x1F;
	s14 =	sshrl.u32 s8, $0x1F;
	v40 =	vsel vm7, s16, v0;
	v0 =	vsel vm0, s12, v3  }
0x5b0: {  	s0 =	sshrl.u32 s9, $0x3;
	s9 =	sld [smem:$0x786];
	s16 =	sshrl.u32 s6, $0x1F;
	v0 =	vsel vm1, s13, v0  }
0x5b1: {  	s3 =	sshrl.u32 s17, $0x3;
	v3 =	vnsel vm3, $0x0, v4;
	v4 =	vmov s14;
	s14 =	sld [smem:$0x783];
	s17 =	sshrl.u32 s10, $0x1F;
	v0 =	vsel vm2, s16, v0  }
0x5b2: {  	s12 =	sshrl.u32 s7, $0x1F;
	s13 =	sld [smem:$0x785];
	[tilespmem:$0x1FF10] =	vst v0;
	v0 =	vsel vm0, s17, v4  }
0x5b3: {  	s15 =	sshrl.u32 s11, $0x1F;
	v0 =	vsel vm1, s12, v0;
	s12 =	sld [smem:$0x787]  }
0x5b4: {  	v3 =	vsel vm0, s15, v3;
	s18 =	sshrl.u32 s14, $0x1F  }
0x5b5: {  	s21 =	sshrl.u32 s21, $0x3;
	s16 =	sshrl.u32 s9, $0x1F;
	v3 =	vsel vm1, s18, v3;
	s15 =	sshrl.u32 s13, $0x1F  }
0x5b6: {  	v4 =	vmov s21;
	s18 =	sshrl.u32 s11, $0x3;
	s11 =	sld [smem:$0x788];
	v3 =	vsel vm2, s15, v3;
	v0 =	vsel vm2, s16, v0;
	s17 =	sshrl.u32 s12, $0x1F  }
0x5b7: {  	[tilespmem:$0x1FF20] =	vst v0;
	v0 =	vsel vm4, s17, v3;
	v3 =	vnsel vm3, $0x0, v4;
	v4 =	vmov s3;
	s3 =	sshrl.u32 s10, $0x3;
	s10 =	sld [smem:$0x789]  }
0x5b8: {  	s17 =	sshrl.u32 s8, $0x3;
	s8 =	sld [smem:$0x78A]  }
0x5b9: {  	s21 =	sshrl.u32 s11, $0x1F  }
0x5ba: {  	v0 =	vsel vm5, s21, v0;
	s16 =	sshrl.u32 s10, $0x1F  }
0x5bb: {  	s21 =	sshrl.u32 s8, $0x1F;
	v0 =	vsel vm6, s16, v0  }
0x5bc: {  	s1 =	sshrl.u32 s6, $0x3;
	s15 =	sshrl.u32 s14, $0x3;
	v3 =	vsel vm0, s18, v3;
	v4 =	vsel vm0, s2, v4;
	v0 =	vsel vm7, s21, v0  }
0x5bd: {  	s18 =	sshrl.u32 s13, $0x3;
	s13 =	sshrl.u32 s12, $0x3;
	s12 =	sld [smem:$0x78D];
	v3 =	vsel vm1, s15, v3;
	[tilespmem:$0x1FF40] =	vst v0;
	v0 =	vsel vm1, s0, v4  }
0x5be: {  	s7 =	sshrl.u32 s7, $0x3;
	v3 =	vsel vm2, s18, v3;
	s18 =	sld [smem:$0x78B];
	s16 =	spop (v2sf);
	v0 =	vsel vm2, s1, v0  }
0x5bf: {  	s14 =	sshrl.u32 s11, $0x3;
	v3 =	vsel vm4, s13, v3;
	s13 =	sld [smem:$0x78E];
	s21 =	sshra.s32 s16, $0x1F;
	[tilespmem:$0x1FF30] =	vst v0;
	v0 =	vmov s17  }
0x5c0: {  	v3 =	vsel vm5, s14, v3;
	s1 =	smul.u32 $0x2AAAAAAB, s21;
	s21 =	sld [smem:$0x78F];
	s17 =	sshrl.u32 s10, $0x3;
	v0 =	vsel vm0, s3, v0  }
0x5c1: {  	s9 =	sshrl.u32 s9, $0x3;
	s6 =	sshrl.u32 s8, $0x3;
	v3 =	vsel vm6, s17, v3;
	s17 =	sld [smem:$0x78C];
	v0 =	vsel vm1, s7, v0  }
0x5c2: {  	s8 =	sshrl.u32 s12, $0x1F;
	v41 =	vsel vm2, s9, v0;
	v0 =	vsel vm7, s6, v3;
	s6 =	sld [smem:$0x790]  }
0x5c3: {  	s15 =	sshrl.u32 s18, $0x1F;
	v3 =	vmov s8;
	s8 =	sld [smem:$0x791]  }
0x5c4: {  	v4 =	vmov s15;
	s15 =	sld [smem:$0x792]  }
0x5c5: {  	v4 =	vnsel vm3, $0x0, v4;
	s9 =	sshrl.u32 s13, $0x1F;
	s7 =	sshrl.u32 s17, $0x1F;
	s11 =	sshrl.u32 s6, $0x1F  }
0x5c6: {  	[tilespmem:$0x1FF70] =	vst v0;
	v0 =	vsel vm0, s7, v4;
	v4 =	vmov s9;
	s14 =	sshrl.u32 s8, $0x1F;
	v3 =	vsel vm0, s11, v3;
	s11 =	sld [smem:$0x794]  }
0x5c7: {  	v4 =	vsel vm0, s14, v4;
	s14 =	sld [smem:$0x795]  }
0x5c8: {  	s2 =	smulhi.u32 $0x2AAAAAAB, s16;
	s10 =	sshrl.u32 s21, $0x1F  }
0x5c9: {  	s16 =	sshrl.u32 s15, $0x1F;
	v0 =	vsel vm1, s10, v0;
	s10 =	sld [smem:$0x793];
	s7 =	sshrl.u32 s11, $0x1F  }
0x5ca: {  	v0 =	vsel vm2, s16, v0;
	s9 =	sshrl.u32 s14, $0x1F;
	v4 =	vsel vm1, s7, v4;
	s7 =	sld [smem:$0x796]  }
0x5cb: {  	v0 =	vsel vm4, s9, v0;
	s9 =	sld [smem:$0x797]  }
0x5cc: {  	s4 =	sshrl.u32 s10, $0x1F  }
0x5cd: {  	v3 =	vsel vm1, s4, v3;
	s0 =	sshrl.u32 s7, $0x1F  }
0x5ce: {  	s16 =	sld [smem:$0x798];
	s3 =	sshrl.u32 s9, $0x1F;
	v1 =	vsel vm2, s0, v3  }
0x5cf: {  	[tilespmem:$0x1FF50] =	vst v1;
	v1 =	vsel vm2, s3, v4;
	s3 =	sshrl.u32 s18, $0x3;
	s18 =	sld [smem:$0x799];
	_ =	sdelay $0x1  }
0x5d0: {  	s4 =	sshrl.u32 s16, $0x1F  }
0x5d1: {  	v0 =	vsel vm5, s4, v0;
	s0 =	sshrl.u32 s12, $0x3;
	s12 =	sshrl.u32 s18, $0x1F  }
0x5d2: {  	v0 =	vsel vm6, s12, v0;
	s12 =	sld [smem:$0x79A];
	_ =	sdelay $0x2  }
0x5d3: {  	s4 =	sshrl.u32 s6, $0x3;
	s6 =	sshrl.u32 s12, $0x1F  }
0x5d4: {  	v3 =	vmov s0;
	v0 =	vsel vm7, s6, v0  }
0x5d5: {  	s13 =	sshrl.u32 s13, $0x3;
	s17 =	sshrl.u32 s17, $0x3;
	s10 =	sshrl.u32 s10, $0x3;
	v4 =	vmov s3;
	[tilespmem:$0x1FF80] =	vst v0;
	v0 =	vsel vm0, s4, v3  }
0x5d6: {  	s0 =	sadd.s32 s1, s2;
	s2 =	sshrl.u32 s7, $0x3;
	s3 =	sshrl.u32 s8, $0x3;
	v3 =	vnsel vm3, $0x0, v4;
	v4 =	vmov s13;
	v0 =	vsel vm1, s10, v0  }
0x5d7: {  	s6 =	sshrl.u32 s11, $0x3;
	s4 =	sshrl.u32 s21, $0x3;
	v3 =	vsel vm0, s17, v3;
	s10 =	sld [smem:$0x79B];
	v36 =	vsel vm2, s2, v0;
	v0 =	vsel vm0, s3, v4  }
0x5d8: {  	s7 =	sshrl.u32 s15, $0x3;
	v3 =	vsel vm1, s4, v3;
	v0 =	vsel vm1, s6, v0;
	s6 =	sld [smem:$0x79C]  }
0x5d9: {  	s9 =	sshrl.u32 s9, $0x3;
	s11 =	sshrl.u32 s14, $0x3;
	s21 =	sld [smem:$0x79E];
	v3 =	vsel vm2, s7, v3  }
0x5da: {  	s8 =	sshrl.u32 s10, $0x1F;
	v35 =	vsel vm2, s9, v0;
	v0 =	vsel vm4, s11, v3;
	s11 =	sld [smem:$0x79D]  }
0x5db: {  	v4 =	vmov s8;
	s15 =	sshrl.u32 s6, $0x1F  }
0x5dc: {  	s14 =	sshrl.u32 s18, $0x3;
	s18 =	sld [smem:$0x79F];
	s8 =	sshrl.u32 s21, $0x1F;
	v3 =	vnsel vm3, $0x0, v4;
	v4 =	vmov s15  }
0x5dd: {  	s13 =	sshrl.u32 s16, $0x3;
	s16 =	sshrl.u32 s11, $0x1F;
	v4 =	vsel vm0, s8, v4;
	s8 =	sld [smem:$0x7A0]  }
0x5de: {  	v0 =	vsel vm5, s13, v0;
	v3 =	vsel vm0, s16, v3;
	s16 =	sld [smem:$0x7A1]  }
0x5df: {  	s17 =	sshrl.u32 s12, $0x3;
	s7 =	sld [smem:$0x7A2];
	v0 =	vsel vm6, s14, v0  }
0x5e0: {  	s9 =	sshrl.u32 s18, $0x1F;
	v0 =	vsel vm7, s17, v0;
	s12 =	sshrl.u32 s8, $0x1F  }
0x5e1: {  	[tilespmem:$0x1FF90] =	vst v0;
	v3 =	vsel vm1, s9, v3;
	s13 =	sshrl.u32 s16, $0x1F;
	v0 =	vsel vm1, s12, v4;
	s12 =	sld [smem:$0x7A3]  }
0x5e2: {  	s14 =	sshrl.u32 s7, $0x1F;
	v3 =	vsel vm2, s13, v3;
	s13 =	sld [smem:$0x7A4]  }
0x5e3: {  	v0 =	vsel vm2, s14, v0;
	s14 =	sld [smem:$0x7A6];
	_ =	sdelay $0x1  }
0x5e4: {  	s15 =	sshrl.u32 s12, $0x1F;
	s17 =	sshrl.u32 s13, $0x1F  }
0x5e5: {  	s9 =	sld [smem:$0x7A5];
	[tilespmem:$0x1FFA0] =	vst v0;
	v0 =	vmov s15;
	v3 =	vsel vm4, s17, v3;
	s15 =	sshrl.u32 s14, $0x1F  }
0x5e6: {  	v3 =	vsel vm5, s15, v3;
	s15 =	sld [smem:$0x7A8]  }
0x5e7: {  	s1 =	sshrl.u32 s21, $0x3;
	s21 =	sshrl.u32 s10, $0x3  }
0x5e8: {  	s3 =	sshrl.u32 s11, $0x3;
	s11 =	sld [smem:$0x7A9];
	s10 =	sshrl.u32 s9, $0x1F  }
0x5e9: {  	v4 =	vmov s21;
	v0 =	vsel vm0, s10, v0;
	s10 =	sld [smem:$0x7A7];
	s21 =	sshrl.u32 s15, $0x1F  }
0x5ea: {  	v3 =	vsel vm6, s21, v3;
	s21 =	sld [smem:$0x7AA];
	_ =	sdelay $0x1  }
0x5eb: {  	s17 =	sshrl.u32 s10, $0x1F  }
0x5ec: {  	s2 =	sshrl.u32 s6, $0x3;
	s6 =	sshrl.u32 s11, $0x1F;
	v0 =	vsel vm1, s17, v0;
	s17 =	sshrl.u32 s21, $0x1F  }
0x5ed: {  	v4 =	vnsel vm3, $0x0, v4;
	s12 =	sshrl.u32 s12, $0x3;
	v37 =	vsel vm2, s6, v0;
	v0 =	vsel vm7, s17, v3;
	s17 =	sshrl.u32 s18, $0x3;
	s18 =	sshrl.u32 s7, $0x3  }
0x5ee: {  	s7 =	sshrl.u32 s9, $0x3;
	s9 =	sshrl.u32 s10, $0x3;
	s10 =	sshrl.u32 s11, $0x3;
	[tilespmem:$0x1FFB0] =	vst v0;
	v0 =	vsel vm0, s3, v4  }
0x5ef: {  	s11 =	sshrl.u32 s13, $0x3;
	s3 =	sshrl.u32 s8, $0x3;
	s8 =	sshrl.u32 s16, $0x3;
	v0 =	vsel vm1, s17, v0  }
0x5f0: {  	v4 =	vmov s12;
	s12 =	sshrl.u32 s14, $0x3;
	s14 =	sshrl.u32 s21, $0x3;
	s21 =	sld [smem:$0x7AD];
	v0 =	vsel vm2, s8, v0  }
0x5f1: {  	v3 =	vmov s2;
	s17 =	sld [smem:$0x7AC];
	v0 =	vsel vm4, s11, v0  }
0x5f2: {  	s13 =	sshrl.u32 s15, $0x3;
	v3 =	vsel vm0, s1, v3;
	s11 =	sld [smem:$0x7AE];
	v0 =	vsel vm5, s12, v0  }
0x5f3: {  	s15 =	sld [smem:$0x7AB];
	v4 =	vsel vm0, s7, v4;
	v3 =	vsel vm1, s3, v3;
	v0 =	vsel vm6, s13, v0  }
0x5f4: {  	v4 =	vsel vm1, s9, v4;
	v55 =	vsel vm2, s18, v3;
	s9 =	sshrl.u32 s21, $0x1F;
	s18 =	sshrl.u32 s17, $0x1F;
	v52 =	vsel vm7, s14, v0;
	s14 =	sld [smem:$0x7B0]  }
0x5f5: {  	s12 =	sshrl.u32 s11, $0x1F;
	s1 =	sshrl.u32 s11, $0x3;
	s11 =	sld [smem:$0x7AF]  }
0x5f6: {  	s16 =	sshrl.u32 s15, $0x1F;
	v56 =	vsel vm2, s10, v4;
	v4 =	vmov s9;
	v3 =	vmov s18  }
0x5f7: {  	s2 =	sshrl.u32 s15, $0x3;
	s9 =	sld [smem:$0x7B1];
	v0 =	vsel vm0, s16, v3;
	v3 =	vnsel vm3, $0x0, v4;
	s15 =	sshrl.u32 s14, $0x1F  }
0x5f8: {  	s13 =	sshrl.u32 s11, $0x1F;
	v3 =	vsel vm0, s15, v3;
	s15 =	sld [smem:$0x7B3]  }
0x5f9: {  	v4 =	vmov s13;
	s13 =	sld [smem:$0x7B5]  }
0x5fa: {  	s8 =	sld [smem:$0x7B2]  }
0x5fb: {  	s10 =	sld [smem:$0x7B4];
	s16 =	sshrl.u32 s9, $0x1F;
	s18 =	sshrl.u32 s15, $0x1F  }
0x5fc: {  	v0 =	vsel vm1, s12, v0;
	s4 =	sshrl.u32 s9, $0x3;
	s9 =	sld [smem:$0x7B6];
	s12 =	sshrl.u32 s13, $0x1F;
	v3 =	vsel vm1, s18, v3  }
0x5fd: {  	s3 =	sshrl.u32 s17, $0x3;
	s17 =	sshrl.u32 s8, $0x1F;
	v0 =	vsel vm2, s16, v0;
	v3 =	vsel vm2, s12, v3;
	s12 =	sld [smem:$0x7B7]  }
0x5fe: {  	s7 =	sshrl.u32 s10, $0x1F;
	[tilespmem:$0x1FFC0] =	vst v0;
	v0 =	vsel vm0, s17, v4;
	s18 =	sshrl.u32 s14, $0x3;
	s14 =	sld [smem:$0x7B8]  }
0x5ff: {  	s21 =	sshrl.u32 s21, $0x3;
	s16 =	sshrl.u32 s9, $0x1F;
	v0 =	vsel vm1, s7, v0  }
0x600: {  	v4 =	vmov s21;
	v53 =	vsel vm2, s16, v0;
	s17 =	sshrl.u32 s12, $0x1F  }
0x601: {  	s21 =	sshrl.u32 s14, $0x1F;
	v0 =	vsel vm4, s17, v3;
	v3 =	vnsel vm3, $0x0, v4;
	v4 =	vmov s3;
	s3 =	sshrl.u32 s11, $0x3;
	s11 =	sld [smem:$0x7B9]  }
0x602: {  	v0 =	vsel vm5, s21, v0;
	s21 =	sld [smem:$0x7BA];
	_ =	sdelay $0x1  }
0x603: {  	s16 =	sshrl.u32 s15, $0x3;
	v3 =	vsel vm0, s18, v3;
	s18 =	sshrl.u32 s13, $0x3;
	s17 =	sshrl.u32 s11, $0x1F  }
0x604: {  	v4 =	vsel vm0, s2, v4;
	v3 =	vsel vm1, s16, v3;
	s16 =	sshrl.u32 s14, $0x3;
	s14 =	sld [smem:$0x7BE];
	v0 =	vsel vm6, s17, v0;
	s13 =	sshrl.u32 s21, $0x1F  }
0x605: {  	s17 =	sshrl.u32 s11, $0x3;
	s11 =	sld [smem:$0x7BD];
	v54 =	vsel vm7, s13, v0;
	v0 =	vsel vm1, s1, v4  }
0x606: {  	s6 =	sshrl.u32 s8, $0x3;
	v3 =	vsel vm2, s18, v3;
	s18 =	sld [smem:$0x7BB];
	v59 =	vsel vm2, s4, v0;
	v0 =	vmov s3  }
0x607: {  	s15 =	sshrl.u32 s12, $0x3;
	s2 =	sshrl.u32 s10, $0x3;
	s13 =	sld [smem:$0x7BF];
	v0 =	vsel vm0, s6, v0  }
0x608: {  	s12 =	sshrl.u32 s11, $0x1F;
	v0 =	vsel vm1, s2, v0;
	s2 =	sshrl.u32 s11, $0x3;
	s11 =	sld [smem:$0x7C0]  }
0x609: {  	s1 =	sshrl.u32 s9, $0x3;
	s9 =	sshrl.u32 s18, $0x1F  }
0x60a: {  	v3 =	vsel vm4, s15, v3;
	s3 =	sshrl.u32 s14, $0x1F;
	v4 =	vmov s9;
	s15 =	sshrl.u32 s13, $0x1F  }
0x60b: {  	v3 =	vsel vm5, s16, v3;
	v4 =	vnsel vm3, $0x0, v4;
	v30 =	vsel vm2, s1, v0;
	s1 =	sshrl.u32 s14, $0x3;
	s14 =	sld [smem:$0x7C1];
	s16 =	sshrl.u32 s11, $0x1F  }
0x60c: {  	v0 =	vsel vm0, s15, v4;
	v4 =	vmov s16;
	s16 =	sld [smem:$0x7C4]  }
0x60d: {  	s10 =	sld [smem:$0x7BC];
	s21 =	sshrl.u32 s21, $0x3;
	v3 =	vsel vm6, s17, v3  }
0x60e: {  	v57 =	vsel vm7, s21, v3;
	s21 =	sld [smem:$0x7C2];
	s17 =	sshrl.u32 s14, $0x1F  }
0x60f: {  	v3 =	vmov s12;
	s12 =	sld [smem:$0x7C3];
	v0 =	vsel vm1, s17, v0;
	s15 =	sshrl.u32 s16, $0x1F  }
0x610: {  	v0 =	vsel vm2, s15, v0;
	s15 =	sld [smem:$0x7C6]  }
0x611: {  	s7 =	sshrl.u32 s10, $0x3;
	s6 =	sshrl.u32 s10, $0x1F;
	s10 =	sld [smem:$0x7C5]  }
0x612: {  	v3 =	vsel vm0, s6, v3;
	s4 =	sshrl.u32 s21, $0x1F;
	s6 =	sshrl.u32 s21, $0x3;
	s9 =	sshrl.u32 s12, $0x1F  }
0x613: {  	v3 =	vsel vm1, s3, v3;
	s3 =	sshrl.u32 s12, $0x3;
	s12 =	sld [smem:$0x7C7];
	s21 =	sshrl.u32 s15, $0x1F  }
0x614: {  	v0 =	vsel vm4, s21, v0;
	s21 =	sld [smem:$0x7C8]  }
0x615: {  	v61 =	vsel vm2, s4, v3;
	s4 =	sshrl.u32 s11, $0x3;
	s11 =	sld [smem:$0x7C9];
	s17 =	sshrl.u32 s10, $0x1F  }
0x616: {  	v4 =	vsel vm0, s9, v4;
	s9 =	sshrl.u32 s12, $0x1F;
	s8 =	sshrl.u32 s12, $0x3;
	s12 =	sld [smem:$0x7CA]  }
0x617: {  	v4 =	vsel vm1, s17, v4;
	s17 =	sshrl.u32 s21, $0x1F  }
0x618: {  	v0 =	vsel vm5, s17, v0;
	s17 =	sshrl.u32 s18, $0x3;
	s18 =	sshrl.u32 s11, $0x1F  }
0x619: {  	v3 =	vmov s2;
	s2 =	sshrl.u32 s10, $0x3;
	v62 =	vsel vm2, s9, v4;
	s10 =	sshrl.u32 s12, $0x1F;
	v0 =	vsel vm6, s18, v0  }
0x61a: {  	v4 =	vmov s17;
	v58 =	vsel vm7, s10, v0;
	v0 =	vsel vm0, s7, v3  }
0x61b: {  	s13 =	sshrl.u32 s13, $0x3;
	v3 =	vnsel vm3, $0x0, v4;
	v4 =	vmov s4;
	v0 =	vsel vm1, s1, v0  }
0x61c: {  	s14 =	sshrl.u32 s14, $0x3;
	v3 =	vsel vm0, s13, v3;
	v34 =	vsel vm2, s6, v0;
	v0 =	vsel vm0, s3, v4;
	s3 =	sshrl.u32 s12, $0x3;
	s12 =	sld [smem:$0x7CC]  }
0x61d: {  	v3 =	vsel vm1, s14, v3;
	s14 =	sld [smem:$0x7CD]  }
0x61e: {  	s16 =	sshrl.u32 s16, $0x3;
	s18 =	sshrl.u32 s21, $0x3;
	s21 =	sld [smem:$0x7CB]  }
0x61f: {  	s17 =	sshrl.u32 s15, $0x3;
	v0 =	vsel vm1, s2, v0;
	v3 =	vsel vm2, s16, v3;
	s16 =	sld [smem:$0x7CE];
	s13 =	sshrl.u32 s12, $0x1F  }
0x620: {  	v24 =	vsel vm2, s8, v0;
	s15 =	sshrl.u32 s14, $0x1F;
	s10 =	sshrl.u32 s14, $0x3;
	s14 =	sld [smem:$0x7CF];
	v4 =	vmov s13  }
0x621: {  	v0 =	vsel vm4, s17, v3;
	v3 =	vnsel vm3, $0x0, v4;
	v4 =	vmov s15;
	s15 =	sld [smem:$0x7D2]  }
0x622: {  	s7 =	sshrl.u32 s11, $0x3;
	v0 =	vsel vm5, s18, v0;
	s18 =	sld [smem:$0x7D0]  }
0x623: {  	s6 =	sshrl.u32 s21, $0x1F;
	s13 =	sld [smem:$0x7D1];
	s17 =	sshrl.u32 s14, $0x1F  }
0x624: {  	v0 =	vsel vm6, s7, v0;
	v4 =	vsel vm0, s6, v4;
	s6 =	sshrl.u32 s15, $0x1F;
	s7 =	sshrl.u32 s15, $0x3;
	s15 =	sld [smem:$0x7D3]  }
0x625: {  	v3 =	vsel vm0, s17, v3;
	s17 =	sld [smem:$0x7D4]  }
0x626: {  	s2 =	sshrl.u32 s21, $0x3;
	s1 =	sshrl.u32 s16, $0x1F;
	s21 =	sshrl.u32 s13, $0x1F  }
0x627: {  	s8 =	sshrl.u32 s16, $0x3;
	s4 =	sshrl.u32 s18, $0x1F;
	v3 =	vsel vm1, s21, v3;
	s16 =	sshrl.u32 s15, $0x1F  }
0x628: {  	v29 =	vsel vm7, s3, v0;
	s9 =	sshrl.u32 s18, $0x3;
	v0 =	vsel vm1, s1, v4;
	s18 =	sshrl.u32 s17, $0x1F;
	v3 =	vsel vm2, s16, v3;
	s16 =	sld [smem:$0x7D5]  }
0x629: {  	v63 =	vsel vm2, s4, v0;
	v0 =	vmov s18;
	s18 =	sld [smem:$0x7D6]  }
0x62a: {  	s12 =	sshrl.u32 s12, $0x3;
	s3 =	sshrl.u32 s17, $0x3;
	s17 =	rddreg [dreg:$0x1c]  }
0x62b: {  	v4 =	vmov s12;
	s12 =	rddreg [dreg:$0x1a];
	s4 =	sshrl.u32 s17, $0x1F;
	v0 =	vsel vm0, s6, v0;
	s21 =	sshrl.u32 s16, $0x1F  }
0x62c: {  	v4 =	vnsel vm3, $0x0, v4;
	s6 =	sshrl.u32 s12, $0x1F;
	v0 =	vsel vm1, s4, v0;
	s4 =	sshrl.u32 s14, $0x3;
	v3 =	vsel vm4, s21, v3;
	s21 =	sshrl.u32 s18, $0x1F  }
0x62d: {  	v27 =	vsel vm2, s6, v0;
	v0 =	vsel vm0, s4, v4;
	s6 =	sshrl.u32 s13, $0x3;
	v3 =	vsel vm5, s21, v3;
	s21 =	sld [smem:$0x7D7]  }
0x62e: {  	s11 =	sshrl.u32 s12, $0x3;
	s12 =	sshrl.u32 s15, $0x3;
	s14 =	sld [smem:$0x7D8];
	v0 =	vsel vm1, s6, v0  }
0x62f: {  	s1 =	sshrl.u32 s17, $0x3;
	s4 =	sld [smem:$0x7DB];
	s15 =	sshrl.u32 s16, $0x3;
	v0 =	vsel vm2, s12, v0  }
0x630: {  	s16 =	sshrl.u32 s18, $0x3;
	s18 =	sld [smem:$0x7DA];
	v0 =	vsel vm4, s15, v0;
	s17 =	sshrl.u32 s21, $0x1F  }
0x631: {  	v0 =	vsel vm5, s16, v0;
	s16 =	sld [smem:$0x7DD];
	v3 =	vsel vm6, s17, v3;
	s17 =	sshrl.u32 s14, $0x1F  }
0x632: {  	v60 =	vsel vm7, s17, v3;
	v3 =	vmov s10;
	s17 =	sld [smem:$0x7D9]  }
0x633: {  	s13 =	sshrl.u32 s14, $0x3;
	s14 =	sld [smem:$0x7DC];
	s10 =	sshrl.u32 s21, $0x3;
	v3 =	vsel vm0, s2, v3  }
0x634: {  	v4 =	vmov s3;
	s21 =	sshrl.u32 s18, $0x1F;
	v3 =	vsel vm1, s8, v3;
	s8 =	sshrl.u32 s18, $0x3;
	s18 =	sld [smem:$0x7DF]  }
0x635: {  	v4 =	vsel vm0, s7, v4;
	s6 =	sshrl.u32 s17, $0x1F;
	s2 =	sshrl.u32 s17, $0x3;
	s17 =	sld [smem:$0x7DE]  }
0x636: {  	v4 =	vsel vm1, s1, v4;
	s12 =	sshrl.u32 s4, $0x1F;
	s15 =	sshrl.u32 s16, $0x1F;
	v28 =	vsel vm2, s9, v3;
	v3 =	vmov s21;
	s21 =	rddreg [dreg:$0x1f]  }
0x637: {  	v26 =	vsel vm2, s11, v4;
	s3 =	sshrl.u32 s14, $0x1F;
	s1 =	sshrl.u32 s14, $0x3;
	s11 =	sshrl.u32 s21, $0x1F  }
0x638: {  	v4 =	vmov s15;
	v0 =	vsel vm6, s10, v0;
	v3 =	vsel vm0, s6, v3;
	s9 =	sshrl.u32 s18, $0x1F;
	s6 =	sshrl.u32 s18, $0x3;
	s18 =	rddreg [dreg:$0x1d]  }
0x639: {  	v4 =	vnsel vm3, $0x0, v4;
	v23 =	vsel vm7, s13, v0;
	s7 =	sshrl.u32 s17, $0x1F;
	s10 =	sshrl.u32 s17, $0x3;
	s17 =	sshrl.u32 s22, $0x1F  }
0x63a: {  	v0 =	vsel vm1, s12, v3;
	s12 =	sshrl.u32 s21, $0x3;
	v3 =	vsel vm0, s17, v4;
	v4 =	vmov s9;
	s9 =	sshrl.u32 s16, $0x3;
	s16 =	sld [smem:$0x7E0]  }
0x63b: {  	s21 =	sshrl.u32 s20, $0x1F;
	s13 =	sshrl.u32 s18, $0x1F;
	s14 =	sshrl.u32 s18, $0x3  }
0x63c: {  	v50 =	vsel vm2, s3, v0;
	s3 =	sshrl.u32 s22, $0x3;
	v0 =	vsel vm0, s7, v4;
	s7 =	sshrl.u32 s20, $0x3;
	s20 =	sld [smem:$0x7E1]  }
0x63d: {  	(v2sf) =	vpush v16, $0xF;
	s22 =	sshrl.u32 s19, $0x1F;
	s17 =	sld [smem:$0x7E2];
	s18 =	sshrl.u32 s16, $0x1F  }
0x63e: {  	(v2sf) =	vpush v16, $0x9;
	v3 =	vsel vm1, s21, v3;
	v0 =	vsel vm1, s11, v0;
	s11 =	sshrl.u32 s16, $0x3;
	s16 =	sshrl.u32 s19, $0x3;
	s19 =	sld [smem:$0x7E3]  }
0x63f: {  	v33 =	vsel vm2, s13, v0;
	s13 =	rddreg [dreg:$0x1e];
	v3 =	vsel vm2, s18, v3;
	s21 =	sshrl.u32 s20, $0x1F  }
0x640: {  	s4 =	sshrl.u32 s4, $0x3;
	v4 =	vmov s6;
	v3 =	vsel vm4, s21, v3;
	s21 =	sld [smem:$0x7E4]  }
0x641: {  	v4 =	vsel vm0, s10, v4;
	s10 =	sshrl.u32 s23, $0x3;
	s18 =	sshrl.u32 s17, $0x1F;
	v0 =	vsel vm5, s22, v3;
	v3 =	vmov s9;
	s22 =	sld [smem:$0x7E5]  }
0x642: {  	s15 =	sshrl.u32 s20, $0x3;
	s20 =	sshrl.u32 s19, $0x1F;
	s9 =	sld [smem:$0x7E7];
	v0 =	vsel vm6, s18, v0;
	v3 =	vnsel vm3, $0x0, v3  }
0x643: {  	s17 =	sshrl.u32 s17, $0x3;
	s18 =	sshrl.u32 s19, $0x3;
	s19 =	sshrl.u32 s21, $0x1F;
	v49 =	vsel vm7, s20, v0;
	v0 =	vmov s8;
	v3 =	vsel vm0, s3, v3  }
0x644: {  	s3 =	sshrl.u32 s21, $0x3;
	s8 =	sld [smem:$0x7E6];
	s20 =	sshrl.u32 s22, $0x1F;
	v0 =	vsel vm0, s2, v0;
	v3 =	vsel vm1, s7, v3  }
0x645: {  	(v2sf) =	vpush v16, $0x8;
	s21 =	sshrl.u32 s22, $0x3;
	s22 =	sshrl.u32 s9, $0x1F;
	v0 =	vsel vm1, s4, v0;
	v3 =	vsel vm2, s11, v3;
	s11 =	rddreg [dreg:$0x18]  }
0x646: {  	s2 =	sshrl.u32 s13, $0x3;
	s4 =	sshrl.u32 s13, $0x1F;
	v3 =	vsel vm4, s15, v3;
	s15 =	rddreg [dreg:$0x1b];
	v22 =	vsel vm2, s1, v0;
	v0 =	vsel vm1, s12, v4  }
0x647: {  	(v2sf) =	vpush v16, $0xA;
	s12 =	rddreg [dreg:$0x17];
	s6 =	sshrl.u32 s15, $0x1F;
	v3 =	vsel vm5, s16, v3;
	v21 =	vsel vm2, s14, v0;
	s14 =	sshrl.u32 s11, $0x1F  }
0x648: {  	(v2sf) =	vpush v16, $0xB;
	s13 =	sshrl.u32 s15, $0x3;
	s15 =	sshrl.u32 s23, $0x1F;
	s23 =	rddreg [dreg:$0x19];
	v0 =	vsel vm6, s17, v3;
	v3 =	vmov s14  }
0x649: {  	v42 =	vcombine.low v44, v42;
	(v2sf) =	vpush v16, $0x0;
	s16 =	sshrl.u32 s23, $0x1F;
	s1 =	sshrl.u32 s23, $0x3;
	s23 =	sshrl.u32 s31, $0x1F;
	v3 =	vnsel vm3, $0x0, v3  }
0x64a: {  	s7 =	sshrl.u32 s8, $0x1F;
	v25 =	vsel vm7, s18, v0;
	v0 =	vmov s20;
	s18 =	sshrl.u32 s12, $0x1F;
	s20 =	rddreg [dreg:$0x16];
	v3 =	vsel vm0, s23, v3  }
0x64b: {  	s17 =	sshrl.u32 s11, $0x3;
	s11 =	sshrl.u32 s12, $0x3;
	v4 =	vmov s6;
	v0 =	vsel vm0, s19, v0;
	s19 =	sshrl.u32 s20, $0x1F;
	v3 =	vsel vm1, s18, v3  }
0x64c: {  	v44 =	vld [tilespmem:$0x1FEA0];
	v4 =	vsel vm0, s4, v4;
	s12 =	sshrl.u32 s20, $0x3;
	s20 =	sshrl.u32 s30, $0x1F;
	v0 =	vsel vm1, s7, v0;
	s7 =	spop (v2sf);
	v3 =	vsel vm2, s19, v3  }
0x64d: {  	s23 =	sshrl.u32 s29, $0x1F;
	v20 =	vsel vm2, s22, v0;
	v0 =	vsel vm1, s15, v4;
	s22 =	spop (v2sf);
	v3 =	vsel vm4, s20, v3  }
0x64e: {  	v5 =	vmov s21;
	s19 =	sshrl.u32 s28, $0x1F;
	s20 =	smulhi.u32 $0x2AAAAAAB, s22;
	s22 =	sshra.s32 s22, $0x1F;
	v19 =	vsel vm2, s16, v0;
	v0 =	vsel vm5, s23, v3  }
0x64f: {  	v3 =	vsel vm0, s3, v5;
	s3 =	smul.u32 $0x2AAAAAAB, s22;
	s22 =	sshrl.u32 s26, $0x1F;
	v0 =	vsel vm6, s19, v0  }
0x650: {  	(v2sf) =	vpush v16, $0x1;
	v5 =	vsel vm7, s22, v0;
	v0 =	vmov s13  }
0x651: {  	v42 =	vperm.xlane v42, v48;
	v44 =	vcombine.low v44, v47;
	s8 =	sshrl.u32 s8, $0x3;
	v0 =	vsel vm0, s2, v0  }
0x652: {  	(v2sf) =	vpush v16, $0x2;
	s9 =	sshrl.u32 s9, $0x3;
	v3 =	vsel vm1, s8, v3;
	v0 =	vsel vm1, s10, v0  }
0x653: {  	v47 =	vld [tilespmem:$0x1FEC0];
	v4 =	vsel vm2, s9, v3;
	v3 =	vsel vm2, s1, v0;
	v0 =	vperm.xlane v46, v2  }
0x654: {  	v46 =	vld [tilespmem:$0x1FEB0]  }
0x655: {  	v0 =	vsel vm8, v0, v42;
	v42 =	vcombine.low v51, v43;
	v51 =	vld [tilespmem:$0x1FED0];
	_ =	sdelay $0x1  }
0x656: {  	v32 =	vcombine.low v18, v32;
	s14 =	sshrl.u32 s31, $0x3;
	s18 =	smulhi.u32 $0x2AAAAAAB, s7;
	s7 =	sshra.s32 s7, $0x1F  }
0x657: {  	v38 =	vcombine.low v38, v39;
	(v2sf) =	vpush v16, $0x3;
	[tilespmem:$0x1FF60] =	vst v1;
	s6 =	sshrl.u32 s30, $0x3;
	v1 =	vmov s17;
	s15 =	smul.u32 $0x2AAAAAAB, s7;
	s23 =	spop (v2sf)  }
0x658: {  	(v2sf) =	vpush v16, $0x4;
	s4 =	sshrl.u32 s29, $0x3;
	v1 =	vnsel vm3, $0x0, v1;
	s19 =	smulhi.u32 $0x2AAAAAAB, s23;
	s21 =	sshra.s32 s23, $0x1F;
	v46 =	vcombine.low v47, v46;
	v47 =	vld [tilespmem:$0x1FEE0]  }
0x659: {  	v1 =	vsel vm0, s14, v1;
	s8 =	sshrl.u32 s26, $0x3;
	s26 =	spop (v2sf);
	s13 =	smul.u32 $0x2AAAAAAB, s21;
	v43 =	vperm.xlane v44, v48;
	v44 =	vperm.xlane v51, v2  }
0x65a: {  	v38 =	vperm.xlane v38, v48;
	(v2sf) =	vpush v16, $0x5;
	v1 =	vsel vm1, s11, v1;
	s7 =	sshrl.u32 s28, $0x3;
	s17 =	smulhi.u32 $0x2AAAAAAB, s26;
	s23 =	spop (v2sf)  }
0x65b: {  	v1 =	vsel vm2, s12, v1;
	s21 =	sshra.s32 s26, $0x1F;
	s22 =	sld [smem:$0x7E8];
	s14 =	smulhi.u32 $0x2AAAAAAB, s23;
	v43 =	vsel vm8, v44, v43;
	v44 =	vperm.xlane v32, v48;
	v32 =	vld [tilespmem:$0x1FEF0]  }
0x65c: {  	v40 =	vperm.xlane v40, v2;
	(v2sf) =	vpush v16, $0x6;
	v1 =	vsel vm4, s6, v1;
	s9 =	sshrl.u32 s25, $0x1F;
	s26 =	spop (v2sf);
	s10 =	smul.u32 $0x2AAAAAAB, s21  }
0x65d: {  	v1 =	vsel vm5, s4, v1;
	s2 =	sshra.s32 s23, $0x1F;
	s21 =	sshrl.u32 s0, $0x1F;
	s12 =	smulhi.u32 $0x2AAAAAAB, s26;
	v46 =	vperm.xlane v46, v48;
	v47 =	vperm.xlane v47, v2  }
0x65e: {  	v38 =	vsel vm8, v40, v38;
	(v2sf) =	vpush v16, $0x7;
	v1 =	vsel vm6, s7, v1;
	s23 =	spop (v2sf);
	s16 =	sshrl.u32 s22, $0x1F;
	s1 =	sadd.s32 s15, s18  }
0x65f: {  	v1 =	vsel vm7, s8, v1;
	s15 =	smul.u32 $0x2AAAAAAB, s2;
	s2 =	sadd.s32 s3, s20;
	s18 =	sshra.s32 s26, $0x1F;
	v18 =	vmov s16;
	v47 =	vsel vm8, v47, v46;
	v46 =	vld [tilespmem:$0x1FF00]  }
0x660: {  	s3 =	sadd.s32 s13, s19;
	s20 =	spop (v2sf);
	s13 =	smul.u32 $0x2AAAAAAB, s18;
	v39 =	vperm.xlane v42, v48;
	v0 =	vadd.s32 v0, v43;
	v32 =	vperm.xlane v32, v2  }
0x661: {  	s4 =	sadd.s32 s10, s17;
	s10 =	smulhi.u32 $0x2AAAAAAB, s20;
	s6 =	sshra.s32 s20, $0x1F;
	v51 =	vsel vm0, s9, v18;
	v18 =	vadd.s32 s24, v31;
	v0 =	vmul.u32 $0x30, v0  }
0x662: {  	s17 =	smul.u32 $0x2AAAAAAB, s6;
	v51 =	vsel vm1, s21, v51;
	(v2sf) =	vpush v18, $0xD;
	v32 =	vsel vm8, v32, v44  }
0x663: {  	s18 =	sshrl.u32 s3, $0x1F;
	s8 =	sadd.s32 s13, s12;
	(v2sf) =	vpush v18, $0xC;
	v0 =	vsub.s32 v6, v0;
	v32 =	vadd.s32 v47, v32  }
0x664: {  	s19 =	sshrl.u32 s2, $0x1F;
	s10 =	sadd.s32 s17, s10;
	s17 =	sshrl.u32 s8, $0x1F;
	v42 =	vperm.xlane v46, v2;
	v47 =	vmov s18;
	v32 =	vmul.u32 $0x30, v32  }
0x665: {  	s7 =	sshrl.u32 s4, $0x1F;
	s6 =	sadd.s32 s15, s14;
	vm9 =	vlt.s32 v0, $0x0;
	v43 =	vsel vm0, s19, v47;
	v47 =	vmov s17  }
0x666: {  	s20 =	sshrl.u32 s6, $0x1F;
	v39 =	vsel vm8, v42, v39;
	v46 =	vsel vm1, s7, v43;
	v6 =	vsub.s32 v7, v32  }
0x667: {  	s0 =	sshrl.u32 s0, $0x3;
	s26 =	sshra.s32 s23, $0x1F;
	s16 =	smulhi.u32 $0x2AAAAAAB, s23;
	v7 =	vadd.s32 v39, v38;
	v43 =	vsel vm2, s20, v46;
	v46 =	vnsel vm3, $0x0, v47  }
0x668: {  	s22 =	sshrl.u32 s22, $0x3;
	s9 =	smul.u32 $0x2AAAAAAB, s26;
	s21 =	spop (v2sf);
	vm10 =	vlt.s32 v6, $0x0;
	v47 =	vmul.u32 $0x30, v7;
	v7 =	vsel vm9, $0x18, v45  }
0x669: {  	s11 =	sshrl.u32 s1, $0x1F;
	s14 =	smulhi.u32 $0x2AAAAAAB, s21;
	s23 =	sshra.s32 s21, $0x1F;
	(v2sf) =	vpush v18, $0xE;
	v42 =	vld [tilespmem:$0x1FF20];
	v40 =	vadd.s32 v0, v7;
	v0 =	vsel vm10, $0x18, v45  }
0x66a: {  	s1 =	sshrl.u32 s1, $0x3;
	v51 =	vsel vm2, s11, v51;
	s26 =	spop (v2sf);
	s11 =	smul.u32 $0x2AAAAAAB, s23;
	v7 =	vadd.s32 v6, v0;
	v0 =	vsub.s32 v9, v47;
	v9 =	vld [tilespmem:$0x1FF10]  }
0x66b: {  	v54 =	vperm.xlane v54, v2;
	v57 =	vperm.xlane v57, v2;
	s8 =	sshrl.u32 s8, $0x3;
	s13 =	smulhi.u32 $0x2AAAAAAB, s26;
	s15 =	sshra.s32 s26, $0x1F;
	(v2sf) =	vpush v18, $0xF  }
0x66c: {  	v30 =	vcombine.low v30, v59;
	v61 =	vcombine.low v62, v61;
	s9 =	sadd.s32 s9, s16;
	s21 =	spop (v2sf);
	s15 =	smul.u32 $0x2AAAAAAB, s15;
	(v2sf) =	vpush v18, $0x9  }
0x66d: {  	v62 =	vcombine.low v24, v34;
	v29 =	vperm.xlane v29, v2;
	s16 =	smulhi.u32 $0x2AAAAAAB, s21;
	s12 =	sshra.s32 s21, $0x1F;
	s23 =	spop (v2sf)  }
0x66e: {  	v23 =	vperm.xlane v23, v2;
	v21 =	vcombine.low v21, v22;
	s26 =	sshra.s32 s23, $0x1F;
	s21 =	spop (v2sf);
	(v2sf) =	vpush v18, $0x8;
	s18 =	smul.u32 $0x2AAAAAAB, s12  }
0x66f: {  	v26 =	vcombine.low v26, v28;
	(v2sf) =	vpush v18, $0xA;
	v44 =	vld [tilespmem:$0x1FF30];
	s12 =	sadd.s32 s11, s14;
	s14 =	smulhi.u32 $0x2AAAAAAB, s23;
	s11 =	sadd.s32 s15, s13;
	v9 =	vcombine.low v42, v9  }
0x670: {  	v21 =	vperm.xlane v21, v48;
	v25 =	vperm.xlane v25, v2;
	s15 =	smul.u32 $0x2AAAAAAB, s26;
	s23 =	sshra.s32 s21, $0x1F;
	s26 =	sshrl.u32 s9, $0x1F  }
0x671: {  	(v2sf) =	vpush v18, $0xB;
	s9 =	sshrl.u32 s9, $0x3;
	s13 =	sadd.s32 s18, s16;
	s16 =	smulhi.u32 $0x2AAAAAAB, s21;
	v32 =	vsel vm0, s26, v46;
	v46 =	vperm.xlane v9, v48;
	v9 =	vld [tilespmem:$0x1FF40]  }
0x672: {  	v20 =	vcombine.low v19, v20;
	v5 =	vperm.xlane v5, v2;
	s19 =	sshrl.u32 s10, $0x1F;
	s18 =	smul.u32 $0x2AAAAAAB, s23;
	s14 =	sadd.s32 s15, s14  }
0x673: {  	v1 =	vperm.xlane v1, v2;
	v3 =	vcombine.low v3, v4;
	s21 =	sshrl.u32 s11, $0x1F;
	s7 =	sshrl.u32 s2, $0x3;
	s20 =	sshrl.u32 s12, $0x1F;
	v32 =	vsel vm1, s19, v32  }
0x674: {  	(v2sf) =	vpush v18, $0x0;
	s2 =	sshrl.u32 s3, $0x3;
	s11 =	sshrl.u32 s11, $0x3;
	s23 =	sshrl.u32 s13, $0x1F;
	v6 =	vsel vm2, s20, v32;
	v32 =	vcombine.low v41, v44  }
0x675: {  	s15 =	sadd.s32 s18, s16;
	s16 =	sshrl.u32 s14, $0x1F;
	s26 =	spop (v2sf);
	(v2sf) =	vpush v18, $0x1;
	v44 =	vld [tilespmem:$0x1FF60];
	v6 =	vsel vm4, s21, v6;
	vm9 =	vlt.s32 v0, $0x0  }
0x676: {  	s18 =	sshrl.u32 s25, $0x3;
	s19 =	smulhi.u32 $0x2AAAAAAB, s26;
	s3 =	sshra.s32 s26, $0x1F;
	v6 =	vsel vm5, s23, v6;
	v38 =	vsel vm9, $0x18, v45;
	v42 =	vld [tilespmem:$0x1FF50];
	v47 =	vperm.xlane v9, v2  }
0x677: {  	s17 =	sshrl.u32 s15, $0x1F;
	s3 =	smul.u32 $0x2AAAAAAB, s3;
	s23 =	spop (v2sf);
	(v2sf) =	vpush v18, $0x2;
	v32 =	vperm.xlane v32, v48;
	v6 =	vsel vm6, s16, v6  }
0x678: {  	s16 =	smulhi.u32 $0x2AAAAAAB, s23;
	s20 =	sshra.s32 s23, $0x1F;
	s25 =	spop (v2sf);
	(v2sf) =	vpush v18, $0x3;
	v41 =	vsel vm7, s17, v6;
	v6 =	vsel vm8, v47, v46;
	v47 =	vld [tilespmem:$0x1FF70]  }
0x679: {  	s12 =	sshrl.u32 s12, $0x3;
	s13 =	sshrl.u32 s13, $0x3;
	s20 =	smul.u32 $0x2AAAAAAB, s20;
	v9 =	vadd.s32 v0, v38;
	v0 =	vmov s22;
	v46 =	vmov s8  }
0x67a: {  	s17 =	sshrl.u32 s10, $0x3;
	s21 =	smulhi.u32 $0x2AAAAAAB, s25;
	s26 =	spop (v2sf);
	(v2sf) =	vpush v18, $0x4;
	v0 =	vsel vm0, s18, v0;
	v39 =	vnsel vm3, $0x0, v46;
	v46 =	vld [tilespmem:$0x1FF80]  }
0x67b: {  	s10 =	sshra.s32 s25, $0x1F;
	s25 =	spop (v2sf);
	v38 =	vcombine.low v44, v42;
	s22 =	smulhi.u32 $0x2AAAAAAB, s26;
	v44 =	vcombine.low v35, v36;
	v0 =	vsel vm1, s0, v0  }
0x67c: {  	s23 =	sshra.s32 s26, $0x1F;
	(v2sf) =	vpush v18, $0x5;
	s26 =	sshra.s32 s25, $0x1F;
	s18 =	smul.u32 $0x2AAAAAAB, s10;
	v36 =	vsel vm2, s1, v0;
	v39 =	vsel vm0, s9, v39  }
0x67d: {  	s10 =	sshrl.u32 s14, $0x3;
	s14 =	smul.u32 $0x2AAAAAAB, s23;
	s23 =	spop (v2sf);
	v0 =	vsel vm1, s17, v39;
	v42 =	vperm.xlane v47, v2;
	v47 =	vperm.xlane v44, v48;
	v44 =	vld [tilespmem:$0x1FF90]  }
0x67e: {  	s8 =	sshrl.u32 s15, $0x3;
	s15 =	smulhi.u32 $0x2AAAAAAB, s25;
	v38 =	vperm.xlane v38, v48;
	s25 =	spop (v2sf);
	(v2sf) =	vpush v18, $0x6;
	v0 =	vsel vm2, s12, v0  }
0x67f: {  	s0 =	sadd.s32 s3, s19;
	s19 =	smul.u32 $0x2AAAAAAB, s26;
	s3 =	sshra.s32 s23, $0x1F;
	v0 =	vsel vm4, s11, v0;
	v32 =	vsel vm8, v42, v32;
	v42 =	vperm.xlane v46, v2  }
0x680: {  	s1 =	sadd.s32 s20, s16;
	s16 =	smul.u32 $0x2AAAAAAB, s3;
	s26 =	spop (v2sf);
	(v2sf) =	vpush v18, $0x7;
	v0 =	vsel vm5, s13, v0;
	v6 =	vadd.s32 v6, v32  }
0x681: {  	s4 =	sshrl.u32 s4, $0x3;
	s20 =	smulhi.u32 $0x2AAAAAAB, s25;
	v0 =	vsel vm6, s10, v0;
	v38 =	vsel vm8, v42, v38;
	v6 =	vmul.u32 $0x30, v6;
	v42 =	vld [tilespmem:$0x1FFA0]  }
0x682: {  	s6 =	sshrl.u32 s6, $0x3;
	s3 =	sshra.s32 s25, $0x1F;
	s17 =	smulhi.u32 $0x2AAAAAAB, s23;
	v46 =	vmov s2;
	v39 =	vsel vm7, s8, v0;
	v35 =	vperm.xlane v44, v2  }
0x683: {  	s9 =	sshrl.u32 s0, $0x1F;
	s2 =	sadd.s32 s18, s21;
	s18 =	smul.u32 $0x2AAAAAAB, s3;
	v44 =	vcombine.low v56, v55;
	v56 =	vperm.xlane v52, v2;
	v52 =	vld [tilespmem:$0x1FFF0];
	v6 =	vsub.s32 v8, v6  }
0x684: {  	s25 =	spop (v2sf);
	s23 =	sshra.s32 s26, $0x1F;
	s21 =	smulhi.u32 $0x2AAAAAAB, s26;
	v32 =	vsel vm8, v35, v47;
	v47 =	vsel vm0, s7, v46;
	vm9 =	vlt.s32 v6, $0x0  }
0x685: {  	s12 =	sshrl.u32 s1, $0x1F;
	s3 =	sadd.s32 s14, s22;
	s14 =	smul.u32 $0x2AAAAAAB, s23;
	v46 =	vld [tilespmem:$0x1FFB0];
	v8 =	vadd.s32 v38, v32;
	v35 =	vsel vm1, s4, v47;
	v55 =	vsel vm9, $0x18, v45  }
0x686: {  	s1 =	sshrl.u32 s1, $0x3;
	s22 =	smulhi.u32 $0x2AAAAAAB, s25;
	s26 =	spop (v2sf);
	v32 =	vcombine.low v37, v42;
	v8 =	vmul.u32 $0x30, v8;
	v38 =	vsel vm2, s6, v35  }
0x687: {  	s11 =	sshrl.u32 s2, $0x1F;
	s23 =	smulhi.u32 $0x2AAAAAAB, s26;
	s7 =	sshra.s32 s25, $0x1F;
	v37 =	vperm.xlane v44, v48;
	v35 =	vadd.s32 v6, v55;
	v42 =	vperm.xlane v49, v2  }
0x688: {  	s4 =	sadd.s32 s19, s15;
	s15 =	smul.u32 $0x2AAAAAAB, s7;
	s7 =	sshra.s32 s26, $0x1F;
	v49 =	vperm.xlane v3, v48;
	v6 =	vadd.s32 s24, v52;
	v32 =	vperm.xlane v32, v48  }
0x689: {  	s25 =	spop (v2sf);
	s6 =	sadd.s32 s16, s17;
	s16 =	smul.u32 $0x2AAAAAAB, s7;
	v8 =	vsub.s32 v10, v8;
	v44 =	vsel vm8, v56, v37;
	(v2sf) =	vpush v6, $0xD  }
0x68a: {  	s13 =	sshrl.u32 s3, $0x1F;
	s10 =	sshra.s32 s25, $0x1F;
	s17 =	smulhi.u32 $0x2AAAAAAB, s25;
	v56 =	vperm.xlane v30, v48;
	v1 =	vsel vm8, v1, v49;
	v47 =	vperm.xlane v46, v2  }
0x68b: {  	s7 =	sadd.s32 s18, s20;
	s18 =	smul.u32 $0x2AAAAAAB, s10;
	s24 =	spop (v2sf);
	v46 =	vmov s12;
	(v2sf) =	vpush v6, $0xC;
	vm9 =	vlt.s32 v8, $0x0  }
0x68c: {  	s26 =	sshrl.u32 s6, $0x1F;
	s6 =	sshrl.u32 s6, $0x3;
	s20 =	smulhi.u32 $0x2AAAAAAB, s24;
	v0 =	vsel vm0, s9, v46;
	(v2sf) =	vpush v6, $0xE;
	v55 =	vsel vm9, $0x18, v45  }
0x68d: {  	s10 =	sshra.s32 s24, $0x1F;
	s25 =	spop (v2sf);
	s9 =	sadd.s32 s14, s21;
	v59 =	vsel vm8, v57, v56;
	v46 =	vperm.xlane v58, v2;
	v57 =	vmov s1  }
0x68e: {  	s14 =	smul.u32 $0x2AAAAAAB, s10;
	s10 =	sadd.s32 s15, s22;
	s15 =	spop (v2sf);
	v58 =	vperm.xlane v26, v48;
	v10 =	vsel vm8, v47, v32;
	v47 =	vld [tilespmem:$0x1FFC0];
	v0 =	vsel vm1, s11, v0  }
0x68f: {  	s24 =	smulhi.u32 $0x2AAAAAAB, s15;
	v10 =	vadd.s32 v10, v44;
	v37 =	vsel vm2, s13, v0;
	s13 =	sadd.s32 s16, s23;
	s23 =	spop (v2sf);
	(v2sf) =	vpush v6, $0xF  }
0x690: {  	s11 =	sshra.s32 s15, $0x1F;
	v30 =	vadd.s32 v8, v55;
	s15 =	sadd.s32 s14, s20;
	v8 =	vmul.u32 $0x30, v10;
	s20 =	spop (v2sf);
	(v2sf) =	vpush v6, $0x9  }
0x691: {  	v55 =	vcombine.low v27, v63;
	v63 =	vmov s6;
	(v2sf) =	vpush v6, $0x8  }
0x692: {  	s2 =	sshrl.u32 s2, $0x3;
	v8 =	vsub.s32 v11, v8;
	v11 =	vperm.xlane v61, v48;
	(v2sf) =	vpush v6, $0xA  }
0x693: {  	s3 =	sshrl.u32 s3, $0x3;
	s19 =	sshrl.u32 s4, $0x1F;
	s12 =	smulhi.u32 $0x2AAAAAAB, s25;
	v32 =	vcombine.low v53, v47;
	v53 =	vmov s26;
	vm9 =	vlt.s32 v8, $0x0  }
0x694: {  	s8 =	sshrl.u32 s7, $0x1F;
	s16 =	smul.u32 $0x2AAAAAAB, s11;
	s11 =	sadd.s32 s18, s17;
	(v2sf) =	vpush v6, $0xB;
	v0 =	vsel vm0, s19, v53;
	v53 =	vsel vm9, $0x18, v45  }
0x695: {  	s17 =	smulhi.u32 $0x2AAAAAAB, s23;
	s26 =	sshra.s32 s25, $0x1F;
	s19 =	sshrl.u32 s10, $0x1F;
	v11 =	vsel vm8, v46, v11;
	(v2sf) =	vpush v6, $0x0;
	v46 =	vsel vm8, v25, v21  }
0x696: {  	s21 =	sshrl.u32 s9, $0x1F;
	s25 =	sshra.s32 s23, $0x1F;
	s22 =	smul.u32 $0x2AAAAAAB, s26;
	v32 =	vperm.xlane v32, v48;
	v44 =	vmov s19;
	v0 =	vsel vm1, s8, v0  }
0x697: {  	s18 =	sshra.s32 s20, $0x1F;
	s26 =	smul.u32 $0x2AAAAAAB, s25;
	s25 =	sshrl.u32 s13, $0x1F;
	v8 =	vadd.s32 v8, v53;
	v47 =	vnsel vm3, $0x0, v44;
	v24 =	vsel vm2, s21, v0  }
0x698: {  	s16 =	sadd.s32 s16, s24;
	s18 =	smul.u32 $0x2AAAAAAB, s18;
	s23 =	sshrl.u32 s11, $0x1F;
	v10 =	vsel vm8, v54, v32;
	v0 =	vsel vm0, s25, v47;
	v32 =	vperm.xlane v62, v48  }
0x699: {  	s8 =	sshrl.u32 s4, $0x3;
	s4 =	sshrl.u32 s7, $0x3;
	s25 =	sshrl.u32 s0, $0x3;
	v47 =	vperm.xlane v20, v48;
	v10 =	vadd.s32 v10, v59;
	v0 =	vsel vm1, s23, v0  }
0x69a: {  	s19 =	sshrl.u32 s10, $0x3;
	s14 =	sadd.s32 s26, s17;
	s26 =	sshrl.u32 s15, $0x1F;
	v28 =	vsel vm0, s25, v57;
	v10 =	vmul.u32 $0x30, v10;
	v54 =	vsel vm8, v29, v32  }
0x69b: {  	s12 =	sadd.s32 s22, s12;
	s22 =	smulhi.u32 $0x2AAAAAAB, s20;
	s20 =	sshrl.u32 s16, $0x1F;
	v0 =	vsel vm2, s26, v0;
	v59 =	vsel vm1, s2, v28;
	v32 =	vcombine.low v33, v50  }
0x69c: {  	s24 =	sshrl.u32 s12, $0x1F;
	s21 =	sshrl.u32 s14, $0x1F;
	s0 =	sshrl.u32 s9, $0x3;
	v5 =	vsel vm8, v5, v47;
	v29 =	vcombine.low v24, v37;
	v11 =	vadd.s32 v11, v54  }
0x69d: {  	s17 =	sadd.s32 s18, s22;
	s23 =	sshrl.u32 s13, $0x3;
	s9 =	spop (v2sf);
	v0 =	vsel vm4, s24, v0;
	(v2sf) =	vpush v6, $0x1;
	v1 =	vadd.s32 v5, v1  }
0x69e: {  	s18 =	sshrl.u32 s11, $0x3;
	v10 =	vsub.s32 v12, v10;
	s26 =	smulhi.u32 $0x2AAAAAAB, s9;
	s7 =	sshra.s32 s9, $0x1F;
	v11 =	vmul.u32 $0x30, v11;
	v0 =	vsel vm5, s20, v0  }
0x69f: {  	s22 =	sshrl.u32 s17, $0x1F;
	s10 =	spop (v2sf);
	v12 =	vperm.xlane v55, v48;
	(v2sf) =	vpush v6, $0x2;
	v34 =	vperm.xlane v32, v48;
	s11 =	smul.u32 $0x2AAAAAAB, s7  }
0x6a0: {  	v1 =	vmul.u32 $0x30, v1;
	vm9 =	vlt.s32 v10, $0x0;
	s7 =	sshrl.u32 s15, $0x3;
	s15 =	smulhi.u32 $0x2AAAAAAB, s10;
	s9 =	sshra.s32 s10, $0x1F;
	v0 =	vsel vm6, s21, v0  }
0x6a1: {  	s13 =	sshrl.u32 s12, $0x3;
	s12 =	spop (v2sf);
	v56 =	vsub.s32 v13, v11;
	v11 =	vsel vm9, $0x18, v45;
	s20 =	smul.u32 $0x2AAAAAAB, s9;
	v13 =	vsel vm7, s22, v0  }
0x6a2: {  	s9 =	sshrl.u32 s16, $0x3;
	s21 =	smulhi.u32 $0x2AAAAAAB, s12;
	s16 =	sshra.s32 s12, $0x1F;
	v0 =	vperm.xlane v60, v2;
	v60 =	vmov s19;
	v1 =	vsub.s32 v17, v1  }
0x6a3: {  	s10 =	sshrl.u32 s14, $0x3;
	s14 =	smul.u32 $0x2AAAAAAB, s16;
	s22 =	spop (v2sf);
	vm9 =	vlt.s32 v56, $0x0;
	(v2sf) =	vpush v6, $0x3;
	v28 =	vnsel vm3, $0x0, v60  }
0x6a4: {  	s12 =	sshrl.u32 s17, $0x3;
	s1 =	sadd.s32 s11, s26;
	v11 =	vadd.s32 v10, v11;
	v60 =	vperm.xlane v41, v2;
	v13 =	vperm.xlane v13, v2;
	s17 =	smulhi.u32 $0x2AAAAAAB, s22  }
0x6a5: {  	s24 =	sshra.s32 s22, $0x1F;
	v0 =	vsel vm8, v0, v12;
	s25 =	spop (v2sf);
	s11 =	sshrl.u32 s1, $0x1F;
	(v2sf) =	vpush v6, $0x4;
	v12 =	vsel vm8, v23, v58  }
0x6a6: {  	v61 =	vsel vm9, $0x18, v45;
	s2 =	sadd.s32 s20, s15;
	v23 =	vsel vm2, s3, v59;
	v62 =	vsel vm0, s23, v28;
	s1 =	sshrl.u32 s1, $0x3;
	s22 =	smul.u32 $0x2AAAAAAB, s24  }
0x6a7: {  	s19 =	smulhi.u32 $0x2AAAAAAB, s25;
	s16 =	sshra.s32 s25, $0x1F;
	s26 =	spop (v2sf);
	(v2sf) =	vpush v6, $0x5;
	v10 =	vadd.s32 v56, v61;
	v0 =	vadd.s32 v0, v12  }
0x6a8: {  	s3 =	sadd.s32 s14, s21;
	v26 =	vsel vm1, s18, v62;
	v12 =	vsel vm0, s8, v63;
	v56 =	vcombine.low v38, v36;
	s20 =	smul.u32 $0x2AAAAAAB, s16;
	s16 =	sshrl.u32 s2, $0x1F  }
0x6a9: {  	v63 =	vperm.xlane v39, v2;
	s23 =	smulhi.u32 $0x2AAAAAAB, s26;
	s15 =	sshra.s32 s26, $0x1F;
	s24 =	spop (v2sf);
	(v2sf) =	vpush v6, $0x6;
	v0 =	vmul.u32 $0x30, v0  }
0x6aa: {  	v33 =	vsel vm2, s7, v26;
	v12 =	vsel vm1, s4, v12;
	s2 =	sshrl.u32 s2, $0x3;
	s21 =	smul.u32 $0x2AAAAAAB, s15;
	s25 =	spop (v2sf);
	(v2sf) =	vpush v6, $0x7  }
0x6ab: {  	s18 =	smulhi.u32 $0x2AAAAAAB, s24;
	s15 =	sshra.s32 s24, $0x1F;
	s6 =	sadd.s32 s22, s17;
	v22 =	vsel vm4, s13, v33;
	v44 =	vsel vm2, s0, v12;
	v32 =	vmov s2  }
0x6ac: {  	s14 =	sshrl.u32 s3, $0x1F;
	s17 =	smul.u32 $0x2AAAAAAB, s15;
	s15 =	sshrl.u32 s6, $0x1F;
	v0 =	vsub.s32 v14, v0;
	v14 =	vsel vm8, v42, v34;
	v4 =	vsel vm5, s9, v22  }
0x6ad: {  	s24 =	smulhi.u32 $0x2AAAAAAB, s25;
	s26 =	sshra.s32 s25, $0x1F;
	s7 =	sadd.s32 s20, s19;
	v19 =	vcombine.low v44, v23;
	v22 =	vsel vm0, s1, v32;
	v3 =	vsel vm6, s10, v4  }
0x6ae: {  	s22 =	spop (v2sf);
	s19 =	smul.u32 $0x2AAAAAAB, s26;
	s8 =	sadd.s32 s21, s23;
	v4 =	vmov s16;
	v12 =	vadd.s32 v14, v46;
	vm9 =	vlt.s32 v0, $0x0  }
0x6af: {  	s13 =	smulhi.u32 $0x2AAAAAAB, s22;
	s25 =	sshra.s32 s22, $0x1F;
	s22 =	sshrl.u32 s8, $0x1F;
	v50 =	vsel vm7, s12, v3;
	v4 =	vsel vm0, s11, v4;
	v5 =	vmul.u32 $0x30, v12  }
0x6b0: {  	s4 =	sshrl.u32 s7, $0x1F;
	s20 =	smul.u32 $0x2AAAAAAB, s25;
	s9 =	sadd.s32 s17, s18;
	v3 =	vld [tilespmem:$0x1FFD0];
	v19 =	vperm.xlane v19, v48;
	v53 =	vmov s22;
	v4 =	vsel vm1, s14, v4  }
0x6b1: {  	s16 =	sshrl.u32 s9, $0x1F;
	s12 =	sadd.s32 s19, s24;
	v20 =	vperm.xlane v50, v2;
	v54 =	vsel vm0, s4, v53;
	v5 =	vsub.s32 v15, v5;
	s26 =	spop (v2sf)  }
0x6b2: {  	s22 =	sshrl.u32 s12, $0x1F;
	v55 =	vsel vm2, s15, v4;
	v4 =	vsel vm9, $0x18, v45;
	v15 =	vperm.xlane v56, v48;
	s23 =	smulhi.u32 $0x2AAAAAAB, s26;
	s21 =	sshra.s32 s26, $0x1F  }
0x6b3: {  	s11 =	sadd.s32 s20, s13;
	v12 =	vsel vm1, s16, v54;
	vm9 =	vlt.s32 v5, $0x0;
	v0 =	vadd.s32 v0, v4;
	s17 =	smul.u32 $0x2AAAAAAB, s21;
	s21 =	rddreg [dreg:$0x15]  }
0x6b4: {  	s4 =	sshrl.u32 s11, $0x1F;
	v34 =	vsel vm8, v20, v19;
	v4 =	vsel vm9, $0x18, v45;
	vm9 =	vlt.s32 v1, $0x0;
	s25 =	spop (v2sf);
	s0 =	sshllo.u32 s21, $0x3  }
0x6b5: {  	v57 =	vmov s4;
	v58 =	vsel vm2, s22, v12;
	s10 =	smulhi.u32 $0x2AAAAAAB, s25;
	s26 =	sshra.s32 s25, $0x1F;
	v3 =	vadd.s32 s0, v3  }
0x6b6: {  	v5 =	vadd.s32 v5, v4;
	v4 =	vsel vm9, $0x18, v45;
	s18 =	smul.u32 $0x2AAAAAAB, s26;
	s25 =	spop (v2sf);
	(v2sf) =	vpush v3, $0xD  }
0x6b7: {  	vm9 =	vgt.s32 v40, $0xFFFFFFF0;
	v4 =	vadd.s32 v1, v4;
	v1 =	vcombine.low v43, v51;
	s19 =	smulhi.u32 $0x2AAAAAAB, s25;
	s21 =	sshra.s32 s25, $0x1F  }
0x6b8: {  	v15 =	vsel vm8, v63, v15;
	v62 =	vnsel vm9, $0xFFFFFFF0, v40;
	s26 =	spop (v2sf);
	s21 =	smul.u32 $0x2AAAAAAB, s21;
	(v2sf) =	vpush v3, $0xC  }
0x6b9: {  	s9 =	sshrl.u32 s9, $0x3;
	v14 =	vcombine.low v58, v55;
	vm9 =	vlt.s32 v62, $0x10;
	v1 =	vperm.xlane v1, v48;
	s20 =	smulhi.u32 $0x2AAAAAAB, s26;
	s24 =	sshra.s32 s26, $0x1F  }
0x6ba: {  	s13 =	sadd.s32 s17, s23;
	v12 =	vnsel vm9, $0x10, v62;
	vm9 =	vgt.s32 v7, $0xFFFFFFF0;
	s25 =	spop (v2sf);
	s14 =	smul.u32 $0x2AAAAAAB, s24;
	(v2sf) =	vpush v3, $0xE  }
0x6bb: {  	v59 =	vnsel vm3, $0x0, v57;
	v14 =	vperm.xlane v14, v48;
	s15 =	sshrl.u32 s13, $0x1F;
	v7 =	vnsel vm9, $0xFFFFFFF0, v7;
	s17 =	smulhi.u32 $0x2AAAAAAB, s25;
	s26 =	sshra.s32 s25, $0x1F  }
0x6bc: {  	s18 =	sadd.s32 s18, s10;
	v1 =	vsel vm8, v60, v1;
	vm9 =	vlt.s32 v7, $0x10;
	s24 =	spop (v2sf);
	s16 =	smul.u32 $0x2AAAAAAB, s26;
	(v2sf) =	vpush v3, $0xF  }
0x6bd: {  	s28 =	sshrl.u32 s13, $0x3;
	v7 =	vnsel vm9, $0x10, v7;
	vm9 =	vgt.s32 v9, $0xFFFFFFF0;
	s10 =	smulhi.u32 $0x2AAAAAAB, s24;
	s23 =	sshra.s32 s24, $0x1F;
	(v2sf) =	vpush v3, $0x9  }
0x6be: {  	v61 =	vsel vm0, s15, v59;
	v1 =	vadd.s32 v1, v15;
	s19 =	sadd.s32 s21, s19;
	s25 =	spop (v2sf);
	v9 =	vnsel vm9, $0xFFFFFFF0, v9;
	s21 =	smul.u32 $0x2AAAAAAB, s23  }
0x6bf: {  	s13 =	sshrl.u32 s18, $0x3;
	v1 =	vmul.u32 $0x30, v1;
	s14 =	sadd.s32 s14, s20;
	s26 =	smulhi.u32 $0x2AAAAAAB, s25;
	vm9 =	vlt.s32 v9, $0x10;
	(v2sf) =	vpush v3, $0x8  }
0x6c0: {  	v7 =	vadd.s32 $0x10, v7;
	s23 =	sshra.s32 s25, $0x1F;
	s17 =	sadd.s32 s16, s17;
	s16 =	sshrl.u32 s18, $0x1F;
	v9 =	vnsel vm9, $0x10, v9;
	vm9 =	vgt.s32 v35, $0xFFFFFFF0  }
0x6c1: {  	s24 =	sshrl.u32 s19, $0x1F;
	s23 =	smul.u32 $0x2AAAAAAB, s23;
	v1 =	vsub.s32 v16, v1;
	s21 =	sadd.s32 s21, s10;
	(v2sf) =	vpush v3, $0xA;
	v27 =	vsel vm1, s16, v61  }
0x6c2: {  	[tilespmem:$0x3400] =	vst v7;
	s10 =	sshrl.u32 s7, $0x3;
	s7 =	sshrl.u32 s8, $0x3;
	s8 =	sshrl.u32 s11, $0x3;
	v39 =	vnsel vm9, $0xFFFFFFF0, v35;
	vm9 =	vgt.s32 v30, $0xFFFFFFF0;
	v7 =	vadd.s32 $0x10, v9  }
0x6c3: {  	s15 =	sshrl.u32 s19, $0x3;
	s25 =	sshrl.u32 s14, $0x1F;
	s22 =	sshrl.u32 s17, $0x1F;
	(v2sf) =	vpush v3, $0xB;
	v17 =	vsel vm2, s24, v27;
	v33 =	vmov s8  }
0x6c4: {  	s20 =	sadd.s32 s23, s26;
	s23 =	sshrl.u32 s21, $0x1F;
	s26 =	sshrl.u32 s3, $0x3;
	v36 =	vmov s7;
	v41 =	vnsel vm9, $0xFFFFFFF0, v30;
	vm9 =	vlt.s32 v39, $0x10  }
0x6c5: {  	s3 =	sshrl.u32 s6, $0x3;
	s6 =	sshrl.u32 s12, $0x3;
	v28 =	vsel vm4, s25, v17;
	v17 =	vperm.xlane v29, v48;
	v22 =	vsel vm1, s26, v22;
	s16 =	spop (v2sf)  }
0x6c6: {  	s4 =	sshrl.u32 s20, $0x1F;
	v23 =	vnsel vm3, $0x0, v33;
	v15 =	vsel vm5, s22, v28;
	v22 =	vsel vm2, s3, v22;
	s18 =	smulhi.u32 $0x2AAAAAAB, s16;
	s11 =	sshra.s32 s16, $0x1F  }
0x6c7: {  	s12 =	sshrl.u32 s20, $0x3;
	v23 =	vsel vm0, s28, v23;
	v15 =	vsel vm6, s23, v15;
	(v2sf) =	vpush v3, $0x0;
	s24 =	spop (v2sf);
	s19 =	smul.u32 $0x2AAAAAAB, s11  }
0x6c8: {  	v13 =	vsel vm8, v13, v17;
	v37 =	vsel vm1, s13, v23;
	v17 =	vsel vm0, s10, v36;
	s16 =	sshrl.u32 s14, $0x3;
	s22 =	smulhi.u32 $0x2AAAAAAB, s24;
	s11 =	sshra.s32 s24, $0x1F  }
0x6c9: {  	v13 =	vadd.s32 v13, v34;
	v19 =	vsel vm2, s15, v37;
	(v2sf) =	vpush v3, $0x1;
	s14 =	sshrl.u32 s17, $0x3;
	s25 =	spop (v2sf);
	s17 =	smul.u32 $0x2AAAAAAB, s11  }
0x6ca: {  	v17 =	vsel vm1, s9, v17;
	v15 =	vsel vm7, s4, v15;
	v13 =	vmul.u32 $0x30, v13;
	s11 =	sshrl.u32 s21, $0x3;
	s21 =	smulhi.u32 $0x2AAAAAAB, s25;
	s23 =	sshra.s32 s25, $0x1F  }
0x6cb: {  	v17 =	vsel vm2, s6, v17;
	v15 =	vperm.xlane v15, v2;
	(v2sf) =	vpush v3, $0x2;
	s24 =	spop (v2sf);
	s20 =	smul.u32 $0x2AAAAAAB, s23;
	s1 =	sadd.s32 s19, s18  }
0x6cc: {  	v17 =	vcombine.low v17, v22;
	v38 =	vsub.s32 v18, v13;
	v13 =	vnsel vm9, $0x10, v39;
	s18 =	smulhi.u32 $0x2AAAAAAB, s24;
	s2 =	sshra.s32 s24, $0x1F;
	s25 =	spop (v2sf)  }
0x6cd: {  	vm9 =	vlt.s32 v41, $0x10;
	v15 =	vsel vm8, v15, v14;
	(v2sf) =	vpush v3, $0x3;
	s8 =	sshrl.u32 s1, $0x1F;
	s19 =	smul.u32 $0x2AAAAAAB, s2;
	s2 =	sadd.s32 s17, s22  }
0x6ce: {  	v17 =	vperm.xlane v17, v48;
	v43 =	vnsel vm9, $0x10, v41;
	vm9 =	vlt.s32 v1, $0x0;
	s22 =	smulhi.u32 $0x2AAAAAAB, s25;
	s23 =	sshra.s32 s25, $0x1F;
	s26 =	spop (v2sf)  }
0x6cf: {  	[tilespmem:$0x3410] =	vst v7;
	v7 =	vadd.s32 $0x10, v13;
	v44 =	vsel vm9, $0x18, v45;
	(v2sf) =	vpush v3, $0x4;
	s1 =	sshrl.u32 s1, $0x3;
	s17 =	sshrl.u32 s2, $0x1F;
	s23 =	smul.u32 $0x2AAAAAAB, s23  }
0x6d0: {  	vm9 =	vlt.s32 v38, $0x0;
	v9 =	vadd.s32 $0x10, v43;
	v40 =	vsel vm4, s16, v19;
	s3 =	sadd.s32 s20, s21;
	s20 =	smulhi.u32 $0x2AAAAAAB, s26;
	s25 =	sshra.s32 s26, $0x1F  }
0x6d1: {  	v46 =	vsel vm9, $0x18, v45;
	vm9 =	vgt.s32 v8, $0xFFFFFFF0;
	v18 =	vsel vm5, s14, v40;
	s26 =	spop (v2sf);
	s2 =	sshrl.u32 s2, $0x3;
	s21 =	smul.u32 $0x2AAAAAAB, s25  }
0x6d2: {  	v8 =	vnsel vm9, $0xFFFFFFF0, v8;
	v18 =	vsel vm6, s11, v18;
	(v2sf) =	vpush v3, $0x5;
	s7 =	sadd.s32 s19, s18;
	s18 =	smulhi.u32 $0x2AAAAAAB, s26;
	s25 =	sshra.s32 s26, $0x1F  }
0x6d3: {  	v1 =	vadd.s32 v1, v44;
	vm9 =	vlt.s32 v8, $0x10;
	v18 =	vsel vm7, s12, v18;
	s13 =	sshrl.u32 s3, $0x1F;
	s26 =	spop (v2sf);
	s19 =	smul.u32 $0x2AAAAAAB, s25  }
0x6d4: {  	v8 =	vnsel vm9, $0x10, v8;
	vm9 =	vgt.s32 v11, $0xFFFFFFF0;
	(v2sf) =	vpush v3, $0x6;
	s15 =	sshrl.u32 s7, $0x1F;
	s10 =	sadd.s32 s23, s22;
	s22 =	smulhi.u32 $0x2AAAAAAB, s26  }
0x6d5: {  	v16 =	vadd.s32 v38, v46;
	v18 =	vperm.xlane v18, v2;
	v11 =	vnsel vm9, $0xFFFFFFF0, v11;
	s25 =	sshra.s32 s26, $0x1F;
	s9 =	sshrl.u32 s10, $0x1F;
	s16 =	sadd.s32 s21, s20  }
0x6d6: {  	vm9 =	vgt.s32 v10, $0xFFFFFFF0;
	(v2sf) =	vpush v3, $0x7;
	v42 =	vmov s17;
	s23 =	smul.u32 $0x2AAAAAAB, s25;
	s14 =	sshrl.u32 s16, $0x1F;
	s26 =	spop (v2sf)  }
0x6d7: {  	v54 =	vmov s2;
	v10 =	vnsel vm9, $0xFFFFFFF0, v10;
	vm9 =	vlt.s32 v11, $0x10;
	s6 =	sadd.s32 s19, s18;
	s20 =	smulhi.u32 $0x2AAAAAAB, s26;
	s25 =	sshra.s32 s26, $0x1F  }
0x6d8: {  	v17 =	vsel vm8, v18, v17;
	v47 =	vsel vm0, s8, v42;
	v18 =	vsel vm0, s1, v54;
	s16 =	sshrl.u32 s16, $0x3;
	s26 =	spop (v2sf);
	s21 =	smul.u32 $0x2AAAAAAB, s25  }
0x6d9: {  	v11 =	vnsel vm9, $0x10, v11;
	vm9 =	vlt.s32 v10, $0x10;
	v15 =	vadd.s32 v15, v17;
	s4 =	sshrl.u32 s6, $0x1F;
	s18 =	smulhi.u32 $0x2AAAAAAB, s26;
	s25 =	sshra.s32 s26, $0x1F  }
0x6da: {  	v49 =	vsel vm1, s13, v47;
	v10 =	vnsel vm9, $0x10, v10;
	s12 =	sadd.s32 s23, s22;
	v50 =	vmov s14;
	s24 =	spop (v2sf);
	s26 =	smul.u32 $0x2AAAAAAB, s25  }
0x6db: {  	[tilespmem:$0x3430] =	vst v9;
	vm9 =	vgt.s32 v0, $0xFFFFFFF0;
	v9 =	vadd.s32 $0x10, v11;
	s17 =	sshrl.u32 s12, $0x1F;
	v53 =	vsel vm0, s9, v50;
	s22 =	smulhi.u32 $0x2AAAAAAB, s24;
	s19 =	sshra.s32 s24, $0x1F  }
0x6dc: {  	v60 =	vnsel vm9, $0xFFFFFFF0, v0;
	v0 =	vadd.s32 s0, v31;
	v17 =	vsel vm1, s4, v53;
	s4 =	sshrl.u32 s7, $0x3;
	s25 =	spop (v2sf);
	s19 =	smul.u32 $0x2AAAAAAB, s19  }
0x6dd: {  	v15 =	vmul.u32 $0x30, v15;
	v51 =	vsel vm2, s15, v49;
	(v2sf) =	vpush v0, $0xD;
	s20 =	sadd.s32 s21, s20;
	s21 =	smulhi.u32 $0x2AAAAAAB, s25;
	s23 =	sshra.s32 s25, $0x1F  }
0x6de: {  	vm9 =	vgt.s32 v5, $0xFFFFFFF0;
	v10 =	vadd.s32 $0x10, v10;
	v55 =	vmov s16;
	s24 =	spop (v2sf);
	s11 =	sadd.s32 s26, s18;
	s26 =	smul.u32 $0x2AAAAAAB, s23  }
0x6df: {  	v5 =	vnsel vm9, $0xFFFFFFF0, v5;
	vm9 =	vlt.s32 v60, $0x10;
	(v2sf) =	vpush v0, $0xC;
	s25 =	smulhi.u32 $0x2AAAAAAB, s24;
	s23 =	sshra.s32 s24, $0x1F;
	s8 =	sshrl.u32 s20, $0x1F  }
0x6e0: {  	v6 =	vsub.s32 v6, v15;
	v61 =	vnsel vm9, $0x10, v60;
	vm9 =	vlt.s32 v5, $0x10;
	s24 =	sshrl.u32 s3, $0x3;
	s19 =	sadd.s32 s19, s22;
	s13 =	sshrl.u32 s11, $0x1F  }
0x6e1: {  	v5 =	vnsel vm9, $0x10, v5;
	v17 =	vsel vm2, s17, v17;
	s18 =	sadd.s32 s26, s21;
	s26 =	smul.u32 $0x2AAAAAAB, s23;
	s21 =	spop (v2sf);
	(v2sf) =	vpush v0, $0xE  }
0x6e2: {  	vm9 =	vgt.s32 v4, $0xFFFFFFF0;
	v15 =	vcombine.low v17, v51;
	s22 =	sshrl.u32 s10, $0x3;
	v58 =	vmov s8;
	s8 =	sshrl.u32 s20, $0x3;
	s20 =	sshrl.u32 s11, $0x3  }
0x6e3: {  	v56 =	vsel vm1, s24, v18;
	v19 =	vsel vm0, s22, v55;
	s7 =	spop (v2sf);
	(v2sf) =	vpush v0, $0xF;
	s9 =	sadd.s32 s26, s25;
	s25 =	sshrl.u32 s6, $0x3  }
0x6e4: {  	s14 =	sshrl.u32 s19, $0x1F;
	v17 =	vsel vm2, s4, v56;
	v59 =	vmov s8;
	s10 =	smulhi.u32 $0x2AAAAAAB, s21;
	s6 =	sshrl.u32 s12, $0x3;
	v57 =	vsel vm1, s25, v19  }
0x6e5: {  	s26 =	sshra.s32 s21, $0x1F;
	s15 =	smulhi.u32 $0x2AAAAAAB, s7;
	s17 =	spop (v2sf);
	(v2sf) =	vpush v0, $0x9;
	v19 =	vnsel vm3, $0x0, v58;
	v18 =	vsel vm2, s6, v57  }
0x6e6: {  	s22 =	sshrl.u32 s19, $0x3;
	s4 =	sshra.s32 s7, $0x1F;
	s3 =	smul.u32 $0x2AAAAAAB, s26;
	v19 =	vsel vm0, s13, v19;
	v17 =	vcombine.low v18, v17;
	v18 =	vnsel vm3, $0x0, v59  }
0x6e7: {  	s23 =	sshrl.u32 s18, $0x1F;
	s12 =	sshrl.u32 s9, $0x1F;
	s16 =	smul.u32 $0x2AAAAAAB, s4;
	(v2sf) =	vpush v0, $0x8;
	v19 =	vsel vm1, s14, v19;
	v18 =	vsel vm0, s20, v18  }
0x6e8: {  	v4 =	vnsel vm9, $0xFFFFFFF0, v4;
	s21 =	smulhi.u32 $0x2AAAAAAB, s17;
	s4 =	sshra.s32 s17, $0x1F;
	v19 =	vsel vm2, s23, v19;
	s23 =	sshrl.u32 s18, $0x3;
	v18 =	vsel vm1, s22, v18  }
0x6e9: {  	vm9 =	vgt.s32 v1, $0xFFFFFFF0;
	s25 =	sshrl.u32 s9, $0x3;
	s4 =	smul.u32 $0x2AAAAAAB, s4;
	(v2sf) =	vpush v0, $0xA;
	s3 =	sadd.s32 s3, s10;
	v18 =	vsel vm2, s23, v18  }
0x6ea: {  	v15 =	vperm.xlane v15, v48;
	s1 =	sadd.s32 s16, s15;
	s24 =	sshrl.u32 s3, $0x1F;
	s3 =	sshrl.u32 s3, $0x3;
	v19 =	vsel vm4, s12, v19;
	v18 =	vsel vm4, s25, v18  }
0x6eb: {  	(v2sf) =	vpush v0, $0xB;
	s26 =	sshrl.u32 s1, $0x1F;
	s4 =	sadd.s32 s4, s21;
	s1 =	sshrl.u32 s1, $0x3;
	v19 =	vsel vm5, s24, v19;
	v18 =	vsel vm5, s3, v18  }
0x6ec: {  	s7 =	sshrl.u32 s4, $0x1F;
	s8 =	sshrl.u32 s4, $0x3;
	v17 =	vperm.xlane v17, v48;
	v19 =	vsel vm6, s26, v19;
	v18 =	vsel vm6, s1, v18;
	s9 =	spop (v2sf)  }
0x6ed: {  	v19 =	vsel vm7, s7, v19;
	(v2sf) =	vpush v0, $0x0;
	v18 =	vsel vm7, s8, v18;
	s6 =	smulhi.u32 $0x2AAAAAAB, s9;
	s1 =	sshra.s32 s9, $0x1F  }
0x6ee: {  	v5 =	vadd.s32 $0x10, v5;
	v19 =	vperm.xlane v19, v2;
	s10 =	spop (v2sf);
	v18 =	vperm.xlane v18, v2;
	s24 =	smul.u32 $0x2AAAAAAB, s1  }
0x6ef: {  	v1 =	vnsel vm9, $0xFFFFFFF0, v1;
	vm9 =	vlt.s32 v4, $0x10;
	(v2sf) =	vpush v0, $0x1;
	s25 =	smulhi.u32 $0x2AAAAAAB, s10;
	s14 =	sshra.s32 s10, $0x1F  }
0x6f0: {  	v4 =	vnsel vm9, $0x10, v4;
	v15 =	vsel vm8, v19, v15;
	s30 =	smul.u32 $0x2AAAAAAB, s14;
	v17 =	vsel vm8, v18, v17;
	s11 =	spop (v2sf)  }
0x6f1: {  	vm9 =	vlt.s32 v1, $0x10;
	(v2sf) =	vpush v0, $0x2;
	v15 =	vadd.s32 v15, v17;
	s8 =	smulhi.u32 $0x2AAAAAAB, s11;
	s15 =	sshra.s32 s11, $0x1F  }
0x6f2: {  	v1 =	vnsel vm9, $0x10, v1;
	vm9 =	vgt.s32 v16, $0xFFFFFFF0;
	s12 =	spop (v2sf);
	v62 =	vmul.u32 $0x30, v15;
	s11 =	smul.u32 $0x2AAAAAAB, s15  }
0x6f3: {  	[tilespmem:$0x3420] =	vst v7;
	v7 =	vnsel vm9, $0xFFFFFFF0, v16;
	vm9 =	vlt.s32 v6, $0x0;
	(v2sf) =	vpush v0, $0x3;
	s9 =	smulhi.u32 $0x2AAAAAAB, s12;
	s16 =	sshra.s32 s12, $0x1F  }
0x6f4: {  	[tilespmem:$0x3450] =	vst v9;
	v9 =	vsel vm9, $0x18, v45;
	s13 =	spop (v2sf);
	(v2sf) =	vpush v0, $0x4;
	s29 =	smul.u32 $0x2AAAAAAB, s16;
	v3 =	vsub.s32 v3, v62  }
0x6f5: {  	v4 =	vadd.s32 $0x10, v4;
	v6 =	vadd.s32 v6, v9;
	s10 =	smulhi.u32 $0x2AAAAAAB, s13;
	s17 =	sshra.s32 s13, $0x1F;
	vm9 =	vlt.s32 v3, $0x0  }
0x6f6: {  	[tilespmem:$0x3460] =	vst v10;
	s18 =	spop (v2sf);
	(v2sf) =	vpush v0, $0x5;
	s12 =	smul.u32 $0x2AAAAAAB, s17;
	v10 =	vsel vm9, $0x18, v45;
	vm9 =	vlt.s32 v7, $0x10  }
0x6f7: {  	s7 =	smulhi.u32 $0x2AAAAAAB, s18;
	s1 =	sshra.s32 s18, $0x1F;
	v7 =	vnsel vm9, $0x10, v7;
	vm9 =	vgt.s32 v6, $0xFFFFFFF0;
	v3 =	vadd.s32 v3, v10  }
0x6f8: {  	[tilespmem:$0x3480] =	vst v5;
	v1 =	vadd.s32 $0x10, v1;
	s19 =	spop (v2sf);
	s26 =	smul.u32 $0x2AAAAAAB, s1;
	v5 =	vnsel vm9, $0xFFFFFFF0, v6;
	vm9 =	vgt.s32 v3, $0xFFFFFFF0  }
0x6f9: {  	[tilespmem:$0x3490] =	vst v4;
	(v2sf) =	vpush v0, $0x6;
	s13 =	smulhi.u32 $0x2AAAAAAB, s19;
	s1 =	sshra.s32 s19, $0x1F;
	v3 =	vnsel vm9, $0xFFFFFFF0, v3;
	vm9 =	vlt.s32 v5, $0x10  }
0x6fa: {  	[tilespmem:$0x34A0] =	vst v1;
	s20 =	spop (v2sf);
	s22 =	smul.u32 $0x2AAAAAAB, s1;
	v1 =	vadd.s32 $0x10, v7;
	v4 =	vnsel vm9, $0x10, v5;
	vm9 =	vlt.s32 v3, $0x10  }
0x6fb: {  	(v2sf) =	vpush v0, $0x7;
	s14 =	smulhi.u32 $0x2AAAAAAB, s20;
	s1 =	sshra.s32 s20, $0x1F;
	[tilespmem:$0x34B0] =	vst v1;
	v1 =	vadd.s32 $0x10, v4;
	v3 =	vnsel vm9, $0x10, v3  }
0x6fc: {  	s3 =	smul.u32 $0x2AAAAAAB, s1;
	s21 =	spop (v2sf);
	[tilespmem:$0x34C0] =	vst v1;
	v1 =	vadd.s32 $0x10, v3;
	v3 =	vadd.s32 s0, v52  }
0x6fd: {  	s31 =	smulhi.u32 $0x2AAAAAAB, s21;
	s1 =	sshra.s32 s21, $0x1F;
	(v2sf) =	vpush v3, $0xD  }
0x6fe: {  	s23 =	spop (v2sf);
	s18 =	smul.u32 $0x2AAAAAAB, s1  }
0x6ff: {  	s2 =	smulhi.u32 $0x2AAAAAAB, s23;
	s1 =	sshra.s32 s23, $0x1F;
	(v2sf) =	vpush v3, $0xC  }
0x700: {  	s17 =	smul.u32 $0x2AAAAAAB, s1;
	s4 =	spop (v2sf)  }
0x701: {  	[smem:$0x7E9] =	sst s2;
	s15 =	smulhi.u32 $0x2AAAAAAB, s4;
	s1 =	sshra.s32 s4, $0x1F  }
0x702: {  	s16 =	spop (v2sf);
	s23 =	smul.u32 $0x2AAAAAAB, s1  }
0x703: {  	s19 =	smulhi.u32 $0x2AAAAAAB, s16;
	s2 =	sshra.s32 s16, $0x1F;
	s20 =	spop (v2sf)  }
0x704: {  	(v2sf) =	vpush v3, $0xE;
	[smem:$0x7EA] =	sst s15;
	s16 =	smul.u32 $0x2AAAAAAB, s2  }
0x705: {  	s21 =	smulhi.u32 $0x2AAAAAAB, s20;
	s1 =	spop (v2sf)  }
0x706: {  	(v2sf) =	vpush v3, $0xF;
	s4 =	sshra.s32 s20, $0x1F;
	[smem:$0x7EB] =	sst s19;
	s2 =	smulhi.u32 $0x2AAAAAAB, s1  }
0x707: {  	s19 =	sshra.s32 s1, $0x1F;
	[smem:$0x7EC] =	sst s21;
	s21 =	smul.u32 $0x2AAAAAAB, s4  }
0x708: {  	(v2sf) =	vpush v3, $0x9;
	s28 =	spop (v2sf);
	s20 =	smul.u32 $0x2AAAAAAB, s19  }
0x709: {  	s4 =	smulhi.u32 $0x2AAAAAAB, s28;
	s28 =	sshra.s32 s28, $0x1F;
	[smem:$0x7ED] =	sst s2  }
0x70a: {  	s2 =	smul.u32 $0x2AAAAAAB, s28;
	s28 =	spop (v2sf)  }
0x70b: {  	(v2sf) =	vpush v3, $0x8;
	[smem:$0x7EE] =	sst s4;
	s15 =	smulhi.u32 $0x2AAAAAAB, s28;
	s28 =	sshra.s32 s28, $0x1F  }
0x70c: {  	s4 =	smul.u32 $0x2AAAAAAB, s28;
	s28 =	spop (v2sf)  }
0x70d: {  	v12 =	vadd.s32 $0x10, v12;
	(v2sf) =	vpush v3, $0xA;
	[smem:$0x7EF] =	sst s15;
	s19 =	smulhi.u32 $0x2AAAAAAB, s28;
	s28 =	sshra.s32 s28, $0x1F  }
0x70e: {  	[tilespmem:$0x33F0] =	vst v12;
	s1 =	smul.u32 $0x2AAAAAAB, s28;
	s28 =	spop (v2sf)  }
0x70f: {  	v8 =	vadd.s32 $0x10, v8;
	(v2sf) =	vpush v3, $0xB;
	[smem:$0x7F0] =	sst s19;
	s15 =	smulhi.u32 $0x2AAAAAAB, s28;
	s28 =	sshra.s32 s28, $0x1F  }
0x710: {  	[tilespmem:$0x3440] =	vst v8;
	v8 =	vadd.s32 $0x10, v61;
	[smem:$0x7F1] =	sst s1;
	s19 =	smul.u32 $0x2AAAAAAB, s28  }
0x711: {  	[tilespmem:$0x3470] =	vst v8;
	(v2sf) =	vpush v3, $0x0;
	[smem:$0x7F2] =	sst s15  }
0x712: {  	[tilespmem:$0x34D0] =	vst v1;
	(v2sf) =	vpush v3, $0x1;
	[smem:$0x7F3] =	sst s19  }
0x713: {  	s24 =	sadd.s32 s24, s6;
	s25 =	sadd.s32 s30, s25;
	s28 =	spop (v2sf)  }
0x714: {  	s26 =	sadd.s32 s26, s7;
	s1 =	smulhi.u32 $0x2AAAAAAB, s28;
	s30 =	sshra.s32 s28, $0x1F  }
0x715: {  	s28 =	sadd.s32 s11, s8;
	s8 =	spop (v2sf);
	s6 =	smul.u32 $0x2AAAAAAB, s30  }
0x716: {  	s7 =	sld [smem:$0x7E9];
	s30 =	sadd.s32 s29, s9;
	s9 =	smulhi.u32 $0x2AAAAAAB, s8  }
0x717: {  	s0 =	sshra.s32 s8, $0x1F;
	s11 =	spop (v2sf);
	s8 =	sld [smem:$0x7EA]  }
0x718: {  	s22 =	sadd.s32 s22, s13;
	[smem:$0x7F4] =	sst s1;
	s1 =	smul.u32 $0x2AAAAAAB, s0  }
0x719: {  	s29 =	sadd.s32 s12, s10;
	s10 =	sld [smem:$0x7EB];
	s12 =	smulhi.u32 $0x2AAAAAAB, s11  }
0x71a: {  	s0 =	sshra.s32 s11, $0x1F;
	s13 =	spop (v2sf);
	[smem:$0x7F5] =	sst s6  }
0x71b: {  	s19 =	sadd.s32 s3, s14;
	[smem:$0x7F6] =	sst s9;
	s15 =	smul.u32 $0x2AAAAAAB, s0  }
0x71c: {  	s14 =	smulhi.u32 $0x2AAAAAAB, s13;
	s0 =	sshra.s32 s13, $0x1F;
	s6 =	spop (v2sf)  }
0x71d: {  	[smem:$0x7F7] =	sst s12;
	s13 =	smul.u32 $0x2AAAAAAB, s0  }
0x71e: {  	s12 =	smulhi.u32 $0x2AAAAAAB, s6;
	s0 =	sshra.s32 s6, $0x1F;
	s9 =	spop (v2sf)  }
0x71f: {  	s6 =	sld [smem:$0x7EC];
	s11 =	smul.u32 $0x2AAAAAAB, s0  }
0x720: {  	s16 =	sadd.s32 s16, s10;
	s10 =	smulhi.u32 $0x2AAAAAAB, s9;
	s0 =	sshra.s32 s9, $0x1F  }
0x721: {  	s17 =	sadd.s32 s17, s7;
	s23 =	sadd.s32 s23, s8;
	s9 =	smul.u32 $0x2AAAAAAB, s0  }
0x722: {  	s21 =	sadd.s32 s21, s6;
	s7 =	spop (v2sf);
	s6 =	sld [smem:$0x7ED]  }
0x723: {  	s8 =	smulhi.u32 $0x2AAAAAAB, s7;
	s0 =	sshra.s32 s7, $0x1F;
	s7 =	sld [smem:$0x7EE]  }
0x724: {  	_ = 	snop  }
0x725: {  	(v2sf) =	vpush v3, $0x2;
	s20 =	sadd.s32 s20, s6;
	s6 =	sld [smem:$0x7EF]  }
0x726: {  	s3 =	spop (v2sf);
	s2 =	sadd.s32 s2, s7  }
0x727: {  	s7 =	smul.u32 $0x2AAAAAAB, s0;
	s0 =	sshra.s32 s3, $0x1F;
	[smem:$0x7F8] =	sst s2  }
0x728: {  	s2 =	sadd.s32 s4, s6;
	s6 =	smulhi.u32 $0x2AAAAAAB, s3;
	s3 =	sld [smem:$0x7F0]  }
0x729: {  	(v2sf) =	vpush v3, $0x3;
	s4 =	sld [smem:$0x7F1];
	_ =	sdelay $0x1  }
0x72a: {  	[smem:$0x7F9] =	sst s2  }
0x72b: {  	s2 =	sadd.s32 s4, s3;
	s3 =	sld [smem:$0x7F3]  }
0x72c: {  	[smem:$0x7FB] =	sst s2  }
0x72d: {  	s2 =	sld [smem:$0x7F2];
	_ =	sdelay $0x2  }
0x72e: {  	s18 =	sadd.s32 s18, s31;
	s31 =	sld [smem:$0x7F5];
	s2 =	sadd.s32 s3, s2  }
0x72f: {  	s13 =	sadd.s32 s13, s14;
	[smem:$0x7FA] =	sst s2  }
0x730: {  	s11 =	sadd.s32 s11, s12;
	s12 =	sshrl.u32 s28, $0x3;
	s2 =	sld [smem:$0x7F4]  }
0x731: {  	s9 =	sadd.s32 s9, s10;
	s4 =	smul.u32 $0x2AAAAAAB, s0;
	s0 =	spop (v2sf)  }
0x732: {  	s10 =	sshrl.u32 s28, $0x1F;
	s28 =	sshrl.u32 s26, $0x1F;
	s3 =	smulhi.u32 $0x2AAAAAAB, s0  }
0x733: {  	s0 =	sshra.s32 s0, $0x1F;
	s2 =	sadd.s32 s31, s2;
	s31 =	sld [smem:$0x7F6]  }
0x734: {  	v5 =	vmov s28;
	s28 =	sshrl.u32 s23, $0x1F;
	[smem:$0x7FC] =	sst s2;
	s2 =	smul.u32 $0x2AAAAAAB, s0  }
0x735: {  	(v2sf) =	vpush v3, $0x4;
	s7 =	sadd.s32 s7, s8;
	s8 =	sshrl.u32 s25, $0x3;
	s0 =	spop (v2sf)  }
0x736: {  	(v2sf) =	vpush v3, $0x5;
	s1 =	sadd.s32 s1, s31;
	s31 =	sld [smem:$0x7F7];
	s2 =	sadd.s32 s2, s3  }
0x737: {  	(v2sf) =	vpush v3, $0x6;
	[smem:$0x7FD] =	sst s1;
	s1 =	smulhi.u32 $0x2AAAAAAB, s0;
	s0 =	sshra.s32 s0, $0x1F  }
0x738: {  	s14 =	smul.u32 $0x2AAAAAAB, s0;
	s0 =	sadd.s32 s4, s6;
	s6 =	sshrl.u32 s25, $0x1F  }
0x739: {  	s4 =	sshrl.u32 s24, $0x3;
	s25 =	sshrl.u32 s18, $0x1F;
	v1 =	vmov s6;
	s6 =	sshrl.u32 s29, $0x1F  }
0x73a: {  	v6 =	vmov s8;
	v4 =	vmov s25;
	s25 =	sshrl.u32 s29, $0x3;
	s29 =	sshrl.u32 s17, $0x1F;
	s3 =	sadd.s32 s14, s1  }
0x73b: {  	v6 =	vsel vm0, s4, v6;
	s1 =	sshrl.u32 s24, $0x1F;
	s14 =	sshrl.u32 s30, $0x1F;
	s24 =	sshrl.u32 s30, $0x3;
	v4 =	vnsel vm3, $0x0, v4  }
0x73c: {  	v5 =	vsel vm0, s6, v5;
	s6 =	sshrl.u32 s19, $0x3;
	v6 =	vsel vm1, s12, v6;
	v1 =	vsel vm0, s1, v1;
	s1 =	sshrl.u32 s26, $0x3;
	s26 =	sshrl.u32 s22, $0x1F  }
0x73d: {  	v6 =	vsel vm2, s24, v6;
	s24 =	sshrl.u32 s13, $0x1F;
	v1 =	vsel vm1, s10, v1;
	s10 =	sshrl.u32 s22, $0x3;
	s22 =	sshrl.u32 s19, $0x1F;
	v5 =	vsel vm1, s26, v5  }
0x73e: {  	v4 =	vsel vm0, s29, v4;
	s19 =	sshrl.u32 s18, $0x3;
	s18 =	sshrl.u32 s16, $0x1F;
	v5 =	vsel vm2, s22, v5;
	s22 =	sld [smem:$0x7F9]  }
0x73f: {  	v4 =	vsel vm1, s28, v4;
	v7 =	vmov s1;
	s1 =	sshrl.u32 s20, $0x3;
	v1 =	vsel vm2, s14, v1;
	s14 =	sshrl.u32 s20, $0x1F;
	s20 =	sld [smem:$0x7F8]  }
0x740: {  	s26 =	sshrl.u32 s17, $0x3;
	s17 =	sshrl.u32 s23, $0x3;
	s23 =	sshrl.u32 s21, $0x1F;
	v4 =	vsel vm2, s18, v4  }
0x741: {  	(v2sf) =	vpush v3, $0x7;
	v4 =	vsel vm4, s23, v4;
	s23 =	sshrl.u32 s22, $0x1F;
	s4 =	sshrl.u32 s22, $0x3;
	s22 =	sld [smem:$0x7FA]  }
0x742: {  	s18 =	sshrl.u32 s16, $0x3;
	s16 =	sshrl.u32 s21, $0x3;
	v4 =	vsel vm5, s14, v4;
	s21 =	sshrl.u32 s20, $0x1F  }
0x743: {  	v10 =	vmov s24;
	s24 =	sld [smem:$0x7FD];
	v4 =	vsel vm6, s21, v4  }
0x744: {  	s8 =	spop (v2sf);
	v7 =	vsel vm0, s25, v7;
	v4 =	vsel vm7, s23, v4;
	s23 =	sld [smem:$0x7FB];
	s25 =	sshrl.u32 s22, $0x1F  }
0x745: {  	s15 =	sadd.s32 s15, s31;
	s12 =	spop (v2sf);
	v8 =	vmov s19;
	v7 =	vsel vm1, s10, v7;
	v9 =	vmov s25;
	s25 =	sld [smem:$0x7FC]  }
0x746: {  	s13 =	sshrl.u32 s13, $0x3;
	s10 =	spop (v2sf);
	v8 =	vnsel vm3, $0x0, v8;
	v7 =	vsel vm2, s6, v7;
	s6 =	sshrl.u32 s24, $0x1F  }
0x747: {  	v8 =	vsel vm0, s26, v8;
	s14 =	sshrl.u32 s20, $0x3;
	s20 =	sshrl.u32 s15, $0x1F;
	s21 =	sshrl.u32 s23, $0x1F  }
0x748: {  	s15 =	sshrl.u32 s15, $0x3;
	v8 =	vsel vm1, s17, v8;
	v10 =	vsel vm0, s20, v10;
	s20 =	sshrl.u32 s9, $0x1F;
	v9 =	vsel vm0, s21, v9;
	s19 =	sshrl.u32 s25, $0x1F  }
0x749: {  	v1 =	vcombine.low v5, v1;
	s9 =	sshrl.u32 s9, $0x3;
	v8 =	vsel vm2, s18, v8;
	s26 =	sshrl.u32 s22, $0x3;
	s21 =	sshrl.u32 s11, $0x1F;
	v9 =	vsel vm1, s19, v9  }
0x74a: {  	s18 =	sshrl.u32 s2, $0x3;
	s22 =	sshrl.u32 s7, $0x1F;
	v11 =	vmov s26;
	s26 =	sshrl.u32 s23, $0x3;
	v10 =	vsel vm1, s21, v10;
	v5 =	vsel vm2, s6, v9  }
0x74b: {  	s25 =	sshrl.u32 s25, $0x3;
	s19 =	smulhi.u32 $0x2AAAAAAB, s8;
	s8 =	sshra.s32 s8, $0x1F;
	v9 =	vsel vm2, s20, v10;
	v10 =	vsel vm0, s26, v11;
	v11 =	vmov s13  }
0x74c: {  	v6 =	vcombine.low v7, v6;
	s7 =	sshrl.u32 s7, $0x3;
	s11 =	sshrl.u32 s11, $0x3;
	s8 =	smul.u32 $0x2AAAAAAB, s8;
	v7 =	vsel vm1, s25, v10;
	v10 =	vsel vm0, s15, v11  }
0x74d: {  	v1 =	vperm.xlane v1, v48;
	s26 =	sshrl.u32 s24, $0x3;
	s15 =	smulhi.u32 $0x2AAAAAAB, s12;
	v5 =	vcombine.low v9, v5;
	s12 =	sshra.s32 s12, $0x1F;
	v9 =	vsel vm1, s11, v10  }
0x74e: {  	v6 =	vperm.xlane v6, v48;
	s23 =	sshrl.u32 s2, $0x1F;
	s21 =	sshrl.u32 s0, $0x1F;
	s24 =	smul.u32 $0x2AAAAAAB, s12;
	v7 =	vsel vm2, s26, v7;
	v9 =	vsel vm2, s9, v9  }
0x74f: {  	s0 =	sshrl.u32 s0, $0x3;
	v10 =	vmov s22;
	s11 =	smulhi.u32 $0x2AAAAAAB, s10;
	s10 =	sshra.s32 s10, $0x1F;
	v7 =	vcombine.low v9, v7;
	v9 =	vmov s7  }
0x750: {  	v8 =	vsel vm4, s16, v8;
	s6 =	sadd.s32 s8, s19;
	s12 =	spop (v2sf);
	v10 =	vnsel vm3, $0x0, v10;
	s26 =	smul.u32 $0x2AAAAAAB, s10;
	v9 =	vnsel vm3, $0x0, v9  }
0x751: {  	v4 =	vperm.xlane v4, v2;
	s13 =	sshrl.u32 s3, $0x1F;
	s25 =	sshrl.u32 s6, $0x1F;
	s17 =	smulhi.u32 $0x2AAAAAAB, s12;
	v10 =	vsel vm0, s21, v10;
	v9 =	vsel vm0, s0, v9  }
0x752: {  	v8 =	vsel vm5, s1, v8;
	s10 =	sshra.s32 s12, $0x1F;
	s19 =	sadd.s32 s24, s15;
	s24 =	sshrl.u32 s3, $0x3;
	v10 =	vsel vm1, s23, v10;
	v9 =	vsel vm1, s18, v9  }
0x753: {  	v8 =	vsel vm6, s14, v8;
	s6 =	sshrl.u32 s6, $0x3;
	s23 =	smul.u32 $0x2AAAAAAB, s10;
	s26 =	sadd.s32 s26, s11;
	v10 =	vsel vm2, s13, v10;
	v9 =	vsel vm2, s24, v9  }
0x754: {  	v8 =	vsel vm7, s4, v8;
	s10 =	sshrl.u32 s19, $0x3;
	s7 =	sshrl.u32 s26, $0x1F;
	v10 =	vsel vm4, s25, v10;
	s25 =	sshrl.u32 s19, $0x1F;
	v9 =	vsel vm4, s6, v9  }
0x755: {  	v8 =	vperm.xlane v8, v2;
	s12 =	sshrl.u32 s26, $0x3;
	s13 =	simm.s32 $0x77;
	s9 =	sadd.s32 s23, s17;
	v10 =	vsel vm5, s25, v10;
	v9 =	vsel vm5, s10, v9  }
0x756: {  	v5 =	vperm.xlane v5, v48;
	s15 =	sand.u32 $0xFF, s13;
	s11 =	sshrl.u32 s9, $0x1F;
	s14 =	sshrl.u32 s9, $0x3;
	v10 =	vsel vm6, s7, v10;
	v9 =	vsel vm6, s12, v9  }
0x757: {  	v7 =	vperm.xlane v7, v48;
	s16 =	smul.u32 $0x2B, s15;
	v10 =	vsel vm7, s11, v10;
	v9 =	vsel vm7, s14, v9  }
0x758: {  	v10 =	vperm.xlane v10, v2;
	v9 =	vperm.xlane v9, v2  }
0x759: {  	v1 =	vsel vm8, v4, v1;
	v4 =	vsel vm8, v8, v6;
	s0 =	sshrl.u32 s16, $0xB  }
0x75a: {  	v1 =	vadd.s32 v1, v4;
	s0 =	smul.u32 $0x30, s0;
	v4 =	vsel vm8, v10, v5;
	v5 =	vsel vm8, v9, v7  }
0x75b: {  	v1 =	vmul.u32 $0x30, v1;
	v4 =	vadd.s32 v4, v5  }
0x75c: {  	s0 =	ssub.s32 $0x77, s0;
	v4 =	vmul.u32 $0x30, v4  }
0x75d: {  	s22 =	rddreg [dreg:$0x14];
	v0 =	vsub.s32 v0, v1;
	s18 =	simm.s32 $0x78;
	s0 =	sand.u32 $0xFF, s0  }
0x75e: {  	vm9 =	vlt.s32 v0, $0x0;
	s17 =	smul.u32 $0x441, s22;
	s1 =	sand.u32 $0xFF, s18;
	s0 =	smax.u32 s0, $0x8;
	v1 =	vsub.s32 v3, v4;
	v3 =	vld [tilespmem:$0x3380]  }
0x75f: {  	s1 =	smul.u32 $0x2B, s1;
	s0 =	smin.u32 s0, $0x28;
	v4 =	vsel vm9, $0x18, v45;
	vm9 =	vlt.s32 v1, $0x0  }
0x760: {  	s0 =	smul.u32 $0x21, s0;
	v0 =	vadd.s32 v0, v4;
	v4 =	vsel vm9, $0x18, v45  }
0x761: {  	s10 =	sadd.s32 $0xFFFFFEF8, s17;
	s1 =	sshrl.u32 s1, $0xB;
	vm9 =	vgt.s32 v0, $0xFFFFFFF0;
	v1 =	vadd.s32 v1, v4  }
0x762: {  	s1 =	smul.u32 $0x30, s1;
	s0 =	sadd.s32 s0, s10;
	v0 =	vnsel vm9, $0xFFFFFFF0, v0;
	vm9 =	vgt.s32 v1, $0xFFFFFFF0  }
0x763: {  	v1 =	vnsel vm9, $0xFFFFFFF0, v1;
	vm9 =	vlt.s32 v0, $0x10;
	v4 =	vadd.s32 s0, v3  }
0x764: {  	s1 =	ssub.s32 $0x78, s1;
	v0 =	vnsel vm9, $0x10, v0;
	vm9 =	vlt.s32 v1, $0x10  }
0x765: {  	s1 =	sand.u32 $0xFF, s1;
	v0 =	vadd.s32 $0x10, v0;
	v1 =	vnsel vm9, $0x10, v1  }
0x766: {  	s1 =	smax.u32 s1, $0x8;
	[tilespmem:$0x34E0] =	vst v0;
	v0 =	vadd.s32 $0x10, v1  }
0x767: {  	s1 =	smin.u32 s1, $0x28;
	[tilespmem:$0x34F0] =	vst v0  }
0x768: {  	s1 =	smul.u32 $0x21, s1;
	v0 =	vld.idx.msk [tilespmem:v4+s5+$0x0], $0xffff;
	_ =	sdelay $0x1  }
0x769: {  	s3 =	sadd.s32 s1, s10  }
0x76a: {  	v1 =	vadd.s32 s3, v3  }
0x76b: {  	s20 =	rddreg [dreg:$0xe];
	s24 =	simm.s32 $0xB350  }
0x76c: {  	s21 =	rddreg [dreg:$0xf];
	[tilespmem:s24+$0xFFFF81E0] =	vst v0  }
0x76d: {  	v0 =	vld [tilespmem:$0x3390];
	_ =	sdelay $0x1  }
0x76e: {  	v1 =	vld.idx.msk [tilespmem:v1+s5+$0x0], $0xffff;
	_ =	sdelay $0x2  }
0x76f: {  	v0 =	vadd.s32 s0, v0;
	_ =	sdelay $0x1  }
0x770: {  	[tilespmem:s24+$0xFFFF81B0] =	vst v1  }
0x771: {  	v1 =	vld [tilespmem:$0x3390];
	_ =	sdelay $0x1  }
0x772: {  	v0 =	vld.idx.msk [tilespmem:v0+s5+$0x0], $0xffff;
	_ =	sdelay $0x2  }
0x773: {  	v1 =	vadd.s32 s3, v1;
	_ =	sdelay $0x1  }
0x774: {  	[tilespmem:s24+$0xFFFF81F0] =	vst v0  }
0x775: {  	v0 =	vld [tilespmem:$0x33A0];
	_ =	sdelay $0x1  }
0x776: {  	v1 =	vld.idx.msk [tilespmem:v1+s5+$0x0], $0xffff;
	_ =	sdelay $0x2  }
0x777: {  	v0 =	vadd.s32 s0, v0;
	_ =	sdelay $0x1  }
0x778: {  	[tilespmem:s24+$0xFFFF81C0] =	vst v1  }
0x779: {  	v1 =	vld [tilespmem:$0x33A0];
	_ =	sdelay $0x1  }
0x77a: {  	v0 =	vld.idx.msk [tilespmem:v0+s5+$0x0], $0xffff;
	_ =	sdelay $0x2  }
0x77b: {  	v1 =	vadd.s32 s3, v1;
	_ =	sdelay $0x1  }
0x77c: {  	[tilespmem:s24+$0xFFFF8200] =	vst v0  }
0x77d: {  	v0 =	vld [tilespmem:$0x33B0];
	_ =	sdelay $0x1  }
0x77e: {  	v1 =	vld.idx.msk [tilespmem:v1+s5+$0x0], $0xffff;
	_ =	sdelay $0x2  }
0x77f: {  	v0 =	vadd.s32 s0, v0;
	_ =	sdelay $0x1  }
0x780: {  	[tilespmem:s24+$0xFFFF81D0] =	vst v1  }
0x781: {  	v1 =	vld [tilespmem:$0x33B0];
	_ =	sdelay $0x1  }
0x782: {  	v0 =	vld.idx.msk [tilespmem:v0+s5+$0x0], $0xffff;
	_ =	sdelay $0x2  }
0x783: {  	v1 =	vadd.s32 s3, v1;
	_ =	sdelay $0x1  }
0x784: {  	[tilespmem:s24+$0xFFFF93E0] =	vst v0  }
0x785: {  	v0 =	vld [tilespmem:$0x33C0];
	_ =	sdelay $0x1  }
0x786: {  	v1 =	vld.idx.msk [tilespmem:v1+s5+$0x0], $0xffff  }
0x787: {  	s4 =	simm.s32 $0x75  }
0x788: {  	s1 =	sand.u32 $0xFF, s4  }
0x789: {  	s19 =	simm.s32 $0x0;
	s6 =	simm.s32 $0x76;
	s1 =	smul.u32 $0x2B, s1;
	v0 =	vadd.s32 s0, v0  }
0x78a: {  	s23 =	sand.u32 $0x1FE0, s19;
	s4 =	sand.u32 $0xFF, s6  }
0x78b: {  	s4 =	smul.u32 $0x2B, s4;
	s1 =	sshrl.u32 s1, $0xB;
	[tilespmem:s23+$0x4700] =	vst v1  }
0x78c: {  	s1 =	smul.u32 $0x30, s1;
	v1 =	vld [tilespmem:$0x33C0];
	_ =	sdelay $0x1  }
0x78d: {  	s4 =	sshrl.u32 s4, $0xB;
	s1 =	ssub.s32 $0x75, s1;
	v0 =	vld.idx.msk [tilespmem:v0+s5+$0x0], $0xffff  }
0x78e: {  	s4 =	smul.u32 $0x30, s4;
	s1 =	sand.u32 $0xFF, s1  }
0x78f: {  	v3 =	vld [tilespmem:$0x3380];
	s1 =	smax.u32 s1, $0x8  }
0x790: {  	s4 =	ssub.s32 $0x76, s4;
	s1 =	smin.u32 s1, $0x28;
	v1 =	vadd.s32 s3, v1  }
0x791: {  	s4 =	sand.u32 $0xFF, s4;
	s1 =	smul.u32 $0x21, s1  }
0x792: {  	s4 =	smax.u32 s4, $0x8;
	[tilespmem:s24+$0xFFFF93F0] =	vst v0  }
0x793: {  	s7 =	smin.u32 s4, $0x28;
	s25 =	sadd.s32 s1, s10;
	v0 =	vld [tilespmem:$0x33D0]  }
0x794: {  	s1 =	smul.u32 $0x21, s7;
	v4 =	vadd.s32 s25, v3  }
0x795: {  	v1 =	vld.idx.msk [tilespmem:v1+s5+$0x0], $0xffff  }
0x796: {  	s26 =	sadd.s32 s1, s10  }
0x797: {  	v3 =	vadd.s32 s26, v3  }
0x798: {  	v0 =	vadd.s32 s0, v0  }
0x799: {  	v4 =	vld.idx.msk [tilespmem:v4+s5+$0x0], $0xffff  }
0x79a: {  	[tilespmem:s24+$0xFFFF93C0] =	vst v1  }
0x79b: {  	v1 =	vld [tilespmem:$0x33D0]  }
0x79c: {  	v3 =	vld.idx.msk [tilespmem:v3+s5+$0x0], $0xffff  }
0x79d: {  	s28 =	simm.s32 $0xB3B0;
	v0 =	vld.idx.msk [tilespmem:v0+s5+$0x0], $0xffff  }
0x79e: {  	[tilespmem:s28+$0xFFFF81E0] =	vst v4  }
0x79f: {  	v4 =	vld [tilespmem:$0x3390]  }
0x7a0: {  	v1 =	vadd.s32 s3, v1  }
0x7a1: {  	[tilespmem:s28+$0xFFFF81B0] =	vst v3  }
0x7a2: {  	v3 =	vld [tilespmem:$0x3390];
	[tilespmem:s24+$0xFFFF9400] =	vst v0  }
0x7a3: {  	v0 =	vld [tilespmem:$0x33E0]  }
0x7a4: {  	v4 =	vadd.s32 s25, v4  }
0x7a5: {  	v1 =	vld.idx.msk [tilespmem:v1+s5+$0x0], $0xffff;
	_ =	sdelay $0x1  }
0x7a6: {  	v3 =	vadd.s32 s26, v3  }
0x7a7: {  	v0 =	vadd.s32 s0, v0  }
0x7a8: {  	v4 =	vld.idx.msk [tilespmem:v4+s5+$0x0], $0xffff  }
0x7a9: {  	[tilespmem:s24+$0xFFFF93D0] =	vst v1  }
0x7aa: {  	v1 =	vld [tilespmem:$0x33E0]  }
0x7ab: {  	v3 =	vld.idx.msk [tilespmem:v3+s5+$0x0], $0xffff  }
0x7ac: {  	v0 =	vld.idx.msk [tilespmem:v0+s5+$0x0], $0xffff  }
0x7ad: {  	[tilespmem:s28+$0xFFFF81F0] =	vst v4  }
0x7ae: {  	v4 =	vld [tilespmem:$0x33A0]  }
0x7af: {  	v1 =	vadd.s32 s3, v1  }
0x7b0: {  	[tilespmem:s28+$0xFFFF81C0] =	vst v3  }
0x7b1: {  	v3 =	vld [tilespmem:$0x33A0];
	[tilespmem:s24+$0xFFFFA5E0] =	vst v0  }
0x7b2: {  	v0 =	vld [tilespmem:$0x33F0]  }
0x7b3: {  	v4 =	vadd.s32 s25, v4  }
0x7b4: {  	v1 =	vld.idx.msk [tilespmem:v1+s5+$0x0], $0xffff;
	_ =	sdelay $0x1  }
0x7b5: {  	v3 =	vadd.s32 s26, v3  }
0x7b6: {  	v0 =	vadd.s32 s0, v0  }
0x7b7: {  	v4 =	vld.idx.msk [tilespmem:v4+s5+$0x0], $0xffff  }
0x7b8: {  	[tilespmem:s23+$0x5900] =	vst v1  }
0x7b9: {  	v1 =	vld [tilespmem:$0x33F0]  }
0x7ba: {  	v3 =	vld.idx.msk [tilespmem:v3+s5+$0x0], $0xffff  }
0x7bb: {  	v0 =	vld.idx.msk [tilespmem:v0+s5+$0x0], $0xffff  }
0x7bc: {  	[tilespmem:s28+$0xFFFF8200] =	vst v4  }
0x7bd: {  	v4 =	vld [tilespmem:$0x33B0]  }
0x7be: {  	v1 =	vadd.s32 s3, v1  }
0x7bf: {  	[tilespmem:s28+$0xFFFF81D0] =	vst v3  }
0x7c0: {  	v3 =	vld [tilespmem:$0x33B0];
	[tilespmem:s24+$0xFFFFA5F0] =	vst v0  }
0x7c1: {  	v0 =	vld [tilespmem:$0x3400]  }
0x7c2: {  	v4 =	vadd.s32 s25, v4  }
0x7c3: {  	v1 =	vld.idx.msk [tilespmem:v1+s5+$0x0], $0xffff;
	_ =	sdelay $0x1  }
0x7c4: {  	v3 =	vadd.s32 s26, v3  }
0x7c5: {  	v0 =	vadd.s32 s0, v0  }
0x7c6: {  	v4 =	vld.idx.msk [tilespmem:v4+s5+$0x0], $0xffff  }
0x7c7: {  	[tilespmem:s24+$0xFFFFA5C0] =	vst v1  }
0x7c8: {  	v1 =	vld [tilespmem:$0x3400]  }
0x7c9: {  	v3 =	vld.idx.msk [tilespmem:v3+s5+$0x0], $0xffff  }
0x7ca: {  	v0 =	vld.idx.msk [tilespmem:v0+s5+$0x0], $0xffff  }
0x7cb: {  	[tilespmem:s28+$0xFFFF93E0] =	vst v4  }
0x7cc: {  	s8 =	simm.s32 $0x60;
	v4 =	vld [tilespmem:$0x33C0]  }
0x7cd: {  	s1 =	sand.u32 $0x1FE0, s8;
	v1 =	vadd.s32 s3, v1  }
0x7ce: {  	[tilespmem:s1+$0x4700] =	vst v3  }
0x7cf: {  	v3 =	vld [tilespmem:$0x33C0];
	[tilespmem:s24+$0xFFFFA600] =	vst v0  }
0x7d0: {  	v0 =	vld [tilespmem:$0x3410]  }
0x7d1: {  	v4 =	vadd.s32 s25, v4  }
0x7d2: {  	v1 =	vld.idx.msk [tilespmem:v1+s5+$0x0], $0xffff;
	_ =	sdelay $0x1  }
0x7d3: {  	v3 =	vadd.s32 s26, v3  }
0x7d4: {  	v0 =	vadd.s32 s0, v0  }
0x7d5: {  	v4 =	vld.idx.msk [tilespmem:v4+s5+$0x0], $0xffff  }
0x7d6: {  	[tilespmem:s24+$0xFFFFA5D0] =	vst v1  }
0x7d7: {  	v1 =	vld [tilespmem:$0x3410]  }
0x7d8: {  	v3 =	vld.idx.msk [tilespmem:v3+s5+$0x0], $0xffff  }
0x7d9: {  	v0 =	vld.idx.msk [tilespmem:v0+s5+$0x0], $0xffff  }
0x7da: {  	[tilespmem:s28+$0xFFFF93F0] =	vst v4  }
0x7db: {  	v4 =	vld [tilespmem:$0x33D0]  }
0x7dc: {  	s11 =	simm.s32 $0x74;
	v1 =	vadd.s32 s3, v1  }
0x7dd: {  	s9 =	simm.s32 $0x73;
	s6 =	sand.u32 $0xFF, s11;
	[tilespmem:s28+$0xFFFF93C0] =	vst v3  }
0x7de: {  	s6 =	smul.u32 $0x2B, s6;
	s4 =	sand.u32 $0xFF, s9;
	v3 =	vld [tilespmem:$0x33D0];
	[tilespmem:s24+$0xFFFFB7E0] =	vst v0  }
0x7df: {  	s4 =	smul.u32 $0x2B, s4;
	v0 =	vld [tilespmem:$0x3420]  }
0x7e0: {  	s6 =	sshrl.u32 s6, $0xB;
	v4 =	vadd.s32 s25, v4  }
0x7e1: {  	s6 =	smul.u32 $0x30, s6;
	s4 =	sshrl.u32 s4, $0xB;
	v1 =	vld.idx.msk [tilespmem:v1+s5+$0x0], $0xffff  }
0x7e2: {  	s4 =	smul.u32 $0x30, s4  }
0x7e3: {  	s6 =	ssub.s32 $0x74, s6;
	v3 =	vadd.s32 s26, v3  }
0x7e4: {  	s6 =	sand.u32 $0xFF, s6;
	s4 =	ssub.s32 $0x73, s4;
	v0 =	vadd.s32 s0, v0  }
0x7e5: {  	s6 =	smax.u32 s6, $0x8;
	s4 =	sand.u32 $0xFF, s4;
	v4 =	vld.idx.msk [tilespmem:v4+s5+$0x0], $0xffff  }
0x7e6: {  	v5 =	vld [tilespmem:$0x3380];
	s6 =	smin.u32 s6, $0x28;
	s4 =	smax.u32 s4, $0x8;
	[tilespmem:s23+$0x6B00] =	vst v1  }
0x7e7: {  	s6 =	smul.u32 $0x21, s6;
	s4 =	smin.u32 s4, $0x28;
	v1 =	vld [tilespmem:$0x3420]  }
0x7e8: {  	s4 =	smul.u32 $0x21, s4;
	v3 =	vld.idx.msk [tilespmem:v3+s5+$0x0], $0xffff  }
0x7e9: {  	v0 =	vld.idx.msk [tilespmem:v0+s5+$0x0], $0xffff  }
0x7ea: {  	s31 =	sadd.s32 s6, s10;
	s30 =	sadd.s32 s4, s10;
	[tilespmem:s28+$0xFFFF9400] =	vst v4  }
0x7eb: {  	v6 =	vadd.s32 s30, v5;
	v4 =	vadd.s32 s31, v5;
	v5 =	vld [tilespmem:$0x33E0]  }
0x7ec: {  	v1 =	vadd.s32 s3, v1  }
0x7ed: {  	[tilespmem:s28+$0xFFFF93D0] =	vst v3  }
0x7ee: {  	v3 =	vld [tilespmem:$0x33E0];
	[tilespmem:s24+$0xFFFFB7F0] =	vst v0  }
0x7ef: {  	v0 =	vld [tilespmem:$0x3430]  }
0x7f0: {  	v4 =	vld.idx.msk [tilespmem:v4+s5+$0x0], $0xffff;
	v5 =	vadd.s32 s25, v5  }
0x7f1: {  	v1 =	vld.idx.msk [tilespmem:v1+s5+$0x0], $0xffff;
	_ =	sdelay $0x1  }
0x7f2: {  	v3 =	vadd.s32 s26, v3  }
0x7f3: {  	s29 =	simm.s32 $0xB410;
	v6 =	vld.idx.msk [tilespmem:v6+s5+$0x0], $0xffff;
	v0 =	vadd.s32 s0, v0  }
0x7f4: {  	[tilespmem:s29+$0xFFFF81B0] =	vst v4;
	v4 =	vld.idx.msk [tilespmem:v5+s5+$0x0], $0xffff  }
0x7f5: {  	v5 =	vld [tilespmem:$0x3390];
	[tilespmem:s24+$0xFFFFB7C0] =	vst v1  }
0x7f6: {  	v1 =	vld [tilespmem:$0x3430]  }
0x7f7: {  	v3 =	vld.idx.msk [tilespmem:v3+s5+$0x0], $0xffff  }
0x7f8: {  	[tilespmem:s29+$0xFFFF81E0] =	vst v6;
	v0 =	vld.idx.msk [tilespmem:v0+s5+$0x0], $0xffff  }
0x7f9: {  	v6 =	vld [tilespmem:$0x3390];
	[tilespmem:s28+$0xFFFFA5E0] =	vst v4  }
0x7fa: {  	v4 =	vadd.s32 s31, v5;
	v5 =	vld [tilespmem:$0x33F0]  }
0x7fb: {  	v1 =	vadd.s32 s3, v1  }
0x7fc: {  	[tilespmem:s1+$0x5900] =	vst v3  }
0x7fd: {  	v3 =	vld [tilespmem:$0x33F0];
	[tilespmem:s24+$0xFFFFB800] =	vst v0  }
0x7fe: {  	v6 =	vadd.s32 s30, v6;
	v0 =	vld [tilespmem:$0x3440]  }
0x7ff: {  	v4 =	vld.idx.msk [tilespmem:v4+s5+$0x0], $0xffff;
	v5 =	vadd.s32 s25, v5  }
0x800: {  	v1 =	vld.idx.msk [tilespmem:v1+s5+$0x0], $0xffff;
	_ =	sdelay $0x1  }
0x801: {  	v3 =	vadd.s32 s26, v3  }
0x802: {  	v6 =	vld.idx.msk [tilespmem:v6+s5+$0x0], $0xffff;
	v0 =	vadd.s32 s0, v0  }
0x803: {  	[tilespmem:s29+$0xFFFF81C0] =	vst v4;
	v4 =	vld.idx.msk [tilespmem:v5+s5+$0x0], $0xffff  }
0x804: {  	v5 =	vld [tilespmem:$0x33A0];
	[tilespmem:s24+$0xFFFFB7D0] =	vst v1  }
0x805: {  	v1 =	vld [tilespmem:$0x3440]  }
0x806: {  	v3 =	vld.idx.msk [tilespmem:v3+s5+$0x0], $0xffff  }
0x807: {  	[tilespmem:s29+$0xFFFF81F0] =	vst v6;
	v0 =	vld.idx.msk [tilespmem:v0+s5+$0x0], $0xffff  }
0x808: {  	v6 =	vld [tilespmem:$0x33A0];
	[tilespmem:s28+$0xFFFFA5F0] =	vst v4  }
0x809: {  	v4 =	vadd.s32 s31, v5;
	v5 =	vld [tilespmem:$0x3400]  }
0x80a: {  	v1 =	vadd.s32 s3, v1  }
0x80b: {  	[tilespmem:s28+$0xFFFFA5C0] =	vst v3  }
0x80c: {  	v3 =	vld [tilespmem:$0x3400];
	[tilespmem:s24+$0xFFFFC9E0] =	vst v0  }
0x80d: {  	v6 =	vadd.s32 s30, v6;
	v0 =	vld [tilespmem:$0x3450]  }
0x80e: {  	v4 =	vld.idx.msk [tilespmem:v4+s5+$0x0], $0xffff;
	v5 =	vadd.s32 s25, v5  }
0x80f: {  	v1 =	vld.idx.msk [tilespmem:v1+s5+$0x0], $0xffff;
	_ =	sdelay $0x2  }
0x810: {  	v6 =	vld.idx.msk [tilespmem:v6+s5+$0x0], $0xffff;
	v0 =	vadd.s32 s0, v0  }
0x811: {  	[tilespmem:s29+$0xFFFF81D0] =	vst v4;
	v4 =	vld.idx.msk [tilespmem:v5+s5+$0x0], $0xffff  }
0x812: {  	v3 =	vadd.s32 s26, v3;
	v5 =	vld [tilespmem:$0x33B0];
	[tilespmem:s23+$0x7D00] =	vst v1  }
0x813: {  	v1 =	vld [tilespmem:$0x3450];
	_ =	sdelay $0x1  }
0x814: {  	[tilespmem:s29+$0xFFFF8200] =	vst v6;
	v0 =	vld.idx.msk [tilespmem:v0+s5+$0x0], $0xffff  }
0x815: {  	v6 =	vld [tilespmem:$0x33B0]  }
0x816: {  	v3 =	vld.idx.msk [tilespmem:v3+s5+$0x0], $0xffff;
	[tilespmem:s28+$0xFFFFA600] =	vst v4;
	v4 =	vadd.s32 s31, v5  }
0x817: {  	v5 =	vld [tilespmem:$0x3410];
	v1 =	vadd.s32 s3, v1;
	_ =	sdelay $0x1  }
0x818: {  	[tilespmem:s24+$0xFFFFC9F0] =	vst v0  }
0x819: {  	v0 =	vld [tilespmem:$0x3460]  }
0x81a: {  	v6 =	vadd.s32 s30, v6;
	v4 =	vld.idx.msk [tilespmem:v4+s5+$0x0], $0xffff  }
0x81b: {  	[tilespmem:s28+$0xFFFFA5D0] =	vst v3;
	v5 =	vadd.s32 s25, v5;
	v1 =	vld.idx.msk [tilespmem:v1+s5+$0x0], $0xffff  }
0x81c: {  	v3 =	vld [tilespmem:$0x3410]  }
0x81d: {  	s12 =	simm.s32 $0xC0  }
0x81e: {  	s6 =	sand.u32 $0x1FE0, s12;
	v0 =	vadd.s32 s0, v0  }
0x81f: {  	v6 =	vld.idx.msk [tilespmem:v6+s5+$0x0], $0xffff;
	[tilespmem:s6+$0x4700] =	vst v4  }
0x820: {  	v4 =	vld.idx.msk [tilespmem:v5+s5+$0x0], $0xffff;
	[tilespmem:s24+$0xFFFFC9C0] =	vst v1  }
0x821: {  	v3 =	vadd.s32 s26, v3;
	v1 =	vld [tilespmem:$0x3460]  }
0x822: {  	v5 =	vld [tilespmem:$0x33C0]  }
0x823: {  	v0 =	vld.idx.msk [tilespmem:v0+s5+$0x0], $0xffff  }
0x824: {  	[tilespmem:s29+$0xFFFF93E0] =	vst v6  }
0x825: {  	v6 =	vld [tilespmem:$0x33C0]  }
0x826: {  	v3 =	vld.idx.msk [tilespmem:v3+s5+$0x0], $0xffff;
	[tilespmem:s28+$0xFFFFB7E0] =	vst v4;
	v1 =	vadd.s32 s3, v1  }
0x827: {  	v4 =	vadd.s32 s31, v5;
	v5 =	vld [tilespmem:$0x3420]  }
0x828: {  	[tilespmem:s24+$0xFFFFCA00] =	vst v0  }
0x829: {  	v0 =	vld [tilespmem:$0x3470]  }
0x82a: {  	v6 =	vadd.s32 s30, v6  }
0x82b: {  	v1 =	vld.idx.msk [tilespmem:v1+s5+$0x0], $0xffff  }
0x82c: {  	[tilespmem:s1+$0x6B00] =	vst v3;
	v3 =	vld.idx.msk [tilespmem:v4+s5+$0x0], $0xffff;
	v4 =	vadd.s32 s25, v5;
	_ =	sdelay $0x1  }
0x82d: {  	v0 =	vadd.s32 s0, v0  }
0x82e: {  	v6 =	vld.idx.msk [tilespmem:v6+s5+$0x0], $0xffff  }
0x82f: {  	[tilespmem:s24+$0xFFFFC9D0] =	vst v1;
	v1 =	vld [tilespmem:$0x3420]  }
0x830: {  	[tilespmem:s29+$0xFFFF93C0] =	vst v3;
	v3 =	vld.idx.msk [tilespmem:v4+s5+$0x0], $0xffff;
	_ =	sdelay $0x1  }
0x831: {  	s13 =	simm.s32 $0x71;
	v0 =	vld.idx.msk [tilespmem:v0+s5+$0x0], $0xffff  }
0x832: {  	s4 =	sand.u32 $0xFF, s13  }
0x833: {  	s4 =	smul.u32 $0x2B, s4;
	[tilespmem:s29+$0xFFFF93F0] =	vst v6;
	v4 =	vld [tilespmem:$0x33D0];
	v1 =	vadd.s32 s26, v1  }
0x834: {  	v6 =	vld [tilespmem:$0x33D0];
	[tilespmem:s28+$0xFFFFB7F0] =	vst v3  }
0x835: {  	s4 =	sshrl.u32 s4, $0xB;
	v3 =	vld [tilespmem:$0x3430]  }
0x836: {  	s4 =	smul.u32 $0x30, s4;
	v5 =	vld [tilespmem:$0x3470];
	[tilespmem:s24+$0xFFFFDBE0] =	vst v0  }
0x837: {  	v0 =	vld [tilespmem:$0x3480]  }
0x838: {  	s14 =	simm.s32 $0x72;
	s4 =	ssub.s32 $0x71, s4;
	v4 =	vadd.s32 s31, v4;
	v1 =	vld.idx.msk [tilespmem:v1+s5+$0x0], $0xffff  }
0x839: {  	s7 =	sand.u32 $0xFF, s14;
	s4 =	sand.u32 $0xFF, s4  }
0x83a: {  	v7 =	vld [tilespmem:$0x3380];
	s7 =	smul.u32 $0x2B, s7;
	s4 =	smax.u32 s4, $0x8;
	v6 =	vadd.s32 s30, v6  }
0x83b: {  	s4 =	smin.u32 s4, $0x28;
	v5 =	vadd.s32 s3, v5  }
0x83c: {  	s7 =	sshrl.u32 s7, $0xB;
	s4 =	smul.u32 $0x21, s4;
	v0 =	vadd.s32 s0, v0  }
0x83d: {  	s7 =	smul.u32 $0x30, s7;
	v3 =	vadd.s32 s25, v3;
	[tilespmem:s28+$0xFFFFB7C0] =	vst v1;
	v1 =	vld.idx.msk [tilespmem:v4+s5+$0x0], $0xffff  }
0x83e: {  	s9 =	sadd.s32 s4, s10;
	v4 =	vld [tilespmem:$0x3430]  }
0x83f: {  	s7 =	ssub.s32 $0x72, s7;
	v8 =	vadd.s32 s9, v7;
	v6 =	vld.idx.msk [tilespmem:v6+s5+$0x0], $0xffff  }
0x840: {  	s15 =	sand.u32 $0xFF, s7;
	v5 =	vld.idx.msk [tilespmem:v5+s5+$0x0], $0xffff  }
0x841: {  	s4 =	smax.u32 s15, $0x8;
	v0 =	vld.idx.msk [tilespmem:v0+s5+$0x0], $0xffff  }
0x842: {  	s4 =	smin.u32 s4, $0x28;
	v3 =	vld.idx.msk [tilespmem:v3+s5+$0x0], $0xffff;
	[tilespmem:s29+$0xFFFF93D0] =	vst v1  }
0x843: {  	s4 =	smul.u32 $0x21, s4;
	v1 =	vadd.s32 s26, v4;
	v4 =	vld [tilespmem:$0x33E0]  }
0x844: {  	v8 =	vld.idx.msk [tilespmem:v8+s5+$0x0], $0xffff;
	[tilespmem:s29+$0xFFFF9400] =	vst v6  }
0x845: {  	s12 =	sadd.s32 s4, s10;
	v6 =	vld [tilespmem:$0x33E0];
	[tilespmem:s23+$0x8F00] =	vst v5  }
0x846: {  	[tilespmem:s24+$0xFFFFDBF0] =	vst v0;
	v0 =	vadd.s32 s12, v7;
	v7 =	vld [tilespmem:$0x3480]  }
0x847: {  	v5 =	vld [tilespmem:$0x3490]  }
0x848: {  	[tilespmem:s28+$0xFFFFB800] =	vst v3;
	v1 =	vld.idx.msk [tilespmem:v1+s5+$0x0], $0xffff;
	v3 =	vadd.s32 s31, v4  }
0x849: {  	s11 =	simm.s32 $0xB470;
	v4 =	vld [tilespmem:$0x3440]  }
0x84a: {  	[tilespmem:s11+$0xFFFF81E0] =	vst v8;
	v6 =	vadd.s32 s30, v6  }
0x84b: {  	v8 =	vld [tilespmem:$0x3390];
	v7 =	vadd.s32 s3, v7  }
0x84c: {  	v0 =	vld.idx.msk [tilespmem:v0+s5+$0x0], $0xffff;
	v5 =	vadd.s32 s0, v5  }
0x84d: {  	[tilespmem:s28+$0xFFFFB7D0] =	vst v1;
	v1 =	vld.idx.msk [tilespmem:v3+s5+$0x0], $0xffff  }
0x84e: {  	v4 =	vadd.s32 s25, v4;
	v3 =	vld [tilespmem:$0x3440]  }
0x84f: {  	v6 =	vld.idx.msk [tilespmem:v6+s5+$0x0], $0xffff  }
0x850: {  	v8 =	vadd.s32 s9, v8;
	v7 =	vld.idx.msk [tilespmem:v7+s5+$0x0], $0xffff  }
0x851: {  	[tilespmem:s11+$0xFFFF81B0] =	vst v0;
	v0 =	vld.idx.msk [tilespmem:v5+s5+$0x0], $0xffff  }
0x852: {  	v5 =	vld [tilespmem:$0x3390]  }
0x853: {  	[tilespmem:s6+$0x5900] =	vst v1;
	v1 =	vadd.s32 s26, v3;
	v3 =	vld.idx.msk [tilespmem:v4+s5+$0x0], $0xffff  }
0x854: {  	v4 =	vld [tilespmem:$0x33F0]  }
0x855: {  	v8 =	vld.idx.msk [tilespmem:v8+s5+$0x0], $0xffff;
	[tilespmem:s24+$0xFFFFDBC0] =	vst v7  }
0x856: {  	[tilespmem:s24+$0xFFFFDC00] =	vst v0;
	v7 =	vld [tilespmem:$0x3490]  }
0x857: {  	[tilespmem:s29+$0xFFFFA5E0] =	vst v6;
	v0 =	vadd.s32 s12, v5;
	v5 =	vld [tilespmem:$0x34A0]  }
0x858: {  	v6 =	vld [tilespmem:$0x33F0]  }
0x859: {  	v1 =	vld.idx.msk [tilespmem:v1+s5+$0x0], $0xffff;
	[tilespmem:s28+$0xFFFFC9E0] =	vst v3;
	v3 =	vadd.s32 s31, v4  }
0x85a: {  	[tilespmem:s11+$0xFFFF81F0] =	vst v8;
	v4 =	vld [tilespmem:$0x3450]  }
0x85b: {  	v8 =	vld [tilespmem:$0x33A0];
	v7 =	vadd.s32 s3, v7  }
0x85c: {  	v0 =	vld.idx.msk [tilespmem:v0+s5+$0x0], $0xffff;
	v5 =	vadd.s32 s0, v5;
	_ =	sdelay $0x1  }
0x85d: {  	v6 =	vadd.s32 s30, v6;
	[tilespmem:s1+$0x7D00] =	vst v1;
	v1 =	vld.idx.msk [tilespmem:v3+s5+$0x0], $0xffff  }
0x85e: {  	v3 =	vadd.s32 s25, v4;
	v4 =	vld [tilespmem:$0x3450]  }
0x85f: {  	v7 =	vld.idx.msk [tilespmem:v7+s5+$0x0], $0xffff  }
0x860: {  	[tilespmem:s11+$0xFFFF81C0] =	vst v0;
	v0 =	vadd.s32 s9, v8;
	v5 =	vld.idx.msk [tilespmem:v5+s5+$0x0], $0xffff  }
0x861: {  	v8 =	vld [tilespmem:$0x33A0]  }
0x862: {  	v6 =	vld.idx.msk [tilespmem:v6+s5+$0x0], $0xffff  }
0x863: {  	[tilespmem:s29+$0xFFFFA5C0] =	vst v1;
	v3 =	vld.idx.msk [tilespmem:v3+s5+$0x0], $0xffff  }
0x864: {  	v1 =	vadd.s32 s26, v4;
	v4 =	vld [tilespmem:$0x3400]  }
0x865: {  	v0 =	vld.idx.msk [tilespmem:v0+s5+$0x0], $0xffff;
	[tilespmem:s24+$0xFFFFDBD0] =	vst v7  }
0x866: {  	[tilespmem:s24+$0xFFFFEDE0] =	vst v5;
	v5 =	vadd.s32 s12, v8;
	v8 =	vld [tilespmem:$0x34A0]  }
0x867: {  	[tilespmem:s29+$0xFFFFA5F0] =	vst v6;
	v6 =	vld [tilespmem:$0x34B0]  }
0x868: {  	v7 =	vld [tilespmem:$0x3400]  }
0x869: {  	v1 =	vld.idx.msk [tilespmem:v1+s5+$0x0], $0xffff;
	[tilespmem:s28+$0xFFFFC9F0] =	vst v3;
	v3 =	vadd.s32 s31, v4  }
0x86a: {  	v4 =	vld [tilespmem:$0x3460]  }
0x86b: {  	v8 =	vadd.s32 s3, v8  }
0x86c: {  	[tilespmem:s11+$0xFFFF8200] =	vst v0;
	v5 =	vld.idx.msk [tilespmem:v5+s5+$0x0], $0xffff;
	v0 =	vadd.s32 s0, v6  }
0x86d: {  	v7 =	vadd.s32 s30, v7;
	v6 =	vld [tilespmem:$0x33B0]  }
0x86e: {  	v3 =	vld.idx.msk [tilespmem:v3+s5+$0x0], $0xffff;
	[tilespmem:s28+$0xFFFFC9C0] =	vst v1  }
0x86f: {  	v1 =	vadd.s32 s25, v4;
	v4 =	vld [tilespmem:$0x3460]  }
0x870: {  	v8 =	vld.idx.msk [tilespmem:v8+s5+$0x0], $0xffff  }
0x871: {  	v0 =	vld.idx.msk [tilespmem:v0+s5+$0x0], $0xffff  }
0x872: {  	[tilespmem:s11+$0xFFFF81D0] =	vst v5;
	v5 =	vadd.s32 s9, v6;
	v6 =	vld.idx.msk [tilespmem:v7+s5+$0x0], $0xffff  }
0x873: {  	v7 =	vld [tilespmem:$0x33B0];
	_ =	sdelay $0x2  }
0x874: {  	v1 =	vld.idx.msk [tilespmem:v1+s5+$0x0], $0xffff;
	[tilespmem:s23+$0xA100] =	vst v8  }
0x875: {  	[tilespmem:s29+$0xFFFFA5D0] =	vst v3;
	v3 =	vadd.s32 s26, v4;
	v4 =	vld [tilespmem:$0x34B0]  }
0x876: {  	v8 =	vld [tilespmem:$0x3410];
	[tilespmem:s24+$0xFFFFEDF0] =	vst v0;
	v0 =	vadd.s32 s12, v7  }
0x877: {  	v5 =	vld.idx.msk [tilespmem:v5+s5+$0x0], $0xffff  }
0x878: {  	[tilespmem:s29+$0xFFFFA600] =	vst v6;
	v6 =	vld [tilespmem:$0x34C0]  }
0x879: {  	v7 =	vld [tilespmem:$0x3410]  }
0x87a: {  	v3 =	vld.idx.msk [tilespmem:v3+s5+$0x0], $0xffff;
	[tilespmem:s28+$0xFFFFCA00] =	vst v1;
	v1 =	vadd.s32 s3, v4  }
0x87b: {  	v0 =	vld.idx.msk [tilespmem:v0+s5+$0x0], $0xffff;
	v4 =	vadd.s32 s31, v8  }
0x87c: {  	[tilespmem:s11+$0xFFFF93E0] =	vst v5;
	v8 =	vld [tilespmem:$0x3470]  }
0x87d: {  	v5 =	vadd.s32 s0, v6;
	v6 =	vld [tilespmem:$0x33C0]  }
0x87e: {  	v7 =	vadd.s32 s30, v7  }
0x87f: {  	v1 =	vld.idx.msk [tilespmem:v1+s5+$0x0], $0xffff  }
0x880: {  	s16 =	simm.s32 $0x120;
	[tilespmem:s28+$0xFFFFC9D0] =	vst v3;
	v4 =	vld.idx.msk [tilespmem:v4+s5+$0x0], $0xffff  }
0x881: {  	s13 =	sand.u32 $0x1FE0, s16;
	v3 =	vadd.s32 s25, v8;
	v8 =	vld [tilespmem:$0x3470]  }
0x882: {  	[tilespmem:s13+$0x4700] =	vst v0;
	v5 =	vld.idx.msk [tilespmem:v5+s5+$0x0], $0xffff;
	v0 =	vadd.s32 s9, v6  }
0x883: {  	v6 =	vld.idx.msk [tilespmem:v7+s5+$0x0], $0xffff  }
0x884: {  	v7 =	vld [tilespmem:$0x33C0]  }
0x885: {  	s17 =	simm.s32 $0x6F  }
0x886: {  	s4 =	sand.u32 $0xFF, s17;
	v3 =	vld.idx.msk [tilespmem:v3+s5+$0x0], $0xffff;
	[tilespmem:s24+$0xFFFFEDC0] =	vst v1  }
0x887: {  	s4 =	smul.u32 $0x2B, s4;
	[tilespmem:s6+$0x6B00] =	vst v4;
	v0 =	vld.idx.msk [tilespmem:v0+s5+$0x0], $0xffff  }
0x888: {  	v1 =	vadd.s32 s26, v8;
	[tilespmem:s24+$0xFFFFEE00] =	vst v5;
	v4 =	vld [tilespmem:$0x34C0]  }
0x889: {  	s4 =	sshrl.u32 s4, $0xB;
	v5 =	vadd.s32 s12, v7;
	[tilespmem:s29+$0xFFFFB7E0] =	vst v6;
	v6 =	vld [tilespmem:$0x34D0]  }
0x88a: {  	s4 =	smul.u32 $0x30, s4;
	v7 =	vld [tilespmem:$0x3420]  }
0x88b: {  	v9 =	vld [tilespmem:$0x3380]  }
0x88c: {  	s4 =	ssub.s32 $0x6F, s4;
	v8 =	vld [tilespmem:$0x3420]  }
0x88d: {  	s4 =	sand.u32 $0xFF, s4;
	v1 =	vld.idx.msk [tilespmem:v1+s5+$0x0], $0xffff;
	[tilespmem:s28+$0xFFFFDBE0] =	vst v3;
	v3 =	vadd.s32 s3, v4  }
0x88e: {  	s4 =	smax.u32 s4, $0x8;
	v5 =	vld.idx.msk [tilespmem:v5+s5+$0x0], $0xffff;
	[tilespmem:s11+$0xFFFF93F0] =	vst v0;
	v0 =	vadd.s32 s0, v6  }
0x88f: {  	s4 =	smin.u32 s4, $0x28;
	v6 =	vld [tilespmem:$0x33D0];
	v7 =	vadd.s32 s30, v7  }
0x890: {  	s4 =	smul.u32 $0x21, s4;
	v4 =	vld [tilespmem:$0x3480]  }
0x891: {  	s18 =	simm.s32 $0x70;
	v8 =	vadd.s32 s31, v8  }
0x892: {  	s7 =	sand.u32 $0xFF, s18;
	s14 =	sadd.s32 s4, s10;
	v3 =	vld.idx.msk [tilespmem:v3+s5+$0x0], $0xffff  }
0x893: {  	s7 =	smul.u32 $0x2B, s7;
	[tilespmem:s1+$0x8F00] =	vst v1;
	v1 =	vadd.s32 s14, v9;
	v0 =	vld.idx.msk [tilespmem:v0+s5+$0x0], $0xffff  }
0x894: {  	[tilespmem:s11+$0xFFFF93C0] =	vst v5;
	v5 =	vadd.s32 s9, v6;
	v6 =	vld.idx.msk [tilespmem:v7+s5+$0x0], $0xffff  }
0x895: {  	s7 =	sshrl.u32 s7, $0xB;
	v4 =	vadd.s32 s25, v4;
	v7 =	vld [tilespmem:$0x33D0]  }
0x896: {  	s7 =	smul.u32 $0x30, s7;
	v8 =	vld.idx.msk [tilespmem:v8+s5+$0x0], $0xffff;
	_ =	sdelay $0x1  }
0x897: {  	s7 =	ssub.s32 $0x70, s7;
	v1 =	vld.idx.msk [tilespmem:v1+s5+$0x0], $0xffff  }
0x898: {  	s7 =	sand.u32 $0xFF, s7;
	[tilespmem:s24+$0xFFFFEDD0] =	vst v3;
	v3 =	vld [tilespmem:$0x3480]  }
0x899: {  	s19 =	smax.u32 s7, $0x8;
	v4 =	vld.idx.msk [tilespmem:v4+s5+$0x0], $0xffff;
	[tilespmem:s24+$0xFFFFFFE0] =	vst v0;
	v0 =	vadd.s32 s12, v7  }
0x89a: {  	s4 =	smin.u32 s19, $0x28;
	[tilespmem:s29+$0xFFFFB7C0] =	vst v8;
	v5 =	vld.idx.msk [tilespmem:v5+s5+$0x0], $0xffff  }
0x89b: {  	s4 =	smul.u32 $0x21, s4;
	v8 =	vld [tilespmem:$0x3430]  }
0x89c: {  	[tilespmem:s29+$0xFFFFB7F0] =	vst v6;
	v6 =	vld [tilespmem:$0x34E0]  }
0x89d: {  	s8 =	sadd.s32 s4, s10;
	v7 =	vld [tilespmem:$0x3430];
	v3 =	vadd.s32 s26, v3  }
0x89e: {  	v9 =	vadd.s32 s8, v9;
	[tilespmem:s28+$0xFFFFDBF0] =	vst v4;
	v0 =	vld.idx.msk [tilespmem:v0+s5+$0x0], $0xffff  }
0x89f: {  	v4 =	vld [tilespmem:$0x3490]  }
0x8a0: {  	[tilespmem:s11+$0xFFFF9400] =	vst v5;
	v8 =	vadd.s32 s31, v8  }
0x8a1: {  	s15 =	simm.s32 $0xB4D0;
	v6 =	vadd.s32 s0, v6;
	v5 =	vld [tilespmem:$0x33E0]  }
0x8a2: {  	[tilespmem:s15+$0xFFFF81E0] =	vst v1;
	v7 =	vadd.s32 s30, v7;
	v1 =	vld.idx.msk [tilespmem:v3+s5+$0x0], $0xffff  }
0x8a3: {  	[tilespmem:s11+$0xFFFF93D0] =	vst v0;
	v0 =	vld.idx.msk [tilespmem:v9+s5+$0x0], $0xffff  }
0x8a4: {  	v3 =	vadd.s32 s25, v4;
	v4 =	vld [tilespmem:$0x3390]  }
0x8a5: {  	v8 =	vld.idx.msk [tilespmem:v8+s5+$0x0], $0xffff  }
0x8a6: {  	v6 =	vld.idx.msk [tilespmem:v6+s5+$0x0], $0xffff;
	v5 =	vadd.s32 s9, v5  }
0x8a7: {  	v7 =	vld.idx.msk [tilespmem:v7+s5+$0x0], $0xffff  }
0x8a8: {  	v9 =	vld [tilespmem:$0x33E0]  }
0x8a9: {  	[tilespmem:s15+$0xFFFF81B0] =	vst v0;
	v0 =	vld.idx.msk [tilespmem:v3+s5+$0x0], $0xffff  }
0x8aa: {  	v3 =	vld [tilespmem:$0x3390]  }
0x8ab: {  	[tilespmem:s28+$0xFFFFDBC0] =	vst v1;
	v1 =	vld.idx.msk [tilespmem:v5+s5+$0x0], $0xffff  }
0x8ac: {  	v4 =	vadd.s32 s14, v4;
	v5 =	vld [tilespmem:$0x3490]  }
0x8ad: {  	[tilespmem:s24+$0xFFFFFFF0] =	vst v6  }
0x8ae: {  	[tilespmem:s29+$0xFFFFB800] =	vst v7;
	v7 =	vadd.s32 s12, v9;
	v6 =	vld [tilespmem:$0x34F0]  }
0x8af: {  	v10 =	vld [tilespmem:$0x34D0]  }
0x8b0: {  	[tilespmem:s29+$0xFFFFB7D0] =	vst v8;
	v9 =	vld [tilespmem:$0x3440];
	v3 =	vadd.s32 s8, v3  }
0x8b1: {  	v4 =	vld.idx.msk [tilespmem:v4+s5+$0x0], $0xffff;
	[tilespmem:s11+$0xFFFFA5E0] =	vst v1;
	v1 =	vadd.s32 s26, v5  }
0x8b2: {  	v8 =	vld [tilespmem:$0x3440]  }
0x8b3: {  	[tilespmem:s28+$0xFFFFDC00] =	vst v0;
	v7 =	vld.idx.msk [tilespmem:v7+s5+$0x0], $0xffff;
	v6 =	vadd.s32 s0, v6  }
0x8b4: {  	v0 =	vld [tilespmem:$0x34A0]  }
0x8b5: {  	v9 =	vadd.s32 s30, v9;
	v3 =	vld.idx.msk [tilespmem:v3+s5+$0x0], $0xffff  }
0x8b6: {  	[tilespmem:s15+$0xFFFF81F0] =	vst v4;
	v1 =	vld.idx.msk [tilespmem:v1+s5+$0x0], $0xffff  }
0x8b7: {  	v4 =	vld [tilespmem:$0x33A0]  }
0x8b8: {  	v8 =	vadd.s32 s31, v8;
	v5 =	vld.idx.msk [tilespmem:v6+s5+$0x0], $0xffff  }
0x8b9: {  	v0 =	vadd.s32 s25, v0;
	v6 =	vld [tilespmem:$0x33F0]  }
0x8ba: {  	[tilespmem:s13+$0x5900] =	vst v7;
	v9 =	vld.idx.msk [tilespmem:v9+s5+$0x0], $0xffff  }
0x8bb: {  	v10 =	vadd.s32 s3, v10;
	v7 =	vld [tilespmem:$0x33F0];
	_ =	sdelay $0x1  }
0x8bc: {  	v8 =	vld.idx.msk [tilespmem:v8+s5+$0x0], $0xffff;
	[tilespmem:s15+$0xFFFF81C0] =	vst v3;
	v3 =	vadd.s32 s14, v4  }
0x8bd: {  	v0 =	vld.idx.msk [tilespmem:v0+s5+$0x0], $0xffff;
	v6 =	vadd.s32 s9, v6  }
0x8be: {  	[tilespmem:s28+$0xFFFFDBD0] =	vst v1;
	v1 =	vld [tilespmem:$0x33A0]  }
0x8bf: {  	[tilespmem:s29+$0xFFFFC9E0] =	vst v9;
	v9 =	vld.idx.msk [tilespmem:v10+s5+$0x0], $0xffff;
	v7 =	vadd.s32 s12, v7  }
0x8c0: {  	v10 =	vld [tilespmem:$0x3450]  }
0x8c1: {  	v3 =	vld.idx.msk [tilespmem:v3+s5+$0x0], $0xffff  }
0x8c2: {  	v4 =	vld.idx.msk [tilespmem:v6+s5+$0x0], $0xffff  }
0x8c3: {  	[tilespmem:s28+$0xFFFFEDE0] =	vst v0;
	v6 =	vld [tilespmem:$0x34A0];
	v0 =	vadd.s32 s8, v1  }
0x8c4: {  	v7 =	vld.idx.msk [tilespmem:v7+s5+$0x0], $0xffff  }
0x8c5: {  	[tilespmem:s6+$0x7D00] =	vst v8;
	v1 =	vld [tilespmem:$0x34B0]  }
0x8c6: {  	[tilespmem:s23+$0xB300] =	vst v9;
	v8 =	vadd.s32 s30, v10;
	v10 =	vld [tilespmem:$0x3450]  }
0x8c7: {  	v9 =	vld [tilespmem:$0x34E0]  }
0x8c8: {  	[tilespmem:s11+$0xFFFFA5F0] =	vst v4;
	v0 =	vld.idx.msk [tilespmem:v0+s5+$0x0], $0xffff  }
0x8c9: {  	[tilespmem:s15+$0xFFFF8200] =	vst v3;
	v4 =	vld [tilespmem:$0x3400]  }
0x8ca: {  	v6 =	vadd.s32 s26, v6;
	v3 =	vld [tilespmem:$0x33B0]  }
0x8cb: {  	[tilespmem:s11+$0xFFFFA5C0] =	vst v7;
	v8 =	vld.idx.msk [tilespmem:v8+s5+$0x0], $0xffff;
	v7 =	vadd.s32 s31, v10  }
0x8cc: {  	v10 =	vld [tilespmem:$0x3400]  }
0x8cd: {  	v1 =	vadd.s32 s25, v1  }
0x8ce: {  	v4 =	vadd.s32 s9, v4  }
0x8cf: {  	v6 =	vld.idx.msk [tilespmem:v6+s5+$0x0], $0xffff;
	[tilespmem:s15+$0xFFFF81D0] =	vst v0  }
0x8d0: {  	v0 =	vadd.s32 s14, v3;
	v7 =	vld.idx.msk [tilespmem:v7+s5+$0x0], $0xffff;
	[tilespmem:s29+$0xFFFFC9F0] =	vst v8  }
0x8d1: {  	v8 =	vadd.s32 s3, v9;
	v9 =	vadd.s32 s12, v10;
	v10 =	vld [tilespmem:$0x3460]  }
0x8d2: {  	v1 =	vld.idx.msk [tilespmem:v1+s5+$0x0], $0xffff  }
0x8d3: {  	v3 =	vld.idx.msk [tilespmem:v4+s5+$0x0], $0xffff  }
0x8d4: {  	v4 =	vld [tilespmem:$0x33B0]  }
0x8d5: {  	v0 =	vld.idx.msk [tilespmem:v0+s5+$0x0], $0xffff  }
0x8d6: {  	v8 =	vld.idx.msk [tilespmem:v8+s5+$0x0], $0xffff;
	[tilespmem:s29+$0xFFFFC9C0] =	vst v7;
	v7 =	vadd.s32 s30, v10  }
0x8d7: {  	v9 =	vld.idx.msk [tilespmem:v9+s5+$0x0], $0xffff  }
0x8d8: {  	[tilespmem:s28+$0xFFFFEDF0] =	vst v1;
	v10 =	vld [tilespmem:$0x3460]  }
0x8d9: {  	v1 =	vadd.s32 s8, v4;
	[tilespmem:s11+$0xFFFFA600] =	vst v3;
	v3 =	vld [tilespmem:$0x34C0]  }
0x8da: {  	v4 =	vld [tilespmem:$0x3410]  }
0x8db: {  	[tilespmem:s1+$0xA100] =	vst v6;
	v6 =	vld.idx.msk [tilespmem:v7+s5+$0x0], $0xffff  }
0x8dc: {  	[tilespmem:s11+$0xFFFFA5D0] =	vst v9;
	v9 =	vld [tilespmem:$0x34B0]  }
0x8dd: {  	v7 =	vadd.s32 s31, v10;
	v10 =	vld [tilespmem:$0x3410]  }
0x8de: {  	[tilespmem:s15+$0xFFFF93E0] =	vst v0;
	v1 =	vld.idx.msk [tilespmem:v1+s5+$0x0], $0xffff;
	v0 =	vadd.s32 s25, v3  }
0x8df: {  	[tilespmem:s24+$0xFFFFFFC0] =	vst v8;
	v3 =	vld [tilespmem:$0x33C0];
	v4 =	vadd.s32 s9, v4  }
0x8e0: {  	v11 =	vld [tilespmem:$0x34F0];
	[tilespmem:s29+$0xFFFFCA00] =	vst v6  }
0x8e1: {  	v6 =	vadd.s32 s26, v9;
	v9 =	vld [tilespmem:$0x3470]  }
0x8e2: {  	s7 =	simm.s32 $0x180;
	v7 =	vld.idx.msk [tilespmem:v7+s5+$0x0], $0xffff;
	v8 =	vadd.s32 s12, v10  }
0x8e3: {  	s2 =	sand.u32 $0x1FE0, s7;
	v0 =	vld.idx.msk [tilespmem:v0+s5+$0x0], $0xffff  }
0x8e4: {  	[tilespmem:s2+$0x4700] =	vst v1;
	v1 =	vadd.s32 s14, v3;
	v3 =	vld.idx.msk [tilespmem:v4+s5+$0x0], $0xffff  }
0x8e5: {  	v4 =	vld [tilespmem:$0x33C0]  }
0x8e6: {  	v6 =	vld.idx.msk [tilespmem:v6+s5+$0x0], $0xffff;
	v9 =	vadd.s32 s30, v9  }
0x8e7: {  	v10 =	vld.idx.msk [tilespmem:v8+s5+$0x0], $0xffff;
	[tilespmem:s29+$0xFFFFC9D0] =	vst v7  }
0x8e8: {  	v63 =	vld [tilespmem:$0x3470]  }
0x8e9: {  	s4 =	rddreg [dreg:$0x4];
	v8 =	vld.idx.msk [tilespmem:v1+s5+$0x0], $0xffff;
	[tilespmem:s28+$0xFFFFEE00] =	vst v0  }
0x8ea: {  	p0 =	sgt.s32 s20, s4;
	[tilespmem:s11+$0xFFFFB7E0] =	vst v3;
	v3 =	vld [tilespmem:$0x34D0]  }
0x8eb: {  	[tilespmem:s24+$0x0] =	vst v5;
	s4 =	smov.u32 @p0 s20;
	v5 =	vld.idx.msk [tilespmem:v9+s5+$0x0], $0xffff;
	v9 =	vadd.s32 s8, v4  }
0x8ec: {  	s23 =	smul.u32 $0x30, s4;
	v7 =	vld [tilespmem:$0x3420]  }
0x8ed: {  	v0 =	vadd.s32 s3, v11;
	[tilespmem:s28+$0xFFFFEDC0] =	vst v6  }
0x8ee: {  	s4 =	smul.u32 $0xFFFFFF40, s4;
	s3 =	simm.s32 $0x8;
	[tilespmem:s13+$0x6B00] =	vst v10;
	s0 =	ssub.s32 s21, s23;
	v6 =	vadd.s32 s31, v63;
	v4 =	vld [tilespmem:$0x34C0]  }
.LBB2_3:
0x8ef: {  	s16 =	ssub.s32 $0x76, s3;
	v1 =	vld [tilespmem:$0x3420]  }
0x8f0: {  	s18 =	ssub.s32 $0x75, s3;
	s17 =	sand.u32 $0xFF, s16;
	v9 =	vld.idx.msk [tilespmem:v9+s5+$0x0], $0xffff;
	[tilespmem:s15+$0xFFFF93F0] =	vst v8;
	v3 =	vadd.s32 s25, v3  }
0x8f1: {  	s19 =	sand.u32 $0xFF, s18;
	s17 =	smul.u32 $0x2B, s17;
	v8 =	vld [tilespmem:$0x33D0];
	v7 =	vadd.s32 s9, v7  }
0x8f2: {  	s19 =	smul.u32 $0x2B, s19;
	v0 =	vld.idx.msk [tilespmem:v0+s5+$0x0], $0xffff  }
0x8f3: {  	s17 =	sshrl.u32 s17, $0xB;
	v6 =	vld.idx.msk [tilespmem:v6+s5+$0x0], $0xffff;
	[tilespmem:s29+$0xFFFFDBE0] =	vst v5;
	v4 =	vadd.s32 s26, v4  }
0x8f4: {  	s19 =	sshrl.u32 s19, $0xB;
	s17 =	smul.u32 $0x30, s17;
	v1 =	vadd.s32 s12, v1;
	v5 =	vld [tilespmem:$0x3480]  }
0x8f5: {  	s19 =	smul.u32 $0x30, s19;
	v3 =	vld.idx.msk [tilespmem:v3+s5+$0x0], $0xffff  }
0x8f6: {  	s16 =	ssub.s32 s16, s17;
	[tilespmem:s15+$0xFFFF93C0] =	vst v9;
	v8 =	vadd.s32 s14, v8;
	v7 =	vld.idx.msk [tilespmem:v7+s5+$0x0], $0xffff  }
0x8f7: {  	s17 =	ssub.s32 s18, s19;
	s16 =	sand.u32 $0xFF, s16;
	v9 =	vld [tilespmem:$0x33D0]  }
0x8f8: {  	s17 =	sand.u32 $0xFF, s17;
	s16 =	smax.u32 s16, $0x8;
	v4 =	vld.idx.msk [tilespmem:v4+s5+$0x0], $0xffff;
	[tilespmem:s24+$0xFFFFFFD0] =	vst v0;
	s24 =	smov.u32 s28  }
0x8f9: {  	s3 =	sadd.s32 $0x2, s3;
	s17 =	smax.u32 s17, $0x8;
	s16 =	smin.u32 s16, $0x28;
	v0 =	vld [tilespmem:$0x3380];
	[tilespmem:s6+$0x8F00] =	vst v6;
	v5 =	vadd.s32 s30, v5  }
0x8fa: {  	p0 =	slt.u32 s3, $0x5E;
	s17 =	smin.u32 s17, $0x28;
	s16 =	smul.u32 $0x21, s16;
	v1 =	vld.idx.msk [tilespmem:v1+s5+$0x0], $0xffff  }
0x8fb: {  	s28 =	smov.u32 s29;
	s29 =	smov.u32 s11;
	s17 =	smul.u32 $0x21, s17;
	v6 =	vld.idx.msk [tilespmem:v8+s5+$0x0], $0xffff;
	[tilespmem:s24+$0xFFFFFFE0] =	vst v3  }
0x8fc: {  	s11 =	smov.u32 s15;
	v3 =	vadd.s32 s8, v9;
	[tilespmem:s29+$0xFFFFB7F0] =	vst v7;
	v7 =	vld [tilespmem:$0x34E0]  }
0x8fd: {  	s16 =	sadd.s32 s16, s10;
	s17 =	sadd.s32 s17, s10;
	v8 =	vld [tilespmem:$0x3430]  }
0x8fe: {  	v9 =	vadd.s32 s16, v0;
	v0 =	vadd.s32 s17, v0;
	v5 =	vld.idx.msk [tilespmem:v5+s5+$0x0], $0xffff;
	[tilespmem:s24+$0xFFFFEDD0] =	vst v4  }
0x8ff: {  	v4 =	vld [tilespmem:$0x3480]  }
0x900: {  	[tilespmem:s29+$0xFFFFB7C0] =	vst v1;
	v1 =	vld [tilespmem:$0x34D0]  }
0x901: {  	v3 =	vld.idx.msk [tilespmem:v3+s5+$0x0], $0xffff;
	v7 =	vadd.s32 s25, v7  }
0x902: {  	v10 =	vld [tilespmem:$0x3430];
	v8 =	vadd.s32 s9, v8  }
0x903: {  	v0 =	vld.idx.msk [tilespmem:v0+s5+$0x0], $0xffff;
	[tilespmem:s15+$0xFFFF9400] =	vst v6  }
0x904: {  	v6 =	vld [tilespmem:$0x33E0];
	v4 =	vadd.s32 s31, v4;
	[tilespmem:s28+$0xFFFFDBF0] =	vst v5  }
0x905: {  	v5 =	vld [tilespmem:$0x3490];
	v1 =	vadd.s32 s26, v1  }
0x906: {  	v7 =	vld.idx.msk [tilespmem:v7+s5+$0x0], $0xffff  }
0x907: {  	[tilespmem:s15+$0xFFFF93D0] =	vst v3;
	v3 =	vadd.s32 s12, v10;
	v8 =	vld.idx.msk [tilespmem:v8+s5+$0x0], $0xffff  }
0x908: {  	v9 =	vld.idx.msk [tilespmem:v9+s5+$0x0], $0xffff  }
0x909: {  	s15 =	sadd.s32 $0x60, s15;
	v10 =	vld [tilespmem:$0x33E0]  }
0x90a: {  	[tilespmem:s15+$0xFFFF81E0] =	vst v0;
	v0 =	vld.idx.msk [tilespmem:v4+s5+$0x0], $0xffff;
	v4 =	vadd.s32 s30, v5  }
0x90b: {  	v5 =	vld [tilespmem:$0x3390]  }
0x90c: {  	v6 =	vadd.s32 s14, v6;
	v3 =	vld.idx.msk [tilespmem:v3+s5+$0x0], $0xffff;
	[tilespmem:s24+$0xFFFFFFF0] =	vst v7  }
0x90d: {  	[tilespmem:s29+$0xFFFFB800] =	vst v8;
	v7 =	vld [tilespmem:$0x34F0]  }
0x90e: {  	[tilespmem:s15+$0xFFFF81B0] =	vst v9;
	v8 =	vadd.s32 s8, v10;
	v9 =	vld [tilespmem:$0x3440]  }
0x90f: {  	v4 =	vld.idx.msk [tilespmem:v4+s5+$0x0], $0xffff  }
0x910: {  	v10 =	vld [tilespmem:$0x3390];
	v5 =	vadd.s32 s17, v5;
	[tilespmem:s28+$0xFFFFDBC0] =	vst v0  }
0x911: {  	v0 =	vld.idx.msk [tilespmem:v6+s5+$0x0], $0xffff  }
0x912: {  	[tilespmem:s29+$0xFFFFB7D0] =	vst v3;
	v3 =	vld [tilespmem:$0x3490];
	v6 =	vadd.s32 s25, v7;
	s25 =	smov.u32 s30;
	s30 =	smov.u32 s9;
	s9 =	smov.u32 s14  }
0x913: {  	s14 =	smov.u32 s17;
	v7 =	vld.idx.msk [tilespmem:v8+s5+$0x0], $0xffff  }
0x914: {  	v9 =	vadd.s32 s30, v9;
	v8 =	vld [tilespmem:$0x3440]  }
0x915: {  	v10 =	vadd.s32 s16, v10;
	v5 =	vld.idx.msk [tilespmem:v5+s5+$0x0], $0xffff;
	[tilespmem:s28+$0xFFFFDC00] =	vst v4  }
0x916: {  	v4 =	vld [tilespmem:$0x34A0]  }
0x917: {  	[tilespmem:s11+$0xFFFFA5E0] =	vst v0;
	v0 =	vadd.s32 s31, v3;
	v3 =	vld.idx.msk [tilespmem:v6+s5+$0x0], $0xffff  }
0x918: {  	v6 =	vld [tilespmem:$0x33F0]  }
0x919: {  	[tilespmem:s2+$0x5900] =	vst v7;
	v7 =	vadd.s32 s12, v8;
	v8 =	vld.idx.msk [tilespmem:v9+s5+$0x0], $0xffff  }
0x91a: {  	v9 =	vld.idx.msk [tilespmem:v10+s5+$0x0], $0xffff  }
0x91b: {  	v10 =	vld [tilespmem:$0x33F0]  }
0x91c: {  	v4 =	vadd.s32 s25, v4;
	[tilespmem:s15+$0xFFFF81F0] =	vst v5;
	v0 =	vld.idx.msk [tilespmem:v0+s5+$0x0], $0xffff  }
0x91d: {  	v5 =	vld [tilespmem:$0x33A0];
	v6 =	vadd.s32 s9, v6;
	[tilespmem:s24+$0x0] =	vst v3  }
0x91e: {  	v3 =	vld.idx.msk [tilespmem:v7+s5+$0x0], $0xffff  }
0x91f: {  	[tilespmem:s29+$0xFFFFC9E0] =	vst v8;
	v1 =	vld.idx.msk [tilespmem:v1+s5+$0x0], $0xffff  }
0x920: {  	[tilespmem:s15+$0xFFFF81C0] =	vst v9;
	v7 =	vadd.s32 s8, v10;
	v8 =	vld [tilespmem:$0x3450]  }
0x921: {  	v4 =	vld.idx.msk [tilespmem:v4+s5+$0x0], $0xffff  }
0x922: {  	v5 =	vadd.s32 s14, v5;
	v6 =	vld.idx.msk [tilespmem:v6+s5+$0x0], $0xffff;
	[tilespmem:s28+$0xFFFFDBD0] =	vst v0  }
0x923: {  	v0 =	vld [tilespmem:$0x33A0]  }
0x924: {  	[tilespmem:s13+$0x7D00] =	vst v3;
	v3 =	vld [tilespmem:$0x34A0]  }
0x925: {  	v7 =	vld.idx.msk [tilespmem:v7+s5+$0x0], $0xffff;
	v8 =	vadd.s32 s30, v8;
	[tilespmem:s1+$0xB300] =	vst v1;
	s1 =	smov.u32 s6;
	s6 =	smov.u32 s13;
	s13 =	smov.u32 s2  }
0x926: {  	v1 =	vld [tilespmem:$0x3450]  }
0x927: {  	v5 =	vld.idx.msk [tilespmem:v5+s5+$0x0], $0xffff;
	[tilespmem:s28+$0xFFFFEDE0] =	vst v4  }
0x928: {  	v0 =	vadd.s32 s16, v0;
	[tilespmem:s11+$0xFFFFA5F0] =	vst v6;
	v4 =	vld [tilespmem:$0x34B0]  }
0x929: {  	v6 =	vld [tilespmem:$0x3400];
	v3 =	vadd.s32 s31, v3  }
0x92a: {  	v8 =	vld.idx.msk [tilespmem:v8+s5+$0x0], $0xffff  }
0x92b: {  	[tilespmem:s11+$0xFFFFA5C0] =	vst v7;
	v1 =	vadd.s32 s12, v1;
	v7 =	vld [tilespmem:$0x34E0]  }
0x92c: {  	v9 =	vld [tilespmem:$0x3400]  }
0x92d: {  	v0 =	vld.idx.msk [tilespmem:v0+s5+$0x0], $0xffff;
	[tilespmem:s15+$0xFFFF8200] =	vst v5;
	v4 =	vadd.s32 s25, v4  }
0x92e: {  	v5 =	vld [tilespmem:$0x33B0];
	v6 =	vadd.s32 s9, v6  }
0x92f: {  	v3 =	vld.idx.msk [tilespmem:v3+s5+$0x0], $0xffff  }
0x930: {  	v1 =	vld.idx.msk [tilespmem:v1+s5+$0x0], $0xffff;
	[tilespmem:s29+$0xFFFFC9F0] =	vst v8;
	v7 =	vadd.s32 s26, v7  }
0x931: {  	v8 =	vadd.s32 s8, v9;
	v9 =	vld [tilespmem:$0x3460]  }
0x932: {  	v4 =	vld.idx.msk [tilespmem:v4+s5+$0x0], $0xffff  }
0x933: {  	[tilespmem:s15+$0xFFFF81D0] =	vst v0;
	v0 =	vadd.s32 s14, v5;
	v5 =	vld.idx.msk [tilespmem:v6+s5+$0x0], $0xffff  }
0x934: {  	v6 =	vld [tilespmem:$0x33B0]  }
0x935: {  	[tilespmem:s1+$0xA100] =	vst v3;
	v3 =	vld.idx.msk [tilespmem:v7+s5+$0x0], $0xffff  }
0x936: {  	v7 =	vld.idx.msk [tilespmem:v8+s5+$0x0], $0xffff;
	[tilespmem:s29+$0xFFFFC9C0] =	vst v1;
	v1 =	vadd.s32 s30, v9  }
0x937: {  	v8 =	vld [tilespmem:$0x3460]  }
0x938: {  	v0 =	vld.idx.msk [tilespmem:v0+s5+$0x0], $0xffff;
	[tilespmem:s28+$0xFFFFEDF0] =	vst v4  }
0x939: {  	v4 =	vadd.s32 s16, v6;
	[tilespmem:s11+$0xFFFFA600] =	vst v5;
	v5 =	vld [tilespmem:$0x34C0]  }
0x93a: {  	v6 =	vld [tilespmem:$0x3410]  }
0x93b: {  	v1 =	vld.idx.msk [tilespmem:v1+s5+$0x0], $0xffff;
	[tilespmem:s24+$0xFFFFFFC0] =	vst v3  }
0x93c: {  	[tilespmem:s11+$0xFFFFA5D0] =	vst v7;
	v3 =	vadd.s32 s12, v8;
	v7 =	vld [tilespmem:$0x34B0]  }
0x93d: {  	v8 =	vld [tilespmem:$0x3410]  }
0x93e: {  	v4 =	vld.idx.msk [tilespmem:v4+s5+$0x0], $0xffff;
	[tilespmem:s15+$0xFFFF93E0] =	vst v0;
	v0 =	vadd.s32 s25, v5  }
0x93f: {  	v5 =	vld [tilespmem:$0x33C0];
	v6 =	vadd.s32 s9, v6  }
0x940: {  	v9 =	vld [tilespmem:$0x34F0]  }
0x941: {  	v3 =	vld.idx.msk [tilespmem:v3+s5+$0x0], $0xffff;
	[tilespmem:s29+$0xFFFFCA00] =	vst v1;
	v1 =	vadd.s32 s31, v7  }
0x942: {  	s7 =	sadd.s32 $0x60, s7;
	v7 =	vadd.s32 s8, v8;
	v8 =	vld [tilespmem:$0x3470]  }
0x943: {  	s2 =	sand.u32 $0x1FE0, s7;
	v10 =	vld.idx.msk [tilespmem:v0+s5+$0x0], $0xffff  }
0x944: {  	[tilespmem:s2+$0x4700] =	vst v4;
	v4 =	vadd.s32 s14, v5;
	v5 =	vld.idx.msk [tilespmem:v6+s5+$0x0], $0xffff  }
0x945: {  	v6 =	vld [tilespmem:$0x33C0];
	v0 =	vadd.s32 s26, v9;
	s26 =	smov.u32 s31;
	s31 =	smov.u32 s12;
	s12 =	smov.u32 s8  }
0x946: {  	s8 =	smov.u32 s16;
	v1 =	vld.idx.msk [tilespmem:v1+s5+$0x0], $0xffff  }
0x947: {  	v11 =	vld.idx.msk [tilespmem:v7+s5+$0x0], $0xffff;
	[tilespmem:s29+$0xFFFFC9D0] =	vst v3;
	v12 =	vadd.s32 s30, v8  }
0x948: {  	v13 =	vld [tilespmem:$0x3470]  }
.Ltmp4:
0x949: {  	v8 =	vld.idx.msk [tilespmem:v4+s5+$0x0], $0xffff;
	[tilespmem:s28+$0xFFFFEE00] =	vst v10;
	(pc) =	sbr.rel @p0 .LBB2_3-.Ltmp4, $4  }
0x94a: {  	v9 =	vadd.s32 s8, v6;
	[tilespmem:s11+$0xFFFFB7E0] =	vst v5;
	v3 =	vld [tilespmem:$0x34D0]  }
0x94b: {  	v7 =	vld [tilespmem:$0x3420]  }
0x94c: {  	v5 =	vld.idx.msk [tilespmem:v12+s5+$0x0], $0xffff;
	[tilespmem:s28+$0xFFFFEDC0] =	vst v1  }
0x94d: {  	[tilespmem:s13+$0x6B00] =	vst v11;
	v6 =	vadd.s32 s31, v13;
	v4 =	vld [tilespmem:$0x34C0]  }
0x94e: {  	_ =	sdelay $0x3  }
0x94f: {  	v1 =	vld.idx.msk [tilespmem:v9+s5+$0x0], $0xffff;
	_ =	sdelay $0x4  }
0x950: {  	[tilespmem:s15+$0xFFFF93C0] =	vst v1  }
0x951: {  	v1 =	vld [tilespmem:$0x33D0];
	_ =	sdelay $0x1  }
0x952: {  	[tilespmem:s15+$0xFFFF93F0] =	vst v8  }
0x953: {  	v8 =	vld [tilespmem:$0x33D0];
	_ =	sdelay $0x1  }
0x954: {  	v1 =	vadd.s32 s8, v1;
	_ =	sdelay $0x2  }
0x955: {  	v8 =	vadd.s32 s14, v8;
	_ =	sdelay $0x1  }
0x956: {  	v1 =	vld.idx.msk [tilespmem:v1+s5+$0x0], $0xffff;
	_ =	sdelay $0x2  }
0x957: {  	v8 =	vld.idx.msk [tilespmem:v8+s5+$0x0], $0xffff;
	_ =	sdelay $0x1  }
0x958: {  	[tilespmem:s15+$0xFFFF93D0] =	vst v1  }
0x959: {  	v1 =	vld [tilespmem:$0x33E0];
	_ =	sdelay $0x1  }
0x95a: {  	[tilespmem:s15+$0xFFFF9400] =	vst v8  }
0x95b: {  	v8 =	vld [tilespmem:$0x33E0];
	_ =	sdelay $0x1  }
0x95c: {  	v1 =	vadd.s32 s8, v1;
	_ =	sdelay $0x2  }
0x95d: {  	v8 =	vadd.s32 s14, v8;
	_ =	sdelay $0x1  }
0x95e: {  	v1 =	vld.idx.msk [tilespmem:v1+s5+$0x0], $0xffff;
	_ =	sdelay $0x2  }
0x95f: {  	v8 =	vld.idx.msk [tilespmem:v8+s5+$0x0], $0xffff;
	_ =	sdelay $0x1  }
0x960: {  	[tilespmem:s2+$0x5900] =	vst v1  }
0x961: {  	v1 =	vld [tilespmem:$0x33F0];
	_ =	sdelay $0x1  }
0x962: {  	[tilespmem:s15+$0xFFFFA5E0] =	vst v8  }
0x963: {  	v8 =	vld [tilespmem:$0x33F0];
	_ =	sdelay $0x1  }
0x964: {  	v1 =	vadd.s32 s8, v1;
	_ =	sdelay $0x2  }
0x965: {  	v8 =	vadd.s32 s14, v8;
	_ =	sdelay $0x1  }
0x966: {  	v1 =	vld.idx.msk [tilespmem:v1+s5+$0x0], $0xffff;
	_ =	sdelay $0x2  }
0x967: {  	v8 =	vld.idx.msk [tilespmem:v8+s5+$0x0], $0xffff;
	_ =	sdelay $0x1  }
0x968: {  	[tilespmem:s15+$0xFFFFA5C0] =	vst v1  }
0x969: {  	v1 =	vld [tilespmem:$0x3400];
	_ =	sdelay $0x1  }
0x96a: {  	[tilespmem:s15+$0xFFFFA5F0] =	vst v8  }
0x96b: {  	v8 =	vld [tilespmem:$0x3400];
	_ =	sdelay $0x1  }
0x96c: {  	v1 =	vadd.s32 s8, v1;
	_ =	sdelay $0x2  }
0x96d: {  	v8 =	vadd.s32 s14, v8;
	_ =	sdelay $0x1  }
0x96e: {  	v1 =	vld.idx.msk [tilespmem:v1+s5+$0x0], $0xffff;
	_ =	sdelay $0x2  }
0x96f: {  	v8 =	vld.idx.msk [tilespmem:v8+s5+$0x0], $0xffff;
	_ =	sdelay $0x1  }
0x970: {  	[tilespmem:s15+$0xFFFFA5D0] =	vst v1  }
0x971: {  	v1 =	vld [tilespmem:$0x3410];
	_ =	sdelay $0x1  }
0x972: {  	[tilespmem:s15+$0xFFFFA600] =	vst v8  }
0x973: {  	v8 =	vld [tilespmem:$0x3410];
	_ =	sdelay $0x1  }
0x974: {  	v1 =	vadd.s32 s8, v1;
	_ =	sdelay $0x2  }
0x975: {  	v8 =	vadd.s32 s14, v8;
	_ =	sdelay $0x1  }
0x976: {  	v1 =	vld.idx.msk [tilespmem:v1+s5+$0x0], $0xffff;
	_ =	sdelay $0x1  }
0x977: {  	v7 =	vadd.s32 s9, v7  }
0x978: {  	v8 =	vld.idx.msk [tilespmem:v8+s5+$0x0], $0xffff;
	_ =	sdelay $0x1  }
0x979: {  	v38 =	vld [tilespmem:$0x3420];
	[tilespmem:s2+$0x6B00] =	vst v1  }
0x97a: {  	v1 =	vld [tilespmem:$0x3420]  }
0x97b: {  	v7 =	vld.idx.msk [tilespmem:v7+s5+$0x0], $0xffff  }
0x97c: {  	[tilespmem:s15+$0xFFFFB7E0] =	vst v8  }
0x97d: {  	v8 =	vld [tilespmem:$0x3420]  }
0x97e: {  	v9 =	vadd.s32 s12, v38  }
0x97f: {  	v1 =	vadd.s32 s8, v1  }
0x980: {  	[tilespmem:s11+$0xFFFFB7F0] =	vst v7  }
0x981: {  	v7 =	vld [tilespmem:$0x3430]  }
0x982: {  	v8 =	vadd.s32 s14, v8  }
0x983: {  	v9 =	vld.idx.msk [tilespmem:v9+s5+$0x0], $0xffff  }
0x984: {  	v1 =	vld.idx.msk [tilespmem:v1+s5+$0x0], $0xffff;
	_ =	sdelay $0x1  }
0x985: {  	v7 =	vadd.s32 s9, v7  }
0x986: {  	v8 =	vld.idx.msk [tilespmem:v8+s5+$0x0], $0xffff  }
0x987: {  	[tilespmem:s11+$0xFFFFB7C0] =	vst v9  }
0x988: {  	v9 =	vld [tilespmem:$0x3430];
	[tilespmem:s15+$0xFFFFB7C0] =	vst v1  }
0x989: {  	v1 =	vld [tilespmem:$0x3430]  }
0x98a: {  	v7 =	vld.idx.msk [tilespmem:v7+s5+$0x0], $0xffff  }
0x98b: {  	[tilespmem:s15+$0xFFFFB7F0] =	vst v8  }
0x98c: {  	v8 =	vld [tilespmem:$0x3430]  }
0x98d: {  	v9 =	vadd.s32 s12, v9  }
0x98e: {  	v1 =	vadd.s32 s8, v1  }
0x98f: {  	[tilespmem:s11+$0xFFFFB800] =	vst v7  }
0x990: {  	v7 =	vld [tilespmem:$0x3440]  }
0x991: {  	v8 =	vadd.s32 s14, v8  }
0x992: {  	v9 =	vld.idx.msk [tilespmem:v9+s5+$0x0], $0xffff  }
0x993: {  	v1 =	vld.idx.msk [tilespmem:v1+s5+$0x0], $0xffff;
	_ =	sdelay $0x1  }
0x994: {  	v7 =	vadd.s32 s9, v7  }
0x995: {  	v8 =	vld.idx.msk [tilespmem:v8+s5+$0x0], $0xffff  }
0x996: {  	[tilespmem:s11+$0xFFFFB7D0] =	vst v9  }
0x997: {  	v9 =	vld [tilespmem:$0x3440];
	[tilespmem:s15+$0xFFFFB7D0] =	vst v1  }
0x998: {  	v1 =	vld [tilespmem:$0x3440]  }
0x999: {  	v7 =	vld.idx.msk [tilespmem:v7+s5+$0x0], $0xffff  }
0x99a: {  	[tilespmem:s15+$0xFFFFB800] =	vst v8  }
0x99b: {  	v8 =	vld [tilespmem:$0x3440]  }
0x99c: {  	v9 =	vadd.s32 s12, v9  }
0x99d: {  	v1 =	vadd.s32 s8, v1  }
0x99e: {  	[tilespmem:s11+$0xFFFFC9E0] =	vst v7  }
0x99f: {  	v7 =	vld [tilespmem:$0x3450]  }
0x9a0: {  	v8 =	vadd.s32 s14, v8  }
0x9a1: {  	v9 =	vld.idx.msk [tilespmem:v9+s5+$0x0], $0xffff  }
0x9a2: {  	v1 =	vld.idx.msk [tilespmem:v1+s5+$0x0], $0xffff;
	_ =	sdelay $0x1  }
0x9a3: {  	v7 =	vadd.s32 s9, v7  }
0x9a4: {  	v8 =	vld.idx.msk [tilespmem:v8+s5+$0x0], $0xffff  }
0x9a5: {  	[tilespmem:s13+$0x7D00] =	vst v9  }
0x9a6: {  	v9 =	vld [tilespmem:$0x3450];
	[tilespmem:s2+$0x7D00] =	vst v1  }
0x9a7: {  	v1 =	vld [tilespmem:$0x3450]  }
0x9a8: {  	v7 =	vld.idx.msk [tilespmem:v7+s5+$0x0], $0xffff  }
0x9a9: {  	[tilespmem:s15+$0xFFFFC9E0] =	vst v8  }
0x9aa: {  	v8 =	vld [tilespmem:$0x3450]  }
0x9ab: {  	v9 =	vadd.s32 s12, v9  }
0x9ac: {  	v1 =	vadd.s32 s8, v1  }
0x9ad: {  	[tilespmem:s11+$0xFFFFC9F0] =	vst v7  }
0x9ae: {  	v7 =	vld [tilespmem:$0x3460]  }
0x9af: {  	v8 =	vadd.s32 s14, v8  }
0x9b0: {  	v9 =	vld.idx.msk [tilespmem:v9+s5+$0x0], $0xffff  }
0x9b1: {  	v1 =	vld.idx.msk [tilespmem:v1+s5+$0x0], $0xffff;
	_ =	sdelay $0x1  }
0x9b2: {  	v7 =	vadd.s32 s9, v7  }
0x9b3: {  	v8 =	vld.idx.msk [tilespmem:v8+s5+$0x0], $0xffff  }
0x9b4: {  	[tilespmem:s11+$0xFFFFC9C0] =	vst v9  }
0x9b5: {  	v9 =	vld [tilespmem:$0x3460];
	[tilespmem:s15+$0xFFFFC9C0] =	vst v1  }
0x9b6: {  	v1 =	vld [tilespmem:$0x3460]  }
0x9b7: {  	v7 =	vld.idx.msk [tilespmem:v7+s5+$0x0], $0xffff  }
0x9b8: {  	[tilespmem:s15+$0xFFFFC9F0] =	vst v8  }
0x9b9: {  	v8 =	vld [tilespmem:$0x3460]  }
0x9ba: {  	v9 =	vadd.s32 s12, v9  }
0x9bb: {  	v1 =	vadd.s32 s8, v1  }
0x9bc: {  	v6 =	vld.idx.msk [tilespmem:v6+s5+$0x0], $0xffff;
	[tilespmem:s11+$0xFFFFCA00] =	vst v7  }
0x9bd: {  	v7 =	vld [tilespmem:$0x3470]  }
0x9be: {  	v8 =	vadd.s32 s14, v8  }
0x9bf: {  	v9 =	vld.idx.msk [tilespmem:v9+s5+$0x0], $0xffff  }
0x9c0: {  	v1 =	vld.idx.msk [tilespmem:v1+s5+$0x0], $0xffff  }
0x9c1: {  	[tilespmem:s6+$0x8F00] =	vst v6  }
0x9c2: {  	v6 =	vld [tilespmem:$0x3480];
	v7 =	vadd.s32 s9, v7  }
0x9c3: {  	v8 =	vld.idx.msk [tilespmem:v8+s5+$0x0], $0xffff  }
0x9c4: {  	[tilespmem:s11+$0xFFFFC9D0] =	vst v9  }
0x9c5: {  	v9 =	vld [tilespmem:$0x3470];
	[tilespmem:s15+$0xFFFFC9D0] =	vst v1  }
0x9c6: {  	v1 =	vld [tilespmem:$0x3470]  }
0x9c7: {  	v6 =	vadd.s32 s31, v6;
	v7 =	vld.idx.msk [tilespmem:v7+s5+$0x0], $0xffff  }
0x9c8: {  	[tilespmem:s15+$0xFFFFCA00] =	vst v8  }
0x9c9: {  	v8 =	vld [tilespmem:$0x3470]  }
0x9ca: {  	v9 =	vadd.s32 s12, v9  }
0x9cb: {  	v1 =	vadd.s32 s8, v1  }
0x9cc: {  	v6 =	vld.idx.msk [tilespmem:v6+s5+$0x0], $0xffff;
	[tilespmem:s11+$0xFFFFDBE0] =	vst v7  }
0x9cd: {  	v7 =	vld [tilespmem:$0x3480]  }
0x9ce: {  	v8 =	vadd.s32 s14, v8  }
0x9cf: {  	v9 =	vld.idx.msk [tilespmem:v9+s5+$0x0], $0xffff  }
0x9d0: {  	[tilespmem:s29+$0xFFFFDBE0] =	vst v5;
	v1 =	vld.idx.msk [tilespmem:v1+s5+$0x0], $0xffff  }
0x9d1: {  	v5 =	vld [tilespmem:$0x3480];
	[tilespmem:s29+$0xFFFFDBC0] =	vst v6  }
0x9d2: {  	v6 =	vld [tilespmem:$0x3490];
	v7 =	vadd.s32 s9, v7  }
0x9d3: {  	v8 =	vld.idx.msk [tilespmem:v8+s5+$0x0], $0xffff  }
0x9d4: {  	[tilespmem:s13+$0x8F00] =	vst v9  }
0x9d5: {  	v9 =	vld [tilespmem:$0x3480];
	[tilespmem:s2+$0x8F00] =	vst v1  }
0x9d6: {  	v1 =	vadd.s32 s30, v5;
	v39 =	vld [tilespmem:$0x3480]  }
0x9d7: {  	v6 =	vadd.s32 s31, v6;
	v7 =	vld.idx.msk [tilespmem:v7+s5+$0x0], $0xffff  }
0x9d8: {  	[tilespmem:s15+$0xFFFFDBE0] =	vst v8  }
0x9d9: {  	v8 =	vld [tilespmem:$0x3480]  }
0x9da: {  	v9 =	vadd.s32 s12, v9  }
0x9db: {  	v1 =	vld.idx.msk [tilespmem:v1+s5+$0x0], $0xffff;
	v5 =	vadd.s32 s8, v39  }
0x9dc: {  	v6 =	vld.idx.msk [tilespmem:v6+s5+$0x0], $0xffff;
	[tilespmem:s11+$0xFFFFDBF0] =	vst v7  }
0x9dd: {  	v7 =	vld [tilespmem:$0x3490]  }
0x9de: {  	v8 =	vadd.s32 s14, v8  }
0x9df: {  	v9 =	vld.idx.msk [tilespmem:v9+s5+$0x0], $0xffff  }
0x9e0: {  	[tilespmem:s29+$0xFFFFDBF0] =	vst v1;
	v1 =	vld.idx.msk [tilespmem:v5+s5+$0x0], $0xffff  }
0x9e1: {  	[tilespmem:s29+$0xFFFFDBD0] =	vst v6;
	v40 =	vld [tilespmem:$0x3490]  }
0x9e2: {  	v6 =	vld [tilespmem:$0x34A0];
	v7 =	vadd.s32 s9, v7  }
0x9e3: {  	v8 =	vld.idx.msk [tilespmem:v8+s5+$0x0], $0xffff  }
0x9e4: {  	[tilespmem:s11+$0xFFFFDBC0] =	vst v9  }
0x9e5: {  	v9 =	vld [tilespmem:$0x3490];
	[tilespmem:s15+$0xFFFFDBC0] =	vst v1  }
0x9e6: {  	v1 =	vadd.s32 s30, v40;
	v41 =	vld [tilespmem:$0x3490]  }
0x9e7: {  	v6 =	vadd.s32 s31, v6;
	v7 =	vld.idx.msk [tilespmem:v7+s5+$0x0], $0xffff  }
0x9e8: {  	[tilespmem:s15+$0xFFFFDBF0] =	vst v8  }
0x9e9: {  	v8 =	vld [tilespmem:$0x3490]  }
0x9ea: {  	v9 =	vadd.s32 s12, v9  }
0x9eb: {  	v1 =	vld.idx.msk [tilespmem:v1+s5+$0x0], $0xffff;
	v5 =	vadd.s32 s8, v41  }
0x9ec: {  	v6 =	vld.idx.msk [tilespmem:v6+s5+$0x0], $0xffff;
	[tilespmem:s11+$0xFFFFDC00] =	vst v7  }
0x9ed: {  	v7 =	vld [tilespmem:$0x34A0]  }
0x9ee: {  	v8 =	vadd.s32 s14, v8  }
0x9ef: {  	v9 =	vld.idx.msk [tilespmem:v9+s5+$0x0], $0xffff  }
0x9f0: {  	[tilespmem:s29+$0xFFFFDC00] =	vst v1;
	v1 =	vld.idx.msk [tilespmem:v5+s5+$0x0], $0xffff  }
0x9f1: {  	[tilespmem:s6+$0xA100] =	vst v6;
	v42 =	vld [tilespmem:$0x34A0]  }
0x9f2: {  	v6 =	vld [tilespmem:$0x34B0];
	v7 =	vadd.s32 s9, v7  }
0x9f3: {  	v8 =	vld.idx.msk [tilespmem:v8+s5+$0x0], $0xffff  }
0x9f4: {  	[tilespmem:s11+$0xFFFFDBD0] =	vst v9  }
0x9f5: {  	v4 =	vadd.s32 s26, v4;
	v9 =	vld [tilespmem:$0x34A0];
	[tilespmem:s15+$0xFFFFDBD0] =	vst v1  }
0x9f6: {  	v1 =	vadd.s32 s30, v42;
	v43 =	vld [tilespmem:$0x34A0]  }
0x9f7: {  	v6 =	vadd.s32 s31, v6;
	v7 =	vld.idx.msk [tilespmem:v7+s5+$0x0], $0xffff  }
0x9f8: {  	[tilespmem:s15+$0xFFFFDC00] =	vst v8  }
0x9f9: {  	v8 =	vld [tilespmem:$0x34A0]  }
0x9fa: {  	v4 =	vld.idx.msk [tilespmem:v4+s5+$0x0], $0xffff;
	v44 =	vadd.s32 s12, v9  }
0x9fb: {  	v1 =	vld.idx.msk [tilespmem:v1+s5+$0x0], $0xffff;
	v5 =	vadd.s32 s8, v43  }
0x9fc: {  	v6 =	vld.idx.msk [tilespmem:v6+s5+$0x0], $0xffff;
	[tilespmem:s11+$0xFFFFEDE0] =	vst v7  }
0x9fd: {  	v7 =	vld [tilespmem:$0x34B0]  }
0x9fe: {  	v8 =	vadd.s32 s14, v8  }
0x9ff: {  	[tilespmem:s28+$0xFFFFEDD0] =	vst v4;
	v4 =	vld.idx.msk [tilespmem:v44+s5+$0x0], $0xffff  }
0xa00: {  	[tilespmem:s29+$0xFFFFEDE0] =	vst v1;
	v1 =	vld.idx.msk [tilespmem:v5+s5+$0x0], $0xffff  }
0xa01: {  	[tilespmem:s29+$0xFFFFEDC0] =	vst v6;
	v47 =	vld [tilespmem:$0x34B0]  }
0xa02: {  	v6 =	vld [tilespmem:$0x34C0];
	v7 =	vadd.s32 s9, v7  }
0xa03: {  	v8 =	vld.idx.msk [tilespmem:v8+s5+$0x0], $0xffff  }
0xa04: {  	[tilespmem:s13+$0xA100] =	vst v4  }
0xa05: {  	v3 =	vadd.s32 s25, v3;
	v4 =	vld [tilespmem:$0x34B0];
	[tilespmem:s2+$0xA100] =	vst v1  }
0xa06: {  	v1 =	vadd.s32 s30, v47;
	v51 =	vld [tilespmem:$0x34B0]  }
0xa07: {  	v6 =	vadd.s32 s31, v6;
	v7 =	vld.idx.msk [tilespmem:v7+s5+$0x0], $0xffff  }
0xa08: {  	[tilespmem:s15+$0xFFFFEDE0] =	vst v8  }
0xa09: {  	v50 =	vld [tilespmem:$0x34B0]  }
0xa0a: {  	v3 =	vld.idx.msk [tilespmem:v3+s5+$0x0], $0xffff;
	v4 =	vadd.s32 s12, v4  }
0xa0b: {  	v1 =	vld.idx.msk [tilespmem:v1+s5+$0x0], $0xffff;
	v5 =	vadd.s32 s8, v51  }
0xa0c: {  	v6 =	vld.idx.msk [tilespmem:v6+s5+$0x0], $0xffff;
	[tilespmem:s11+$0xFFFFEDF0] =	vst v7  }
0xa0d: {  	v7 =	vld [tilespmem:$0x34C0]  }
0xa0e: {  	v9 =	vadd.s32 s14, v50  }
0xa0f: {  	v4 =	vld.idx.msk [tilespmem:v4+s5+$0x0], $0xffff  }
0xa10: {  	[tilespmem:s29+$0xFFFFEDF0] =	vst v1;
	v1 =	vld.idx.msk [tilespmem:v5+s5+$0x0], $0xffff  }
0xa11: {  	[tilespmem:s29+$0xFFFFEDD0] =	vst v6;
	v52 =	vld [tilespmem:$0x34C0]  }
0xa12: {  	[tilespmem:s28+$0xFFFFFFE0] =	vst v3;
	v6 =	vld [tilespmem:$0x34D0];
	v3 =	vadd.s32 s9, v7  }
0xa13: {  	v9 =	vld.idx.msk [tilespmem:v9+s5+$0x0], $0xffff  }
0xa14: {  	[tilespmem:s11+$0xFFFFEDC0] =	vst v4  }
0xa15: {  	v4 =	vld [tilespmem:$0x34C0];
	[tilespmem:s15+$0xFFFFEDC0] =	vst v1  }
0xa16: {  	v1 =	vadd.s32 s30, v52;
	v53 =	vld [tilespmem:$0x34C0]  }
0xa17: {  	v6 =	vadd.s32 s31, v6;
	v3 =	vld.idx.msk [tilespmem:v3+s5+$0x0], $0xffff  }
0xa18: {  	[tilespmem:s15+$0xFFFFEDF0] =	vst v9  }
0xa19: {  	v9 =	vld [tilespmem:$0x34C0]  }
0xa1a: {  	v4 =	vadd.s32 s12, v4  }
0xa1b: {  	v1 =	vld.idx.msk [tilespmem:v1+s5+$0x0], $0xffff;
	v5 =	vadd.s32 s8, v53  }
0xa1c: {  	v6 =	vld.idx.msk [tilespmem:v6+s5+$0x0], $0xffff;
	[tilespmem:s11+$0xFFFFEE00] =	vst v3  }
0xa1d: {  	v3 =	vld [tilespmem:$0x34D0]  }
0xa1e: {  	v46 =	vld [tilespmem:$0x34D0];
	v9 =	vadd.s32 s14, v9  }
0xa1f: {  	v4 =	vld.idx.msk [tilespmem:v4+s5+$0x0], $0xffff  }
0xa20: {  	[tilespmem:s29+$0xFFFFEE00] =	vst v1;
	v1 =	vld.idx.msk [tilespmem:v5+s5+$0x0], $0xffff  }
0xa21: {  	[tilespmem:s6+$0xB300] =	vst v6;
	v55 =	vld [tilespmem:$0x34D0]  }
0xa22: {  	v6 =	vld [tilespmem:$0x34E0];
	v3 =	vadd.s32 s9, v3  }
0xa23: {  	v49 =	vadd.s32 s26, v46;
	v9 =	vld.idx.msk [tilespmem:v9+s5+$0x0], $0xffff  }
0xa24: {  	[tilespmem:s11+$0xFFFFEDD0] =	vst v4  }
0xa25: {  	v57 =	vld [tilespmem:$0x34D0];
	[tilespmem:s15+$0xFFFFEDD0] =	vst v1  }
0xa26: {  	v1 =	vadd.s32 s30, v55;
	v58 =	vld [tilespmem:$0x34D0]  }
0xa27: {  	v6 =	vadd.s32 s31, v6;
	v3 =	vld.idx.msk [tilespmem:v3+s5+$0x0], $0xffff  }
0xa28: {  	v8 =	vld.idx.msk [tilespmem:v49+s5+$0x0], $0xffff;
	[tilespmem:s15+$0xFFFFEE00] =	vst v9  }
0xa29: {  	v9 =	vld [tilespmem:$0x34D0]  }
0xa2a: {  	v54 =	vld [tilespmem:$0x34E0];
	v7 =	vadd.s32 s12, v57  }
0xa2b: {  	v1 =	vld.idx.msk [tilespmem:v1+s5+$0x0], $0xffff;
	v5 =	vadd.s32 s8, v58  }
0xa2c: {  	v6 =	vld.idx.msk [tilespmem:v6+s5+$0x0], $0xffff;
	[tilespmem:s11+$0xFFFFFFE0] =	vst v3  }
0xa2d: {  	v3 =	vld [tilespmem:$0x34E0];
	[tilespmem:s1+$0xB300] =	vst v8  }
0xa2e: {  	v8 =	vld [tilespmem:$0x34E0];
	v9 =	vadd.s32 s14, v9  }
0xa2f: {  	v56 =	vadd.s32 s25, v54;
	v7 =	vld.idx.msk [tilespmem:v7+s5+$0x0], $0xffff  }
0xa30: {  	[tilespmem:s29+$0xFFFFFFE0] =	vst v1;
	v1 =	vld.idx.msk [tilespmem:v5+s5+$0x0], $0xffff  }
0xa31: {  	[tilespmem:s29+$0xFFFFFFC0] =	vst v6;
	v59 =	vld [tilespmem:$0x34E0]  }
0xa32: {  	v6 =	vld [tilespmem:$0x34F0];
	v3 =	vadd.s32 s9, v3  }
0xa33: {  	v8 =	vadd.s32 s26, v8;
	v9 =	vld.idx.msk [tilespmem:v9+s5+$0x0], $0xffff  }
0xa34: {  	v4 =	vld.idx.msk [tilespmem:v56+s5+$0x0], $0xffff;
	[tilespmem:s13+$0xB300] =	vst v7  }
0xa35: {  	v7 =	vld [tilespmem:$0x34E0];
	[tilespmem:s2+$0xB300] =	vst v1  }
0xa36: {  	v1 =	vadd.s32 s30, v59;
	v60 =	vld [tilespmem:$0x34E0]  }
0xa37: {  	v3 =	vld.idx.msk [tilespmem:v3+s5+$0x0], $0xffff  }
0xa38: {  	v8 =	vld.idx.msk [tilespmem:v8+s5+$0x0], $0xffff;
	[tilespmem:s15+$0xFFFFFFE0] =	vst v9  }
0xa39: {  	[tilespmem:s28+$0xFFFFFFF0] =	vst v4;
	v9 =	vld [tilespmem:$0x34E0]  }
0xa3a: {  	v4 =	vld [tilespmem:$0x34F0];
	v7 =	vadd.s32 s12, v7  }
0xa3b: {  	v1 =	vld.idx.msk [tilespmem:v1+s5+$0x0], $0xffff;
	v5 =	vadd.s32 s8, v60  }
0xa3c: {  	[tilespmem:s11+$0xFFFFFFF0] =	vst v3  }
0xa3d: {  	v3 =	vld [tilespmem:$0x34F0];
	[tilespmem:s28+$0xFFFFFFC0] =	vst v8  }
0xa3e: {  	v8 =	vld [tilespmem:$0x34F0];
	v9 =	vadd.s32 s14, v9  }
0xa3f: {  	v6 =	vadd.s32 s31, v6;
	v7 =	vld.idx.msk [tilespmem:v7+s5+$0x0], $0xffff  }
0xa40: {  	v4 =	vadd.s32 s25, v4;
	[tilespmem:s29+$0xFFFFFFF0] =	vst v1;
	v1 =	vld.idx.msk [tilespmem:v5+s5+$0x0], $0xffff  }
0xa41: {  	v61 =	vld [tilespmem:$0x34F0]  }
0xa42: {  	v0 =	vld.idx.msk [tilespmem:v0+s5+$0x0], $0xffff;
	v3 =	vadd.s32 s9, v3  }
0xa43: {  	v8 =	vadd.s32 s26, v8;
	v9 =	vld.idx.msk [tilespmem:v9+s5+$0x0], $0xffff  }
0xa44: {  	v6 =	vld.idx.msk [tilespmem:v6+s5+$0x0], $0xffff  }
0xa45: {  	v4 =	vld.idx.msk [tilespmem:v4+s5+$0x0], $0xffff;
	[tilespmem:s11+$0xFFFFFFC0] =	vst v7  }
0xa46: {  	v7 =	vld [tilespmem:$0x34F0];
	[tilespmem:s15+$0xFFFFFFC0] =	vst v1;
	v1 =	vadd.s32 s30, v61  }
0xa47: {  	[tilespmem:s24+$0xFFFFFFD0] =	vst v0;
	v0 =	vld.idx.msk [tilespmem:v3+s5+$0x0], $0xffff  }
0xa48: {  	v8 =	vld.idx.msk [tilespmem:v8+s5+$0x0], $0xffff;
	[tilespmem:s15+$0xFFFFFFF0] =	vst v9  }
0xa49: {  	v9 =	vld [tilespmem:$0x34F0]  }
0xa4a: {  	v62 =	vld [tilespmem:$0x34F0]  }
0xa4b: {  	v1 =	vld.idx.msk [tilespmem:v1+s5+$0x0], $0xffff  }
0xa4c: {  	[tilespmem:s28+$0x0] =	vst v4  }
0xa4d: {  	[tilespmem:s28+$0xFFFFFFD0] =	vst v8  }
0xa4e: {  	v7 =	vadd.s32 s12, v7;
	s1 =	rddreg [dreg:$0x13];
	[tilespmem:s29+$0xFFFFFFD0] =	vst v6  }
0xa4f: {  	v9 =	vadd.s32 s14, v9;
	[tilespmem:s11+$0x0] =	vst v0  }
0xa50: {  	s2 =	smul.u32 $0x30, s1;
	v5 =	vadd.s32 s8, v62;
	[tilespmem:s29+$0x0] =	vst v1  }
0xa51: {  	s3 =	rddreg [dreg:$0x3]  }
0xa52: {  	s6 =	sadd.s32 $0x30, s2;
	s1 =	rddreg [dreg:$0x6]  }
0xa53: {  	v3 =	vld.idx.msk [tilespmem:v7+s5+$0x0], $0xffff;
	p0 =	sgt.s32 s2, s3;
	p1 =	slt.s32 s6, s1  }
0xa54: {  	v63 =	vld.idx.msk [tilespmem:v9+s5+$0x0], $0xffff;
	s3 =	smov.u32 @p0 s2;
	s1 =	smov.u32 @p1 s6  }
0xa55: {  	v1 =	vld.idx.msk [tilespmem:v5+s5+$0x0], $0xffff;
	p0 =	sge.u32 s3, s1  }
.Ltmp5:
0xa56: {  	_ = 	snop;
	(pc) =	sbr.rel @p0 .LBB2_5-.Ltmp5, $4  }
0xa57: {  	_ = 	snop  }
0xa58: {  	[tilespmem:s11+$0xFFFFFFD0] =	vst v3  }
0xa59: {  	[tilespmem:s15+$0x0] =	vst v63  }
0xa5a: {  	[tilespmem:s15+$0xFFFFFFD0] =	vst v1  }
0xa5b: {  	s4 =	sshra.s32 s4, $0x2  }
0xa5c: {  	v0 =	vmov s4  }
0xa5d: {  	s14 =	rddreg [dreg:$0xd]  }
0xa5e: {  	s13 =	rddreg [dreg:$0x1]  }
0xa5f: {  	s1 =	ssub.s32 s1, s2;
	s2 =	ssub.s32 s3, s2;
	s15 =	rddreg [dreg:$0x10]  }
0xa60: {  	s3 =	smul.u32 $0x510000, s22;
	s16 =	rddreg [dreg:$0x12];
	s4 =	smov.u32 s14  }
.LBB2_7:
0xa61: {  	s6 =	smulhi.u32 $0x55555556, s15;
	s7 =	ssub.s32 $0x30, s2  }
0xa62: {  	s8 =	sshra.s32 s15, $0x1F;
	s7 =	smul.u32 $0x30, s7  }
0xa63: {  	s8 =	smul.u32 $0x55555556, s8;
	_ =	sdelay $0x1  }
0xa64: {  	s7 =	sand.u32 $0x70, s7;
	s6 =	sadd.s32 s8, s6  }
0xa65: {  	p0 =	slt.s32 s15, $0x3;
	s7 =	sor.u32 $0x3500, s7;
	s8 =	sshrl.u32 s6, $0x1F  }
0xa66: {  	s9 =	simm.s32 @!p0 $0x1;
	v3 =	vmov s7;
	s6 =	sadd.s32 s8, s6  }
0xa67: {  	_ =	swait.ge @!p0 [sflag:s9], $0x4800;
	s6 =	smul.u32 $0x3, s6  }
0xa68: {  	s22 =	sadd.s32 $0xFFFFFF80, s0;
	[sflag:s9] =	ssyncset.done @!p0 $0x0  }
0xa69: {  	s23 =	sadd.s32 $0x980, s22;
	[sflag:s9] =	ssyncadd.s32 @!p0 $0xFFFFB800;
	s6 =	ssub.s32 s15, s6  }
0xa6a: {  	v1 =	vld.idx.msk [tilespmem:v0+s4+$0xFFFF81A0 ss:$0x1], $0xffff;
	s7 =	sand.u32 $0xFFFFFF80, s23;
	p0 =	slt.s32 s6, $0x0;
	s9 =	sadd.s32 $0x3, s6  }
0xa6b: {  	v4 =	vld.idx.msk [tilespmem:v3+s7+$0x0 ss:$0x1], $0xffff;
	s6 =	smov.u32 @p0 s9  }
0xa6c: {  	v5 =	vld.idx.msk [tilespmem:v0+s4+$0xFFFF81B0 ss:$0x1], $0xffff;
	s6 =	smul.u32 $0x12000, s6  }
0xa6d: {  	v6 =	vld.idx.msk [tilespmem:v0+s4+$0xFFFF81C0 ss:$0x1], $0xffff  }
0xa6e: {  	v7 =	vld.idx.msk [tilespmem:v0+s4+$0xFFFF81D0 ss:$0x1], $0xffff;
	s24 =	sshra.s32 s6, $0x2  }
0xa6f: {  	v8 =	vld.idx.msk [tilespmem:v0+s4+$0xFFFF81E0 ss:$0x1], $0xffff;
	s6 =	sadd.s32 $0xC700, s24  }
0xa70: {  	s25 =	sadd.s32 $0x1B80, s22;
	v9 =	vld.idx.msk [tilespmem:v0+s4+$0xFFFF81F0 ss:$0x1], $0xffff;
	[tilespmem:s6+$0xFFFFFE00] =	vst v4  }
0xa71: {  	s9 =	sand.u32 $0xFFFFFF80, s25;
	v4 =	vld.idx.msk [tilespmem:v0+s4+$0xFFFF8200 ss:$0x1], $0xffff;
	[tilespmem:s6+$0xFFFFFE10] =	vst v1  }
0xa72: {  	[tilespmem:s6+$0xFFFFFE20] =	vst v5;
	v10 =	vld.idx.msk [tilespmem:v3+s9+$0x0 ss:$0x1], $0xffff  }
0xa73: {  	[tilespmem:s6+$0xFFFFFE30] =	vst v6;
	v1 =	vld.idx.msk [tilespmem:v0+s4+$0xFFFF93A0 ss:$0x1], $0xffff  }
0xa74: {  	[tilespmem:s6+$0xFFFFFE40] =	vst v7;
	v5 =	vld.idx.msk [tilespmem:v0+s4+$0xFFFF93B0 ss:$0x1], $0xffff  }
0xa75: {  	[tilespmem:s6+$0xFFFFFE50] =	vst v8;
	v6 =	vld.idx.msk [tilespmem:v0+s4+$0xFFFF93C0 ss:$0x1], $0xffff  }
0xa76: {  	[tilespmem:s6+$0xFFFFFE60] =	vst v9;
	v7 =	vld.idx.msk [tilespmem:v0+s4+$0xFFFF93D0 ss:$0x1], $0xffff  }
0xa77: {  	v8 =	vld.idx.msk [tilespmem:v0+s4+$0xFFFF93E0 ss:$0x1], $0xffff;
	[tilespmem:s6+$0xFFFFFE70] =	vst v4  }
0xa78: {  	s26 =	sadd.s32 $0x2D80, s22;
	v9 =	vld.idx.msk [tilespmem:v0+s4+$0xFFFF93F0 ss:$0x1], $0xffff;
	[tilespmem:s6+$0xFFFFFE80] =	vst v10  }
0xa79: {  	s9 =	sand.u32 $0xFFFFFF80, s26;
	[tilespmem:s6+$0xFFFFFE90] =	vst v1;
	v1 =	vld.idx.msk [tilespmem:v0+s4+$0xFFFF9400 ss:$0x1], $0xffff  }
0xa7a: {  	v10 =	vld.idx.msk [tilespmem:v3+s9+$0x0 ss:$0x1], $0xffff  }
0xa7b: {  	[tilespmem:s6+$0xFFFFFEA0] =	vst v5;
	v4 =	vld.idx.msk [tilespmem:v0+s4+$0xFFFFA5A0 ss:$0x1], $0xffff  }
0xa7c: {  	[tilespmem:s6+$0xFFFFFEB0] =	vst v6;
	v5 =	vld.idx.msk [tilespmem:v0+s4+$0xFFFFA5B0 ss:$0x1], $0xffff  }
0xa7d: {  	[tilespmem:s6+$0xFFFFFEC0] =	vst v7;
	v6 =	vld.idx.msk [tilespmem:v0+s4+$0xFFFFA5C0 ss:$0x1], $0xffff  }
0xa7e: {  	[tilespmem:s6+$0xFFFFFED0] =	vst v8;
	v7 =	vld.idx.msk [tilespmem:v0+s4+$0xFFFFA5D0 ss:$0x1], $0xffff  }
0xa7f: {  	[tilespmem:s6+$0xFFFFFEE0] =	vst v9;
	v8 =	vld.idx.msk [tilespmem:v0+s4+$0xFFFFA5E0 ss:$0x1], $0xffff  }
0xa80: {  	s28 =	sadd.s32 $0x3F80, s22;
	v9 =	vld.idx.msk [tilespmem:v0+s4+$0xFFFFA5F0 ss:$0x1], $0xffff;
	[tilespmem:s6+$0xFFFFFEF0] =	vst v1  }
0xa81: {  	s9 =	sand.u32 $0xFFFFFF80, s28;
	[tilespmem:s6+$0xFFFFFF00] =	vst v10;
	v1 =	vld.idx.msk [tilespmem:v0+s4+$0xFFFFA600 ss:$0x1], $0xffff  }
0xa82: {  	[tilespmem:s6+$0xFFFFFF10] =	vst v4;
	v10 =	vld.idx.msk [tilespmem:v3+s9+$0x0 ss:$0x1], $0xffff  }
0xa83: {  	[tilespmem:s6+$0xFFFFFF20] =	vst v5;
	v4 =	vld.idx.msk [tilespmem:v0+s4+$0xFFFFB7A0 ss:$0x1], $0xffff  }
0xa84: {  	[tilespmem:s6+$0xFFFFFF30] =	vst v6;
	v5 =	vld.idx.msk [tilespmem:v0+s4+$0xFFFFB7B0 ss:$0x1], $0xffff  }
0xa85: {  	[tilespmem:s6+$0xFFFFFF40] =	vst v7;
	v6 =	vld.idx.msk [tilespmem:v0+s4+$0xFFFFB7C0 ss:$0x1], $0xffff  }
0xa86: {  	[tilespmem:s6+$0xFFFFFF50] =	vst v8;
	v7 =	vld.idx.msk [tilespmem:v0+s4+$0xFFFFB7D0 ss:$0x1], $0xffff  }
0xa87: {  	[tilespmem:s6+$0xFFFFFF60] =	vst v9;
	v8 =	vld.idx.msk [tilespmem:v0+s4+$0xFFFFB7E0 ss:$0x1], $0xffff  }
0xa88: {  	s29 =	sadd.s32 $0x5180, s22;
	v9 =	vld.idx.msk [tilespmem:v0+s4+$0xFFFFB7F0 ss:$0x1], $0xffff;
	[tilespmem:s6+$0xFFFFFF70] =	vst v1  }
0xa89: {  	s9 =	sand.u32 $0xFFFFFF80, s29;
	[tilespmem:s6+$0xFFFFFF80] =	vst v10;
	v1 =	vld.idx.msk [tilespmem:v0+s4+$0xFFFFB800 ss:$0x1], $0xffff  }
0xa8a: {  	[tilespmem:s6+$0xFFFFFF90] =	vst v4;
	v10 =	vld.idx.msk [tilespmem:v3+s9+$0x0 ss:$0x1], $0xffff  }
0xa8b: {  	[tilespmem:s6+$0xFFFFFFA0] =	vst v5;
	v4 =	vld.idx.msk [tilespmem:v0+s4+$0xFFFFC9A0 ss:$0x1], $0xffff  }
0xa8c: {  	[tilespmem:s6+$0xFFFFFFB0] =	vst v6;
	v5 =	vld.idx.msk [tilespmem:v0+s4+$0xFFFFC9B0 ss:$0x1], $0xffff  }
0xa8d: {  	[tilespmem:s6+$0xFFFFFFC0] =	vst v7;
	v6 =	vld.idx.msk [tilespmem:v0+s4+$0xFFFFC9C0 ss:$0x1], $0xffff  }
0xa8e: {  	[tilespmem:s6+$0xFFFFFFD0] =	vst v8;
	v7 =	vld.idx.msk [tilespmem:v0+s4+$0xFFFFC9D0 ss:$0x1], $0xffff  }
0xa8f: {  	s30 =	sadd.s32 $0x6380, s22;
	[tilespmem:s6+$0xFFFFFFE0] =	vst v9;
	v8 =	vld.idx.msk [tilespmem:v0+s4+$0xFFFFC9E0 ss:$0x1], $0xffff  }
0xa90: {  	s9 =	sand.u32 $0xFFFFFF80, s30;
	v9 =	vld.idx.msk [tilespmem:v0+s4+$0xFFFFC9F0 ss:$0x1], $0xffff;
	[tilespmem:s6+$0x0] =	vst v10  }
0xa91: {  	[tilespmem:s6+$0xFFFFFFF0] =	vst v1;
	v10 =	vld.idx.msk [tilespmem:v3+s9+$0x0 ss:$0x1], $0xffff  }
0xa92: {  	[tilespmem:s6+$0x10] =	vst v4;
	v1 =	vld.idx.msk [tilespmem:v0+s4+$0xFFFFCA00 ss:$0x1], $0xffff  }
0xa93: {  	[tilespmem:s6+$0x20] =	vst v5;
	v4 =	vld.idx.msk [tilespmem:v0+s4+$0xFFFFDBA0 ss:$0x1], $0xffff  }
0xa94: {  	[tilespmem:s6+$0x30] =	vst v6;
	v5 =	vld.idx.msk [tilespmem:v0+s4+$0xFFFFDBB0 ss:$0x1], $0xffff  }
0xa95: {  	s31 =	sadd.s32 $0x7580, s22;
	[tilespmem:s6+$0x40] =	vst v7;
	v6 =	vld.idx.msk [tilespmem:v0+s4+$0xFFFFDBC0 ss:$0x1], $0xffff  }
0xa96: {  	s9 =	sand.u32 $0xFFFFFF80, s31;
	v11 =	vld.idx.msk [tilespmem:v0+s4+$0xFFFFDBD0 ss:$0x1], $0xffff;
	[tilespmem:s6+$0x80] =	vst v10  }
0xa97: {  	[tilespmem:s6+$0x50] =	vst v8;
	v10 =	vld.idx.msk [tilespmem:v3+s9+$0x0 ss:$0x1], $0xffff  }
0xa98: {  	[tilespmem:s6+$0x60] =	vst v9;
	v12 =	vld.idx.msk [tilespmem:v0+s4+$0xFFFFDBE0 ss:$0x1], $0xffff  }
0xa99: {  	v13 =	vld.idx.msk [tilespmem:v0+s4+$0xFFFFDBF0 ss:$0x1], $0xffff;
	[tilespmem:s6+$0x70] =	vst v1  }
0xa9a: {  	[tilespmem:s6+$0x90] =	vst v4;
	v1 =	vld.idx.msk [tilespmem:v0+s4+$0xFFFFDC00 ss:$0x1], $0xffff  }
0xa9b: {  	s8 =	sadd.s32 $0x8780, s22;
	[tilespmem:s6+$0xA0] =	vst v5;
	v4 =	vld.idx.msk [tilespmem:v0+s4+$0xFFFFEDA0 ss:$0x1], $0xffff  }
0xa9c: {  	s8 =	sand.u32 $0xFFFFFF80, s8;
	v7 =	vld.idx.msk [tilespmem:v0+s4+$0xFFFFEDB0 ss:$0x1], $0xffff;
	[tilespmem:s6+$0x100] =	vst v10  }
0xa9d: {  	[tilespmem:s6+$0xB0] =	vst v6;
	v14 =	vld.idx.msk [tilespmem:v3+s8+$0x0 ss:$0x1], $0xffff  }
0xa9e: {  	[tilespmem:s6+$0xC0] =	vst v11;
	v8 =	vld.idx.msk [tilespmem:v0+s4+$0xFFFFEDC0 ss:$0x1], $0xffff  }
0xa9f: {  	[tilespmem:s6+$0xE0] =	vst v13;
	v9 =	vld.idx.msk [tilespmem:v0+s4+$0xFFFFEDD0 ss:$0x1], $0xffff  }
0xaa0: {  	[tilespmem:s6+$0xD0] =	vst v12;
	v5 =	vld.idx.msk [tilespmem:v0+s4+$0xFFFFEDF0 ss:$0x1], $0xffff  }
0xaa1: {  	s10 =	sadd.s32 $0x80, s4;
	[tilespmem:s6+$0xF0] =	vst v1;
	v10 =	vld.idx.msk [tilespmem:v0+s4+$0xFFFFEDE0 ss:$0x1], $0xffff  }
0xaa2: {  	s7 =	sadd.s32 $0xC500, s24;
	s9 =	simm.s32 $0x0;
	v6 =	vld.idx.msk [tilespmem:v0+s4+$0xFFFFEE00 ss:$0x1], $0xffff;
	s8 =	smov.u32 s4;
	[tilespmem:s6+$0x180] =	vst v14  }
.LBB2_8:
0xaa3: {  	v1 =	vld.idx.msk [tilespmem:v0+s10+$0xFFFF81A0 ss:$0x1], $0xffff;
	[tilespmem:s6+$0x110] =	vst v4  }
0xaa4: {  	v4 =	vld.idx.msk [tilespmem:v0+s8+$0xFFFFFFA0 ss:$0x1], $0xffff;
	[tilespmem:s6+$0x120] =	vst v7  }
0xaa5: {  	v7 =	vld.idx.msk [tilespmem:v0+s8+$0xFFFFFFB0 ss:$0x1], $0xffff;
	[tilespmem:s6+$0x130] =	vst v8  }
0xaa6: {  	v8 =	vld.idx.msk [tilespmem:v0+s8+$0xFFFFFFC0 ss:$0x1], $0xffff;
	[tilespmem:s6+$0x140] =	vst v9  }
0xaa7: {  	v9 =	vld.idx.msk [tilespmem:v0+s8+$0xFFFFFFD0 ss:$0x1], $0xffff;
	[tilespmem:s6+$0x150] =	vst v10  }
0xaa8: {  	s11 =	sadd.s32 s9, s0;
	s9 =	sadd.s32 $0x80, s9;
	v10 =	vld.idx.msk [tilespmem:v0+s8+$0xFFFFFFE0 ss:$0x1], $0xffff;
	[tilespmem:s6+$0x160] =	vst v5  }
0xaa9: {  	s12 =	sadd.s32 $0x980, s11;
	p0 =	slt.u32 s9, $0x880;
	v5 =	vld.idx.msk [tilespmem:v0+s8+$0xFFFFFFF0 ss:$0x1], $0xffff;
	[tilespmem:s6+$0x170] =	vst v6  }
0xaaa: {  	s12 =	sand.u32 $0xFFFFFF80, s12;
	[tilespmem:s6+$0x190] =	vst v4;
	v4 =	vld.idx.msk [tilespmem:v0+s8+$0x0 ss:$0x1], $0xffff;
	s8 =	smov.u32 s10  }
0xaab: {  	v6 =	vld.idx.msk [tilespmem:v3+s12+$0x0 ss:$0x1], $0xffff;
	[tilespmem:s6+$0x1A0] =	vst v7  }
0xaac: {  	v7 =	vld.idx.msk [tilespmem:v0+s10+$0xFFFF81B0 ss:$0x1], $0xffff;
	[tilespmem:s6+$0x1B0] =	vst v8  }
0xaad: {  	v8 =	vld.idx.msk [tilespmem:v0+s10+$0xFFFF81C0 ss:$0x1], $0xffff;
	[tilespmem:s6+$0x1C0] =	vst v9  }
0xaae: {  	v9 =	vld.idx.msk [tilespmem:v0+s10+$0xFFFF81D0 ss:$0x1], $0xffff;
	[tilespmem:s6+$0x1D0] =	vst v10  }
0xaaf: {  	v10 =	vld.idx.msk [tilespmem:v0+s10+$0xFFFF81E0 ss:$0x1], $0xffff;
	[tilespmem:s6+$0x1E0] =	vst v5  }
0xab0: {  	s12 =	sadd.s32 $0x1B80, s11;
	v5 =	vld.idx.msk [tilespmem:v0+s10+$0xFFFF81F0 ss:$0x1], $0xffff;
	[tilespmem:s6+$0x1F0] =	vst v4;
	s6 =	sadd.s32 $0x400, s6  }
0xab1: {  	s12 =	sand.u32 $0xFFFFFF80, s12;
	[tilespmem:s6+$0xFFFFFE00] =	vst v6;
	v4 =	vld.idx.msk [tilespmem:v0+s10+$0xFFFF8200 ss:$0x1], $0xffff  }
0xab2: {  	v6 =	vld.idx.msk [tilespmem:v3+s12+$0x0 ss:$0x1], $0xffff;
	[tilespmem:s6+$0xFFFFFE10] =	vst v1  }
0xab3: {  	v1 =	vld.idx.msk [tilespmem:v0+s10+$0xFFFF93A0 ss:$0x1], $0xffff;
	[tilespmem:s6+$0xFFFFFE20] =	vst v7  }
0xab4: {  	v7 =	vld.idx.msk [tilespmem:v0+s10+$0xFFFF93B0 ss:$0x1], $0xffff;
	[tilespmem:s6+$0xFFFFFE30] =	vst v8  }
0xab5: {  	v8 =	vld.idx.msk [tilespmem:v0+s10+$0xFFFF93C0 ss:$0x1], $0xffff;
	[tilespmem:s6+$0xFFFFFE40] =	vst v9  }
0xab6: {  	v9 =	vld.idx.msk [tilespmem:v0+s10+$0xFFFF93D0 ss:$0x1], $0xffff;
	[tilespmem:s6+$0xFFFFFE50] =	vst v10  }
0xab7: {  	s12 =	sadd.s32 $0x2D80, s11;
	v10 =	vld.idx.msk [tilespmem:v0+s10+$0xFFFF93E0 ss:$0x1], $0xffff;
	[tilespmem:s6+$0xFFFFFE60] =	vst v5  }
0xab8: {  	s12 =	sand.u32 $0xFFFFFF80, s12;
	[tilespmem:s6+$0xFFFFFE80] =	vst v6;
	v5 =	vld.idx.msk [tilespmem:v0+s10+$0xFFFF93F0 ss:$0x1], $0xffff  }
0xab9: {  	v6 =	vld.idx.msk [tilespmem:v3+s12+$0x0 ss:$0x1], $0xffff;
	[tilespmem:s6+$0xFFFFFE70] =	vst v4  }
0xaba: {  	[tilespmem:s6+$0xFFFFFE90] =	vst v1;
	v1 =	vld.idx.msk [tilespmem:v0+s10+$0xFFFF9400 ss:$0x1], $0xffff  }
0xabb: {  	v4 =	vld.idx.msk [tilespmem:v0+s10+$0xFFFFA5A0 ss:$0x1], $0xffff;
	[tilespmem:s6+$0xFFFFFEA0] =	vst v7  }
0xabc: {  	v7 =	vld.idx.msk [tilespmem:v0+s10+$0xFFFFA5B0 ss:$0x1], $0xffff;
	[tilespmem:s6+$0xFFFFFEB0] =	vst v8  }
0xabd: {  	v8 =	vld.idx.msk [tilespmem:v0+s10+$0xFFFFA5C0 ss:$0x1], $0xffff;
	[tilespmem:s6+$0xFFFFFEC0] =	vst v9  }
0xabe: {  	s12 =	sadd.s32 $0x3F80, s11;
	v9 =	vld.idx.msk [tilespmem:v0+s10+$0xFFFFA5D0 ss:$0x1], $0xffff;
	[tilespmem:s6+$0xFFFFFED0] =	vst v10  }
0xabf: {  	s12 =	sand.u32 $0xFFFFFF80, s12;
	[tilespmem:s6+$0xFFFFFF00] =	vst v6;
	v6 =	vld.idx.msk [tilespmem:v0+s10+$0xFFFFA5E0 ss:$0x1], $0xffff  }
0xac0: {  	v10 =	vld.idx.msk [tilespmem:v3+s12+$0x0 ss:$0x1], $0xffff;
	[tilespmem:s6+$0xFFFFFEE0] =	vst v5  }
0xac1: {  	v5 =	vld.idx.msk [tilespmem:v0+s10+$0xFFFFA5F0 ss:$0x1], $0xffff;
	[tilespmem:s6+$0xFFFFFEF0] =	vst v1  }
0xac2: {  	[tilespmem:s6+$0xFFFFFF10] =	vst v4;
	v1 =	vld.idx.msk [tilespmem:v0+s10+$0xFFFFA600 ss:$0x1], $0xffff  }
0xac3: {  	v4 =	vld.idx.msk [tilespmem:v0+s10+$0xFFFFB7A0 ss:$0x1], $0xffff;
	[tilespmem:s6+$0xFFFFFF20] =	vst v7  }
0xac4: {  	v7 =	vld.idx.msk [tilespmem:v0+s10+$0xFFFFB7B0 ss:$0x1], $0xffff;
	[tilespmem:s6+$0xFFFFFF30] =	vst v8  }
0xac5: {  	s12 =	sadd.s32 $0x5180, s11;
	v8 =	vld.idx.msk [tilespmem:v0+s10+$0xFFFFB7C0 ss:$0x1], $0xffff;
	[tilespmem:s6+$0xFFFFFF40] =	vst v9  }
0xac6: {  	s12 =	sand.u32 $0xFFFFFF80, s12;
	[tilespmem:s6+$0xFFFFFF80] =	vst v10;
	v9 =	vld.idx.msk [tilespmem:v0+s10+$0xFFFFB7D0 ss:$0x1], $0xffff  }
0xac7: {  	v10 =	vld.idx.msk [tilespmem:v3+s12+$0x0 ss:$0x1], $0xffff;
	[tilespmem:s6+$0xFFFFFF50] =	vst v6  }
0xac8: {  	v6 =	vld.idx.msk [tilespmem:v0+s10+$0xFFFFB7E0 ss:$0x1], $0xffff;
	[tilespmem:s6+$0xFFFFFF60] =	vst v5  }
0xac9: {  	v5 =	vld.idx.msk [tilespmem:v0+s10+$0xFFFFB7F0 ss:$0x1], $0xffff;
	[tilespmem:s6+$0xFFFFFF70] =	vst v1  }
0xaca: {  	[tilespmem:s6+$0xFFFFFF90] =	vst v4;
	v1 =	vld.idx.msk [tilespmem:v0+s10+$0xFFFFB800 ss:$0x1], $0xffff  }
0xacb: {  	v4 =	vld.idx.msk [tilespmem:v0+s10+$0xFFFFC9A0 ss:$0x1], $0xffff;
	[tilespmem:s6+$0xFFFFFFA0] =	vst v7  }
0xacc: {  	s12 =	sadd.s32 $0x6380, s11;
	v7 =	vld.idx.msk [tilespmem:v0+s10+$0xFFFFC9B0 ss:$0x1], $0xffff;
	[tilespmem:s6+$0xFFFFFFB0] =	vst v8  }
0xacd: {  	s12 =	sand.u32 $0xFFFFFF80, s12;
	[tilespmem:s6+$0x0] =	vst v10;
	v8 =	vld.idx.msk [tilespmem:v0+s10+$0xFFFFC9C0 ss:$0x1], $0xffff  }
0xace: {  	v10 =	vld.idx.msk [tilespmem:v3+s12+$0x0 ss:$0x1], $0xffff;
	[tilespmem:s6+$0xFFFFFFC0] =	vst v9  }
0xacf: {  	v9 =	vld.idx.msk [tilespmem:v0+s10+$0xFFFFC9D0 ss:$0x1], $0xffff;
	[tilespmem:s6+$0xFFFFFFD0] =	vst v6  }
0xad0: {  	v6 =	vld.idx.msk [tilespmem:v0+s10+$0xFFFFC9E0 ss:$0x1], $0xffff;
	[tilespmem:s6+$0xFFFFFFE0] =	vst v5  }
0xad1: {  	v5 =	vld.idx.msk [tilespmem:v0+s10+$0xFFFFC9F0 ss:$0x1], $0xffff;
	[tilespmem:s6+$0xFFFFFFF0] =	vst v1  }
0xad2: {  	[tilespmem:s6+$0x10] =	vst v4;
	v1 =	vld.idx.msk [tilespmem:v0+s10+$0xFFFFCA00 ss:$0x1], $0xffff  }
0xad3: {  	s12 =	sadd.s32 $0x7580, s11;
	v4 =	vld.idx.msk [tilespmem:v0+s10+$0xFFFFDBA0 ss:$0x1], $0xffff;
	[tilespmem:s6+$0x20] =	vst v7  }
0xad4: {  	s12 =	sand.u32 $0xFFFFFF80, s12;
	[tilespmem:s6+$0x80] =	vst v10;
	v7 =	vld.idx.msk [tilespmem:v0+s10+$0xFFFFDBB0 ss:$0x1], $0xffff  }
0xad5: {  	v10 =	vld.idx.msk [tilespmem:v3+s12+$0x0 ss:$0x1], $0xffff;
	[tilespmem:s6+$0x30] =	vst v8  }
0xad6: {  	v8 =	vld.idx.msk [tilespmem:v0+s10+$0xFFFFDBC0 ss:$0x1], $0xffff;
	[tilespmem:s6+$0x40] =	vst v9  }
0xad7: {  	v9 =	vld.idx.msk [tilespmem:v0+s10+$0xFFFFDBD0 ss:$0x1], $0xffff;
	[tilespmem:s6+$0x50] =	vst v6  }
0xad8: {  	v6 =	vld.idx.msk [tilespmem:v0+s10+$0xFFFFDBE0 ss:$0x1], $0xffff;
	[tilespmem:s6+$0x60] =	vst v5  }
0xad9: {  	v5 =	vld.idx.msk [tilespmem:v0+s10+$0xFFFFDBF0 ss:$0x1], $0xffff;
	[tilespmem:s6+$0x70] =	vst v1  }
0xada: {  	s11 =	sadd.s32 $0x8780, s11;
	[tilespmem:s6+$0x90] =	vst v4;
	v1 =	vld.idx.msk [tilespmem:v0+s10+$0xFFFFDC00 ss:$0x1], $0xffff  }
0xadb: {  	s11 =	sand.u32 $0xFFFFFF80, s11;
	[tilespmem:s6+$0x100] =	vst v10;
	v4 =	vld.idx.msk [tilespmem:v0+s10+$0xFFFFEDA0 ss:$0x1], $0xffff  }
0xadc: {  	v11 =	vld.idx.msk [tilespmem:v3+s11+$0x0 ss:$0x1], $0xffff;
	[tilespmem:s6+$0xA0] =	vst v7  }
0xadd: {  	v7 =	vld.idx.msk [tilespmem:v0+s10+$0xFFFFEDB0 ss:$0x1], $0xffff;
	[tilespmem:s6+$0xB0] =	vst v8  }
.Ltmp6:
0xade: {  	v8 =	vld.idx.msk [tilespmem:v0+s10+$0xFFFFEDC0 ss:$0x1], $0xffff;
	[tilespmem:s6+$0xC0] =	vst v9;
	(pc) =	sbr.rel @p0 .LBB2_8-.Ltmp6, $4  }
0xadf: {  	v9 =	vld.idx.msk [tilespmem:v0+s10+$0xFFFFEDD0 ss:$0x1], $0xffff;
	[tilespmem:s6+$0xD0] =	vst v6  }
0xae0: {  	v10 =	vld.idx.msk [tilespmem:v0+s10+$0xFFFFEDE0 ss:$0x1], $0xffff;
	[tilespmem:s6+$0xE0] =	vst v5  }
0xae1: {  	v5 =	vld.idx.msk [tilespmem:v0+s10+$0xFFFFEDF0 ss:$0x1], $0xffff;
	[tilespmem:s6+$0xF0] =	vst v1  }
0xae2: {  	s10 =	sadd.s32 $0x80, s10;
	[tilespmem:s6+$0x180] =	vst v11;
	v6 =	vld.idx.msk [tilespmem:v0+s8+$0xFFFFEE00 ss:$0x1], $0xffff  }
0xae3: {  	_ =	sdelay $0x1  }
0xae4: {  	[tilespmem:s6+$0x110] =	vst v4  }
0xae5: {  	[tilespmem:s6+$0x120] =	vst v7  }
0xae6: {  	[tilespmem:s6+$0x130] =	vst v8;
	v1 =	vld.idx.msk [tilespmem:v0+s8+$0xFFFFFFA0 ss:$0x1], $0xffff  }
0xae7: {  	v3 =	vld.idx.msk [tilespmem:v0+s8+$0xFFFFFFB0 ss:$0x1], $0xffff;
	[tilespmem:s6+$0x140] =	vst v9  }
0xae8: {  	v60 =	vld.idx.msk [tilespmem:v0+s8+$0xFFFFFFC0 ss:$0x1], $0xffff;
	[tilespmem:s6+$0x150] =	vst v10  }
0xae9: {  	s9 =	smul.u32 $0x30, s2;
	v61 =	vld.idx.msk [tilespmem:v0+s8+$0xFFFFFFD0 ss:$0x1], $0xffff;
	[tilespmem:s6+$0x160] =	vst v5  }
0xaea: {  	v62 =	vld.idx.msk [tilespmem:v0+s8+$0xFFFFFFE0 ss:$0x1], $0xffff;
	[tilespmem:s6+$0x170] =	vst v6  }
0xaeb: {  	s9 =	sadd.s32 s16, s9;
	v63 =	vld.idx.msk [tilespmem:v0+s8+$0xFFFFFFF0 ss:$0x1], $0xffff;
	[tilespmem:s6+$0x190] =	vst v1  }
0xaec: {  	s2 =	sadd.s32 $0x1, s2;
	s30 =	sshrl.u32 s9, $0x3;
	v1 =	vld.idx.msk [tilespmem:v0+s8+$0x0 ss:$0x1], $0xffff;
	[tilespmem:s6+$0x1A0] =	vst v3  }
0xaed: {  	p0 =	slt.s32 s2, s1;
	[tilespmem:s6+$0x1B0] =	vst v60;
	s8 =	smul.u32 $0x4800, s30  }
.Ltmp7:
0xaee: {  	[tilespmem:s6+$0x1C0] =	vst v61;
	(pc) =	sbr.rel @p0 .LBB2_7-.Ltmp7, $4  }
.Ltmp8:
0xaef: {  	[tilespmem:s6+$0x1D0] =	vst v62;
	s8 =	sadd.s32 s3, s8;
	(pc) =	sbr.rel @!p0 .LBB2_10-.Ltmp8, $4  }
0xaf0: {  	s15 =	sadd.s32 $0x1, s15;
	[tilespmem:s6+$0x1E0] =	vst v63;
	s8 =	sshrl.u32 s8, $0x3  }
0xaf1: {  	s0 =	sadd.s32 $0xFFFFFFD0, s0;
	s4 =	sadd.s32 $0xFFFFFFD0, s4;
	s31 =	sadd.s32 s13, s8;
	[tilespmem:s6+$0x1F0] =	vst v1  }
0xaf2: {  	[hbm4b:s31+s5] =	stream.linear.scatter [tilespmem:s7], [sflag:$0x1], $0x4800, $0x38;
	[tilespmem:$0x19D00] =	vst v63  }
0xaf3: {  	_ = 	snop  }
.LBB2_12:
0xaf4: {  	_ =	sfence.sel $0x180000  }
0xaf5: {  	[bflag:$0x0] =	sbarrier.arrive $0xFFFF  }
0xaf6: {  	_ =	strace $0x90000047  }
0xaf7: {  	s0 =	stileid.u32;
	[bflag:$0x2] =	sbarrier.arrive $0xFFFF  }
0xaf8: {  	p0 =	sne.s32 s0, $0x0;
	s0 =	rddreg [dreg:$0x2]  }
0xaf9: {  	s0 =	sadd.s32 @!p0 $0x100000, s0  }
0xafa: {  	[sflag:s0] =	ssyncadd.tile.s32 @!p0 $0x1;
	_ =	shalt  }
.Lfunc_end2:
_tile_overlayer_lowered:
.L_overlay_start_2:
0xafb: {  	(tag) =	ssettag $0x2  }
0xafc: {  	s0 =	rddreg [dreg:$0x0];
	s2 =	stileid.u32  }
0xafd: {  	s1 =	rddreg [dreg:$0x1];
	p0 =	sne.s32 s2, $0x0  }
0xafe: {  	s3 =	rddreg [dreg:$0x2];
	[bflag:$0x3] =	sbarrier.arrive $0xFFFF;
	s2 =	simm.s32 @!p0 $0x1C02  }
0xaff: {  	[timem:s3], [sflag:s2] =	dma.local @!p0 [hbm:s0], s1  }
0xb00: {  	s0 =	simm.s32 @!p0 $0x2  }
0xb01: {  	_ =	swait.ge @!p0 [sflag:s0], s1  }
0xb02: {  	s1 =	ssub.s32 @!p0 $0x0, s1;
	[sflag:s0] =	ssyncset.done @!p0 $0x0  }
0xb03: {  	[sflag:s0] =	ssyncadd.s32 @!p0 s1  }
0xb04: {  	[bflag:$0x3] =	sbarrier.arrive $0xFFFF  }
0xb05: {  	_ =	shalt  }

</sc_bundles>
